<compile_context>
chip_gen: v7x
topology: tpu7x:2x2x1
jax: 0.10.2.dev20260603
libtpu: 0.0.44.dev20260713+nightly
codegen_flags: <defaults>
</compile_context>

<pallas_src>
import functools

import numpy as np
import jax
import jax.numpy as jnp
from jax import lax
from jax.experimental import pallas as pl
from jax.experimental.pallas import tpu as pltpu
from jax.experimental.pallas import tpu_sc as plsc

N = 10000
E = 320000
F_IN = 128
HID = 64
C = 64
NUM_LAYERS = 4
ALPHA = 0.1
THETA = 0.5

FW = 128
DW = 16
NC = 2
NS = 16
CHUNK = 128
CHUNKS_W = 80
HCH = CHUNKS_W // 2
E_W = CHUNK * CHUNKS_W
E_PAD = NC * NS * E_W
N_PAD = 10240
ROWS_W = N_PAD // NS
ZBLKS_W = (N_PAD // CHUNK) // NS

BLK = 256

_f32 = jnp.float32



def _fill(ref, rows, value, cols=FW):
    @pl.loop(0, rows)
    def _(i):
        for j in range(cols // 16):
            ref[i, pl.ds(16 * j, 16)] = jnp.full((16,), value, _f32)


@functools.lru_cache(maxsize=None)
def _sc_kernels():
    mesh = plsc.VectorSubcoreMesh(core_axis_name="c", subcore_axis_name="s")

    @functools.partial(
        pl.kernel,
        out_type=jax.ShapeDtypeStruct((NC, N_PAD, DW), _f32),
        mesh=mesh,
        scratch_types=[
            pltpu.VMEM((CHUNKS_W, CHUNK), jnp.int32),
            pltpu.VMEM((CHUNK, DW), _f32),
            pltpu.VMEM((CHUNK, DW), _f32),
            pltpu.VMEM_SHARED((N_PAD, DW), _f32),
        ],
    )
    def sc_deg(dst_hbm, deg_hbm, dst_v, ones_v, zero_v, acc):
        c = lax.axis_index("c")
        s = lax.axis_index("s")
        _fill(ones_v, CHUNK, 1.0, DW)
        _fill(zero_v, CHUNK, 0.0, DW)
        pltpu.sync_copy(dst_hbm.at[c, s], dst_v)

        @pl.loop(0, ZBLKS_W)
        def _(k):
            off = pl.multiple_of((s * ZBLKS_W + k) * CHUNK, CHUNK)
            pltpu.sync_copy(zero_v, acc.at[pl.ds(off, CHUNK)])

        plsc.subcore_barrier()

        @pl.loop(0, CHUNKS_W)
        def _(j):
            pltpu.sync_copy(ones_v, acc.at[dst_v.at[j]], add=True)

        plsc.subcore_barrier()
        off = pl.multiple_of(s * ROWS_W, ROWS_W)
        pltpu.sync_copy(acc.at[pl.ds(off, ROWS_W)],
                        deg_hbm.at[c, pl.ds(off, ROWS_W)])

    @functools.partial(
        pl.kernel,
        out_type=jax.ShapeDtypeStruct((NC, N_PAD, FW), _f32),
        mesh=mesh,
        scratch_types=[
            pltpu.VMEM((HCH, CHUNK), jnp.int32),
            pltpu.VMEM((HCH, CHUNK), jnp.int32),
            pltpu.VMEM((CHUNK, FW), _f32),
            pltpu.VMEM((CHUNK, FW), _f32),
            pltpu.VMEM_SHARED((N_PAD, FW), _f32),
            pltpu.SemaphoreType.DMA,
            pltpu.SemaphoreType.DMA,
        ],
    )
    def sc_spmm(hs_hbm, src_hbm, dst_hbm, out_hbm,
                src_v, dst_v, rows0, rows1, acc, sem0, sem1):
        c = lax.axis_index("c")
        s = lax.axis_index("s")
        _fill(rows0, CHUNK, 0.0)

        @pl.loop(0, ZBLKS_W)
        def _(k):
            off = pl.multiple_of((s * ZBLKS_W + k) * CHUNK, CHUNK)
            pltpu.sync_copy(rows0, acc.at[pl.ds(off, CHUNK)])

        plsc.subcore_barrier()

        hs_c = hs_hbm.at[c]
        for half in range(2):
            pltpu.sync_copy(src_hbm.at[c, s, pl.ds(half * HCH, HCH)], src_v)
            pltpu.sync_copy(dst_hbm.at[c, s, pl.ds(half * HCH, HCH)], dst_v)
            pltpu.async_copy(hs_c.at[src_v.at[0]], rows0, sem0)

            @pl.loop(0, HCH // 2)
            def _(g):
                j = g * 2
                pltpu.async_copy(hs_c.at[src_v.at[j + 1]], rows1, sem1)
                pltpu.make_async_copy(hs_c.at[src_v.at[j]], rows0,
                                      sem0).wait()
                pltpu.sync_copy(rows0, acc.at[dst_v.at[j]], add=True)

                @pl.when(j + 2 < HCH)
                def _():
                    pltpu.async_copy(hs_c.at[src_v.at[j + 2]], rows0, sem0)

                pltpu.make_async_copy(hs_c.at[src_v.at[j + 1]], rows1,
                                      sem1).wait()
                pltpu.sync_copy(rows1, acc.at[dst_v.at[j + 1]], add=True)

        plsc.subcore_barrier()
        off = pl.multiple_of(s * ROWS_W, ROWS_W)
        pltpu.sync_copy(acc.at[pl.ds(off, ROWS_W)],
                        out_hbm.at[c, pl.ds(off, ROWS_W)])

    return sc_deg, sc_spmm



def _lin0_body(x_ref, w_ref, b_ref, h_ref):
    h = jnp.dot(x_ref[...], w_ref[...], preferred_element_type=_f32)
    h_ref[...] = jnp.maximum(h + b_ref[...], 0.0)


_lin0 = pl.pallas_call(
    _lin0_body,
    grid=(N_PAD // BLK,),
    in_specs=[
        pl.BlockSpec((BLK, F_IN), lambda i: (i, 0)),
        pl.BlockSpec((F_IN, HID), lambda i: (0, 0)),
        pl.BlockSpec((1, HID), lambda i: (0, 0)),
    ],
    out_specs=pl.BlockSpec((BLK, HID), lambda i: (i, 0)),
    out_shape=jax.ShapeDtypeStruct((N_PAD, HID), _f32),
)


def _pad_fw(a):
    return jnp.concatenate([a, jnp.zeros((BLK, FW - HID), _f32)], axis=1)


def _scale_body(deg_ref, h_ref, dinv_ref, hs_ref):
    i = pl.program_id(0)
    deg = deg_ref[0, :, 0:1] + deg_ref[1, :, 0:1] + 1.0
    row = i * BLK + lax.broadcasted_iota(jnp.int32, (BLK, 1), 0)
    dinv = jnp.where(row < N, lax.rsqrt(deg), 0.0)
    dinv64 = jnp.broadcast_to(dinv, (BLK, HID))
    dinv_ref[...] = dinv64
    hs_ref[...] = jnp.broadcast_to(_pad_fw(dinv64 * h_ref[...]), (NC, BLK, FW))


_scale = pl.pallas_call(
    _scale_body,
    grid=(N_PAD // BLK,),
    in_specs=[
        pl.BlockSpec((2, BLK, DW), lambda i: (0, i, 0)),
        pl.BlockSpec((BLK, HID), lambda i: (i, 0)),
    ],
    out_specs=[
        pl.BlockSpec((BLK, HID), lambda i: (i, 0)),
        pl.BlockSpec((NC, BLK, FW), lambda i: (0, i, 0)),
    ],
    out_shape=[
        jax.ShapeDtypeStruct((N_PAD, HID), _f32),
        jax.ShapeDtypeStruct((NC, N_PAD, FW), _f32),
    ],
)


def _eye64():
    r = lax.broadcasted_iota(jnp.int32, (HID, HID), 0)
    q = lax.broadcasted_iota(jnp.int32, (HID, HID), 1)
    return (r == q).astype(_f32)


def _res_block(parts_ref, hs_ref, x0_ref, dinv_ref, w_ref, beta):
    dinv = dinv_ref[...]
    agg = parts_ref[0, :, :HID] + parts_ref[1, :, :HID] + hs_ref[0, :, :HID]
    t = dinv * agg
    hr = (1.0 - ALPHA) * t + ALPHA * x0_ref[...]
    wp = beta * w_ref[...] + (1.0 - beta) * _eye64()
    return jnp.maximum(jnp.dot(hr, wp, preferred_element_type=_f32), 0.0)


def _layer_body(parts_ref, hs_ref, x0_ref, dinv_ref, w_ref, o_ref, *, beta):
    h = _res_block(parts_ref, hs_ref, x0_ref, dinv_ref, w_ref, beta)
    o_ref[...] = jnp.broadcast_to(_pad_fw(dinv_ref[...] * h), (NC, BLK, FW))


def _last_body(parts_ref, hs_ref, x0_ref, dinv_ref, w_ref, w1_ref, b1_ref,
               o_ref, *, beta):
    h = _res_block(parts_ref, hs_ref, x0_ref, dinv_ref, w_ref, beta)
    o = jnp.dot(h, w1_ref[...], preferred_element_type=_f32) + b1_ref[...]
    m = jnp.max(o, axis=-1, keepdims=True)
    sh = o - m
    lse = jnp.log(jnp.sum(jnp.exp(sh), axis=-1, keepdims=True))
    o_ref[...] = sh - lse


def _make_layer(beta):
    return pl.pallas_call(
        functools.partial(_layer_body, beta=beta),
        grid=(N_PAD // BLK,),
        in_specs=[
            pl.BlockSpec((2, BLK, FW), lambda i: (0, i, 0)),
            pl.BlockSpec((NC, BLK, FW), lambda i: (0, i, 0)),
            pl.BlockSpec((BLK, HID), lambda i: (i, 0)),
            pl.BlockSpec((BLK, HID), lambda i: (i, 0)),
            pl.BlockSpec((HID, HID), lambda i: (0, 0)),
        ],
        out_specs=pl.BlockSpec((NC, BLK, FW), lambda i: (0, i, 0)),
        out_shape=jax.ShapeDtypeStruct((NC, N_PAD, FW), _f32),
    )


def _make_last(beta):
    return pl.pallas_call(
        functools.partial(_last_body, beta=beta),
        grid=(N_PAD // BLK,),
        in_specs=[
            pl.BlockSpec((2, BLK, FW), lambda i: (0, i, 0)),
            pl.BlockSpec((NC, BLK, FW), lambda i: (0, i, 0)),
            pl.BlockSpec((BLK, HID), lambda i: (i, 0)),
            pl.BlockSpec((BLK, HID), lambda i: (i, 0)),
            pl.BlockSpec((HID, HID), lambda i: (0, 0)),
            pl.BlockSpec((HID, C), lambda i: (0, 0)),
            pl.BlockSpec((1, C), lambda i: (0, 0)),
        ],
        out_specs=pl.BlockSpec((BLK, C), lambda i: (i, 0)),
        out_shape=jax.ShapeDtypeStruct((N_PAD, C), _f32),
    )


_BETAS = [float(np.log(THETA / (l + 1) + 1.0)) for l in range(NUM_LAYERS)]
_layers = [_make_layer(b) for b in _BETAS[:-1]]
_last = _make_last(_BETAS[-1])



@jax.jit
def _forward(x, edge_index, W0, b0, W1, b1, convW):
    xp = jnp.zeros((N_PAD, F_IN), _f32).at[:N].set(x)
    src = edge_index[0].astype(jnp.int32)
    dst = edge_index[1].astype(jnp.int32)
    pad = E_PAD - E
    fill = jnp.full((pad,), N, jnp.int32)
    src_p = jnp.concatenate([src, fill]).reshape(NC, NS, CHUNKS_W, CHUNK)
    dst_p = jnp.concatenate([dst, fill]).reshape(NC, NS, CHUNKS_W, CHUNK)

    sc_deg, sc_spmm = _sc_kernels()
    degp = sc_deg(dst_p)
    h0 = _lin0(xp, W0, b0.reshape(1, HID))
    dinv64, hs = _scale(degp, h0)
    for l in range(NUM_LAYERS - 1):
        parts = sc_spmm(hs, src_p, dst_p)
        hs = _layers[l](parts, hs, h0, dinv64, convW[l])
    parts = sc_spmm(hs, src_p, dst_p)
    out = _last(parts, hs, h0, dinv64, convW[NUM_LAYERS - 1], W1,
                b1.reshape(1, C))
    return out[:N]


def kernel(x, edge_index, W0, b0, W1, b1, convW):
    return _forward(x, edge_index, W0, b0, W1, b1, convW)

# --- scband reference (transcript-rebuilt; emitter-appended) ---
"""Pipeline reference for scband-net-58033598104021 (READ-ONLY COPY).

The authoritative reference and input builder live on the scoring server;
editing this copy changes nothing except your own understanding.
"""

import jax, jax.numpy as jnp
import numpy as np

N = 10000
E = 320000
F_IN = 128
HID = 64
C = 64
NUM_LAYERS = 4
ALPHA = 0.1
THETA = 0.5


def setup_inputs(seed: int = 0) -> dict:
    key = jax.random.key(seed)
    ks = jax.random.split(key, 8)
    x = jax.random.normal(ks[0], (N, F_IN), dtype=jnp.float32)
    edge_index = jax.random.randint(ks[1], (2, E), 0, N, dtype=jnp.int64 if jax.config.jax_enable_x64 else jnp.int32)
    W0 = jax.random.normal(ks[2], (F_IN, HID), dtype=jnp.float32) * (1.0 / np.sqrt(F_IN))
    b0 = jnp.zeros((HID,), dtype=jnp.float32)
    W1 = jax.random.normal(ks[3], (HID, C), dtype=jnp.float32) * (1.0 / np.sqrt(HID))
    b1 = jnp.zeros((C,), dtype=jnp.float32)
    convW = jax.random.normal(ks[4], (NUM_LAYERS, HID, HID), dtype=jnp.float32) * (1.0 / np.sqrt(HID))
    return {"x": x, "edge_index": edge_index, "W0": W0, "b0": b0, "W1": W1, "b1": b1, "convW": convW}


def reference(x, edge_index, W0, b0, W1, b1, convW):
    n = x.shape[0]
    src = edge_index[0]
    dst = edge_index[1]
    loop = jnp.arange(n, dtype=src.dtype)
    src_f = jnp.concatenate([src, loop])
    dst_f = jnp.concatenate([dst, loop])
    ew = jnp.ones((src_f.shape[0],), dtype=jnp.float32)
    # gcn_norm with self-loops: A_hat = D^-1/2 (A + I) D^-1/2
    deg = jax.ops.segment_sum(ew, dst_f, num_segments=n)
    dinv = jnp.where(deg > 0, deg ** -0.5, 0.0)
    w = dinv[src_f] * ew * dinv[dst_f]
    # lin0 + relu (dropout=0.0, eval mode -> identity)
    h = jax.nn.relu(x @ W0 + b0)
    x0 = h
    for layer in range(NUM_LAYERS):
        # propagate: spmm(A_hat, h)
        msgs = w[:, None] * h[src_f]
        agg = jnp.zeros((n, HID), dtype=jnp.float32).at[dst_f].add(msgs)
        # GCN2Conv (shared_weights=True): initial residual + identity mapping
        h_res = agg * (1.0 - ALPHA) + ALPHA * x0
        beta = float(np.log(THETA / (layer + 1) + 1.0))
        h = (1.0 - beta) * h_res + beta * (h_res @ convW[layer])
        h = jax.nn.relu(h)
    out = h @ W1 + b1
    return jax.nn.log_softmax(out, axis=-1)

if __name__ == "__main__":
    import jax
    _d = setup_inputs()
    print(jax.jit(kernel)(*tuple(_d.values())))

</pallas_src>

<mosaic_0001>
#map = affine_map<(d0, d1) -> (0, 0, 0)>
#map1 = affine_map<(d0, d1) -> (0, 0, 0, 0)>
module attributes {stable_mosaic.version = 14 : i64} {
  func.func @sc_spmm(%arg0: i32, %arg1: i32, %arg2: memref<2x10240x128xf32, #tpu.memory_space<hbm>>, %arg3: memref<2x16x80x128xi32, #tpu.memory_space<hbm>>, %arg4: memref<2x16x80x128xi32, #tpu.memory_space<hbm>>, %arg5: memref<2x10240x128xf32, #tpu.memory_space<hbm>>, %arg6: memref<40x128xi32, #tpu.memory_space<vmem>>, %arg7: memref<40x128xi32, #tpu.memory_space<vmem>>, %arg8: memref<128x128xf32, #tpu.memory_space<vmem>>, %arg9: memref<128x128xf32, #tpu.memory_space<vmem>>, %arg10: memref<10240x128xf32, #tpu.memory_space<vmem_shared>>, %arg11: memref<!tpu.dma_semaphore, #tpu.memory_space<semaphore_mem>>, %arg12: memref<!tpu.dma_semaphore, #tpu.memory_space<semaphore_mem>>) attributes {dimension_semantics = [#tpu.dimension_semantics<core_parallel>, #tpu.dimension_semantics<subcore_parallel>], iteration_bounds = array<i64: 2, 16>, scalar_prefetch = 0 : i64, scratch_operands = 7 : i64, tpu.core_type = #tpu.core_type<sc_vector_subcore>, window_params = [{transform_indices = #map}, {transform_indices = #map1}, {transform_indices = #map1}, {transform_indices = #map}]} {
    %scan3A = arith.constant 0 : i32
    %scan3A_0 = arith.constant 128 : i32
    %scan3A_1 = arith.addi %scan3A, %scan3A_0 : i32
    %scan3A_2 = arith.constant 1 : i32
    scf.for %scan3A_42 = %scan3A to %scan3A_1 step %scan3A_2  : i32 {
      %mul3A_43 = arith.constant 1 : i32
      %mul3A_44 = arith.muli %scan3A_42, %mul3A_43 : i32
      %add3A = arith.constant 0 : i32
      %add3A_45 = arith.addi %add3A, %mul3A_44 : i32
      %broadcast_in_dim3A = arith.constant 0.000000e+00 : f32
      %broadcast_in_dim3A_46 = vector.broadcast %broadcast_in_dim3A : f32 to vector<16xf32>
      %swap3A = arith.index_cast %add3A_45 : i32 to index
      %swap3A_47 = arith.constant 0 : index
      %swap3A_48 = tpu.vector_load %arg8[%swap3A, %swap3A_47] {strides = array<i32>} : memref<128x128xf32, #tpu.memory_space<vmem>>, vector<1x16xf32>,
      %swap3A_49 = vector.shape_cast %swap3A_48 : vector<1x16xf32> to vector<16xf32>
      %swap3A_50 = vector.shape_cast %broadcast_in_dim3A_46 : vector<16xf32> to vector<1x16xf32>
      tpu.vector_store %arg8[%swap3A, %swap3A_47], %swap3A_50 {strides = array<i32>} : memref<128x128xf32, #tpu.memory_space<vmem>>, vector<1x16xf32>,
      %broadcast_in_dim3A_51 = arith.constant 0.000000e+00 : f32
      %broadcast_in_dim3A_52 = vector.broadcast %broadcast_in_dim3A_51 : f32 to vector<16xf32>
      %swap3A_53 = arith.index_cast %add3A_45 : i32 to index
      %swap3A_54 = arith.constant 16 : index
      %swap3A_55 = tpu.vector_load %arg8[%swap3A_53, %swap3A_54] {strides = array<i32>} : memref<128x128xf32, #tpu.memory_space<vmem>>, vector<1x16xf32>,
      %swap3A_56 = vector.shape_cast %swap3A_55 : vector<1x16xf32> to vector<16xf32>
      %swap3A_57 = vector.shape_cast %broadcast_in_dim3A_52 : vector<16xf32> to vector<1x16xf32>
      tpu.vector_store %arg8[%swap3A_53, %swap3A_54], %swap3A_57 {strides = array<i32>} : memref<128x128xf32, #tpu.memory_space<vmem>>, vector<1x16xf32>,
      %broadcast_in_dim3A_58 = arith.constant 0.000000e+00 : f32
      %broadcast_in_dim3A_59 = vector.broadcast %broadcast_in_dim3A_58 : f32 to vector<16xf32>
      %swap3A_60 = arith.index_cast %add3A_45 : i32 to index
      %swap3A_61 = arith.constant 32 : index
      %swap3A_62 = tpu.vector_load %arg8[%swap3A_60, %swap3A_61] {strides = array<i32>} : memref<128x128xf32, #tpu.memory_space<vmem>>, vector<1x16xf32>,
      %swap3A_63 = vector.shape_cast %swap3A_62 : vector<1x16xf32> to vector<16xf32>
      %swap3A_64 = vector.shape_cast %broadcast_in_dim3A_59 : vector<16xf32> to vector<1x16xf32>
      tpu.vector_store %arg8[%swap3A_60, %swap3A_61], %swap3A_64 {strides = array<i32>} : memref<128x128xf32, #tpu.memory_space<vmem>>, vector<1x16xf32>,
      %broadcast_in_dim3A_65 = arith.constant 0.000000e+00 : f32
      %broadcast_in_dim3A_66 = vector.broadcast %broadcast_in_dim3A_65 : f32 to vector<16xf32>
      %swap3A_67 = arith.index_cast %add3A_45 : i32 to index
      %swap3A_68 = arith.constant 48 : index
      %swap3A_69 = tpu.vector_load %arg8[%swap3A_67, %swap3A_68] {strides = array<i32>} : memref<128x128xf32, #tpu.memory_space<vmem>>, vector<1x16xf32>,
      %swap3A_70 = vector.shape_cast %swap3A_69 : vector<1x16xf32> to vector<16xf32>
      %swap3A_71 = vector.shape_cast %broadcast_in_dim3A_66 : vector<16xf32> to vector<1x16xf32>
      tpu.vector_store %arg8[%swap3A_67, %swap3A_68], %swap3A_71 {strides = array<i32>} : memref<128x128xf32, #tpu.memory_space<vmem>>, vector<1x16xf32>,
      %broadcast_in_dim3A_72 = arith.constant 0.000000e+00 : f32
      %broadcast_in_dim3A_73 = vector.broadcast %broadcast_in_dim3A_72 : f32 to vector<16xf32>
      %swap3A_74 = arith.index_cast %add3A_45 : i32 to index
      %swap3A_75 = arith.constant 64 : index
      %swap3A_76 = tpu.vector_load %arg8[%swap3A_74, %swap3A_75] {strides = array<i32>} : memref<128x128xf32, #tpu.memory_space<vmem>>, vector<1x16xf32>,
      %swap3A_77 = vector.shape_cast %swap3A_76 : vector<1x16xf32> to vector<16xf32>
      %swap3A_78 = vector.shape_cast %broadcast_in_dim3A_73 : vector<16xf32> to vector<1x16xf32>
      tpu.vector_store %arg8[%swap3A_74, %swap3A_75], %swap3A_78 {strides = array<i32>} : memref<128x128xf32, #tpu.memory_space<vmem>>, vector<1x16xf32>,
      %broadcast_in_dim3A_79 = arith.constant 0.000000e+00 : f32
      %broadcast_in_dim3A_80 = vector.broadcast %broadcast_in_dim3A_79 : f32 to vector<16xf32>
      %swap3A_81 = arith.index_cast %add3A_45 : i32 to index
      %swap3A_82 = arith.constant 80 : index
      %swap3A_83 = tpu.vector_load %arg8[%swap3A_81, %swap3A_82] {strides = array<i32>} : memref<128x128xf32, #tpu.memory_space<vmem>>, vector<1x16xf32>,
      %swap3A_84 = vector.shape_cast %swap3A_83 : vector<1x16xf32> to vector<16xf32>
      %swap3A_85 = vector.shape_cast %broadcast_in_dim3A_80 : vector<16xf32> to vector<1x16xf32>
      tpu.vector_store %arg8[%swap3A_81, %swap3A_82], %swap3A_85 {strides = array<i32>} : memref<128x128xf32, #tpu.memory_space<vmem>>, vector<1x16xf32>,
      %broadcast_in_dim3A_86 = arith.constant 0.000000e+00 : f32
      %broadcast_in_dim3A_87 = vector.broadcast %broadcast_in_dim3A_86 : f32 to vector<16xf32>
      %swap3A_88 = arith.index_cast %add3A_45 : i32 to index
      %swap3A_89 = arith.constant 96 : index
      %swap3A_90 = tpu.vector_load %arg8[%swap3A_88, %swap3A_89] {strides = array<i32>} : memref<128x128xf32, #tpu.memory_space<vmem>>, vector<1x16xf32>,
      %swap3A_91 = vector.shape_cast %swap3A_90 : vector<1x16xf32> to vector<16xf32>
      %swap3A_92 = vector.shape_cast %broadcast_in_dim3A_87 : vector<16xf32> to vector<1x16xf32>
      tpu.vector_store %arg8[%swap3A_88, %swap3A_89], %swap3A_92 {strides = array<i32>} : memref<128x128xf32, #tpu.memory_space<vmem>>, vector<1x16xf32>,
      %broadcast_in_dim3A_93 = arith.constant 0.000000e+00 : f32
      %broadcast_in_dim3A_94 = vector.broadcast %broadcast_in_dim3A_93 : f32 to vector<16xf32>
      %swap3A_95 = arith.index_cast %add3A_45 : i32 to index
      %swap3A_96 = arith.constant 112 : index
      %swap3A_97 = tpu.vector_load %arg8[%swap3A_95, %swap3A_96] {strides = array<i32>} : memref<128x128xf32, #tpu.memory_space<vmem>>, vector<1x16xf32>,
      %swap3A_98 = vector.shape_cast %swap3A_97 : vector<1x16xf32> to vector<16xf32>
      %swap3A_99 = vector.shape_cast %broadcast_in_dim3A_94 : vector<16xf32> to vector<1x16xf32>
      tpu.vector_store %arg8[%swap3A_95, %swap3A_96], %swap3A_99 {strides = array<i32>} : memref<128x128xf32, #tpu.memory_space<vmem>>, vector<1x16xf32>,
    }
    %scan3A_3 = arith.constant 128 : i32
    %scan3A_4 = arith.constant 0 : i32
    %scan3A_5 = arith.constant 5 : i32
    %scan3A_6 = arith.addi %scan3A_4, %scan3A_5 : i32
    %scan3A_7 = arith.constant 1 : i32
    scf.for %scan3A_42 = %scan3A_4 to %scan3A_6 step %scan3A_7  : i32 {
      %mul3A_43 = arith.constant 1 : i32
      %mul3A_44 = arith.muli %scan3A_42, %mul3A_43 : i32
      %add3A = arith.constant 0 : i32
      %add3A_45 = arith.addi %add3A, %mul3A_44 : i32
      %mul3A_46 = arith.constant 5 : i32
      %mul3A_47 = arith.muli %arg1, %mul3A_46 : i32
      %add3A_48 = arith.addi %mul3A_47, %add3A_45 : i32
      %mul3A_49 = arith.constant 128 : i32
      %mul3A_50 = arith.muli %add3A_48, %mul3A_49 : i32
      %multiple_of3A_51 = tpu.assume_multiple %mul3A_50, 128 : i32
      "tpu.region"() ({
        %run_scoped3A = tpu.sem_alloc : memref<!tpu.dma_semaphore, #tpu.memory_space<semaphore_mem>>
        %dma_start3A_52 = arith.constant 0 : i32
        %dma_start3A_53 = tpu.memref_slice %arg10[%multiple_of3A_51, %dma_start3A_52] : memref<10240x128xf32, #tpu.memory_space<vmem_shared>> -> memref<128x128xf32, #tpu.memory_space<vmem_shared>>
        %dma_start3A_54 = arith.constant 0 : i32
        %dma_start3A_55 = tpu.memref_slice %arg10[%multiple_of3A_51, %dma_start3A_54] : memref<10240x128xf32, #tpu.memory_space<vmem_shared>> -> memref<128x128xf32, #tpu.memory_space<vmem_shared>>
        tpu.enqueue_dma source(%arg8 : memref<128x128xf32, #tpu.memory_space<vmem>>) target(%dma_start3A_55 : memref<128x128xf32, #tpu.memory_space<vmem_shared>>) target_semaphore(%run_scoped3A : memref<!tpu.dma_semaphore, #tpu.memory_space<semaphore_mem>>)
        %dma_wait3A = arith.constant 0 : i32
        %dma_wait3A_56 = tpu.memref_slice %arg10[%multiple_of3A_51, %dma_wait3A] : memref<10240x128xf32, #tpu.memory_space<vmem_shared>> -> memref<128x128xf32, #tpu.memory_space<vmem_shared>>
        %dma_wait3A_57 = arith.constant 0 : i32
        %dma_wait3A_58 = tpu.memref_slice %arg10[%multiple_of3A_51, %dma_wait3A_57] : memref<10240x128xf32, #tpu.memory_space<vmem_shared>> -> memref<128x128xf32, #tpu.memory_space<vmem_shared>>
        tpu.wait_dma2 semaphore(%run_scoped3A : memref<!tpu.dma_semaphore, #tpu.memory_space<semaphore_mem>>) src(%arg8 : memref<128x128xf32, #tpu.memory_space<vmem>>) dst(%dma_wait3A_58 : memref<128x128xf32, #tpu.memory_space<vmem_shared>>)
        tpu.yield
      }) : () -> ()
    }
    %scan3A_8 = arith.constant 5 : i32
    %barrier3A = arith.constant 0 : index
    tpu.barrier barrier_id(%barrier3A)
    "tpu.region"() ({
      %run_scoped3A = tpu.sem_alloc : memref<!tpu.dma_semaphore, #tpu.memory_space<semaphore_mem>>
      %dma_start3A_42 = arith.constant 0 : i32
      %dma_start3A_43 = arith.constant 0 : i32
      %dma_start3A_44 = tpu.memref_slice %arg3[%arg0, %arg1, %dma_start3A_42, %dma_start3A_43] : memref<2x16x80x128xi32, #tpu.memory_space<hbm>> -> memref<1x1x40x128xi32, #tpu.memory_space<hbm>>
      %dma_start3A_45 = tpu.memref_squeeze %dma_start3A_44 : memref<1x1x40x128xi32, #tpu.memory_space<hbm>> -> memref<40x128xi32, #tpu.memory_space<hbm>>
      %dma_start3A_46 = arith.constant 0 : i32
      %dma_start3A_47 = arith.constant 0 : i32
      %dma_start3A_48 = tpu.memref_slice %arg3[%arg0, %arg1, %dma_start3A_46, %dma_start3A_47] : memref<2x16x80x128xi32, #tpu.memory_space<hbm>> -> memref<1x1x40x128xi32, #tpu.memory_space<hbm>>
      %dma_start3A_49 = tpu.memref_squeeze %dma_start3A_48 : memref<1x1x40x128xi32, #tpu.memory_space<hbm>> -> memref<40x128xi32, #tpu.memory_space<hbm>>
      tpu.enqueue_dma source(%dma_start3A_49 : memref<40x128xi32, #tpu.memory_space<hbm>>) target(%arg6 : memref<40x128xi32, #tpu.memory_space<vmem>>) target_semaphore(%run_scoped3A : memref<!tpu.dma_semaphore, #tpu.memory_space<semaphore_mem>>)
      %dma_wait3A = arith.constant 0 : i32
      %dma_wait3A_50 = arith.constant 0 : i32
      %dma_wait3A_51 = tpu.memref_slice %arg3[%arg0, %arg1, %dma_wait3A, %dma_wait3A_50] : memref<2x16x80x128xi32, #tpu.memory_space<hbm>> -> memref<1x1x40x128xi32, #tpu.memory_space<hbm>>
      %dma_wait3A_52 = tpu.memref_squeeze %dma_wait3A_51 : memref<1x1x40x128xi32, #tpu.memory_space<hbm>> -> memref<40x128xi32, #tpu.memory_space<hbm>>
      %dma_wait3A_53 = arith.constant 0 : i32
      %dma_wait3A_54 = arith.constant 0 : i32
      %dma_wait3A_55 = tpu.memref_slice %arg3[%arg0, %arg1, %dma_wait3A_53, %dma_wait3A_54] : memref<2x16x80x128xi32, #tpu.memory_space<hbm>> -> memref<1x1x40x128xi32, #tpu.memory_space<hbm>>
      %dma_wait3A_56 = tpu.memref_squeeze %dma_wait3A_55 : memref<1x1x40x128xi32, #tpu.memory_space<hbm>> -> memref<40x128xi32, #tpu.memory_space<hbm>>
      tpu.wait_dma2 semaphore(%run_scoped3A : memref<!tpu.dma_semaphore, #tpu.memory_space<semaphore_mem>>) src(%dma_wait3A_56 : memref<40x128xi32, #tpu.memory_space<hbm>>) dst(%arg6 : memref<40x128xi32, #tpu.memory_space<vmem>>)
      tpu.yield
    }) : () -> ()
    "tpu.region"() ({
      %run_scoped3A = tpu.sem_alloc : memref<!tpu.dma_semaphore, #tpu.memory_space<semaphore_mem>>
      %dma_start3A_42 = arith.constant 0 : i32
      %dma_start3A_43 = arith.constant 0 : i32
      %dma_start3A_44 = tpu.memref_slice %arg4[%arg0, %arg1, %dma_start3A_42, %dma_start3A_43] : memref<2x16x80x128xi32, #tpu.memory_space<hbm>> -> memref<1x1x40x128xi32, #tpu.memory_space<hbm>>
      %dma_start3A_45 = tpu.memref_squeeze %dma_start3A_44 : memref<1x1x40x128xi32, #tpu.memory_space<hbm>> -> memref<40x128xi32, #tpu.memory_space<hbm>>
      %dma_start3A_46 = arith.constant 0 : i32
      %dma_start3A_47 = arith.constant 0 : i32
      %dma_start3A_48 = tpu.memref_slice %arg4[%arg0, %arg1, %dma_start3A_46, %dma_start3A_47] : memref<2x16x80x128xi32, #tpu.memory_space<hbm>> -> memref<1x1x40x128xi32, #tpu.memory_space<hbm>>
      %dma_start3A_49 = tpu.memref_squeeze %dma_start3A_48 : memref<1x1x40x128xi32, #tpu.memory_space<hbm>> -> memref<40x128xi32, #tpu.memory_space<hbm>>
      tpu.enqueue_dma source(%dma_start3A_49 : memref<40x128xi32, #tpu.memory_space<hbm>>) target(%arg7 : memref<40x128xi32, #tpu.memory_space<vmem>>) target_semaphore(%run_scoped3A : memref<!tpu.dma_semaphore, #tpu.memory_space<semaphore_mem>>)
      %dma_wait3A = arith.constant 0 : i32
      %dma_wait3A_50 = arith.constant 0 : i32
      %dma_wait3A_51 = tpu.memref_slice %arg4[%arg0, %arg1, %dma_wait3A, %dma_wait3A_50] : memref<2x16x80x128xi32, #tpu.memory_space<hbm>> -> memref<1x1x40x128xi32, #tpu.memory_space<hbm>>
      %dma_wait3A_52 = tpu.memref_squeeze %dma_wait3A_51 : memref<1x1x40x128xi32, #tpu.memory_space<hbm>> -> memref<40x128xi32, #tpu.memory_space<hbm>>
      %dma_wait3A_53 = arith.constant 0 : i32
      %dma_wait3A_54 = arith.constant 0 : i32
      %dma_wait3A_55 = tpu.memref_slice %arg4[%arg0, %arg1, %dma_wait3A_53, %dma_wait3A_54] : memref<2x16x80x128xi32, #tpu.memory_space<hbm>> -> memref<1x1x40x128xi32, #tpu.memory_space<hbm>>
      %dma_wait3A_56 = tpu.memref_squeeze %dma_wait3A_55 : memref<1x1x40x128xi32, #tpu.memory_space<hbm>> -> memref<40x128xi32, #tpu.memory_space<hbm>>
      tpu.wait_dma2 semaphore(%run_scoped3A : memref<!tpu.dma_semaphore, #tpu.memory_space<semaphore_mem>>) src(%dma_wait3A_56 : memref<40x128xi32, #tpu.memory_space<hbm>>) dst(%arg7 : memref<40x128xi32, #tpu.memory_space<vmem>>)
      tpu.yield
    }) : () -> ()
    %dma_start3A = arith.constant 0 : i32
    %dma_start3A_9 = arith.constant 0 : i32
    %dma_start3A_10 = tpu.memref_slice %arg6[%dma_start3A, %dma_start3A_9] : memref<40x128xi32, #tpu.memory_space<vmem>> -> memref<1x128xi32, #tpu.memory_space<vmem>>
    %dma_start3A_11 = tpu.memref_squeeze %dma_start3A_10 : memref<1x128xi32, #tpu.memory_space<vmem>> -> memref<128xi32, #tpu.memory_space<vmem>>
    %dma_start3A_12 = arith.constant 0 : i32
    %dma_start3A_13 = arith.constant 0 : i32
    %dma_start3A_14 = tpu.memref_slice %arg2[%arg0, %dma_start3A_12, %dma_start3A_13] : memref<2x10240x128xf32, #tpu.memory_space<hbm>> -> memref<1x10240x128xf32, #tpu.memory_space<hbm>>
    %dma_start3A_15 = tpu.memref_squeeze %dma_start3A_14 : memref<1x10240x128xf32, #tpu.memory_space<hbm>> -> memref<10240x128xf32, #tpu.memory_space<hbm>>
    %dma_start3A_16 = arith.constant 0 : i32
    %dma_start3A_17 = arith.constant 0 : i32
    %dma_start3A_18 = tpu.memref_slice %dma_start3A_15[%dma_start3A_16, %dma_start3A_17] : memref<10240x128xf32, #tpu.memory_space<hbm>> -> memref<10240x128xf32, #tpu.memory_space<hbm>>
    tpu.enqueue_indirect_dma source(%dma_start3A_18 : memref<10240x128xf32, #tpu.memory_space<hbm>>) target(%arg8 : memref<128x128xf32, #tpu.memory_space<vmem>>) offsets(%dma_start3A_11 : memref<128xi32, #tpu.memory_space<vmem>>) semaphore(%arg11 : memref<!tpu.dma_semaphore, #tpu.memory_space<semaphore_mem>>)
    %scan3A_19 = arith.constant 0 : i32
    %scan3A_20 = arith.constant 20 : i32
    %scan3A_21 = arith.addi %scan3A_19, %scan3A_20 : i32
    %scan3A_22 = arith.constant 1 : i32
    scf.for %scan3A_42 = %scan3A_19 to %scan3A_21 step %scan3A_22  : i32 {
      %mul3A_43 = arith.constant 1 : i32
      %mul3A_44 = arith.muli %scan3A_42, %mul3A_43 : i32
      %add3A = arith.constant 0 : i32
      %add3A_45 = arith.addi %add3A, %mul3A_44 : i32
      %mul3A_46 = arith.constant 2 : i32
      %mul3A_47 = arith.muli %add3A_45, %mul3A_46 : i32
      %add3A_48 = arith.constant 1 : i32
      %add3A_49 = arith.addi %mul3A_47, %add3A_48 : i32
      %dma_start3A_50 = arith.constant 0 : i32
      %dma_start3A_51 = tpu.memref_slice %arg6[%add3A_49, %dma_start3A_50] : memref<40x128xi32, #tpu.memory_space<vmem>> -> memref<1x128xi32, #tpu.memory_space<vmem>>
      %dma_start3A_52 = tpu.memref_squeeze %dma_start3A_51 : memref<1x128xi32, #tpu.memory_space<vmem>> -> memref<128xi32, #tpu.memory_space<vmem>>
      %dma_start3A_53 = arith.constant 0 : i32
      %dma_start3A_54 = arith.constant 0 : i32
      %dma_start3A_55 = tpu.memref_slice %arg2[%arg0, %dma_start3A_53, %dma_start3A_54] : memref<2x10240x128xf32, #tpu.memory_space<hbm>> -> memref<1x10240x128xf32, #tpu.memory_space<hbm>>
      %dma_start3A_56 = tpu.memref_squeeze %dma_start3A_55 : memref<1x10240x128xf32, #tpu.memory_space<hbm>> -> memref<10240x128xf32, #tpu.memory_space<hbm>>
      %dma_start3A_57 = arith.constant 0 : i32
      %dma_start3A_58 = arith.constant 0 : i32
      %dma_start3A_59 = tpu.memref_slice %dma_start3A_56[%dma_start3A_57, %dma_start3A_58] : memref<10240x128xf32, #tpu.memory_space<hbm>> -> memref<10240x128xf32, #tpu.memory_space<hbm>>
      tpu.enqueue_indirect_dma source(%dma_start3A_59 : memref<10240x128xf32, #tpu.memory_space<hbm>>) target(%arg9 : memref<128x128xf32, #tpu.memory_space<vmem>>) offsets(%dma_start3A_52 : memref<128xi32, #tpu.memory_space<vmem>>) semaphore(%arg12 : memref<!tpu.dma_semaphore, #tpu.memory_space<semaphore_mem>>)
      %dma_wait3A = arith.constant 0 : i32
      %dma_wait3A_60 = tpu.memref_slice %arg6[%mul3A_47, %dma_wait3A] : memref<40x128xi32, #tpu.memory_space<vmem>> -> memref<1x128xi32, #tpu.memory_space<vmem>>
      %dma_wait3A_61 = tpu.memref_squeeze %dma_wait3A_60 : memref<1x128xi32, #tpu.memory_space<vmem>> -> memref<128xi32, #tpu.memory_space<vmem>>
      %dma_wait3A_62 = arith.constant 0 : i32
      %dma_wait3A_63 = arith.constant 0 : i32
      %dma_wait3A_64 = tpu.memref_slice %arg2[%arg0, %dma_wait3A_62, %dma_wait3A_63] : memref<2x10240x128xf32, #tpu.memory_space<hbm>> -> memref<1x10240x128xf32, #tpu.memory_space<hbm>>
      %dma_wait3A_65 = tpu.memref_squeeze %dma_wait3A_64 : memref<1x10240x128xf32, #tpu.memory_space<hbm>> -> memref<10240x128xf32, #tpu.memory_space<hbm>>
      %dma_wait3A_66 = arith.constant 0 : i32
      %dma_wait3A_67 = arith.constant 0 : i32
      %dma_wait3A_68 = tpu.memref_slice %dma_wait3A_65[%dma_wait3A_66, %dma_wait3A_67] : memref<10240x128xf32, #tpu.memory_space<hbm>> -> memref<10240x128xf32, #tpu.memory_space<hbm>>
      tpu.wait_indirect_dma semaphore(%arg11 : memref<!tpu.dma_semaphore, #tpu.memory_space<semaphore_mem>>) src(%dma_wait3A_68 : memref<10240x128xf32, #tpu.memory_space<hbm>>) dst(%arg8 : memref<128x128xf32, #tpu.memory_space<vmem>>)
      "tpu.region"() ({
        %run_scoped3A = tpu.sem_alloc : memref<!tpu.dma_semaphore, #tpu.memory_space<semaphore_mem>>
        %dma_start3A_87 = arith.constant 0 : i32
        %dma_start3A_88 = tpu.memref_slice %arg7[%mul3A_47, %dma_start3A_87] : memref<40x128xi32, #tpu.memory_space<vmem>> -> memref<1x128xi32, #tpu.memory_space<vmem>>
        %dma_start3A_89 = tpu.memref_squeeze %dma_start3A_88 : memref<1x128xi32, #tpu.memory_space<vmem>> -> memref<128xi32, #tpu.memory_space<vmem>>
        %dma_start3A_90 = arith.constant 0 : i32
        %dma_start3A_91 = arith.constant 0 : i32
        %dma_start3A_92 = tpu.memref_slice %arg10[%dma_start3A_90, %dma_start3A_91] : memref<10240x128xf32, #tpu.memory_space<vmem_shared>> -> memref<10240x128xf32, #tpu.memory_space<vmem_shared>>
        tpu.enqueue_indirect_dma source(%arg8 : memref<128x128xf32, #tpu.memory_space<vmem>>) target(%dma_start3A_92 : memref<10240x128xf32, #tpu.memory_space<vmem_shared>>) offsets(%dma_start3A_89 : memref<128xi32, #tpu.memory_space<vmem>>) semaphore(%run_scoped3A : memref<!tpu.dma_semaphore, #tpu.memory_space<semaphore_mem>>) {add = true}
        %dma_wait3A_93 = arith.constant 0 : i32
        %dma_wait3A_94 = tpu.memref_slice %arg7[%mul3A_47, %dma_wait3A_93] : memref<40x128xi32, #tpu.memory_space<vmem>> -> memref<1x128xi32, #tpu.memory_space<vmem>>
        %dma_wait3A_95 = tpu.memref_squeeze %dma_wait3A_94 : memref<1x128xi32, #tpu.memory_space<vmem>> -> memref<128xi32, #tpu.memory_space<vmem>>
        %dma_wait3A_96 = arith.constant 0 : i32
        %dma_wait3A_97 = arith.constant 0 : i32
        %dma_wait3A_98 = tpu.memref_slice %arg10[%dma_wait3A_96, %dma_wait3A_97] : memref<10240x128xf32, #tpu.memory_space<vmem_shared>> -> memref<10240x128xf32, #tpu.memory_space<vmem_shared>>
        tpu.wait_indirect_dma semaphore(%run_scoped3A : memref<!tpu.dma_semaphore, #tpu.memory_space<semaphore_mem>>) src(%arg8 : memref<128x128xf32, #tpu.memory_space<vmem>>) dst(%dma_wait3A_98 : memref<10240x128xf32, #tpu.memory_space<vmem_shared>>)
        tpu.yield
      }) : () -> ()
      %add3A_69 = arith.constant 2 : i32
      %add3A_70 = arith.addi %mul3A_47, %add3A_69 : i32
      %lt3A = arith.constant 40 : i32
      %lt3A_71 = arith.cmpi slt, %add3A_70, %lt3A : i32
      %convert_element_type3A = arith.extui %lt3A_71 : i1 to i32
      %cond3A = arith.constant 0 : i32
      %cond3A_72 = arith.cmpi ne, %convert_element_type3A, %cond3A : i32
      scf.if %cond3A_72 {
        %add3A_87 = arith.constant 2 : i32
        %add3A_88 = arith.addi %mul3A_47, %add3A_87 : i32
        %dma_start3A_89 = arith.constant 0 : i32
        %dma_start3A_90 = tpu.memref_slice %arg6[%add3A_88, %dma_start3A_89] : memref<40x128xi32, #tpu.memory_space<vmem>> -> memref<1x128xi32, #tpu.memory_space<vmem>>
        %dma_start3A_91 = tpu.memref_squeeze %dma_start3A_90 : memref<1x128xi32, #tpu.memory_space<vmem>> -> memref<128xi32, #tpu.memory_space<vmem>>
        %dma_start3A_92 = arith.constant 0 : i32
        %dma_start3A_93 = arith.constant 0 : i32
        %dma_start3A_94 = tpu.memref_slice %arg2[%arg0, %dma_start3A_92, %dma_start3A_93] : memref<2x10240x128xf32, #tpu.memory_space<hbm>> -> memref<1x10240x128xf32, #tpu.memory_space<hbm>>
        %dma_start3A_95 = tpu.memref_squeeze %dma_start3A_94 : memref<1x10240x128xf32, #tpu.memory_space<hbm>> -> memref<10240x128xf32, #tpu.memory_space<hbm>>
        %dma_start3A_96 = arith.constant 0 : i32
        %dma_start3A_97 = arith.constant 0 : i32
        %dma_start3A_98 = tpu.memref_slice %dma_start3A_95[%dma_start3A_96, %dma_start3A_97] : memref<10240x128xf32, #tpu.memory_space<hbm>> -> memref<10240x128xf32, #tpu.memory_space<hbm>>
        tpu.enqueue_indirect_dma source(%dma_start3A_98 : memref<10240x128xf32, #tpu.memory_space<hbm>>) target(%arg8 : memref<128x128xf32, #tpu.memory_space<vmem>>) offsets(%dma_start3A_91 : memref<128xi32, #tpu.memory_space<vmem>>) semaphore(%arg11 : memref<!tpu.dma_semaphore, #tpu.memory_space<semaphore_mem>>)
      } else {
      }
      %add3A_73 = arith.constant 1 : i32
      %add3A_74 = arith.addi %mul3A_47, %add3A_73 : i32
      %dma_wait3A_75 = arith.constant 0 : i32
      %dma_wait3A_76 = tpu.memref_slice %arg6[%add3A_74, %dma_wait3A_75] : memref<40x128xi32, #tpu.memory_space<vmem>> -> memref<1x128xi32, #tpu.memory_space<vmem>>
      %dma_wait3A_77 = tpu.memref_squeeze %dma_wait3A_76 : memref<1x128xi32, #tpu.memory_space<vmem>> -> memref<128xi32, #tpu.memory_space<vmem>>
      %dma_wait3A_78 = arith.constant 0 : i32
      %dma_wait3A_79 = arith.constant 0 : i32
      %dma_wait3A_80 = tpu.memref_slice %arg2[%arg0, %dma_wait3A_78, %dma_wait3A_79] : memref<2x10240x128xf32, #tpu.memory_space<hbm>> -> memref<1x10240x128xf32, #tpu.memory_space<hbm>>
      %dma_wait3A_81 = tpu.memref_squeeze %dma_wait3A_80 : memref<1x10240x128xf32, #tpu.memory_space<hbm>> -> memref<10240x128xf32, #tpu.memory_space<hbm>>
      %dma_wait3A_82 = arith.constant 0 : i32
      %dma_wait3A_83 = arith.constant 0 : i32
      %dma_wait3A_84 = tpu.memref_slice %dma_wait3A_81[%dma_wait3A_82, %dma_wait3A_83] : memref<10240x128xf32, #tpu.memory_space<hbm>> -> memref<10240x128xf32, #tpu.memory_space<hbm>>
      tpu.wait_indirect_dma semaphore(%arg12 : memref<!tpu.dma_semaphore, #tpu.memory_space<semaphore_mem>>) src(%dma_wait3A_84 : memref<10240x128xf32, #tpu.memory_space<hbm>>) dst(%arg9 : memref<128x128xf32, #tpu.memory_space<vmem>>)
      %add3A_85 = arith.constant 1 : i32
      %add3A_86 = arith.addi %mul3A_47, %add3A_85 : i32
      "tpu.region"() ({
        %run_scoped3A = tpu.sem_alloc : memref<!tpu.dma_semaphore, #tpu.memory_space<semaphore_mem>>
        %dma_start3A_87 = arith.constant 0 : i32
        %dma_start3A_88 = tpu.memref_slice %arg7[%add3A_86, %dma_start3A_87] : memref<40x128xi32, #tpu.memory_space<vmem>> -> memref<1x128xi32, #tpu.memory_space<vmem>>
        %dma_start3A_89 = tpu.memref_squeeze %dma_start3A_88 : memref<1x128xi32, #tpu.memory_space<vmem>> -> memref<128xi32, #tpu.memory_space<vmem>>
        %dma_start3A_90 = arith.constant 0 : i32
        %dma_start3A_91 = arith.constant 0 : i32
        %dma_start3A_92 = tpu.memref_slice %arg10[%dma_start3A_90, %dma_start3A_91] : memref<10240x128xf32, #tpu.memory_space<vmem_shared>> -> memref<10240x128xf32, #tpu.memory_space<vmem_shared>>
        tpu.enqueue_indirect_dma source(%arg9 : memref<128x128xf32, #tpu.memory_space<vmem>>) target(%dma_start3A_92 : memref<10240x128xf32, #tpu.memory_space<vmem_shared>>) offsets(%dma_start3A_89 : memref<128xi32, #tpu.memory_space<vmem>>) semaphore(%run_scoped3A : memref<!tpu.dma_semaphore, #tpu.memory_space<semaphore_mem>>) {add = true}
        %dma_wait3A_93 = arith.constant 0 : i32
        %dma_wait3A_94 = tpu.memref_slice %arg7[%add3A_86, %dma_wait3A_93] : memref<40x128xi32, #tpu.memory_space<vmem>> -> memref<1x128xi32, #tpu.memory_space<vmem>>
        %dma_wait3A_95 = tpu.memref_squeeze %dma_wait3A_94 : memref<1x128xi32, #tpu.memory_space<vmem>> -> memref<128xi32, #tpu.memory_space<vmem>>
        %dma_wait3A_96 = arith.constant 0 : i32
        %dma_wait3A_97 = arith.constant 0 : i32
        %dma_wait3A_98 = tpu.memref_slice %arg10[%dma_wait3A_96, %dma_wait3A_97] : memref<10240x128xf32, #tpu.memory_space<vmem_shared>> -> memref<10240x128xf32, #tpu.memory_space<vmem_shared>>
        tpu.wait_indirect_dma semaphore(%run_scoped3A : memref<!tpu.dma_semaphore, #tpu.memory_space<semaphore_mem>>) src(%arg9 : memref<128x128xf32, #tpu.memory_space<vmem>>) dst(%dma_wait3A_98 : memref<10240x128xf32, #tpu.memory_space<vmem_shared>>)
        tpu.yield
      }) : () -> ()
    }
    %scan3A_23 = arith.constant 20 : i32
    "tpu.region"() ({
      %run_scoped3A = tpu.sem_alloc : memref<!tpu.dma_semaphore, #tpu.memory_space<semaphore_mem>>
      %dma_start3A_42 = arith.constant 40 : i32
      %dma_start3A_43 = arith.constant 0 : i32
      %dma_start3A_44 = tpu.memref_slice %arg3[%arg0, %arg1, %dma_start3A_42, %dma_start3A_43] : memref<2x16x80x128xi32, #tpu.memory_space<hbm>> -> memref<1x1x40x128xi32, #tpu.memory_space<hbm>>
      %dma_start3A_45 = tpu.memref_squeeze %dma_start3A_44 : memref<1x1x40x128xi32, #tpu.memory_space<hbm>> -> memref<40x128xi32, #tpu.memory_space<hbm>>
      %dma_start3A_46 = arith.constant 40 : i32
      %dma_start3A_47 = arith.constant 0 : i32
      %dma_start3A_48 = tpu.memref_slice %arg3[%arg0, %arg1, %dma_start3A_46, %dma_start3A_47] : memref<2x16x80x128xi32, #tpu.memory_space<hbm>> -> memref<1x1x40x128xi32, #tpu.memory_space<hbm>>
      %dma_start3A_49 = tpu.memref_squeeze %dma_start3A_48 : memref<1x1x40x128xi32, #tpu.memory_space<hbm>> -> memref<40x128xi32, #tpu.memory_space<hbm>>
      tpu.enqueue_dma source(%dma_start3A_49 : memref<40x128xi32, #tpu.memory_space<hbm>>) target(%arg6 : memref<40x128xi32, #tpu.memory_space<vmem>>) target_semaphore(%run_scoped3A : memref<!tpu.dma_semaphore, #tpu.memory_space<semaphore_mem>>)
      %dma_wait3A = arith.constant 40 : i32
      %dma_wait3A_50 = arith.constant 0 : i32
      %dma_wait3A_51 = tpu.memref_slice %arg3[%arg0, %arg1, %dma_wait3A, %dma_wait3A_50] : memref<2x16x80x128xi32, #tpu.memory_space<hbm>> -> memref<1x1x40x128xi32, #tpu.memory_space<hbm>>
      %dma_wait3A_52 = tpu.memref_squeeze %dma_wait3A_51 : memref<1x1x40x128xi32, #tpu.memory_space<hbm>> -> memref<40x128xi32, #tpu.memory_space<hbm>>
      %dma_wait3A_53 = arith.constant 40 : i32
      %dma_wait3A_54 = arith.constant 0 : i32
      %dma_wait3A_55 = tpu.memref_slice %arg3[%arg0, %arg1, %dma_wait3A_53, %dma_wait3A_54] : memref<2x16x80x128xi32, #tpu.memory_space<hbm>> -> memref<1x1x40x128xi32, #tpu.memory_space<hbm>>
      %dma_wait3A_56 = tpu.memref_squeeze %dma_wait3A_55 : memref<1x1x40x128xi32, #tpu.memory_space<hbm>> -> memref<40x128xi32, #tpu.memory_space<hbm>>
      tpu.wait_dma2 semaphore(%run_scoped3A : memref<!tpu.dma_semaphore, #tpu.memory_space<semaphore_mem>>) src(%dma_wait3A_56 : memref<40x128xi32, #tpu.memory_space<hbm>>) dst(%arg6 : memref<40x128xi32, #tpu.memory_space<vmem>>)
      tpu.yield
    }) : () -> ()
    "tpu.region"() ({
      %run_scoped3A = tpu.sem_alloc : memref<!tpu.dma_semaphore, #tpu.memory_space<semaphore_mem>>
      %dma_start3A_42 = arith.constant 40 : i32
      %dma_start3A_43 = arith.constant 0 : i32
      %dma_start3A_44 = tpu.memref_slice %arg4[%arg0, %arg1, %dma_start3A_42, %dma_start3A_43] : memref<2x16x80x128xi32, #tpu.memory_space<hbm>> -> memref<1x1x40x128xi32, #tpu.memory_space<hbm>>
      %dma_start3A_45 = tpu.memref_squeeze %dma_start3A_44 : memref<1x1x40x128xi32, #tpu.memory_space<hbm>> -> memref<40x128xi32, #tpu.memory_space<hbm>>
      %dma_start3A_46 = arith.constant 40 : i32
      %dma_start3A_47 = arith.constant 0 : i32
      %dma_start3A_48 = tpu.memref_slice %arg4[%arg0, %arg1, %dma_start3A_46, %dma_start3A_47] : memref<2x16x80x128xi32, #tpu.memory_space<hbm>> -> memref<1x1x40x128xi32, #tpu.memory_space<hbm>>
      %dma_start3A_49 = tpu.memref_squeeze %dma_start3A_48 : memref<1x1x40x128xi32, #tpu.memory_space<hbm>> -> memref<40x128xi32, #tpu.memory_space<hbm>>
      tpu.enqueue_dma source(%dma_start3A_49 : memref<40x128xi32, #tpu.memory_space<hbm>>) target(%arg7 : memref<40x128xi32, #tpu.memory_space<vmem>>) target_semaphore(%run_scoped3A : memref<!tpu.dma_semaphore, #tpu.memory_space<semaphore_mem>>)
      %dma_wait3A = arith.constant 40 : i32
      %dma_wait3A_50 = arith.constant 0 : i32
      %dma_wait3A_51 = tpu.memref_slice %arg4[%arg0, %arg1, %dma_wait3A, %dma_wait3A_50] : memref<2x16x80x128xi32, #tpu.memory_space<hbm>> -> memref<1x1x40x128xi32, #tpu.memory_space<hbm>>
      %dma_wait3A_52 = tpu.memref_squeeze %dma_wait3A_51 : memref<1x1x40x128xi32, #tpu.memory_space<hbm>> -> memref<40x128xi32, #tpu.memory_space<hbm>>
      %dma_wait3A_53 = arith.constant 40 : i32
      %dma_wait3A_54 = arith.constant 0 : i32
      %dma_wait3A_55 = tpu.memref_slice %arg4[%arg0, %arg1, %dma_wait3A_53, %dma_wait3A_54] : memref<2x16x80x128xi32, #tpu.memory_space<hbm>> -> memref<1x1x40x128xi32, #tpu.memory_space<hbm>>
      %dma_wait3A_56 = tpu.memref_squeeze %dma_wait3A_55 : memref<1x1x40x128xi32, #tpu.memory_space<hbm>> -> memref<40x128xi32, #tpu.memory_space<hbm>>
      tpu.wait_dma2 semaphore(%run_scoped3A : memref<!tpu.dma_semaphore, #tpu.memory_space<semaphore_mem>>) src(%dma_wait3A_56 : memref<40x128xi32, #tpu.memory_space<hbm>>) dst(%arg7 : memref<40x128xi32, #tpu.memory_space<vmem>>)
      tpu.yield
    }) : () -> ()
    %dma_start3A_24 = arith.constant 0 : i32
    %dma_start3A_25 = arith.constant 0 : i32
    %dma_start3A_26 = tpu.memref_slice %arg6[%dma_start3A_24, %dma_start3A_25] : memref<40x128xi32, #tpu.memory_space<vmem>> -> memref<1x128xi32, #tpu.memory_space<vmem>>
    %dma_start3A_27 = tpu.memref_squeeze %dma_start3A_26 : memref<1x128xi32, #tpu.memory_space<vmem>> -> memref<128xi32, #tpu.memory_space<vmem>>
    %dma_start3A_28 = arith.constant 0 : i32
    %dma_start3A_29 = arith.constant 0 : i32
    %dma_start3A_30 = tpu.memref_slice %arg2[%arg0, %dma_start3A_28, %dma_start3A_29] : memref<2x10240x128xf32, #tpu.memory_space<hbm>> -> memref<1x10240x128xf32, #tpu.memory_space<hbm>>
    %dma_start3A_31 = tpu.memref_squeeze %dma_start3A_30 : memref<1x10240x128xf32, #tpu.memory_space<hbm>> -> memref<10240x128xf32, #tpu.memory_space<hbm>>
    %dma_start3A_32 = arith.constant 0 : i32
    %dma_start3A_33 = arith.constant 0 : i32
    %dma_start3A_34 = tpu.memref_slice %dma_start3A_31[%dma_start3A_32, %dma_start3A_33] : memref<10240x128xf32, #tpu.memory_space<hbm>> -> memref<10240x128xf32, #tpu.memory_space<hbm>>
    tpu.enqueue_indirect_dma source(%dma_start3A_34 : memref<10240x128xf32, #tpu.memory_space<hbm>>) target(%arg8 : memref<128x128xf32, #tpu.memory_space<vmem>>) offsets(%dma_start3A_27 : memref<128xi32, #tpu.memory_space<vmem>>) semaphore(%arg11 : memref<!tpu.dma_semaphore, #tpu.memory_space<semaphore_mem>>)
    %scan3A_35 = arith.constant 0 : i32
    %scan3A_36 = arith.constant 20 : i32
    %scan3A_37 = arith.addi %scan3A_35, %scan3A_36 : i32
    %scan3A_38 = arith.constant 1 : i32
    scf.for %scan3A_42 = %scan3A_35 to %scan3A_37 step %scan3A_38  : i32 {
      %mul3A_43 = arith.constant 1 : i32
      %mul3A_44 = arith.muli %scan3A_42, %mul3A_43 : i32
      %add3A = arith.constant 0 : i32
      %add3A_45 = arith.addi %add3A, %mul3A_44 : i32
      %mul3A_46 = arith.constant 2 : i32
      %mul3A_47 = arith.muli %add3A_45, %mul3A_46 : i32
      %add3A_48 = arith.constant 1 : i32
      %add3A_49 = arith.addi %mul3A_47, %add3A_48 : i32
      %dma_start3A_50 = arith.constant 0 : i32
      %dma_start3A_51 = tpu.memref_slice %arg6[%add3A_49, %dma_start3A_50] : memref<40x128xi32, #tpu.memory_space<vmem>> -> memref<1x128xi32, #tpu.memory_space<vmem>>
      %dma_start3A_52 = tpu.memref_squeeze %dma_start3A_51 : memref<1x128xi32, #tpu.memory_space<vmem>> -> memref<128xi32, #tpu.memory_space<vmem>>
      %dma_start3A_53 = arith.constant 0 : i32
      %dma_start3A_54 = arith.constant 0 : i32
      %dma_start3A_55 = tpu.memref_slice %arg2[%arg0, %dma_start3A_53, %dma_start3A_54] : memref<2x10240x128xf32, #tpu.memory_space<hbm>> -> memref<1x10240x128xf32, #tpu.memory_space<hbm>>
      %dma_start3A_56 = tpu.memref_squeeze %dma_start3A_55 : memref<1x10240x128xf32, #tpu.memory_space<hbm>> -> memref<10240x128xf32, #tpu.memory_space<hbm>>
      %dma_start3A_57 = arith.constant 0 : i32
      %dma_start3A_58 = arith.constant 0 : i32
      %dma_start3A_59 = tpu.memref_slice %dma_start3A_56[%dma_start3A_57, %dma_start3A_58] : memref<10240x128xf32, #tpu.memory_space<hbm>> -> memref<10240x128xf32, #tpu.memory_space<hbm>>
      tpu.enqueue_indirect_dma source(%dma_start3A_59 : memref<10240x128xf32, #tpu.memory_space<hbm>>) target(%arg9 : memref<128x128xf32, #tpu.memory_space<vmem>>) offsets(%dma_start3A_52 : memref<128xi32, #tpu.memory_space<vmem>>) semaphore(%arg12 : memref<!tpu.dma_semaphore, #tpu.memory_space<semaphore_mem>>)
      %dma_wait3A = arith.constant 0 : i32
      %dma_wait3A_60 = tpu.memref_slice %arg6[%mul3A_47, %dma_wait3A] : memref<40x128xi32, #tpu.memory_space<vmem>> -> memref<1x128xi32, #tpu.memory_space<vmem>>
      %dma_wait3A_61 = tpu.memref_squeeze %dma_wait3A_60 : memref<1x128xi32, #tpu.memory_space<vmem>> -> memref<128xi32, #tpu.memory_space<vmem>>
      %dma_wait3A_62 = arith.constant 0 : i32
      %dma_wait3A_63 = arith.constant 0 : i32
      %dma_wait3A_64 = tpu.memref_slice %arg2[%arg0, %dma_wait3A_62, %dma_wait3A_63] : memref<2x10240x128xf32, #tpu.memory_space<hbm>> -> memref<1x10240x128xf32, #tpu.memory_space<hbm>>
      %dma_wait3A_65 = tpu.memref_squeeze %dma_wait3A_64 : memref<1x10240x128xf32, #tpu.memory_space<hbm>> -> memref<10240x128xf32, #tpu.memory_space<hbm>>
      %dma_wait3A_66 = arith.constant 0 : i32
      %dma_wait3A_67 = arith.constant 0 : i32
      %dma_wait3A_68 = tpu.memref_slice %dma_wait3A_65[%dma_wait3A_66, %dma_wait3A_67] : memref<10240x128xf32, #tpu.memory_space<hbm>> -> memref<10240x128xf32, #tpu.memory_space<hbm>>
      tpu.wait_indirect_dma semaphore(%arg11 : memref<!tpu.dma_semaphore, #tpu.memory_space<semaphore_mem>>) src(%dma_wait3A_68 : memref<10240x128xf32, #tpu.memory_space<hbm>>) dst(%arg8 : memref<128x128xf32, #tpu.memory_space<vmem>>)
      "tpu.region"() ({
        %run_scoped3A = tpu.sem_alloc : memref<!tpu.dma_semaphore, #tpu.memory_space<semaphore_mem>>
        %dma_start3A_87 = arith.constant 0 : i32
        %dma_start3A_88 = tpu.memref_slice %arg7[%mul3A_47, %dma_start3A_87] : memref<40x128xi32, #tpu.memory_space<vmem>> -> memref<1x128xi32, #tpu.memory_space<vmem>>
        %dma_start3A_89 = tpu.memref_squeeze %dma_start3A_88 : memref<1x128xi32, #tpu.memory_space<vmem>> -> memref<128xi32, #tpu.memory_space<vmem>>
        %dma_start3A_90 = arith.constant 0 : i32
        %dma_start3A_91 = arith.constant 0 : i32
        %dma_start3A_92 = tpu.memref_slice %arg10[%dma_start3A_90, %dma_start3A_91] : memref<10240x128xf32, #tpu.memory_space<vmem_shared>> -> memref<10240x128xf32, #tpu.memory_space<vmem_shared>>
        tpu.enqueue_indirect_dma source(%arg8 : memref<128x128xf32, #tpu.memory_space<vmem>>) target(%dma_start3A_92 : memref<10240x128xf32, #tpu.memory_space<vmem_shared>>) offsets(%dma_start3A_89 : memref<128xi32, #tpu.memory_space<vmem>>) semaphore(%run_scoped3A : memref<!tpu.dma_semaphore, #tpu.memory_space<semaphore_mem>>) {add = true}
        %dma_wait3A_93 = arith.constant 0 : i32
        %dma_wait3A_94 = tpu.memref_slice %arg7[%mul3A_47, %dma_wait3A_93] : memref<40x128xi32, #tpu.memory_space<vmem>> -> memref<1x128xi32, #tpu.memory_space<vmem>>
        %dma_wait3A_95 = tpu.memref_squeeze %dma_wait3A_94 : memref<1x128xi32, #tpu.memory_space<vmem>> -> memref<128xi32, #tpu.memory_space<vmem>>
        %dma_wait3A_96 = arith.constant 0 : i32
        %dma_wait3A_97 = arith.constant 0 : i32
        %dma_wait3A_98 = tpu.memref_slice %arg10[%dma_wait3A_96, %dma_wait3A_97] : memref<10240x128xf32, #tpu.memory_space<vmem_shared>> -> memref<10240x128xf32, #tpu.memory_space<vmem_shared>>
        tpu.wait_indirect_dma semaphore(%run_scoped3A : memref<!tpu.dma_semaphore, #tpu.memory_space<semaphore_mem>>) src(%arg8 : memref<128x128xf32, #tpu.memory_space<vmem>>) dst(%dma_wait3A_98 : memref<10240x128xf32, #tpu.memory_space<vmem_shared>>)
        tpu.yield
      }) : () -> ()
      %add3A_69 = arith.constant 2 : i32
      %add3A_70 = arith.addi %mul3A_47, %add3A_69 : i32
      %lt3A = arith.constant 40 : i32
      %lt3A_71 = arith.cmpi slt, %add3A_70, %lt3A : i32
      %convert_element_type3A = arith.extui %lt3A_71 : i1 to i32
      %cond3A = arith.constant 0 : i32
      %cond3A_72 = arith.cmpi ne, %convert_element_type3A, %cond3A : i32
      scf.if %cond3A_72 {
        %add3A_87 = arith.constant 2 : i32
        %add3A_88 = arith.addi %mul3A_47, %add3A_87 : i32
        %dma_start3A_89 = arith.constant 0 : i32
        %dma_start3A_90 = tpu.memref_slice %arg6[%add3A_88, %dma_start3A_89] : memref<40x128xi32, #tpu.memory_space<vmem>> -> memref<1x128xi32, #tpu.memory_space<vmem>>
        %dma_start3A_91 = tpu.memref_squeeze %dma_start3A_90 : memref<1x128xi32, #tpu.memory_space<vmem>> -> memref<128xi32, #tpu.memory_space<vmem>>
        %dma_start3A_92 = arith.constant 0 : i32
        %dma_start3A_93 = arith.constant 0 : i32
        %dma_start3A_94 = tpu.memref_slice %arg2[%arg0, %dma_start3A_92, %dma_start3A_93] : memref<2x10240x128xf32, #tpu.memory_space<hbm>> -> memref<1x10240x128xf32, #tpu.memory_space<hbm>>
        %dma_start3A_95 = tpu.memref_squeeze %dma_start3A_94 : memref<1x10240x128xf32, #tpu.memory_space<hbm>> -> memref<10240x128xf32, #tpu.memory_space<hbm>>
        %dma_start3A_96 = arith.constant 0 : i32
        %dma_start3A_97 = arith.constant 0 : i32
        %dma_start3A_98 = tpu.memref_slice %dma_start3A_95[%dma_start3A_96, %dma_start3A_97] : memref<10240x128xf32, #tpu.memory_space<hbm>> -> memref<10240x128xf32, #tpu.memory_space<hbm>>
        tpu.enqueue_indirect_dma source(%dma_start3A_98 : memref<10240x128xf32, #tpu.memory_space<hbm>>) target(%arg8 : memref<128x128xf32, #tpu.memory_space<vmem>>) offsets(%dma_start3A_91 : memref<128xi32, #tpu.memory_space<vmem>>) semaphore(%arg11 : memref<!tpu.dma_semaphore, #tpu.memory_space<semaphore_mem>>)
      } else {
      }
      %add3A_73 = arith.constant 1 : i32
      %add3A_74 = arith.addi %mul3A_47, %add3A_73 : i32
      %dma_wait3A_75 = arith.constant 0 : i32
      %dma_wait3A_76 = tpu.memref_slice %arg6[%add3A_74, %dma_wait3A_75] : memref<40x128xi32, #tpu.memory_space<vmem>> -> memref<1x128xi32, #tpu.memory_space<vmem>>
      %dma_wait3A_77 = tpu.memref_squeeze %dma_wait3A_76 : memref<1x128xi32, #tpu.memory_space<vmem>> -> memref<128xi32, #tpu.memory_space<vmem>>
      %dma_wait3A_78 = arith.constant 0 : i32
      %dma_wait3A_79 = arith.constant 0 : i32
      %dma_wait3A_80 = tpu.memref_slice %arg2[%arg0, %dma_wait3A_78, %dma_wait3A_79] : memref<2x10240x128xf32, #tpu.memory_space<hbm>> -> memref<1x10240x128xf32, #tpu.memory_space<hbm>>
      %dma_wait3A_81 = tpu.memref_squeeze %dma_wait3A_80 : memref<1x10240x128xf32, #tpu.memory_space<hbm>> -> memref<10240x128xf32, #tpu.memory_space<hbm>>
      %dma_wait3A_82 = arith.constant 0 : i32
      %dma_wait3A_83 = arith.constant 0 : i32
      %dma_wait3A_84 = tpu.memref_slice %dma_wait3A_81[%dma_wait3A_82, %dma_wait3A_83] : memref<10240x128xf32, #tpu.memory_space<hbm>> -> memref<10240x128xf32, #tpu.memory_space<hbm>>
      tpu.wait_indirect_dma semaphore(%arg12 : memref<!tpu.dma_semaphore, #tpu.memory_space<semaphore_mem>>) src(%dma_wait3A_84 : memref<10240x128xf32, #tpu.memory_space<hbm>>) dst(%arg9 : memref<128x128xf32, #tpu.memory_space<vmem>>)
      %add3A_85 = arith.constant 1 : i32
      %add3A_86 = arith.addi %mul3A_47, %add3A_85 : i32
      "tpu.region"() ({
        %run_scoped3A = tpu.sem_alloc : memref<!tpu.dma_semaphore, #tpu.memory_space<semaphore_mem>>
        %dma_start3A_87 = arith.constant 0 : i32
        %dma_start3A_88 = tpu.memref_slice %arg7[%add3A_86, %dma_start3A_87] : memref<40x128xi32, #tpu.memory_space<vmem>> -> memref<1x128xi32, #tpu.memory_space<vmem>>
        %dma_start3A_89 = tpu.memref_squeeze %dma_start3A_88 : memref<1x128xi32, #tpu.memory_space<vmem>> -> memref<128xi32, #tpu.memory_space<vmem>>
        %dma_start3A_90 = arith.constant 0 : i32
        %dma_start3A_91 = arith.constant 0 : i32
        %dma_start3A_92 = tpu.memref_slice %arg10[%dma_start3A_90, %dma_start3A_91] : memref<10240x128xf32, #tpu.memory_space<vmem_shared>> -> memref<10240x128xf32, #tpu.memory_space<vmem_shared>>
        tpu.enqueue_indirect_dma source(%arg9 : memref<128x128xf32, #tpu.memory_space<vmem>>) target(%dma_start3A_92 : memref<10240x128xf32, #tpu.memory_space<vmem_shared>>) offsets(%dma_start3A_89 : memref<128xi32, #tpu.memory_space<vmem>>) semaphore(%run_scoped3A : memref<!tpu.dma_semaphore, #tpu.memory_space<semaphore_mem>>) {add = true}
        %dma_wait3A_93 = arith.constant 0 : i32
        %dma_wait3A_94 = tpu.memref_slice %arg7[%add3A_86, %dma_wait3A_93] : memref<40x128xi32, #tpu.memory_space<vmem>> -> memref<1x128xi32, #tpu.memory_space<vmem>>
        %dma_wait3A_95 = tpu.memref_squeeze %dma_wait3A_94 : memref<1x128xi32, #tpu.memory_space<vmem>> -> memref<128xi32, #tpu.memory_space<vmem>>
        %dma_wait3A_96 = arith.constant 0 : i32
        %dma_wait3A_97 = arith.constant 0 : i32
        %dma_wait3A_98 = tpu.memref_slice %arg10[%dma_wait3A_96, %dma_wait3A_97] : memref<10240x128xf32, #tpu.memory_space<vmem_shared>> -> memref<10240x128xf32, #tpu.memory_space<vmem_shared>>
        tpu.wait_indirect_dma semaphore(%run_scoped3A : memref<!tpu.dma_semaphore, #tpu.memory_space<semaphore_mem>>) src(%arg9 : memref<128x128xf32, #tpu.memory_space<vmem>>) dst(%dma_wait3A_98 : memref<10240x128xf32, #tpu.memory_space<vmem_shared>>)
        tpu.yield
      }) : () -> ()
    }
    %scan3A_39 = arith.constant 20 : i32
    %barrier3A_40 = arith.constant 0 : index
    tpu.barrier barrier_id(%barrier3A_40)
    %mul3A = arith.constant 640 : i32
    %mul3A_41 = arith.muli %arg1, %mul3A : i32
    %multiple_of3A = tpu.assume_multiple %mul3A_41, 640 : i32
    "tpu.region"() ({
      %run_scoped3A = tpu.sem_alloc : memref<!tpu.dma_semaphore, #tpu.memory_space<semaphore_mem>>
      %dma_start3A_42 = arith.constant 0 : i32
      %dma_start3A_43 = tpu.memref_slice %arg5[%arg0, %multiple_of3A, %dma_start3A_42] : memref<2x10240x128xf32, #tpu.memory_space<hbm>> -> memref<1x640x128xf32, #tpu.memory_space<hbm>>
      %dma_start3A_44 = tpu.memref_squeeze %dma_start3A_43 : memref<1x640x128xf32, #tpu.memory_space<hbm>> -> memref<640x128xf32, #tpu.memory_space<hbm>>
      %dma_start3A_45 = arith.constant 0 : i32
      %dma_start3A_46 = tpu.memref_slice %arg10[%multiple_of3A, %dma_start3A_45] : memref<10240x128xf32, #tpu.memory_space<vmem_shared>> -> memref<640x128xf32, #tpu.memory_space<vmem_shared>>
      tpu.enqueue_dma source(%dma_start3A_46 : memref<640x128xf32, #tpu.memory_space<vmem_shared>>) target(%dma_start3A_44 : memref<640x128xf32, #tpu.memory_space<hbm>>) target_semaphore(%run_scoped3A : memref<!tpu.dma_semaphore, #tpu.memory_space<semaphore_mem>>)
      %dma_wait3A = arith.constant 0 : i32
      %dma_wait3A_47 = tpu.memref_slice %arg5[%arg0, %multiple_of3A, %dma_wait3A] : memref<2x10240x128xf32, #tpu.memory_space<hbm>> -> memref<1x640x128xf32, #tpu.memory_space<hbm>>
      %dma_wait3A_48 = tpu.memref_squeeze %dma_wait3A_47 : memref<1x640x128xf32, #tpu.memory_space<hbm>> -> memref<640x128xf32, #tpu.memory_space<hbm>>
      %dma_wait3A_49 = arith.constant 0 : i32
      %dma_wait3A_50 = tpu.memref_slice %arg10[%multiple_of3A, %dma_wait3A_49] : memref<10240x128xf32, #tpu.memory_space<vmem_shared>> -> memref<640x128xf32, #tpu.memory_space<vmem_shared>>
      tpu.wait_dma2 semaphore(%run_scoped3A : memref<!tpu.dma_semaphore, #tpu.memory_space<semaphore_mem>>) src(%dma_wait3A_50 : memref<640x128xf32, #tpu.memory_space<vmem_shared>>) dst(%dma_wait3A_48 : memref<640x128xf32, #tpu.memory_space<hbm>>)
      tpu.yield
    }) : () -> ()
    return
  }
}

#map = affine_map<(d0, d1) -> (0, 0, 0, 0)>
#map1 = affine_map<(d0, d1) -> (0, 0, 0)>
module attributes {stable_mosaic.version = 14 : i64} {
  func.func @sc_deg(%arg0: i32, %arg1: i32, %arg2: memref<2x16x80x128xi32, #tpu.memory_space<hbm>>, %arg3: memref<2x10240x16xf32, #tpu.memory_space<hbm>>, %arg4: memref<80x128xi32, #tpu.memory_space<vmem>>, %arg5: memref<128x16xf32, #tpu.memory_space<vmem>>, %arg6: memref<128x16xf32, #tpu.memory_space<vmem>>, %arg7: memref<10240x16xf32, #tpu.memory_space<vmem_shared>>) attributes {dimension_semantics = [#tpu.dimension_semantics<core_parallel>, #tpu.dimension_semantics<subcore_parallel>], iteration_bounds = array<i64: 2, 16>, scalar_prefetch = 0 : i64, scratch_operands = 4 : i64, tpu.core_type = #tpu.core_type<sc_vector_subcore>, window_params = [{transform_indices = #map}, {transform_indices = #map1}]} {
    %scan3A = arith.constant 0 : i32
    %scan3A_0 = arith.constant 128 : i32
    %scan3A_1 = arith.addi %scan3A, %scan3A_0 : i32
    %scan3A_2 = arith.constant 1 : i32
    scf.for %scan3A_21 = %scan3A to %scan3A_1 step %scan3A_2  : i32 {
      %mul3A_22 = arith.constant 1 : i32
      %mul3A_23 = arith.muli %scan3A_21, %mul3A_22 : i32
      %add3A = arith.constant 0 : i32
      %add3A_24 = arith.addi %add3A, %mul3A_23 : i32
      %broadcast_in_dim3A = arith.constant 1.000000e+00 : f32
      %broadcast_in_dim3A_25 = vector.broadcast %broadcast_in_dim3A : f32 to vector<16xf32>
      %swap3A = arith.index_cast %add3A_24 : i32 to index
      %swap3A_26 = arith.constant 0 : index
      %swap3A_27 = tpu.vector_load %arg5[%swap3A, %swap3A_26] {strides = array<i32>} : memref<128x16xf32, #tpu.memory_space<vmem>>, vector<1x16xf32>,
      %swap3A_28 = vector.shape_cast %swap3A_27 : vector<1x16xf32> to vector<16xf32>
      %swap3A_29 = vector.shape_cast %broadcast_in_dim3A_25 : vector<16xf32> to vector<1x16xf32>
      tpu.vector_store %arg5[%swap3A, %swap3A_26], %swap3A_29 {strides = array<i32>} : memref<128x16xf32, #tpu.memory_space<vmem>>, vector<1x16xf32>,
    }
    %scan3A_3 = arith.constant 128 : i32
    %scan3A_4 = arith.constant 0 : i32
    %scan3A_5 = arith.constant 128 : i32
    %scan3A_6 = arith.addi %scan3A_4, %scan3A_5 : i32
    %scan3A_7 = arith.constant 1 : i32
    scf.for %scan3A_21 = %scan3A_4 to %scan3A_6 step %scan3A_7  : i32 {
      %mul3A_22 = arith.constant 1 : i32
      %mul3A_23 = arith.muli %scan3A_21, %mul3A_22 : i32
      %add3A = arith.constant 0 : i32
      %add3A_24 = arith.addi %add3A, %mul3A_23 : i32
      %broadcast_in_dim3A = arith.constant 0.000000e+00 : f32
      %broadcast_in_dim3A_25 = vector.broadcast %broadcast_in_dim3A : f32 to vector<16xf32>
      %swap3A = arith.index_cast %add3A_24 : i32 to index
      %swap3A_26 = arith.constant 0 : index
      %swap3A_27 = tpu.vector_load %arg6[%swap3A, %swap3A_26] {strides = array<i32>} : memref<128x16xf32, #tpu.memory_space<vmem>>, vector<1x16xf32>,
      %swap3A_28 = vector.shape_cast %swap3A_27 : vector<1x16xf32> to vector<16xf32>
      %swap3A_29 = vector.shape_cast %broadcast_in_dim3A_25 : vector<16xf32> to vector<1x16xf32>
      tpu.vector_store %arg6[%swap3A, %swap3A_26], %swap3A_29 {strides = array<i32>} : memref<128x16xf32, #tpu.memory_space<vmem>>, vector<1x16xf32>,
    }
    %scan3A_8 = arith.constant 128 : i32
    "tpu.region"() ({
      %run_scoped3A = tpu.sem_alloc : memref<!tpu.dma_semaphore, #tpu.memory_space<semaphore_mem>>
      %dma_start3A = arith.constant 0 : i32
      %dma_start3A_21 = arith.constant 0 : i32
      %dma_start3A_22 = tpu.memref_slice %arg2[%arg0, %arg1, %dma_start3A, %dma_start3A_21] : memref<2x16x80x128xi32, #tpu.memory_space<hbm>> -> memref<1x1x80x128xi32, #tpu.memory_space<hbm>>
      %dma_start3A_23 = tpu.memref_squeeze %dma_start3A_22 : memref<1x1x80x128xi32, #tpu.memory_space<hbm>> -> memref<80x128xi32, #tpu.memory_space<hbm>>
      %dma_start3A_24 = arith.constant 0 : i32
      %dma_start3A_25 = arith.constant 0 : i32
      %dma_start3A_26 = tpu.memref_slice %arg2[%arg0, %arg1, %dma_start3A_24, %dma_start3A_25] : memref<2x16x80x128xi32, #tpu.memory_space<hbm>> -> memref<1x1x80x128xi32, #tpu.memory_space<hbm>>
      %dma_start3A_27 = tpu.memref_squeeze %dma_start3A_26 : memref<1x1x80x128xi32, #tpu.memory_space<hbm>> -> memref<80x128xi32, #tpu.memory_space<hbm>>
      tpu.enqueue_dma source(%dma_start3A_27 : memref<80x128xi32, #tpu.memory_space<hbm>>) target(%arg4 : memref<80x128xi32, #tpu.memory_space<vmem>>) target_semaphore(%run_scoped3A : memref<!tpu.dma_semaphore, #tpu.memory_space<semaphore_mem>>)
      %dma_wait3A = arith.constant 0 : i32
      %dma_wait3A_28 = arith.constant 0 : i32
      %dma_wait3A_29 = tpu.memref_slice %arg2[%arg0, %arg1, %dma_wait3A, %dma_wait3A_28] : memref<2x16x80x128xi32, #tpu.memory_space<hbm>> -> memref<1x1x80x128xi32, #tpu.memory_space<hbm>>
      %dma_wait3A_30 = tpu.memref_squeeze %dma_wait3A_29 : memref<1x1x80x128xi32, #tpu.memory_space<hbm>> -> memref<80x128xi32, #tpu.memory_space<hbm>>
      %dma_wait3A_31 = arith.constant 0 : i32
      %dma_wait3A_32 = arith.constant 0 : i32
      %dma_wait3A_33 = tpu.memref_slice %arg2[%arg0, %arg1, %dma_wait3A_31, %dma_wait3A_32] : memref<2x16x80x128xi32, #tpu.memory_space<hbm>> -> memref<1x1x80x128xi32, #tpu.memory_space<hbm>>
      %dma_wait3A_34 = tpu.memref_squeeze %dma_wait3A_33 : memref<1x1x80x128xi32, #tpu.memory_space<hbm>> -> memref<80x128xi32, #tpu.memory_space<hbm>>
      tpu.wait_dma2 semaphore(%run_scoped3A : memref<!tpu.dma_semaphore, #tpu.memory_space<semaphore_mem>>) src(%dma_wait3A_34 : memref<80x128xi32, #tpu.memory_space<hbm>>) dst(%arg4 : memref<80x128xi32, #tpu.memory_space<vmem>>)
      tpu.yield
    }) : () -> ()
    %scan3A_9 = arith.constant 0 : i32
    %scan3A_10 = arith.constant 5 : i32
    %scan3A_11 = arith.addi %scan3A_9, %scan3A_10 : i32
    %scan3A_12 = arith.constant 1 : i32
    scf.for %scan3A_21 = %scan3A_9 to %scan3A_11 step %scan3A_12  : i32 {
      %mul3A_22 = arith.constant 1 : i32
      %mul3A_23 = arith.muli %scan3A_21, %mul3A_22 : i32
      %add3A = arith.constant 0 : i32
      %add3A_24 = arith.addi %add3A, %mul3A_23 : i32
      %mul3A_25 = arith.constant 5 : i32
      %mul3A_26 = arith.muli %arg1, %mul3A_25 : i32
      %add3A_27 = arith.addi %mul3A_26, %add3A_24 : i32
      %mul3A_28 = arith.constant 128 : i32
      %mul3A_29 = arith.muli %add3A_27, %mul3A_28 : i32
      %multiple_of3A_30 = tpu.assume_multiple %mul3A_29, 128 : i32
      "tpu.region"() ({
        %run_scoped3A = tpu.sem_alloc : memref<!tpu.dma_semaphore, #tpu.memory_space<semaphore_mem>>
        %dma_start3A = arith.constant 0 : i32
        %dma_start3A_31 = tpu.memref_slice %arg7[%multiple_of3A_30, %dma_start3A] : memref<10240x16xf32, #tpu.memory_space<vmem_shared>> -> memref<128x16xf32, #tpu.memory_space<vmem_shared>>
        %dma_start3A_32 = arith.constant 0 : i32
        %dma_start3A_33 = tpu.memref_slice %arg7[%multiple_of3A_30, %dma_start3A_32] : memref<10240x16xf32, #tpu.memory_space<vmem_shared>> -> memref<128x16xf32, #tpu.memory_space<vmem_shared>>
        tpu.enqueue_dma source(%arg6 : memref<128x16xf32, #tpu.memory_space<vmem>>) target(%dma_start3A_33 : memref<128x16xf32, #tpu.memory_space<vmem_shared>>) target_semaphore(%run_scoped3A : memref<!tpu.dma_semaphore, #tpu.memory_space<semaphore_mem>>)
        %dma_wait3A = arith.constant 0 : i32
        %dma_wait3A_34 = tpu.memref_slice %arg7[%multiple_of3A_30, %dma_wait3A] : memref<10240x16xf32, #tpu.memory_space<vmem_shared>> -> memref<128x16xf32, #tpu.memory_space<vmem_shared>>
        %dma_wait3A_35 = arith.constant 0 : i32
        %dma_wait3A_36 = tpu.memref_slice %arg7[%multiple_of3A_30, %dma_wait3A_35] : memref<10240x16xf32, #tpu.memory_space<vmem_shared>> -> memref<128x16xf32, #tpu.memory_space<vmem_shared>>
        tpu.wait_dma2 semaphore(%run_scoped3A : memref<!tpu.dma_semaphore, #tpu.memory_space<semaphore_mem>>) src(%arg6 : memref<128x16xf32, #tpu.memory_space<vmem>>) dst(%dma_wait3A_36 : memref<128x16xf32, #tpu.memory_space<vmem_shared>>)
        tpu.yield
      }) : () -> ()
    }
    %scan3A_13 = arith.constant 5 : i32
    %barrier3A = arith.constant 0 : index
    tpu.barrier barrier_id(%barrier3A)
    %scan3A_14 = arith.constant 0 : i32
    %scan3A_15 = arith.constant 80 : i32
    %scan3A_16 = arith.addi %scan3A_14, %scan3A_15 : i32
    %scan3A_17 = arith.constant 1 : i32
    scf.for %scan3A_21 = %scan3A_14 to %scan3A_16 step %scan3A_17  : i32 {
      %mul3A_22 = arith.constant 1 : i32
      %mul3A_23 = arith.muli %scan3A_21, %mul3A_22 : i32
      %add3A = arith.constant 0 : i32
      %add3A_24 = arith.addi %add3A, %mul3A_23 : i32
      "tpu.region"() ({
        %run_scoped3A = tpu.sem_alloc : memref<!tpu.dma_semaphore, #tpu.memory_space<semaphore_mem>>
        %dma_start3A = arith.constant 0 : i32
        %dma_start3A_25 = tpu.memref_slice %arg4[%add3A_24, %dma_start3A] : memref<80x128xi32, #tpu.memory_space<vmem>> -> memref<1x128xi32, #tpu.memory_space<vmem>>
        %dma_start3A_26 = tpu.memref_squeeze %dma_start3A_25 : memref<1x128xi32, #tpu.memory_space<vmem>> -> memref<128xi32, #tpu.memory_space<vmem>>
        %dma_start3A_27 = arith.constant 0 : i32
        %dma_start3A_28 = arith.constant 0 : i32
        %dma_start3A_29 = tpu.memref_slice %arg7[%dma_start3A_27, %dma_start3A_28] : memref<10240x16xf32, #tpu.memory_space<vmem_shared>> -> memref<10240x16xf32, #tpu.memory_space<vmem_shared>>
        tpu.enqueue_indirect_dma source(%arg5 : memref<128x16xf32, #tpu.memory_space<vmem>>) target(%dma_start3A_29 : memref<10240x16xf32, #tpu.memory_space<vmem_shared>>) offsets(%dma_start3A_26 : memref<128xi32, #tpu.memory_space<vmem>>) semaphore(%run_scoped3A : memref<!tpu.dma_semaphore, #tpu.memory_space<semaphore_mem>>) {add = true}
        %dma_wait3A = arith.constant 0 : i32
        %dma_wait3A_30 = tpu.memref_slice %arg4[%add3A_24, %dma_wait3A] : memref<80x128xi32, #tpu.memory_space<vmem>> -> memref<1x128xi32, #tpu.memory_space<vmem>>
        %dma_wait3A_31 = tpu.memref_squeeze %dma_wait3A_30 : memref<1x128xi32, #tpu.memory_space<vmem>> -> memref<128xi32, #tpu.memory_space<vmem>>
        %dma_wait3A_32 = arith.constant 0 : i32
        %dma_wait3A_33 = arith.constant 0 : i32
        %dma_wait3A_34 = tpu.memref_slice %arg7[%dma_wait3A_32, %dma_wait3A_33] : memref<10240x16xf32, #tpu.memory_space<vmem_shared>> -> memref<10240x16xf32, #tpu.memory_space<vmem_shared>>
        tpu.wait_indirect_dma semaphore(%run_scoped3A : memref<!tpu.dma_semaphore, #tpu.memory_space<semaphore_mem>>) src(%arg5 : memref<128x16xf32, #tpu.memory_space<vmem>>) dst(%dma_wait3A_34 : memref<10240x16xf32, #tpu.memory_space<vmem_shared>>)
        tpu.yield
      }) : () -> ()
    }
    %scan3A_18 = arith.constant 80 : i32
    %barrier3A_19 = arith.constant 0 : index
    tpu.barrier barrier_id(%barrier3A_19)
    %mul3A = arith.constant 640 : i32
    %mul3A_20 = arith.muli %arg1, %mul3A : i32
    %multiple_of3A = tpu.assume_multiple %mul3A_20, 640 : i32
    "tpu.region"() ({
      %run_scoped3A = tpu.sem_alloc : memref<!tpu.dma_semaphore, #tpu.memory_space<semaphore_mem>>
      %dma_start3A = arith.constant 0 : i32
      %dma_start3A_21 = tpu.memref_slice %arg3[%arg0, %multiple_of3A, %dma_start3A] : memref<2x10240x16xf32, #tpu.memory_space<hbm>> -> memref<1x640x16xf32, #tpu.memory_space<hbm>>
      %dma_start3A_22 = tpu.memref_squeeze %dma_start3A_21 : memref<1x640x16xf32, #tpu.memory_space<hbm>> -> memref<640x16xf32, #tpu.memory_space<hbm>>
      %dma_start3A_23 = arith.constant 0 : i32
      %dma_start3A_24 = tpu.memref_slice %arg7[%multiple_of3A, %dma_start3A_23] : memref<10240x16xf32, #tpu.memory_space<vmem_shared>> -> memref<640x16xf32, #tpu.memory_space<vmem_shared>>
      tpu.enqueue_dma source(%dma_start3A_24 : memref<640x16xf32, #tpu.memory_space<vmem_shared>>) target(%dma_start3A_22 : memref<640x16xf32, #tpu.memory_space<hbm>>) target_semaphore(%run_scoped3A : memref<!tpu.dma_semaphore, #tpu.memory_space<semaphore_mem>>)
      %dma_wait3A = arith.constant 0 : i32
      %dma_wait3A_25 = tpu.memref_slice %arg3[%arg0, %multiple_of3A, %dma_wait3A] : memref<2x10240x16xf32, #tpu.memory_space<hbm>> -> memref<1x640x16xf32, #tpu.memory_space<hbm>>
      %dma_wait3A_26 = tpu.memref_squeeze %dma_wait3A_25 : memref<1x640x16xf32, #tpu.memory_space<hbm>> -> memref<640x16xf32, #tpu.memory_space<hbm>>
      %dma_wait3A_27 = arith.constant 0 : i32
      %dma_wait3A_28 = tpu.memref_slice %arg7[%multiple_of3A, %dma_wait3A_27] : memref<10240x16xf32, #tpu.memory_space<vmem_shared>> -> memref<640x16xf32, #tpu.memory_space<vmem_shared>>
      tpu.wait_dma2 semaphore(%run_scoped3A : memref<!tpu.dma_semaphore, #tpu.memory_space<semaphore_mem>>) src(%dma_wait3A_28 : memref<640x16xf32, #tpu.memory_space<vmem_shared>>) dst(%dma_wait3A_26 : memref<640x16xf32, #tpu.memory_space<hbm>>)
      tpu.yield
    }) : () -> ()
    return
  }
}

#map = affine_map<(d0, d1) -> (0, 0, 0)>
#map1 = affine_map<(d0, d1) -> (0, 0, 0, 0)>
module attributes {stable_mosaic.version = 14 : i64} {
  func.func @sc_spmm(%arg0: i32, %arg1: i32, %arg2: memref<2x10240x128xf32, #tpu.memory_space<hbm>>, %arg3: memref<2x16x80x128xi32, #tpu.memory_space<hbm>>, %arg4: memref<2x16x80x128xi32, #tpu.memory_space<hbm>>, %arg5: memref<2x10240x128xf32, #tpu.memory_space<hbm>>, %arg6: memref<40x128xi32, #tpu.memory_space<vmem>>, %arg7: memref<40x128xi32, #tpu.memory_space<vmem>>, %arg8: memref<128x128xf32, #tpu.memory_space<vmem>>, %arg9: memref<128x128xf32, #tpu.memory_space<vmem>>, %arg10: memref<10240x128xf32, #tpu.memory_space<vmem_shared>>, %arg11: memref<!tpu.dma_semaphore, #tpu.memory_space<semaphore_mem>>, %arg12: memref<!tpu.dma_semaphore, #tpu.memory_space<semaphore_mem>>) attributes {dimension_semantics = [#tpu.dimension_semantics<core_parallel>, #tpu.dimension_semantics<subcore_parallel>], iteration_bounds = array<i64: 2, 16>, scalar_prefetch = 0 : i64, scratch_operands = 7 : i64, tpu.core_type = #tpu.core_type<sc_vector_subcore>, window_params = [{transform_indices = #map}, {transform_indices = #map1}, {transform_indices = #map1}, {transform_indices = #map}]} {
    %scan3A = arith.constant 0 : i32
    %scan3A_0 = arith.constant 128 : i32
    %scan3A_1 = arith.addi %scan3A, %scan3A_0 : i32
    %scan3A_2 = arith.constant 1 : i32
    scf.for %scan3A_42 = %scan3A to %scan3A_1 step %scan3A_2  : i32 {
      %mul3A_43 = arith.constant 1 : i32
      %mul3A_44 = arith.muli %scan3A_42, %mul3A_43 : i32
      %add3A = arith.constant 0 : i32
      %add3A_45 = arith.addi %add3A, %mul3A_44 : i32
      %broadcast_in_dim3A = arith.constant 0.000000e+00 : f32
      %broadcast_in_dim3A_46 = vector.broadcast %broadcast_in_dim3A : f32 to vector<16xf32>
      %swap3A = arith.index_cast %add3A_45 : i32 to index
      %swap3A_47 = arith.constant 0 : index
      %swap3A_48 = tpu.vector_load %arg8[%swap3A, %swap3A_47] {strides = array<i32>} : memref<128x128xf32, #tpu.memory_space<vmem>>, vector<1x16xf32>,
      %swap3A_49 = vector.shape_cast %swap3A_48 : vector<1x16xf32> to vector<16xf32>
      %swap3A_50 = vector.shape_cast %broadcast_in_dim3A_46 : vector<16xf32> to vector<1x16xf32>
      tpu.vector_store %arg8[%swap3A, %swap3A_47], %swap3A_50 {strides = array<i32>} : memref<128x128xf32, #tpu.memory_space<vmem>>, vector<1x16xf32>,
      %broadcast_in_dim3A_51 = arith.constant 0.000000e+00 : f32
      %broadcast_in_dim3A_52 = vector.broadcast %broadcast_in_dim3A_51 : f32 to vector<16xf32>
      %swap3A_53 = arith.index_cast %add3A_45 : i32 to index
      %swap3A_54 = arith.constant 16 : index
      %swap3A_55 = tpu.vector_load %arg8[%swap3A_53, %swap3A_54] {strides = array<i32>} : memref<128x128xf32, #tpu.memory_space<vmem>>, vector<1x16xf32>,
      %swap3A_56 = vector.shape_cast %swap3A_55 : vector<1x16xf32> to vector<16xf32>
      %swap3A_57 = vector.shape_cast %broadcast_in_dim3A_52 : vector<16xf32> to vector<1x16xf32>
      tpu.vector_store %arg8[%swap3A_53, %swap3A_54], %swap3A_57 {strides = array<i32>} : memref<128x128xf32, #tpu.memory_space<vmem>>, vector<1x16xf32>,
      %broadcast_in_dim3A_58 = arith.constant 0.000000e+00 : f32
      %broadcast_in_dim3A_59 = vector.broadcast %broadcast_in_dim3A_58 : f32 to vector<16xf32>
      %swap3A_60 = arith.index_cast %add3A_45 : i32 to index
      %swap3A_61 = arith.constant 32 : index
      %swap3A_62 = tpu.vector_load %arg8[%swap3A_60, %swap3A_61] {strides = array<i32>} : memref<128x128xf32, #tpu.memory_space<vmem>>, vector<1x16xf32>,
      %swap3A_63 = vector.shape_cast %swap3A_62 : vector<1x16xf32> to vector<16xf32>
      %swap3A_64 = vector.shape_cast %broadcast_in_dim3A_59 : vector<16xf32> to vector<1x16xf32>
      tpu.vector_store %arg8[%swap3A_60, %swap3A_61], %swap3A_64 {strides = array<i32>} : memref<128x128xf32, #tpu.memory_space<vmem>>, vector<1x16xf32>,
      %broadcast_in_dim3A_65 = arith.constant 0.000000e+00 : f32
      %broadcast_in_dim3A_66 = vector.broadcast %broadcast_in_dim3A_65 : f32 to vector<16xf32>
      %swap3A_67 = arith.index_cast %add3A_45 : i32 to index
      %swap3A_68 = arith.constant 48 : index
      %swap3A_69 = tpu.vector_load %arg8[%swap3A_67, %swap3A_68] {strides = array<i32>} : memref<128x128xf32, #tpu.memory_space<vmem>>, vector<1x16xf32>,
      %swap3A_70 = vector.shape_cast %swap3A_69 : vector<1x16xf32> to vector<16xf32>
      %swap3A_71 = vector.shape_cast %broadcast_in_dim3A_66 : vector<16xf32> to vector<1x16xf32>
      tpu.vector_store %arg8[%swap3A_67, %swap3A_68], %swap3A_71 {strides = array<i32>} : memref<128x128xf32, #tpu.memory_space<vmem>>, vector<1x16xf32>,
      %broadcast_in_dim3A_72 = arith.constant 0.000000e+00 : f32
      %broadcast_in_dim3A_73 = vector.broadcast %broadcast_in_dim3A_72 : f32 to vector<16xf32>
      %swap3A_74 = arith.index_cast %add3A_45 : i32 to index
      %swap3A_75 = arith.constant 64 : index
      %swap3A_76 = tpu.vector_load %arg8[%swap3A_74, %swap3A_75] {strides = array<i32>} : memref<128x128xf32, #tpu.memory_space<vmem>>, vector<1x16xf32>,
      %swap3A_77 = vector.shape_cast %swap3A_76 : vector<1x16xf32> to vector<16xf32>
      %swap3A_78 = vector.shape_cast %broadcast_in_dim3A_73 : vector<16xf32> to vector<1x16xf32>
      tpu.vector_store %arg8[%swap3A_74, %swap3A_75], %swap3A_78 {strides = array<i32>} : memref<128x128xf32, #tpu.memory_space<vmem>>, vector<1x16xf32>,
      %broadcast_in_dim3A_79 = arith.constant 0.000000e+00 : f32
      %broadcast_in_dim3A_80 = vector.broadcast %broadcast_in_dim3A_79 : f32 to vector<16xf32>
      %swap3A_81 = arith.index_cast %add3A_45 : i32 to index
      %swap3A_82 = arith.constant 80 : index
      %swap3A_83 = tpu.vector_load %arg8[%swap3A_81, %swap3A_82] {strides = array<i32>} : memref<128x128xf32, #tpu.memory_space<vmem>>, vector<1x16xf32>,
      %swap3A_84 = vector.shape_cast %swap3A_83 : vector<1x16xf32> to vector<16xf32>
      %swap3A_85 = vector.shape_cast %broadcast_in_dim3A_80 : vector<16xf32> to vector<1x16xf32>
      tpu.vector_store %arg8[%swap3A_81, %swap3A_82], %swap3A_85 {strides = array<i32>} : memref<128x128xf32, #tpu.memory_space<vmem>>, vector<1x16xf32>,
      %broadcast_in_dim3A_86 = arith.constant 0.000000e+00 : f32
      %broadcast_in_dim3A_87 = vector.broadcast %broadcast_in_dim3A_86 : f32 to vector<16xf32>
      %swap3A_88 = arith.index_cast %add3A_45 : i32 to index
      %swap3A_89 = arith.constant 96 : index
      %swap3A_90 = tpu.vector_load %arg8[%swap3A_88, %swap3A_89] {strides = array<i32>} : memref<128x128xf32, #tpu.memory_space<vmem>>, vector<1x16xf32>,
      %swap3A_91 = vector.shape_cast %swap3A_90 : vector<1x16xf32> to vector<16xf32>
      %swap3A_92 = vector.shape_cast %broadcast_in_dim3A_87 : vector<16xf32> to vector<1x16xf32>
      tpu.vector_store %arg8[%swap3A_88, %swap3A_89], %swap3A_92 {strides = array<i32>} : memref<128x128xf32, #tpu.memory_space<vmem>>, vector<1x16xf32>,
      %broadcast_in_dim3A_93 = arith.constant 0.000000e+00 : f32
      %broadcast_in_dim3A_94 = vector.broadcast %broadcast_in_dim3A_93 : f32 to vector<16xf32>
      %swap3A_95 = arith.index_cast %add3A_45 : i32 to index
      %swap3A_96 = arith.constant 112 : index
      %swap3A_97 = tpu.vector_load %arg8[%swap3A_95, %swap3A_96] {strides = array<i32>} : memref<128x128xf32, #tpu.memory_space<vmem>>, vector<1x16xf32>,
      %swap3A_98 = vector.shape_cast %swap3A_97 : vector<1x16xf32> to vector<16xf32>
      %swap3A_99 = vector.shape_cast %broadcast_in_dim3A_94 : vector<16xf32> to vector<1x16xf32>
      tpu.vector_store %arg8[%swap3A_95, %swap3A_96], %swap3A_99 {strides = array<i32>} : memref<128x128xf32, #tpu.memory_space<vmem>>, vector<1x16xf32>,
    }
    %scan3A_3 = arith.constant 128 : i32
    %scan3A_4 = arith.constant 0 : i32
    %scan3A_5 = arith.constant 5 : i32
    %scan3A_6 = arith.addi %scan3A_4, %scan3A_5 : i32
    %scan3A_7 = arith.constant 1 : i32
    scf.for %scan3A_42 = %scan3A_4 to %scan3A_6 step %scan3A_7  : i32 {
      %mul3A_43 = arith.constant 1 : i32
      %mul3A_44 = arith.muli %scan3A_42, %mul3A_43 : i32
      %add3A = arith.constant 0 : i32
      %add3A_45 = arith.addi %add3A, %mul3A_44 : i32
      %mul3A_46 = arith.constant 5 : i32
      %mul3A_47 = arith.muli %arg1, %mul3A_46 : i32
      %add3A_48 = arith.addi %mul3A_47, %add3A_45 : i32
      %mul3A_49 = arith.constant 128 : i32
      %mul3A_50 = arith.muli %add3A_48, %mul3A_49 : i32
      %multiple_of3A_51 = tpu.assume_multiple %mul3A_50, 128 : i32
      "tpu.region"() ({
        %run_scoped3A = tpu.sem_alloc : memref<!tpu.dma_semaphore, #tpu.memory_space<semaphore_mem>>
        %dma_start3A_52 = arith.constant 0 : i32
        %dma_start3A_53 = tpu.memref_slice %arg10[%multiple_of3A_51, %dma_start3A_52] : memref<10240x128xf32, #tpu.memory_space<vmem_shared>> -> memref<128x128xf32, #tpu.memory_space<vmem_shared>>
        %dma_start3A_54 = arith.constant 0 : i32
        %dma_start3A_55 = tpu.memref_slice %arg10[%multiple_of3A_51, %dma_start3A_54] : memref<10240x128xf32, #tpu.memory_space<vmem_shared>> -> memref<128x128xf32, #tpu.memory_space<vmem_shared>>
        tpu.enqueue_dma source(%arg8 : memref<128x128xf32, #tpu.memory_space<vmem>>) target(%dma_start3A_55 : memref<128x128xf32, #tpu.memory_space<vmem_shared>>) target_semaphore(%run_scoped3A : memref<!tpu.dma_semaphore, #tpu.memory_space<semaphore_mem>>)
        %dma_wait3A = arith.constant 0 : i32
        %dma_wait3A_56 = tpu.memref_slice %arg10[%multiple_of3A_51, %dma_wait3A] : memref<10240x128xf32, #tpu.memory_space<vmem_shared>> -> memref<128x128xf32, #tpu.memory_space<vmem_shared>>
        %dma_wait3A_57 = arith.constant 0 : i32
        %dma_wait3A_58 = tpu.memref_slice %arg10[%multiple_of3A_51, %dma_wait3A_57] : memref<10240x128xf32, #tpu.memory_space<vmem_shared>> -> memref<128x128xf32, #tpu.memory_space<vmem_shared>>
        tpu.wait_dma2 semaphore(%run_scoped3A : memref<!tpu.dma_semaphore, #tpu.memory_space<semaphore_mem>>) src(%arg8 : memref<128x128xf32, #tpu.memory_space<vmem>>) dst(%dma_wait3A_58 : memref<128x128xf32, #tpu.memory_space<vmem_shared>>)
        tpu.yield
      }) : () -> ()
    }
    %scan3A_8 = arith.constant 5 : i32
    %barrier3A = arith.constant 0 : index
    tpu.barrier barrier_id(%barrier3A)
    "tpu.region"() ({
      %run_scoped3A = tpu.sem_alloc : memref<!tpu.dma_semaphore, #tpu.memory_space<semaphore_mem>>
      %dma_start3A_42 = arith.constant 0 : i32
      %dma_start3A_43 = arith.constant 0 : i32
      %dma_start3A_44 = tpu.memref_slice %arg3[%arg0, %arg1, %dma_start3A_42, %dma_start3A_43] : memref<2x16x80x128xi32, #tpu.memory_space<hbm>> -> memref<1x1x40x128xi32, #tpu.memory_space<hbm>>
      %dma_start3A_45 = tpu.memref_squeeze %dma_start3A_44 : memref<1x1x40x128xi32, #tpu.memory_space<hbm>> -> memref<40x128xi32, #tpu.memory_space<hbm>>
      %dma_start3A_46 = arith.constant 0 : i32
      %dma_start3A_47 = arith.constant 0 : i32
      %dma_start3A_48 = tpu.memref_slice %arg3[%arg0, %arg1, %dma_start3A_46, %dma_start3A_47] : memref<2x16x80x128xi32, #tpu.memory_space<hbm>> -> memref<1x1x40x128xi32, #tpu.memory_space<hbm>>
      %dma_start3A_49 = tpu.memref_squeeze %dma_start3A_48 : memref<1x1x40x128xi32, #tpu.memory_space<hbm>> -> memref<40x128xi32, #tpu.memory_space<hbm>>
      tpu.enqueue_dma source(%dma_start3A_49 : memref<40x128xi32, #tpu.memory_space<hbm>>) target(%arg6 : memref<40x128xi32, #tpu.memory_space<vmem>>) target_semaphore(%run_scoped3A : memref<!tpu.dma_semaphore, #tpu.memory_space<semaphore_mem>>)
      %dma_wait3A = arith.constant 0 : i32
      %dma_wait3A_50 = arith.constant 0 : i32
      %dma_wait3A_51 = tpu.memref_slice %arg3[%arg0, %arg1, %dma_wait3A, %dma_wait3A_50] : memref<2x16x80x128xi32, #tpu.memory_space<hbm>> -> memref<1x1x40x128xi32, #tpu.memory_space<hbm>>
      %dma_wait3A_52 = tpu.memref_squeeze %dma_wait3A_51 : memref<1x1x40x128xi32, #tpu.memory_space<hbm>> -> memref<40x128xi32, #tpu.memory_space<hbm>>
      %dma_wait3A_53 = arith.constant 0 : i32
      %dma_wait3A_54 = arith.constant 0 : i32
      %dma_wait3A_55 = tpu.memref_slice %arg3[%arg0, %arg1, %dma_wait3A_53, %dma_wait3A_54] : memref<2x16x80x128xi32, #tpu.memory_space<hbm>> -> memref<1x1x40x128xi32, #tpu.memory_space<hbm>>
      %dma_wait3A_56 = tpu.memref_squeeze %dma_wait3A_55 : memref<1x1x40x128xi32, #tpu.memory_space<hbm>> -> memref<40x128xi32, #tpu.memory_space<hbm>>
      tpu.wait_dma2 semaphore(%run_scoped3A : memref<!tpu.dma_semaphore, #tpu.memory_space<semaphore_mem>>) src(%dma_wait3A_56 : memref<40x128xi32, #tpu.memory_space<hbm>>) dst(%arg6 : memref<40x128xi32, #tpu.memory_space<vmem>>)
      tpu.yield
    }) : () -> ()
    "tpu.region"() ({
      %run_scoped3A = tpu.sem_alloc : memref<!tpu.dma_semaphore, #tpu.memory_space<semaphore_mem>>
      %dma_start3A_42 = arith.constant 0 : i32
      %dma_start3A_43 = arith.constant 0 : i32
      %dma_start3A_44 = tpu.memref_slice %arg4[%arg0, %arg1, %dma_start3A_42, %dma_start3A_43] : memref<2x16x80x128xi32, #tpu.memory_space<hbm>> -> memref<1x1x40x128xi32, #tpu.memory_space<hbm>>
      %dma_start3A_45 = tpu.memref_squeeze %dma_start3A_44 : memref<1x1x40x128xi32, #tpu.memory_space<hbm>> -> memref<40x128xi32, #tpu.memory_space<hbm>>
      %dma_start3A_46 = arith.constant 0 : i32
      %dma_start3A_47 = arith.constant 0 : i32
      %dma_start3A_48 = tpu.memref_slice %arg4[%arg0, %arg1, %dma_start3A_46, %dma_start3A_47] : memref<2x16x80x128xi32, #tpu.memory_space<hbm>> -> memref<1x1x40x128xi32, #tpu.memory_space<hbm>>
      %dma_start3A_49 = tpu.memref_squeeze %dma_start3A_48 : memref<1x1x40x128xi32, #tpu.memory_space<hbm>> -> memref<40x128xi32, #tpu.memory_space<hbm>>
      tpu.enqueue_dma source(%dma_start3A_49 : memref<40x128xi32, #tpu.memory_space<hbm>>) target(%arg7 : memref<40x128xi32, #tpu.memory_space<vmem>>) target_semaphore(%run_scoped3A : memref<!tpu.dma_semaphore, #tpu.memory_space<semaphore_mem>>)
      %dma_wait3A = arith.constant 0 : i32
      %dma_wait3A_50 = arith.constant 0 : i32
      %dma_wait3A_51 = tpu.memref_slice %arg4[%arg0, %arg1, %dma_wait3A, %dma_wait3A_50] : memref<2x16x80x128xi32, #tpu.memory_space<hbm>> -> memref<1x1x40x128xi32, #tpu.memory_space<hbm>>
      %dma_wait3A_52 = tpu.memref_squeeze %dma_wait3A_51 : memref<1x1x40x128xi32, #tpu.memory_space<hbm>> -> memref<40x128xi32, #tpu.memory_space<hbm>>
      %dma_wait3A_53 = arith.constant 0 : i32
      %dma_wait3A_54 = arith.constant 0 : i32
      %dma_wait3A_55 = tpu.memref_slice %arg4[%arg0, %arg1, %dma_wait3A_53, %dma_wait3A_54] : memref<2x16x80x128xi32, #tpu.memory_space<hbm>> -> memref<1x1x40x128xi32, #tpu.memory_space<hbm>>
      %dma_wait3A_56 = tpu.memref_squeeze %dma_wait3A_55 : memref<1x1x40x128xi32, #tpu.memory_space<hbm>> -> memref<40x128xi32, #tpu.memory_space<hbm>>
      tpu.wait_dma2 semaphore(%run_scoped3A : memref<!tpu.dma_semaphore, #tpu.memory_space<semaphore_mem>>) src(%dma_wait3A_56 : memref<40x128xi32, #tpu.memory_space<hbm>>) dst(%arg7 : memref<40x128xi32, #tpu.memory_space<vmem>>)
      tpu.yield
    }) : () -> ()
    %dma_start3A = arith.constant 0 : i32
    %dma_start3A_9 = arith.constant 0 : i32
    %dma_start3A_10 = tpu.memref_slice %arg6[%dma_start3A, %dma_start3A_9] : memref<40x128xi32, #tpu.memory_space<vmem>> -> memref<1x128xi32, #tpu.memory_space<vmem>>
    %dma_start3A_11 = tpu.memref_squeeze %dma_start3A_10 : memref<1x128xi32, #tpu.memory_space<vmem>> -> memref<128xi32, #tpu.memory_space<vmem>>
    %dma_start3A_12 = arith.constant 0 : i32
    %dma_start3A_13 = arith.constant 0 : i32
    %dma_start3A_14 = tpu.memref_slice %arg2[%arg0, %dma_start3A_12, %dma_start3A_13] : memref<2x10240x128xf32, #tpu.memory_space<hbm>> -> memref<1x10240x128xf32, #tpu.memory_space<hbm>>
    %dma_start3A_15 = tpu.memref_squeeze %dma_start3A_14 : memref<1x10240x128xf32, #tpu.memory_space<hbm>> -> memref<10240x128xf32, #tpu.memory_space<hbm>>
    %dma_start3A_16 = arith.constant 0 : i32
    %dma_start3A_17 = arith.constant 0 : i32
    %dma_start3A_18 = tpu.memref_slice %dma_start3A_15[%dma_start3A_16, %dma_start3A_17] : memref<10240x128xf32, #tpu.memory_space<hbm>> -> memref<10240x128xf32, #tpu.memory_space<hbm>>
    tpu.enqueue_indirect_dma source(%dma_start3A_18 : memref<10240x128xf32, #tpu.memory_space<hbm>>) target(%arg8 : memref<128x128xf32, #tpu.memory_space<vmem>>) offsets(%dma_start3A_11 : memref<128xi32, #tpu.memory_space<vmem>>) semaphore(%arg11 : memref<!tpu.dma_semaphore, #tpu.memory_space<semaphore_mem>>)
    %scan3A_19 = arith.constant 0 : i32
    %scan3A_20 = arith.constant 20 : i32
    %scan3A_21 = arith.addi %scan3A_19, %scan3A_20 : i32
    %scan3A_22 = arith.constant 1 : i32
    scf.for %scan3A_42 = %scan3A_19 to %scan3A_21 step %scan3A_22  : i32 {
      %mul3A_43 = arith.constant 1 : i32
      %mul3A_44 = arith.muli %scan3A_42, %mul3A_43 : i32
      %add3A = arith.constant 0 : i32
      %add3A_45 = arith.addi %add3A, %mul3A_44 : i32
      %mul3A_46 = arith.constant 2 : i32
      %mul3A_47 = arith.muli %add3A_45, %mul3A_46 : i32
      %add3A_48 = arith.constant 1 : i32
      %add3A_49 = arith.addi %mul3A_47, %add3A_48 : i32
      %dma_start3A_50 = arith.constant 0 : i32
      %dma_start3A_51 = tpu.memref_slice %arg6[%add3A_49, %dma_start3A_50] : memref<40x128xi32, #tpu.memory_space<vmem>> -> memref<1x128xi32, #tpu.memory_space<vmem>>
      %dma_start3A_52 = tpu.memref_squeeze %dma_start3A_51 : memref<1x128xi32, #tpu.memory_space<vmem>> -> memref<128xi32, #tpu.memory_space<vmem>>
      %dma_start3A_53 = arith.constant 0 : i32
      %dma_start3A_54 = arith.constant 0 : i32
      %dma_start3A_55 = tpu.memref_slice %arg2[%arg0, %dma_start3A_53, %dma_start3A_54] : memref<2x10240x128xf32, #tpu.memory_space<hbm>> -> memref<1x10240x128xf32, #tpu.memory_space<hbm>>
      %dma_start3A_56 = tpu.memref_squeeze %dma_start3A_55 : memref<1x10240x128xf32, #tpu.memory_space<hbm>> -> memref<10240x128xf32, #tpu.memory_space<hbm>>
      %dma_start3A_57 = arith.constant 0 : i32
      %dma_start3A_58 = arith.constant 0 : i32
      %dma_start3A_59 = tpu.memref_slice %dma_start3A_56[%dma_start3A_57, %dma_start3A_58] : memref<10240x128xf32, #tpu.memory_space<hbm>> -> memref<10240x128xf32, #tpu.memory_space<hbm>>
      tpu.enqueue_indirect_dma source(%dma_start3A_59 : memref<10240x128xf32, #tpu.memory_space<hbm>>) target(%arg9 : memref<128x128xf32, #tpu.memory_space<vmem>>) offsets(%dma_start3A_52 : memref<128xi32, #tpu.memory_space<vmem>>) semaphore(%arg12 : memref<!tpu.dma_semaphore, #tpu.memory_space<semaphore_mem>>)
      %dma_wait3A = arith.constant 0 : i32
      %dma_wait3A_60 = tpu.memref_slice %arg6[%mul3A_47, %dma_wait3A] : memref<40x128xi32, #tpu.memory_space<vmem>> -> memref<1x128xi32, #tpu.memory_space<vmem>>
      %dma_wait3A_61 = tpu.memref_squeeze %dma_wait3A_60 : memref<1x128xi32, #tpu.memory_space<vmem>> -> memref<128xi32, #tpu.memory_space<vmem>>
      %dma_wait3A_62 = arith.constant 0 : i32
      %dma_wait3A_63 = arith.constant 0 : i32
      %dma_wait3A_64 = tpu.memref_slice %arg2[%arg0, %dma_wait3A_62, %dma_wait3A_63] : memref<2x10240x128xf32, #tpu.memory_space<hbm>> -> memref<1x10240x128xf32, #tpu.memory_space<hbm>>
      %dma_wait3A_65 = tpu.memref_squeeze %dma_wait3A_64 : memref<1x10240x128xf32, #tpu.memory_space<hbm>> -> memref<10240x128xf32, #tpu.memory_space<hbm>>
      %dma_wait3A_66 = arith.constant 0 : i32
      %dma_wait3A_67 = arith.constant 0 : i32
      %dma_wait3A_68 = tpu.memref_slice %dma_wait3A_65[%dma_wait3A_66, %dma_wait3A_67] : memref<10240x128xf32, #tpu.memory_space<hbm>> -> memref<10240x128xf32, #tpu.memory_space<hbm>>
      tpu.wait_indirect_dma semaphore(%arg11 : memref<!tpu.dma_semaphore, #tpu.memory_space<semaphore_mem>>) src(%dma_wait3A_68 : memref<10240x128xf32, #tpu.memory_space<hbm>>) dst(%arg8 : memref<128x128xf32, #tpu.memory_space<vmem>>)
      "tpu.region"() ({
        %run_scoped3A = tpu.sem_alloc : memref<!tpu.dma_semaphore, #tpu.memory_space<semaphore_mem>>
        %dma_start3A_87 = arith.constant 0 : i32
        %dma_start3A_88 = tpu.memref_slice %arg7[%mul3A_47, %dma_start3A_87] : memref<40x128xi32, #tpu.memory_space<vmem>> -> memref<1x128xi32, #tpu.memory_space<vmem>>
        %dma_start3A_89 = tpu.memref_squeeze %dma_start3A_88 : memref<1x128xi32, #tpu.memory_space<vmem>> -> memref<128xi32, #tpu.memory_space<vmem>>
        %dma_start3A_90 = arith.constant 0 : i32
        %dma_start3A_91 = arith.constant 0 : i32
        %dma_start3A_92 = tpu.memref_slice %arg10[%dma_start3A_90, %dma_start3A_91] : memref<10240x128xf32, #tpu.memory_space<vmem_shared>> -> memref<10240x128xf32, #tpu.memory_space<vmem_shared>>
        tpu.enqueue_indirect_dma source(%arg8 : memref<128x128xf32, #tpu.memory_space<vmem>>) target(%dma_start3A_92 : memref<10240x128xf32, #tpu.memory_space<vmem_shared>>) offsets(%dma_start3A_89 : memref<128xi32, #tpu.memory_space<vmem>>) semaphore(%run_scoped3A : memref<!tpu.dma_semaphore, #tpu.memory_space<semaphore_mem>>) {add = true}
        %dma_wait3A_93 = arith.constant 0 : i32
        %dma_wait3A_94 = tpu.memref_slice %arg7[%mul3A_47, %dma_wait3A_93] : memref<40x128xi32, #tpu.memory_space<vmem>> -> memref<1x128xi32, #tpu.memory_space<vmem>>
        %dma_wait3A_95 = tpu.memref_squeeze %dma_wait3A_94 : memref<1x128xi32, #tpu.memory_space<vmem>> -> memref<128xi32, #tpu.memory_space<vmem>>
        %dma_wait3A_96 = arith.constant 0 : i32
        %dma_wait3A_97 = arith.constant 0 : i32
        %dma_wait3A_98 = tpu.memref_slice %arg10[%dma_wait3A_96, %dma_wait3A_97] : memref<10240x128xf32, #tpu.memory_space<vmem_shared>> -> memref<10240x128xf32, #tpu.memory_space<vmem_shared>>
        tpu.wait_indirect_dma semaphore(%run_scoped3A : memref<!tpu.dma_semaphore, #tpu.memory_space<semaphore_mem>>) src(%arg8 : memref<128x128xf32, #tpu.memory_space<vmem>>) dst(%dma_wait3A_98 : memref<10240x128xf32, #tpu.memory_space<vmem_shared>>)
        tpu.yield
      }) : () -> ()
      %add3A_69 = arith.constant 2 : i32
      %add3A_70 = arith.addi %mul3A_47, %add3A_69 : i32
      %lt3A = arith.constant 40 : i32
      %lt3A_71 = arith.cmpi slt, %add3A_70, %lt3A : i32
      %convert_element_type3A = arith.extui %lt3A_71 : i1 to i32
      %cond3A = arith.constant 0 : i32
      %cond3A_72 = arith.cmpi ne, %convert_element_type3A, %cond3A : i32
      scf.if %cond3A_72 {
        %add3A_87 = arith.constant 2 : i32
        %add3A_88 = arith.addi %mul3A_47, %add3A_87 : i32
        %dma_start3A_89 = arith.constant 0 : i32
        %dma_start3A_90 = tpu.memref_slice %arg6[%add3A_88, %dma_start3A_89] : memref<40x128xi32, #tpu.memory_space<vmem>> -> memref<1x128xi32, #tpu.memory_space<vmem>>
        %dma_start3A_91 = tpu.memref_squeeze %dma_start3A_90 : memref<1x128xi32, #tpu.memory_space<vmem>> -> memref<128xi32, #tpu.memory_space<vmem>>
        %dma_start3A_92 = arith.constant 0 : i32
        %dma_start3A_93 = arith.constant 0 : i32
        %dma_start3A_94 = tpu.memref_slice %arg2[%arg0, %dma_start3A_92, %dma_start3A_93] : memref<2x10240x128xf32, #tpu.memory_space<hbm>> -> memref<1x10240x128xf32, #tpu.memory_space<hbm>>
        %dma_start3A_95 = tpu.memref_squeeze %dma_start3A_94 : memref<1x10240x128xf32, #tpu.memory_space<hbm>> -> memref<10240x128xf32, #tpu.memory_space<hbm>>
        %dma_start3A_96 = arith.constant 0 : i32
        %dma_start3A_97 = arith.constant 0 : i32
        %dma_start3A_98 = tpu.memref_slice %dma_start3A_95[%dma_start3A_96, %dma_start3A_97] : memref<10240x128xf32, #tpu.memory_space<hbm>> -> memref<10240x128xf32, #tpu.memory_space<hbm>>
        tpu.enqueue_indirect_dma source(%dma_start3A_98 : memref<10240x128xf32, #tpu.memory_space<hbm>>) target(%arg8 : memref<128x128xf32, #tpu.memory_space<vmem>>) offsets(%dma_start3A_91 : memref<128xi32, #tpu.memory_space<vmem>>) semaphore(%arg11 : memref<!tpu.dma_semaphore, #tpu.memory_space<semaphore_mem>>)
      } else {
      }
      %add3A_73 = arith.constant 1 : i32
      %add3A_74 = arith.addi %mul3A_47, %add3A_73 : i32
      %dma_wait3A_75 = arith.constant 0 : i32
      %dma_wait3A_76 = tpu.memref_slice %arg6[%add3A_74, %dma_wait3A_75] : memref<40x128xi32, #tpu.memory_space<vmem>> -> memref<1x128xi32, #tpu.memory_space<vmem>>
      %dma_wait3A_77 = tpu.memref_squeeze %dma_wait3A_76 : memref<1x128xi32, #tpu.memory_space<vmem>> -> memref<128xi32, #tpu.memory_space<vmem>>
      %dma_wait3A_78 = arith.constant 0 : i32
      %dma_wait3A_79 = arith.constant 0 : i32
      %dma_wait3A_80 = tpu.memref_slice %arg2[%arg0, %dma_wait3A_78, %dma_wait3A_79] : memref<2x10240x128xf32, #tpu.memory_space<hbm>> -> memref<1x10240x128xf32, #tpu.memory_space<hbm>>
      %dma_wait3A_81 = tpu.memref_squeeze %dma_wait3A_80 : memref<1x10240x128xf32, #tpu.memory_space<hbm>> -> memref<10240x128xf32, #tpu.memory_space<hbm>>
      %dma_wait3A_82 = arith.constant 0 : i32
      %dma_wait3A_83 = arith.constant 0 : i32
      %dma_wait3A_84 = tpu.memref_slice %dma_wait3A_81[%dma_wait3A_82, %dma_wait3A_83] : memref<10240x128xf32, #tpu.memory_space<hbm>> -> memref<10240x128xf32, #tpu.memory_space<hbm>>
      tpu.wait_indirect_dma semaphore(%arg12 : memref<!tpu.dma_semaphore, #tpu.memory_space<semaphore_mem>>) src(%dma_wait3A_84 : memref<10240x128xf32, #tpu.memory_space<hbm>>) dst(%arg9 : memref<128x128xf32, #tpu.memory_space<vmem>>)
      %add3A_85 = arith.constant 1 : i32
      %add3A_86 = arith.addi %mul3A_47, %add3A_85 : i32
      "tpu.region"() ({
        %run_scoped3A = tpu.sem_alloc : memref<!tpu.dma_semaphore, #tpu.memory_space<semaphore_mem>>
        %dma_start3A_87 = arith.constant 0 : i32
        %dma_start3A_88 = tpu.memref_slice %arg7[%add3A_86, %dma_start3A_87] : memref<40x128xi32, #tpu.memory_space<vmem>> -> memref<1x128xi32, #tpu.memory_space<vmem>>
        %dma_start3A_89 = tpu.memref_squeeze %dma_start3A_88 : memref<1x128xi32, #tpu.memory_space<vmem>> -> memref<128xi32, #tpu.memory_space<vmem>>
        %dma_start3A_90 = arith.constant 0 : i32
        %dma_start3A_91 = arith.constant 0 : i32
        %dma_start3A_92 = tpu.memref_slice %arg10[%dma_start3A_90, %dma_start3A_91] : memref<10240x128xf32, #tpu.memory_space<vmem_shared>> -> memref<10240x128xf32, #tpu.memory_space<vmem_shared>>
        tpu.enqueue_indirect_dma source(%arg9 : memref<128x128xf32, #tpu.memory_space<vmem>>) target(%dma_start3A_92 : memref<10240x128xf32, #tpu.memory_space<vmem_shared>>) offsets(%dma_start3A_89 : memref<128xi32, #tpu.memory_space<vmem>>) semaphore(%run_scoped3A : memref<!tpu.dma_semaphore, #tpu.memory_space<semaphore_mem>>) {add = true}
        %dma_wait3A_93 = arith.constant 0 : i32
        %dma_wait3A_94 = tpu.memref_slice %arg7[%add3A_86, %dma_wait3A_93] : memref<40x128xi32, #tpu.memory_space<vmem>> -> memref<1x128xi32, #tpu.memory_space<vmem>>
        %dma_wait3A_95 = tpu.memref_squeeze %dma_wait3A_94 : memref<1x128xi32, #tpu.memory_space<vmem>> -> memref<128xi32, #tpu.memory_space<vmem>>
        %dma_wait3A_96 = arith.constant 0 : i32
        %dma_wait3A_97 = arith.constant 0 : i32
        %dma_wait3A_98 = tpu.memref_slice %arg10[%dma_wait3A_96, %dma_wait3A_97] : memref<10240x128xf32, #tpu.memory_space<vmem_shared>> -> memref<10240x128xf32, #tpu.memory_space<vmem_shared>>
        tpu.wait_indirect_dma semaphore(%run_scoped3A : memref<!tpu.dma_semaphore, #tpu.memory_space<semaphore_mem>>) src(%arg9 : memref<128x128xf32, #tpu.memory_space<vmem>>) dst(%dma_wait3A_98 : memref<10240x128xf32, #tpu.memory_space<vmem_shared>>)
        tpu.yield
      }) : () -> ()
    }
    %scan3A_23 = arith.constant 20 : i32
    "tpu.region"() ({
      %run_scoped3A = tpu.sem_alloc : memref<!tpu.dma_semaphore, #tpu.memory_space<semaphore_mem>>
      %dma_start3A_42 = arith.constant 40 : i32
      %dma_start3A_43 = arith.constant 0 : i32
      %dma_start3A_44 = tpu.memref_slice %arg3[%arg0, %arg1, %dma_start3A_42, %dma_start3A_43] : memref<2x16x80x128xi32, #tpu.memory_space<hbm>> -> memref<1x1x40x128xi32, #tpu.memory_space<hbm>>
      %dma_start3A_45 = tpu.memref_squeeze %dma_start3A_44 : memref<1x1x40x128xi32, #tpu.memory_space<hbm>> -> memref<40x128xi32, #tpu.memory_space<hbm>>
      %dma_start3A_46 = arith.constant 40 : i32
      %dma_start3A_47 = arith.constant 0 : i32
      %dma_start3A_48 = tpu.memref_slice %arg3[%arg0, %arg1, %dma_start3A_46, %dma_start3A_47] : memref<2x16x80x128xi32, #tpu.memory_space<hbm>> -> memref<1x1x40x128xi32, #tpu.memory_space<hbm>>
      %dma_start3A_49 = tpu.memref_squeeze %dma_start3A_48 : memref<1x1x40x128xi32, #tpu.memory_space<hbm>> -> memref<40x128xi32, #tpu.memory_space<hbm>>
      tpu.enqueue_dma source(%dma_start3A_49 : memref<40x128xi32, #tpu.memory_space<hbm>>) target(%arg6 : memref<40x128xi32, #tpu.memory_space<vmem>>) target_semaphore(%run_scoped3A : memref<!tpu.dma_semaphore, #tpu.memory_space<semaphore_mem>>)
      %dma_wait3A = arith.constant 40 : i32
      %dma_wait3A_50 = arith.constant 0 : i32
      %dma_wait3A_51 = tpu.memref_slice %arg3[%arg0, %arg1, %dma_wait3A, %dma_wait3A_50] : memref<2x16x80x128xi32, #tpu.memory_space<hbm>> -> memref<1x1x40x128xi32, #tpu.memory_space<hbm>>
      %dma_wait3A_52 = tpu.memref_squeeze %dma_wait3A_51 : memref<1x1x40x128xi32, #tpu.memory_space<hbm>> -> memref<40x128xi32, #tpu.memory_space<hbm>>
      %dma_wait3A_53 = arith.constant 40 : i32
      %dma_wait3A_54 = arith.constant 0 : i32
      %dma_wait3A_55 = tpu.memref_slice %arg3[%arg0, %arg1, %dma_wait3A_53, %dma_wait3A_54] : memref<2x16x80x128xi32, #tpu.memory_space<hbm>> -> memref<1x1x40x128xi32, #tpu.memory_space<hbm>>
      %dma_wait3A_56 = tpu.memref_squeeze %dma_wait3A_55 : memref<1x1x40x128xi32, #tpu.memory_space<hbm>> -> memref<40x128xi32, #tpu.memory_space<hbm>>
      tpu.wait_dma2 semaphore(%run_scoped3A : memref<!tpu.dma_semaphore, #tpu.memory_space<semaphore_mem>>) src(%dma_wait3A_56 : memref<40x128xi32, #tpu.memory_space<hbm>>) dst(%arg6 : memref<40x128xi32, #tpu.memory_space<vmem>>)
      tpu.yield
    }) : () -> ()
    "tpu.region"() ({
      %run_scoped3A = tpu.sem_alloc : memref<!tpu.dma_semaphore, #tpu.memory_space<semaphore_mem>>
      %dma_start3A_42 = arith.constant 40 : i32
      %dma_start3A_43 = arith.constant 0 : i32
      %dma_start3A_44 = tpu.memref_slice %arg4[%arg0, %arg1, %dma_start3A_42, %dma_start3A_43] : memref<2x16x80x128xi32, #tpu.memory_space<hbm>> -> memref<1x1x40x128xi32, #tpu.memory_space<hbm>>
      %dma_start3A_45 = tpu.memref_squeeze %dma_start3A_44 : memref<1x1x40x128xi32, #tpu.memory_space<hbm>> -> memref<40x128xi32, #tpu.memory_space<hbm>>
      %dma_start3A_46 = arith.constant 40 : i32
      %dma_start3A_47 = arith.constant 0 : i32
      %dma_start3A_48 = tpu.memref_slice %arg4[%arg0, %arg1, %dma_start3A_46, %dma_start3A_47] : memref<2x16x80x128xi32, #tpu.memory_space<hbm>> -> memref<1x1x40x128xi32, #tpu.memory_space<hbm>>
      %dma_start3A_49 = tpu.memref_squeeze %dma_start3A_48 : memref<1x1x40x128xi32, #tpu.memory_space<hbm>> -> memref<40x128xi32, #tpu.memory_space<hbm>>
      tpu.enqueue_dma source(%dma_start3A_49 : memref<40x128xi32, #tpu.memory_space<hbm>>) target(%arg7 : memref<40x128xi32, #tpu.memory_space<vmem>>) target_semaphore(%run_scoped3A : memref<!tpu.dma_semaphore, #tpu.memory_space<semaphore_mem>>)
      %dma_wait3A = arith.constant 40 : i32
      %dma_wait3A_50 = arith.constant 0 : i32
      %dma_wait3A_51 = tpu.memref_slice %arg4[%arg0, %arg1, %dma_wait3A, %dma_wait3A_50] : memref<2x16x80x128xi32, #tpu.memory_space<hbm>> -> memref<1x1x40x128xi32, #tpu.memory_space<hbm>>
      %dma_wait3A_52 = tpu.memref_squeeze %dma_wait3A_51 : memref<1x1x40x128xi32, #tpu.memory_space<hbm>> -> memref<40x128xi32, #tpu.memory_space<hbm>>
      %dma_wait3A_53 = arith.constant 40 : i32
      %dma_wait3A_54 = arith.constant 0 : i32
      %dma_wait3A_55 = tpu.memref_slice %arg4[%arg0, %arg1, %dma_wait3A_53, %dma_wait3A_54] : memref<2x16x80x128xi32, #tpu.memory_space<hbm>> -> memref<1x1x40x128xi32, #tpu.memory_space<hbm>>
      %dma_wait3A_56 = tpu.memref_squeeze %dma_wait3A_55 : memref<1x1x40x128xi32, #tpu.memory_space<hbm>> -> memref<40x128xi32, #tpu.memory_space<hbm>>
      tpu.wait_dma2 semaphore(%run_scoped3A : memref<!tpu.dma_semaphore, #tpu.memory_space<semaphore_mem>>) src(%dma_wait3A_56 : memref<40x128xi32, #tpu.memory_space<hbm>>) dst(%arg7 : memref<40x128xi32, #tpu.memory_space<vmem>>)
      tpu.yield
    }) : () -> ()
    %dma_start3A_24 = arith.constant 0 : i32
    %dma_start3A_25 = arith.constant 0 : i32
    %dma_start3A_26 = tpu.memref_slice %arg6[%dma_start3A_24, %dma_start3A_25] : memref<40x128xi32, #tpu.memory_space<vmem>> -> memref<1x128xi32, #tpu.memory_space<vmem>>
    %dma_start3A_27 = tpu.memref_squeeze %dma_start3A_26 : memref<1x128xi32, #tpu.memory_space<vmem>> -> memref<128xi32, #tpu.memory_space<vmem>>
    %dma_start3A_28 = arith.constant 0 : i32
    %dma_start3A_29 = arith.constant 0 : i32
    %dma_start3A_30 = tpu.memref_slice %arg2[%arg0, %dma_start3A_28, %dma_start3A_29] : memref<2x10240x128xf32, #tpu.memory_space<hbm>> -> memref<1x10240x128xf32, #tpu.memory_space<hbm>>
    %dma_start3A_31 = tpu.memref_squeeze %dma_start3A_30 : memref<1x10240x128xf32, #tpu.memory_space<hbm>> -> memref<10240x128xf32, #tpu.memory_space<hbm>>
    %dma_start3A_32 = arith.constant 0 : i32
    %dma_start3A_33 = arith.constant 0 : i32
    %dma_start3A_34 = tpu.memref_slice %dma_start3A_31[%dma_start3A_32, %dma_start3A_33] : memref<10240x128xf32, #tpu.memory_space<hbm>> -> memref<10240x128xf32, #tpu.memory_space<hbm>>
    tpu.enqueue_indirect_dma source(%dma_start3A_34 : memref<10240x128xf32, #tpu.memory_space<hbm>>) target(%arg8 : memref<128x128xf32, #tpu.memory_space<vmem>>) offsets(%dma_start3A_27 : memref<128xi32, #tpu.memory_space<vmem>>) semaphore(%arg11 : memref<!tpu.dma_semaphore, #tpu.memory_space<semaphore_mem>>)
    %scan3A_35 = arith.constant 0 : i32
    %scan3A_36 = arith.constant 20 : i32
    %scan3A_37 = arith.addi %scan3A_35, %scan3A_36 : i32
    %scan3A_38 = arith.constant 1 : i32
    scf.for %scan3A_42 = %scan3A_35 to %scan3A_37 step %scan3A_38  : i32 {
      %mul3A_43 = arith.constant 1 : i32
      %mul3A_44 = arith.muli %scan3A_42, %mul3A_43 : i32
      %add3A = arith.constant 0 : i32
      %add3A_45 = arith.addi %add3A, %mul3A_44 : i32
      %mul3A_46 = arith.constant 2 : i32
      %mul3A_47 = arith.muli %add3A_45, %mul3A_46 : i32
      %add3A_48 = arith.constant 1 : i32
      %add3A_49 = arith.addi %mul3A_47, %add3A_48 : i32
      %dma_start3A_50 = arith.constant 0 : i32
      %dma_start3A_51 = tpu.memref_slice %arg6[%add3A_49, %dma_start3A_50] : memref<40x128xi32, #tpu.memory_space<vmem>> -> memref<1x128xi32, #tpu.memory_space<vmem>>
      %dma_start3A_52 = tpu.memref_squeeze %dma_start3A_51 : memref<1x128xi32, #tpu.memory_space<vmem>> -> memref<128xi32, #tpu.memory_space<vmem>>
      %dma_start3A_53 = arith.constant 0 : i32
      %dma_start3A_54 = arith.constant 0 : i32
      %dma_start3A_55 = tpu.memref_slice %arg2[%arg0, %dma_start3A_53, %dma_start3A_54] : memref<2x10240x128xf32, #tpu.memory_space<hbm>> -> memref<1x10240x128xf32, #tpu.memory_space<hbm>>
      %dma_start3A_56 = tpu.memref_squeeze %dma_start3A_55 : memref<1x10240x128xf32, #tpu.memory_space<hbm>> -> memref<10240x128xf32, #tpu.memory_space<hbm>>
      %dma_start3A_57 = arith.constant 0 : i32
      %dma_start3A_58 = arith.constant 0 : i32
      %dma_start3A_59 = tpu.memref_slice %dma_start3A_56[%dma_start3A_57, %dma_start3A_58] : memref<10240x128xf32, #tpu.memory_space<hbm>> -> memref<10240x128xf32, #tpu.memory_space<hbm>>
      tpu.enqueue_indirect_dma source(%dma_start3A_59 : memref<10240x128xf32, #tpu.memory_space<hbm>>) target(%arg9 : memref<128x128xf32, #tpu.memory_space<vmem>>) offsets(%dma_start3A_52 : memref<128xi32, #tpu.memory_space<vmem>>) semaphore(%arg12 : memref<!tpu.dma_semaphore, #tpu.memory_space<semaphore_mem>>)
      %dma_wait3A = arith.constant 0 : i32
      %dma_wait3A_60 = tpu.memref_slice %arg6[%mul3A_47, %dma_wait3A] : memref<40x128xi32, #tpu.memory_space<vmem>> -> memref<1x128xi32, #tpu.memory_space<vmem>>
      %dma_wait3A_61 = tpu.memref_squeeze %dma_wait3A_60 : memref<1x128xi32, #tpu.memory_space<vmem>> -> memref<128xi32, #tpu.memory_space<vmem>>
      %dma_wait3A_62 = arith.constant 0 : i32
      %dma_wait3A_63 = arith.constant 0 : i32
      %dma_wait3A_64 = tpu.memref_slice %arg2[%arg0, %dma_wait3A_62, %dma_wait3A_63] : memref<2x10240x128xf32, #tpu.memory_space<hbm>> -> memref<1x10240x128xf32, #tpu.memory_space<hbm>>
      %dma_wait3A_65 = tpu.memref_squeeze %dma_wait3A_64 : memref<1x10240x128xf32, #tpu.memory_space<hbm>> -> memref<10240x128xf32, #tpu.memory_space<hbm>>
      %dma_wait3A_66 = arith.constant 0 : i32
      %dma_wait3A_67 = arith.constant 0 : i32
      %dma_wait3A_68 = tpu.memref_slice %dma_wait3A_65[%dma_wait3A_66, %dma_wait3A_67] : memref<10240x128xf32, #tpu.memory_space<hbm>> -> memref<10240x128xf32, #tpu.memory_space<hbm>>
      tpu.wait_indirect_dma semaphore(%arg11 : memref<!tpu.dma_semaphore, #tpu.memory_space<semaphore_mem>>) src(%dma_wait3A_68 : memref<10240x128xf32, #tpu.memory_space<hbm>>) dst(%arg8 : memref<128x128xf32, #tpu.memory_space<vmem>>)
      "tpu.region"() ({
        %run_scoped3A = tpu.sem_alloc : memref<!tpu.dma_semaphore, #tpu.memory_space<semaphore_mem>>
        %dma_start3A_87 = arith.constant 0 : i32
        %dma_start3A_88 = tpu.memref_slice %arg7[%mul3A_47, %dma_start3A_87] : memref<40x128xi32, #tpu.memory_space<vmem>> -> memref<1x128xi32, #tpu.memory_space<vmem>>
        %dma_start3A_89 = tpu.memref_squeeze %dma_start3A_88 : memref<1x128xi32, #tpu.memory_space<vmem>> -> memref<128xi32, #tpu.memory_space<vmem>>
        %dma_start3A_90 = arith.constant 0 : i32
        %dma_start3A_91 = arith.constant 0 : i32
        %dma_start3A_92 = tpu.memref_slice %arg10[%dma_start3A_90, %dma_start3A_91] : memref<10240x128xf32, #tpu.memory_space<vmem_shared>> -> memref<10240x128xf32, #tpu.memory_space<vmem_shared>>
        tpu.enqueue_indirect_dma source(%arg8 : memref<128x128xf32, #tpu.memory_space<vmem>>) target(%dma_start3A_92 : memref<10240x128xf32, #tpu.memory_space<vmem_shared>>) offsets(%dma_start3A_89 : memref<128xi32, #tpu.memory_space<vmem>>) semaphore(%run_scoped3A : memref<!tpu.dma_semaphore, #tpu.memory_space<semaphore_mem>>) {add = true}
        %dma_wait3A_93 = arith.constant 0 : i32
        %dma_wait3A_94 = tpu.memref_slice %arg7[%mul3A_47, %dma_wait3A_93] : memref<40x128xi32, #tpu.memory_space<vmem>> -> memref<1x128xi32, #tpu.memory_space<vmem>>
        %dma_wait3A_95 = tpu.memref_squeeze %dma_wait3A_94 : memref<1x128xi32, #tpu.memory_space<vmem>> -> memref<128xi32, #tpu.memory_space<vmem>>
        %dma_wait3A_96 = arith.constant 0 : i32
        %dma_wait3A_97 = arith.constant 0 : i32
        %dma_wait3A_98 = tpu.memref_slice %arg10[%dma_wait3A_96, %dma_wait3A_97] : memref<10240x128xf32, #tpu.memory_space<vmem_shared>> -> memref<10240x128xf32, #tpu.memory_space<vmem_shared>>
        tpu.wait_indirect_dma semaphore(%run_scoped3A : memref<!tpu.dma_semaphore, #tpu.memory_space<semaphore_mem>>) src(%arg8 : memref<128x128xf32, #tpu.memory_space<vmem>>) dst(%dma_wait3A_98 : memref<10240x128xf32, #tpu.memory_space<vmem_shared>>)
        tpu.yield
      }) : () -> ()
      %add3A_69 = arith.constant 2 : i32
      %add3A_70 = arith.addi %mul3A_47, %add3A_69 : i32
      %lt3A = arith.constant 40 : i32
      %lt3A_71 = arith.cmpi slt, %add3A_70, %lt3A : i32
      %convert_element_type3A = arith.extui %lt3A_71 : i1 to i32
      %cond3A = arith.constant 0 : i32
      %cond3A_72 = arith.cmpi ne, %convert_element_type3A, %cond3A : i32
      scf.if %cond3A_72 {
        %add3A_87 = arith.constant 2 : i32
        %add3A_88 = arith.addi %mul3A_47, %add3A_87 : i32
        %dma_start3A_89 = arith.constant 0 : i32
        %dma_start3A_90 = tpu.memref_slice %arg6[%add3A_88, %dma_start3A_89] : memref<40x128xi32, #tpu.memory_space<vmem>> -> memref<1x128xi32, #tpu.memory_space<vmem>>
        %dma_start3A_91 = tpu.memref_squeeze %dma_start3A_90 : memref<1x128xi32, #tpu.memory_space<vmem>> -> memref<128xi32, #tpu.memory_space<vmem>>
        %dma_start3A_92 = arith.constant 0 : i32
        %dma_start3A_93 = arith.constant 0 : i32
        %dma_start3A_94 = tpu.memref_slice %arg2[%arg0, %dma_start3A_92, %dma_start3A_93] : memref<2x10240x128xf32, #tpu.memory_space<hbm>> -> memref<1x10240x128xf32, #tpu.memory_space<hbm>>
        %dma_start3A_95 = tpu.memref_squeeze %dma_start3A_94 : memref<1x10240x128xf32, #tpu.memory_space<hbm>> -> memref<10240x128xf32, #tpu.memory_space<hbm>>
        %dma_start3A_96 = arith.constant 0 : i32
        %dma_start3A_97 = arith.constant 0 : i32
        %dma_start3A_98 = tpu.memref_slice %dma_start3A_95[%dma_start3A_96, %dma_start3A_97] : memref<10240x128xf32, #tpu.memory_space<hbm>> -> memref<10240x128xf32, #tpu.memory_space<hbm>>
        tpu.enqueue_indirect_dma source(%dma_start3A_98 : memref<10240x128xf32, #tpu.memory_space<hbm>>) target(%arg8 : memref<128x128xf32, #tpu.memory_space<vmem>>) offsets(%dma_start3A_91 : memref<128xi32, #tpu.memory_space<vmem>>) semaphore(%arg11 : memref<!tpu.dma_semaphore, #tpu.memory_space<semaphore_mem>>)
      } else {
      }
      %add3A_73 = arith.constant 1 : i32
      %add3A_74 = arith.addi %mul3A_47, %add3A_73 : i32
      %dma_wait3A_75 = arith.constant 0 : i32
      %dma_wait3A_76 = tpu.memref_slice %arg6[%add3A_74, %dma_wait3A_75] : memref<40x128xi32, #tpu.memory_space<vmem>> -> memref<1x128xi32, #tpu.memory_space<vmem>>
      %dma_wait3A_77 = tpu.memref_squeeze %dma_wait3A_76 : memref<1x128xi32, #tpu.memory_space<vmem>> -> memref<128xi32, #tpu.memory_space<vmem>>
      %dma_wait3A_78 = arith.constant 0 : i32
      %dma_wait3A_79 = arith.constant 0 : i32
      %dma_wait3A_80 = tpu.memref_slice %arg2[%arg0, %dma_wait3A_78, %dma_wait3A_79] : memref<2x10240x128xf32, #tpu.memory_space<hbm>> -> memref<1x10240x128xf32, #tpu.memory_space<hbm>>
      %dma_wait3A_81 = tpu.memref_squeeze %dma_wait3A_80 : memref<1x10240x128xf32, #tpu.memory_space<hbm>> -> memref<10240x128xf32, #tpu.memory_space<hbm>>
      %dma_wait3A_82 = arith.constant 0 : i32
      %dma_wait3A_83 = arith.constant 0 : i32
      %dma_wait3A_84 = tpu.memref_slice %dma_wait3A_81[%dma_wait3A_82, %dma_wait3A_83] : memref<10240x128xf32, #tpu.memory_space<hbm>> -> memref<10240x128xf32, #tpu.memory_space<hbm>>
      tpu.wait_indirect_dma semaphore(%arg12 : memref<!tpu.dma_semaphore, #tpu.memory_space<semaphore_mem>>) src(%dma_wait3A_84 : memref<10240x128xf32, #tpu.memory_space<hbm>>) dst(%arg9 : memref<128x128xf32, #tpu.memory_space<vmem>>)
      %add3A_85 = arith.constant 1 : i32
      %add3A_86 = arith.addi %mul3A_47, %add3A_85 : i32
      "tpu.region"() ({
        %run_scoped3A = tpu.sem_alloc : memref<!tpu.dma_semaphore, #tpu.memory_space<semaphore_mem>>
        %dma_start3A_87 = arith.constant 0 : i32
        %dma_start3A_88 = tpu.memref_slice %arg7[%add3A_86, %dma_start3A_87] : memref<40x128xi32, #tpu.memory_space<vmem>> -> memref<1x128xi32, #tpu.memory_space<vmem>>
        %dma_start3A_89 = tpu.memref_squeeze %dma_start3A_88 : memref<1x128xi32, #tpu.memory_space<vmem>> -> memref<128xi32, #tpu.memory_space<vmem>>
        %dma_start3A_90 = arith.constant 0 : i32
        %dma_start3A_91 = arith.constant 0 : i32
        %dma_start3A_92 = tpu.memref_slice %arg10[%dma_start3A_90, %dma_start3A_91] : memref<10240x128xf32, #tpu.memory_space<vmem_shared>> -> memref<10240x128xf32, #tpu.memory_space<vmem_shared>>
        tpu.enqueue_indirect_dma source(%arg9 : memref<128x128xf32, #tpu.memory_space<vmem>>) target(%dma_start3A_92 : memref<10240x128xf32, #tpu.memory_space<vmem_shared>>) offsets(%dma_start3A_89 : memref<128xi32, #tpu.memory_space<vmem>>) semaphore(%run_scoped3A : memref<!tpu.dma_semaphore, #tpu.memory_space<semaphore_mem>>) {add = true}
        %dma_wait3A_93 = arith.constant 0 : i32
        %dma_wait3A_94 = tpu.memref_slice %arg7[%add3A_86, %dma_wait3A_93] : memref<40x128xi32, #tpu.memory_space<vmem>> -> memref<1x128xi32, #tpu.memory_space<vmem>>
        %dma_wait3A_95 = tpu.memref_squeeze %dma_wait3A_94 : memref<1x128xi32, #tpu.memory_space<vmem>> -> memref<128xi32, #tpu.memory_space<vmem>>
        %dma_wait3A_96 = arith.constant 0 : i32
        %dma_wait3A_97 = arith.constant 0 : i32
        %dma_wait3A_98 = tpu.memref_slice %arg10[%dma_wait3A_96, %dma_wait3A_97] : memref<10240x128xf32, #tpu.memory_space<vmem_shared>> -> memref<10240x128xf32, #tpu.memory_space<vmem_shared>>
        tpu.wait_indirect_dma semaphore(%run_scoped3A : memref<!tpu.dma_semaphore, #tpu.memory_space<semaphore_mem>>) src(%arg9 : memref<128x128xf32, #tpu.memory_space<vmem>>) dst(%dma_wait3A_98 : memref<10240x128xf32, #tpu.memory_space<vmem_shared>>)
        tpu.yield
      }) : () -> ()
    }
    %scan3A_39 = arith.constant 20 : i32
    %barrier3A_40 = arith.constant 0 : index
    tpu.barrier barrier_id(%barrier3A_40)
    %mul3A = arith.constant 640 : i32
    %mul3A_41 = arith.muli %arg1, %mul3A : i32
    %multiple_of3A = tpu.assume_multiple %mul3A_41, 640 : i32
    "tpu.region"() ({
      %run_scoped3A = tpu.sem_alloc : memref<!tpu.dma_semaphore, #tpu.memory_space<semaphore_mem>>
      %dma_start3A_42 = arith.constant 0 : i32
      %dma_start3A_43 = tpu.memref_slice %arg5[%arg0, %multiple_of3A, %dma_start3A_42] : memref<2x10240x128xf32, #tpu.memory_space<hbm>> -> memref<1x640x128xf32, #tpu.memory_space<hbm>>
      %dma_start3A_44 = tpu.memref_squeeze %dma_start3A_43 : memref<1x640x128xf32, #tpu.memory_space<hbm>> -> memref<640x128xf32, #tpu.memory_space<hbm>>
      %dma_start3A_45 = arith.constant 0 : i32
      %dma_start3A_46 = tpu.memref_slice %arg10[%multiple_of3A, %dma_start3A_45] : memref<10240x128xf32, #tpu.memory_space<vmem_shared>> -> memref<640x128xf32, #tpu.memory_space<vmem_shared>>
      tpu.enqueue_dma source(%dma_start3A_46 : memref<640x128xf32, #tpu.memory_space<vmem_shared>>) target(%dma_start3A_44 : memref<640x128xf32, #tpu.memory_space<hbm>>) target_semaphore(%run_scoped3A : memref<!tpu.dma_semaphore, #tpu.memory_space<semaphore_mem>>)
      %dma_wait3A = arith.constant 0 : i32
      %dma_wait3A_47 = tpu.memref_slice %arg5[%arg0, %multiple_of3A, %dma_wait3A] : memref<2x10240x128xf32, #tpu.memory_space<hbm>> -> memref<1x640x128xf32, #tpu.memory_space<hbm>>
      %dma_wait3A_48 = tpu.memref_squeeze %dma_wait3A_47 : memref<1x640x128xf32, #tpu.memory_space<hbm>> -> memref<640x128xf32, #tpu.memory_space<hbm>>
      %dma_wait3A_49 = arith.constant 0 : i32
      %dma_wait3A_50 = tpu.memref_slice %arg10[%multiple_of3A, %dma_wait3A_49] : memref<10240x128xf32, #tpu.memory_space<vmem_shared>> -> memref<640x128xf32, #tpu.memory_space<vmem_shared>>
      tpu.wait_dma2 semaphore(%run_scoped3A : memref<!tpu.dma_semaphore, #tpu.memory_space<semaphore_mem>>) src(%dma_wait3A_50 : memref<640x128xf32, #tpu.memory_space<vmem_shared>>) dst(%dma_wait3A_48 : memref<640x128xf32, #tpu.memory_space<hbm>>)
      tpu.yield
    }) : () -> ()
    return
  }
}

#map = affine_map<(d0, d1) -> (0, 0, 0)>
#map1 = affine_map<(d0, d1) -> (0, 0, 0, 0)>
module attributes {stable_mosaic.version = 14 : i64} {
  func.func @sc_spmm(%arg0: i32, %arg1: i32, %arg2: memref<2x10240x128xf32, #tpu.memory_space<hbm>>, %arg3: memref<2x16x80x128xi32, #tpu.memory_space<hbm>>, %arg4: memref<2x16x80x128xi32, #tpu.memory_space<hbm>>, %arg5: memref<2x10240x128xf32, #tpu.memory_space<hbm>>, %arg6: memref<40x128xi32, #tpu.memory_space<vmem>>, %arg7: memref<40x128xi32, #tpu.memory_space<vmem>>, %arg8: memref<128x128xf32, #tpu.memory_space<vmem>>, %arg9: memref<128x128xf32, #tpu.memory_space<vmem>>, %arg10: memref<10240x128xf32, #tpu.memory_space<vmem_shared>>, %arg11: memref<!tpu.dma_semaphore, #tpu.memory_space<semaphore_mem>>, %arg12: memref<!tpu.dma_semaphore, #tpu.memory_space<semaphore_mem>>) attributes {dimension_semantics = [#tpu.dimension_semantics<core_parallel>, #tpu.dimension_semantics<subcore_parallel>], iteration_bounds = array<i64: 2, 16>, scalar_prefetch = 0 : i64, scratch_operands = 7 : i64, tpu.core_type = #tpu.core_type<sc_vector_subcore>, window_params = [{transform_indices = #map}, {transform_indices = #map1}, {transform_indices = #map1}, {transform_indices = #map}]} {
    %scan3A = arith.constant 0 : i32
    %scan3A_0 = arith.constant 128 : i32
    %scan3A_1 = arith.addi %scan3A, %scan3A_0 : i32
    %scan3A_2 = arith.constant 1 : i32
    scf.for %scan3A_42 = %scan3A to %scan3A_1 step %scan3A_2  : i32 {
      %mul3A_43 = arith.constant 1 : i32
      %mul3A_44 = arith.muli %scan3A_42, %mul3A_43 : i32
      %add3A = arith.constant 0 : i32
      %add3A_45 = arith.addi %add3A, %mul3A_44 : i32
      %broadcast_in_dim3A = arith.constant 0.000000e+00 : f32
      %broadcast_in_dim3A_46 = vector.broadcast %broadcast_in_dim3A : f32 to vector<16xf32>
      %swap3A = arith.index_cast %add3A_45 : i32 to index
      %swap3A_47 = arith.constant 0 : index
      %swap3A_48 = tpu.vector_load %arg8[%swap3A, %swap3A_47] {strides = array<i32>} : memref<128x128xf32, #tpu.memory_space<vmem>>, vector<1x16xf32>,
      %swap3A_49 = vector.shape_cast %swap3A_48 : vector<1x16xf32> to vector<16xf32>
      %swap3A_50 = vector.shape_cast %broadcast_in_dim3A_46 : vector<16xf32> to vector<1x16xf32>
      tpu.vector_store %arg8[%swap3A, %swap3A_47], %swap3A_50 {strides = array<i32>} : memref<128x128xf32, #tpu.memory_space<vmem>>, vector<1x16xf32>,
      %broadcast_in_dim3A_51 = arith.constant 0.000000e+00 : f32
      %broadcast_in_dim3A_52 = vector.broadcast %broadcast_in_dim3A_51 : f32 to vector<16xf32>
      %swap3A_53 = arith.index_cast %add3A_45 : i32 to index
      %swap3A_54 = arith.constant 16 : index
      %swap3A_55 = tpu.vector_load %arg8[%swap3A_53, %swap3A_54] {strides = array<i32>} : memref<128x128xf32, #tpu.memory_space<vmem>>, vector<1x16xf32>,
      %swap3A_56 = vector.shape_cast %swap3A_55 : vector<1x16xf32> to vector<16xf32>
      %swap3A_57 = vector.shape_cast %broadcast_in_dim3A_52 : vector<16xf32> to vector<1x16xf32>
      tpu.vector_store %arg8[%swap3A_53, %swap3A_54], %swap3A_57 {strides = array<i32>} : memref<128x128xf32, #tpu.memory_space<vmem>>, vector<1x16xf32>,
      %broadcast_in_dim3A_58 = arith.constant 0.000000e+00 : f32
      %broadcast_in_dim3A_59 = vector.broadcast %broadcast_in_dim3A_58 : f32 to vector<16xf32>
      %swap3A_60 = arith.index_cast %add3A_45 : i32 to index
      %swap3A_61 = arith.constant 32 : index
      %swap3A_62 = tpu.vector_load %arg8[%swap3A_60, %swap3A_61] {strides = array<i32>} : memref<128x128xf32, #tpu.memory_space<vmem>>, vector<1x16xf32>,
      %swap3A_63 = vector.shape_cast %swap3A_62 : vector<1x16xf32> to vector<16xf32>
      %swap3A_64 = vector.shape_cast %broadcast_in_dim3A_59 : vector<16xf32> to vector<1x16xf32>
      tpu.vector_store %arg8[%swap3A_60, %swap3A_61], %swap3A_64 {strides = array<i32>} : memref<128x128xf32, #tpu.memory_space<vmem>>, vector<1x16xf32>,
      %broadcast_in_dim3A_65 = arith.constant 0.000000e+00 : f32
      %broadcast_in_dim3A_66 = vector.broadcast %broadcast_in_dim3A_65 : f32 to vector<16xf32>
      %swap3A_67 = arith.index_cast %add3A_45 : i32 to index
      %swap3A_68 = arith.constant 48 : index
      %swap3A_69 = tpu.vector_load %arg8[%swap3A_67, %swap3A_68] {strides = array<i32>} : memref<128x128xf32, #tpu.memory_space<vmem>>, vector<1x16xf32>,
      %swap3A_70 = vector.shape_cast %swap3A_69 : vector<1x16xf32> to vector<16xf32>
      %swap3A_71 = vector.shape_cast %broadcast_in_dim3A_66 : vector<16xf32> to vector<1x16xf32>
      tpu.vector_store %arg8[%swap3A_67, %swap3A_68], %swap3A_71 {strides = array<i32>} : memref<128x128xf32, #tpu.memory_space<vmem>>, vector<1x16xf32>,
      %broadcast_in_dim3A_72 = arith.constant 0.000000e+00 : f32
      %broadcast_in_dim3A_73 = vector.broadcast %broadcast_in_dim3A_72 : f32 to vector<16xf32>
      %swap3A_74 = arith.index_cast %add3A_45 : i32 to index
      %swap3A_75 = arith.constant 64 : index
      %swap3A_76 = tpu.vector_load %arg8[%swap3A_74, %swap3A_75] {strides = array<i32>} : memref<128x128xf32, #tpu.memory_space<vmem>>, vector<1x16xf32>,
      %swap3A_77 = vector.shape_cast %swap3A_76 : vector<1x16xf32> to vector<16xf32>
      %swap3A_78 = vector.shape_cast %broadcast_in_dim3A_73 : vector<16xf32> to vector<1x16xf32>
      tpu.vector_store %arg8[%swap3A_74, %swap3A_75], %swap3A_78 {strides = array<i32>} : memref<128x128xf32, #tpu.memory_space<vmem>>, vector<1x16xf32>,
      %broadcast_in_dim3A_79 = arith.constant 0.000000e+00 : f32
      %broadcast_in_dim3A_80 = vector.broadcast %broadcast_in_dim3A_79 : f32 to vector<16xf32>
      %swap3A_81 = arith.index_cast %add3A_45 : i32 to index
      %swap3A_82 = arith.constant 80 : index
      %swap3A_83 = tpu.vector_load %arg8[%swap3A_81, %swap3A_82] {strides = array<i32>} : memref<128x128xf32, #tpu.memory_space<vmem>>, vector<1x16xf32>,
      %swap3A_84 = vector.shape_cast %swap3A_83 : vector<1x16xf32> to vector<16xf32>
      %swap3A_85 = vector.shape_cast %broadcast_in_dim3A_80 : vector<16xf32> to vector<1x16xf32>
      tpu.vector_store %arg8[%swap3A_81, %swap3A_82], %swap3A_85 {strides = array<i32>} : memref<128x128xf32, #tpu.memory_space<vmem>>, vector<1x16xf32>,
      %broadcast_in_dim3A_86 = arith.constant 0.000000e+00 : f32
      %broadcast_in_dim3A_87 = vector.broadcast %broadcast_in_dim3A_86 : f32 to vector<16xf32>
      %swap3A_88 = arith.index_cast %add3A_45 : i32 to index
      %swap3A_89 = arith.constant 96 : index
      %swap3A_90 = tpu.vector_load %arg8[%swap3A_88, %swap3A_89] {strides = array<i32>} : memref<128x128xf32, #tpu.memory_space<vmem>>, vector<1x16xf32>,
      %swap3A_91 = vector.shape_cast %swap3A_90 : vector<1x16xf32> to vector<16xf32>
      %swap3A_92 = vector.shape_cast %broadcast_in_dim3A_87 : vector<16xf32> to vector<1x16xf32>
      tpu.vector_store %arg8[%swap3A_88, %swap3A_89], %swap3A_92 {strides = array<i32>} : memref<128x128xf32, #tpu.memory_space<vmem>>, vector<1x16xf32>,
      %broadcast_in_dim3A_93 = arith.constant 0.000000e+00 : f32
      %broadcast_in_dim3A_94 = vector.broadcast %broadcast_in_dim3A_93 : f32 to vector<16xf32>
      %swap3A_95 = arith.index_cast %add3A_45 : i32 to index
      %swap3A_96 = arith.constant 112 : index
      %swap3A_97 = tpu.vector_load %arg8[%swap3A_95, %swap3A_96] {strides = array<i32>} : memref<128x128xf32, #tpu.memory_space<vmem>>, vector<1x16xf32>,
      %swap3A_98 = vector.shape_cast %swap3A_97 : vector<1x16xf32> to vector<16xf32>
      %swap3A_99 = vector.shape_cast %broadcast_in_dim3A_94 : vector<16xf32> to vector<1x16xf32>
      tpu.vector_store %arg8[%swap3A_95, %swap3A_96], %swap3A_99 {strides = array<i32>} : memref<128x128xf32, #tpu.memory_space<vmem>>, vector<1x16xf32>,
    }
    %scan3A_3 = arith.constant 128 : i32
    %scan3A_4 = arith.constant 0 : i32
    %scan3A_5 = arith.constant 5 : i32
    %scan3A_6 = arith.addi %scan3A_4, %scan3A_5 : i32
    %scan3A_7 = arith.constant 1 : i32
    scf.for %scan3A_42 = %scan3A_4 to %scan3A_6 step %scan3A_7  : i32 {
      %mul3A_43 = arith.constant 1 : i32
      %mul3A_44 = arith.muli %scan3A_42, %mul3A_43 : i32
      %add3A = arith.constant 0 : i32
      %add3A_45 = arith.addi %add3A, %mul3A_44 : i32
      %mul3A_46 = arith.constant 5 : i32
      %mul3A_47 = arith.muli %arg1, %mul3A_46 : i32
      %add3A_48 = arith.addi %mul3A_47, %add3A_45 : i32
      %mul3A_49 = arith.constant 128 : i32
      %mul3A_50 = arith.muli %add3A_48, %mul3A_49 : i32
      %multiple_of3A_51 = tpu.assume_multiple %mul3A_50, 128 : i32
      "tpu.region"() ({
        %run_scoped3A = tpu.sem_alloc : memref<!tpu.dma_semaphore, #tpu.memory_space<semaphore_mem>>
        %dma_start3A_52 = arith.constant 0 : i32
        %dma_start3A_53 = tpu.memref_slice %arg10[%multiple_of3A_51, %dma_start3A_52] : memref<10240x128xf32, #tpu.memory_space<vmem_shared>> -> memref<128x128xf32, #tpu.memory_space<vmem_shared>>
        %dma_start3A_54 = arith.constant 0 : i32
        %dma_start3A_55 = tpu.memref_slice %arg10[%multiple_of3A_51, %dma_start3A_54] : memref<10240x128xf32, #tpu.memory_space<vmem_shared>> -> memref<128x128xf32, #tpu.memory_space<vmem_shared>>
        tpu.enqueue_dma source(%arg8 : memref<128x128xf32, #tpu.memory_space<vmem>>) target(%dma_start3A_55 : memref<128x128xf32, #tpu.memory_space<vmem_shared>>) target_semaphore(%run_scoped3A : memref<!tpu.dma_semaphore, #tpu.memory_space<semaphore_mem>>)
        %dma_wait3A = arith.constant 0 : i32
        %dma_wait3A_56 = tpu.memref_slice %arg10[%multiple_of3A_51, %dma_wait3A] : memref<10240x128xf32, #tpu.memory_space<vmem_shared>> -> memref<128x128xf32, #tpu.memory_space<vmem_shared>>
        %dma_wait3A_57 = arith.constant 0 : i32
        %dma_wait3A_58 = tpu.memref_slice %arg10[%multiple_of3A_51, %dma_wait3A_57] : memref<10240x128xf32, #tpu.memory_space<vmem_shared>> -> memref<128x128xf32, #tpu.memory_space<vmem_shared>>
        tpu.wait_dma2 semaphore(%run_scoped3A : memref<!tpu.dma_semaphore, #tpu.memory_space<semaphore_mem>>) src(%arg8 : memref<128x128xf32, #tpu.memory_space<vmem>>) dst(%dma_wait3A_58 : memref<128x128xf32, #tpu.memory_space<vmem_shared>>)
        tpu.yield
      }) : () -> ()
    }
    %scan3A_8 = arith.constant 5 : i32
    %barrier3A = arith.constant 0 : index
    tpu.barrier barrier_id(%barrier3A)
    "tpu.region"() ({
      %run_scoped3A = tpu.sem_alloc : memref<!tpu.dma_semaphore, #tpu.memory_space<semaphore_mem>>
      %dma_start3A_42 = arith.constant 0 : i32
      %dma_start3A_43 = arith.constant 0 : i32
      %dma_start3A_44 = tpu.memref_slice %arg3[%arg0, %arg1, %dma_start3A_42, %dma_start3A_43] : memref<2x16x80x128xi32, #tpu.memory_space<hbm>> -> memref<1x1x40x128xi32, #tpu.memory_space<hbm>>
      %dma_start3A_45 = tpu.memref_squeeze %dma_start3A_44 : memref<1x1x40x128xi32, #tpu.memory_space<hbm>> -> memref<40x128xi32, #tpu.memory_space<hbm>>
      %dma_start3A_46 = arith.constant 0 : i32
      %dma_start3A_47 = arith.constant 0 : i32
      %dma_start3A_48 = tpu.memref_slice %arg3[%arg0, %arg1, %dma_start3A_46, %dma_start3A_47] : memref<2x16x80x128xi32, #tpu.memory_space<hbm>> -> memref<1x1x40x128xi32, #tpu.memory_space<hbm>>
      %dma_start3A_49 = tpu.memref_squeeze %dma_start3A_48 : memref<1x1x40x128xi32, #tpu.memory_space<hbm>> -> memref<40x128xi32, #tpu.memory_space<hbm>>
      tpu.enqueue_dma source(%dma_start3A_49 : memref<40x128xi32, #tpu.memory_space<hbm>>) target(%arg6 : memref<40x128xi32, #tpu.memory_space<vmem>>) target_semaphore(%run_scoped3A : memref<!tpu.dma_semaphore, #tpu.memory_space<semaphore_mem>>)
      %dma_wait3A = arith.constant 0 : i32
      %dma_wait3A_50 = arith.constant 0 : i32
      %dma_wait3A_51 = tpu.memref_slice %arg3[%arg0, %arg1, %dma_wait3A, %dma_wait3A_50] : memref<2x16x80x128xi32, #tpu.memory_space<hbm>> -> memref<1x1x40x128xi32, #tpu.memory_space<hbm>>
      %dma_wait3A_52 = tpu.memref_squeeze %dma_wait3A_51 : memref<1x1x40x128xi32, #tpu.memory_space<hbm>> -> memref<40x128xi32, #tpu.memory_space<hbm>>
      %dma_wait3A_53 = arith.constant 0 : i32
      %dma_wait3A_54 = arith.constant 0 : i32
      %dma_wait3A_55 = tpu.memref_slice %arg3[%arg0, %arg1, %dma_wait3A_53, %dma_wait3A_54] : memref<2x16x80x128xi32, #tpu.memory_space<hbm>> -> memref<1x1x40x128xi32, #tpu.memory_space<hbm>>
      %dma_wait3A_56 = tpu.memref_squeeze %dma_wait3A_55 : memref<1x1x40x128xi32, #tpu.memory_space<hbm>> -> memref<40x128xi32, #tpu.memory_space<hbm>>
      tpu.wait_dma2 semaphore(%run_scoped3A : memref<!tpu.dma_semaphore, #tpu.memory_space<semaphore_mem>>) src(%dma_wait3A_56 : memref<40x128xi32, #tpu.memory_space<hbm>>) dst(%arg6 : memref<40x128xi32, #tpu.memory_space<vmem>>)
      tpu.yield
    }) : () -> ()
    "tpu.region"() ({
      %run_scoped3A = tpu.sem_alloc : memref<!tpu.dma_semaphore, #tpu.memory_space<semaphore_mem>>
      %dma_start3A_42 = arith.constant 0 : i32
      %dma_start3A_43 = arith.constant 0 : i32
      %dma_start3A_44 = tpu.memref_slice %arg4[%arg0, %arg1, %dma_start3A_42, %dma_start3A_43] : memref<2x16x80x128xi32, #tpu.memory_space<hbm>> -> memref<1x1x40x128xi32, #tpu.memory_space<hbm>>
      %dma_start3A_45 = tpu.memref_squeeze %dma_start3A_44 : memref<1x1x40x128xi32, #tpu.memory_space<hbm>> -> memref<40x128xi32, #tpu.memory_space<hbm>>
      %dma_start3A_46 = arith.constant 0 : i32
      %dma_start3A_47 = arith.constant 0 : i32
      %dma_start3A_48 = tpu.memref_slice %arg4[%arg0, %arg1, %dma_start3A_46, %dma_start3A_47] : memref<2x16x80x128xi32, #tpu.memory_space<hbm>> -> memref<1x1x40x128xi32, #tpu.memory_space<hbm>>
      %dma_start3A_49 = tpu.memref_squeeze %dma_start3A_48 : memref<1x1x40x128xi32, #tpu.memory_space<hbm>> -> memref<40x128xi32, #tpu.memory_space<hbm>>
      tpu.enqueue_dma source(%dma_start3A_49 : memref<40x128xi32, #tpu.memory_space<hbm>>) target(%arg7 : memref<40x128xi32, #tpu.memory_space<vmem>>) target_semaphore(%run_scoped3A : memref<!tpu.dma_semaphore, #tpu.memory_space<semaphore_mem>>)
      %dma_wait3A = arith.constant 0 : i32
      %dma_wait3A_50 = arith.constant 0 : i32
      %dma_wait3A_51 = tpu.memref_slice %arg4[%arg0, %arg1, %dma_wait3A, %dma_wait3A_50] : memref<2x16x80x128xi32, #tpu.memory_space<hbm>> -> memref<1x1x40x128xi32, #tpu.memory_space<hbm>>
      %dma_wait3A_52 = tpu.memref_squeeze %dma_wait3A_51 : memref<1x1x40x128xi32, #tpu.memory_space<hbm>> -> memref<40x128xi32, #tpu.memory_space<hbm>>
      %dma_wait3A_53 = arith.constant 0 : i32
      %dma_wait3A_54 = arith.constant 0 : i32
      %dma_wait3A_55 = tpu.memref_slice %arg4[%arg0, %arg1, %dma_wait3A_53, %dma_wait3A_54] : memref<2x16x80x128xi32, #tpu.memory_space<hbm>> -> memref<1x1x40x128xi32, #tpu.memory_space<hbm>>
      %dma_wait3A_56 = tpu.memref_squeeze %dma_wait3A_55 : memref<1x1x40x128xi32, #tpu.memory_space<hbm>> -> memref<40x128xi32, #tpu.memory_space<hbm>>
      tpu.wait_dma2 semaphore(%run_scoped3A : memref<!tpu.dma_semaphore, #tpu.memory_space<semaphore_mem>>) src(%dma_wait3A_56 : memref<40x128xi32, #tpu.memory_space<hbm>>) dst(%arg7 : memref<40x128xi32, #tpu.memory_space<vmem>>)
      tpu.yield
    }) : () -> ()
    %dma_start3A = arith.constant 0 : i32
    %dma_start3A_9 = arith.constant 0 : i32
    %dma_start3A_10 = tpu.memref_slice %arg6[%dma_start3A, %dma_start3A_9] : memref<40x128xi32, #tpu.memory_space<vmem>> -> memref<1x128xi32, #tpu.memory_space<vmem>>
    %dma_start3A_11 = tpu.memref_squeeze %dma_start3A_10 : memref<1x128xi32, #tpu.memory_space<vmem>> -> memref<128xi32, #tpu.memory_space<vmem>>
    %dma_start3A_12 = arith.constant 0 : i32
    %dma_start3A_13 = arith.constant 0 : i32
    %dma_start3A_14 = tpu.memref_slice %arg2[%arg0, %dma_start3A_12, %dma_start3A_13] : memref<2x10240x128xf32, #tpu.memory_space<hbm>> -> memref<1x10240x128xf32, #tpu.memory_space<hbm>>
    %dma_start3A_15 = tpu.memref_squeeze %dma_start3A_14 : memref<1x10240x128xf32, #tpu.memory_space<hbm>> -> memref<10240x128xf32, #tpu.memory_space<hbm>>
    %dma_start3A_16 = arith.constant 0 : i32
    %dma_start3A_17 = arith.constant 0 : i32
    %dma_start3A_18 = tpu.memref_slice %dma_start3A_15[%dma_start3A_16, %dma_start3A_17] : memref<10240x128xf32, #tpu.memory_space<hbm>> -> memref<10240x128xf32, #tpu.memory_space<hbm>>
    tpu.enqueue_indirect_dma source(%dma_start3A_18 : memref<10240x128xf32, #tpu.memory_space<hbm>>) target(%arg8 : memref<128x128xf32, #tpu.memory_space<vmem>>) offsets(%dma_start3A_11 : memref<128xi32, #tpu.memory_space<vmem>>) semaphore(%arg11 : memref<!tpu.dma_semaphore, #tpu.memory_space<semaphore_mem>>)
    %scan3A_19 = arith.constant 0 : i32
    %scan3A_20 = arith.constant 20 : i32
    %scan3A_21 = arith.addi %scan3A_19, %scan3A_20 : i32
    %scan3A_22 = arith.constant 1 : i32
    scf.for %scan3A_42 = %scan3A_19 to %scan3A_21 step %scan3A_22  : i32 {
      %mul3A_43 = arith.constant 1 : i32
      %mul3A_44 = arith.muli %scan3A_42, %mul3A_43 : i32
      %add3A = arith.constant 0 : i32
      %add3A_45 = arith.addi %add3A, %mul3A_44 : i32
      %mul3A_46 = arith.constant 2 : i32
      %mul3A_47 = arith.muli %add3A_45, %mul3A_46 : i32
      %add3A_48 = arith.constant 1 : i32
      %add3A_49 = arith.addi %mul3A_47, %add3A_48 : i32
      %dma_start3A_50 = arith.constant 0 : i32
      %dma_start3A_51 = tpu.memref_slice %arg6[%add3A_49, %dma_start3A_50] : memref<40x128xi32, #tpu.memory_space<vmem>> -> memref<1x128xi32, #tpu.memory_space<vmem>>
      %dma_start3A_52 = tpu.memref_squeeze %dma_start3A_51 : memref<1x128xi32, #tpu.memory_space<vmem>> -> memref<128xi32, #tpu.memory_space<vmem>>
      %dma_start3A_53 = arith.constant 0 : i32
      %dma_start3A_54 = arith.constant 0 : i32
      %dma_start3A_55 = tpu.memref_slice %arg2[%arg0, %dma_start3A_53, %dma_start3A_54] : memref<2x10240x128xf32, #tpu.memory_space<hbm>> -> memref<1x10240x128xf32, #tpu.memory_space<hbm>>
      %dma_start3A_56 = tpu.memref_squeeze %dma_start3A_55 : memref<1x10240x128xf32, #tpu.memory_space<hbm>> -> memref<10240x128xf32, #tpu.memory_space<hbm>>
      %dma_start3A_57 = arith.constant 0 : i32
      %dma_start3A_58 = arith.constant 0 : i32
      %dma_start3A_59 = tpu.memref_slice %dma_start3A_56[%dma_start3A_57, %dma_start3A_58] : memref<10240x128xf32, #tpu.memory_space<hbm>> -> memref<10240x128xf32, #tpu.memory_space<hbm>>
      tpu.enqueue_indirect_dma source(%dma_start3A_59 : memref<10240x128xf32, #tpu.memory_space<hbm>>) target(%arg9 : memref<128x128xf32, #tpu.memory_space<vmem>>) offsets(%dma_start3A_52 : memref<128xi32, #tpu.memory_space<vmem>>) semaphore(%arg12 : memref<!tpu.dma_semaphore, #tpu.memory_space<semaphore_mem>>)
      %dma_wait3A = arith.constant 0 : i32
      %dma_wait3A_60 = tpu.memref_slice %arg6[%mul3A_47, %dma_wait3A] : memref<40x128xi32, #tpu.memory_space<vmem>> -> memref<1x128xi32, #tpu.memory_space<vmem>>
      %dma_wait3A_61 = tpu.memref_squeeze %dma_wait3A_60 : memref<1x128xi32, #tpu.memory_space<vmem>> -> memref<128xi32, #tpu.memory_space<vmem>>
      %dma_wait3A_62 = arith.constant 0 : i32
      %dma_wait3A_63 = arith.constant 0 : i32
      %dma_wait3A_64 = tpu.memref_slice %arg2[%arg0, %dma_wait3A_62, %dma_wait3A_63] : memref<2x10240x128xf32, #tpu.memory_space<hbm>> -> memref<1x10240x128xf32, #tpu.memory_space<hbm>>
      %dma_wait3A_65 = tpu.memref_squeeze %dma_wait3A_64 : memref<1x10240x128xf32, #tpu.memory_space<hbm>> -> memref<10240x128xf32, #tpu.memory_space<hbm>>
      %dma_wait3A_66 = arith.constant 0 : i32
      %dma_wait3A_67 = arith.constant 0 : i32
      %dma_wait3A_68 = tpu.memref_slice %dma_wait3A_65[%dma_wait3A_66, %dma_wait3A_67] : memref<10240x128xf32, #tpu.memory_space<hbm>> -> memref<10240x128xf32, #tpu.memory_space<hbm>>
      tpu.wait_indirect_dma semaphore(%arg11 : memref<!tpu.dma_semaphore, #tpu.memory_space<semaphore_mem>>) src(%dma_wait3A_68 : memref<10240x128xf32, #tpu.memory_space<hbm>>) dst(%arg8 : memref<128x128xf32, #tpu.memory_space<vmem>>)
      "tpu.region"() ({
        %run_scoped3A = tpu.sem_alloc : memref<!tpu.dma_semaphore, #tpu.memory_space<semaphore_mem>>
        %dma_start3A_87 = arith.constant 0 : i32
        %dma_start3A_88 = tpu.memref_slice %arg7[%mul3A_47, %dma_start3A_87] : memref<40x128xi32, #tpu.memory_space<vmem>> -> memref<1x128xi32, #tpu.memory_space<vmem>>
        %dma_start3A_89 = tpu.memref_squeeze %dma_start3A_88 : memref<1x128xi32, #tpu.memory_space<vmem>> -> memref<128xi32, #tpu.memory_space<vmem>>
        %dma_start3A_90 = arith.constant 0 : i32
        %dma_start3A_91 = arith.constant 0 : i32
        %dma_start3A_92 = tpu.memref_slice %arg10[%dma_start3A_90, %dma_start3A_91] : memref<10240x128xf32, #tpu.memory_space<vmem_shared>> -> memref<10240x128xf32, #tpu.memory_space<vmem_shared>>
        tpu.enqueue_indirect_dma source(%arg8 : memref<128x128xf32, #tpu.memory_space<vmem>>) target(%dma_start3A_92 : memref<10240x128xf32, #tpu.memory_space<vmem_shared>>) offsets(%dma_start3A_89 : memref<128xi32, #tpu.memory_space<vmem>>) semaphore(%run_scoped3A : memref<!tpu.dma_semaphore, #tpu.memory_space<semaphore_mem>>) {add = true}
        %dma_wait3A_93 = arith.constant 0 : i32
        %dma_wait3A_94 = tpu.memref_slice %arg7[%mul3A_47, %dma_wait3A_93] : memref<40x128xi32, #tpu.memory_space<vmem>> -> memref<1x128xi32, #tpu.memory_space<vmem>>
        %dma_wait3A_95 = tpu.memref_squeeze %dma_wait3A_94 : memref<1x128xi32, #tpu.memory_space<vmem>> -> memref<128xi32, #tpu.memory_space<vmem>>
        %dma_wait3A_96 = arith.constant 0 : i32
        %dma_wait3A_97 = arith.constant 0 : i32
        %dma_wait3A_98 = tpu.memref_slice %arg10[%dma_wait3A_96, %dma_wait3A_97] : memref<10240x128xf32, #tpu.memory_space<vmem_shared>> -> memref<10240x128xf32, #tpu.memory_space<vmem_shared>>
        tpu.wait_indirect_dma semaphore(%run_scoped3A : memref<!tpu.dma_semaphore, #tpu.memory_space<semaphore_mem>>) src(%arg8 : memref<128x128xf32, #tpu.memory_space<vmem>>) dst(%dma_wait3A_98 : memref<10240x128xf32, #tpu.memory_space<vmem_shared>>)
        tpu.yield
      }) : () -> ()
      %add3A_69 = arith.constant 2 : i32
      %add3A_70 = arith.addi %mul3A_47, %add3A_69 : i32
      %lt3A = arith.constant 40 : i32
      %lt3A_71 = arith.cmpi slt, %add3A_70, %lt3A : i32
      %convert_element_type3A = arith.extui %lt3A_71 : i1 to i32
      %cond3A = arith.constant 0 : i32
      %cond3A_72 = arith.cmpi ne, %convert_element_type3A, %cond3A : i32
      scf.if %cond3A_72 {
        %add3A_87 = arith.constant 2 : i32
        %add3A_88 = arith.addi %mul3A_47, %add3A_87 : i32
        %dma_start3A_89 = arith.constant 0 : i32
        %dma_start3A_90 = tpu.memref_slice %arg6[%add3A_88, %dma_start3A_89] : memref<40x128xi32, #tpu.memory_space<vmem>> -> memref<1x128xi32, #tpu.memory_space<vmem>>
        %dma_start3A_91 = tpu.memref_squeeze %dma_start3A_90 : memref<1x128xi32, #tpu.memory_space<vmem>> -> memref<128xi32, #tpu.memory_space<vmem>>
        %dma_start3A_92 = arith.constant 0 : i32
        %dma_start3A_93 = arith.constant 0 : i32
        %dma_start3A_94 = tpu.memref_slice %arg2[%arg0, %dma_start3A_92, %dma_start3A_93] : memref<2x10240x128xf32, #tpu.memory_space<hbm>> -> memref<1x10240x128xf32, #tpu.memory_space<hbm>>
        %dma_start3A_95 = tpu.memref_squeeze %dma_start3A_94 : memref<1x10240x128xf32, #tpu.memory_space<hbm>> -> memref<10240x128xf32, #tpu.memory_space<hbm>>
        %dma_start3A_96 = arith.constant 0 : i32
        %dma_start3A_97 = arith.constant 0 : i32
        %dma_start3A_98 = tpu.memref_slice %dma_start3A_95[%dma_start3A_96, %dma_start3A_97] : memref<10240x128xf32, #tpu.memory_space<hbm>> -> memref<10240x128xf32, #tpu.memory_space<hbm>>
        tpu.enqueue_indirect_dma source(%dma_start3A_98 : memref<10240x128xf32, #tpu.memory_space<hbm>>) target(%arg8 : memref<128x128xf32, #tpu.memory_space<vmem>>) offsets(%dma_start3A_91 : memref<128xi32, #tpu.memory_space<vmem>>) semaphore(%arg11 : memref<!tpu.dma_semaphore, #tpu.memory_space<semaphore_mem>>)
      } else {
      }
      %add3A_73 = arith.constant 1 : i32
      %add3A_74 = arith.addi %mul3A_47, %add3A_73 : i32
      %dma_wait3A_75 = arith.constant 0 : i32
      %dma_wait3A_76 = tpu.memref_slice %arg6[%add3A_74, %dma_wait3A_75] : memref<40x128xi32, #tpu.memory_space<vmem>> -> memref<1x128xi32, #tpu.memory_space<vmem>>
      %dma_wait3A_77 = tpu.memref_squeeze %dma_wait3A_76 : memref<1x128xi32, #tpu.memory_space<vmem>> -> memref<128xi32, #tpu.memory_space<vmem>>
      %dma_wait3A_78 = arith.constant 0 : i32
      %dma_wait3A_79 = arith.constant 0 : i32
      %dma_wait3A_80 = tpu.memref_slice %arg2[%arg0, %dma_wait3A_78, %dma_wait3A_79] : memref<2x10240x128xf32, #tpu.memory_space<hbm>> -> memref<1x10240x128xf32, #tpu.memory_space<hbm>>
      %dma_wait3A_81 = tpu.memref_squeeze %dma_wait3A_80 : memref<1x10240x128xf32, #tpu.memory_space<hbm>> -> memref<10240x128xf32, #tpu.memory_space<hbm>>
      %dma_wait3A_82 = arith.constant 0 : i32
      %dma_wait3A_83 = arith.constant 0 : i32
      %dma_wait3A_84 = tpu.memref_slice %dma_wait3A_81[%dma_wait3A_82, %dma_wait3A_83] : memref<10240x128xf32, #tpu.memory_space<hbm>> -> memref<10240x128xf32, #tpu.memory_space<hbm>>
      tpu.wait_indirect_dma semaphore(%arg12 : memref<!tpu.dma_semaphore, #tpu.memory_space<semaphore_mem>>) src(%dma_wait3A_84 : memref<10240x128xf32, #tpu.memory_space<hbm>>) dst(%arg9 : memref<128x128xf32, #tpu.memory_space<vmem>>)
      %add3A_85 = arith.constant 1 : i32
      %add3A_86 = arith.addi %mul3A_47, %add3A_85 : i32
      "tpu.region"() ({
        %run_scoped3A = tpu.sem_alloc : memref<!tpu.dma_semaphore, #tpu.memory_space<semaphore_mem>>
        %dma_start3A_87 = arith.constant 0 : i32
        %dma_start3A_88 = tpu.memref_slice %arg7[%add3A_86, %dma_start3A_87] : memref<40x128xi32, #tpu.memory_space<vmem>> -> memref<1x128xi32, #tpu.memory_space<vmem>>
        %dma_start3A_89 = tpu.memref_squeeze %dma_start3A_88 : memref<1x128xi32, #tpu.memory_space<vmem>> -> memref<128xi32, #tpu.memory_space<vmem>>
        %dma_start3A_90 = arith.constant 0 : i32
        %dma_start3A_91 = arith.constant 0 : i32
        %dma_start3A_92 = tpu.memref_slice %arg10[%dma_start3A_90, %dma_start3A_91] : memref<10240x128xf32, #tpu.memory_space<vmem_shared>> -> memref<10240x128xf32, #tpu.memory_space<vmem_shared>>
        tpu.enqueue_indirect_dma source(%arg9 : memref<128x128xf32, #tpu.memory_space<vmem>>) target(%dma_start3A_92 : memref<10240x128xf32, #tpu.memory_space<vmem_shared>>) offsets(%dma_start3A_89 : memref<128xi32, #tpu.memory_space<vmem>>) semaphore(%run_scoped3A : memref<!tpu.dma_semaphore, #tpu.memory_space<semaphore_mem>>) {add = true}
        %dma_wait3A_93 = arith.constant 0 : i32
        %dma_wait3A_94 = tpu.memref_slice %arg7[%add3A_86, %dma_wait3A_93] : memref<40x128xi32, #tpu.memory_space<vmem>> -> memref<1x128xi32, #tpu.memory_space<vmem>>
        %dma_wait3A_95 = tpu.memref_squeeze %dma_wait3A_94 : memref<1x128xi32, #tpu.memory_space<vmem>> -> memref<128xi32, #tpu.memory_space<vmem>>
        %dma_wait3A_96 = arith.constant 0 : i32
        %dma_wait3A_97 = arith.constant 0 : i32
        %dma_wait3A_98 = tpu.memref_slice %arg10[%dma_wait3A_96, %dma_wait3A_97] : memref<10240x128xf32, #tpu.memory_space<vmem_shared>> -> memref<10240x128xf32, #tpu.memory_space<vmem_shared>>
        tpu.wait_indirect_dma semaphore(%run_scoped3A : memref<!tpu.dma_semaphore, #tpu.memory_space<semaphore_mem>>) src(%arg9 : memref<128x128xf32, #tpu.memory_space<vmem>>) dst(%dma_wait3A_98 : memref<10240x128xf32, #tpu.memory_space<vmem_shared>>)
        tpu.yield
      }) : () -> ()
    }
    %scan3A_23 = arith.constant 20 : i32
    "tpu.region"() ({
      %run_scoped3A = tpu.sem_alloc : memref<!tpu.dma_semaphore, #tpu.memory_space<semaphore_mem>>
      %dma_start3A_42 = arith.constant 40 : i32
      %dma_start3A_43 = arith.constant 0 : i32
      %dma_start3A_44 = tpu.memref_slice %arg3[%arg0, %arg1, %dma_start3A_42, %dma_start3A_43] : memref<2x16x80x128xi32, #tpu.memory_space<hbm>> -> memref<1x1x40x128xi32, #tpu.memory_space<hbm>>
      %dma_start3A_45 = tpu.memref_squeeze %dma_start3A_44 : memref<1x1x40x128xi32, #tpu.memory_space<hbm>> -> memref<40x128xi32, #tpu.memory_space<hbm>>
      %dma_start3A_46 = arith.constant 40 : i32
      %dma_start3A_47 = arith.constant 0 : i32
      %dma_start3A_48 = tpu.memref_slice %arg3[%arg0, %arg1, %dma_start3A_46, %dma_start3A_47] : memref<2x16x80x128xi32, #tpu.memory_space<hbm>> -> memref<1x1x40x128xi32, #tpu.memory_space<hbm>>
      %dma_start3A_49 = tpu.memref_squeeze %dma_start3A_48 : memref<1x1x40x128xi32, #tpu.memory_space<hbm>> -> memref<40x128xi32, #tpu.memory_space<hbm>>
      tpu.enqueue_dma source(%dma_start3A_49 : memref<40x128xi32, #tpu.memory_space<hbm>>) target(%arg6 : memref<40x128xi32, #tpu.memory_space<vmem>>) target_semaphore(%run_scoped3A : memref<!tpu.dma_semaphore, #tpu.memory_space<semaphore_mem>>)
      %dma_wait3A = arith.constant 40 : i32
      %dma_wait3A_50 = arith.constant 0 : i32
      %dma_wait3A_51 = tpu.memref_slice %arg3[%arg0, %arg1, %dma_wait3A, %dma_wait3A_50] : memref<2x16x80x128xi32, #tpu.memory_space<hbm>> -> memref<1x1x40x128xi32, #tpu.memory_space<hbm>>
      %dma_wait3A_52 = tpu.memref_squeeze %dma_wait3A_51 : memref<1x1x40x128xi32, #tpu.memory_space<hbm>> -> memref<40x128xi32, #tpu.memory_space<hbm>>
      %dma_wait3A_53 = arith.constant 40 : i32
      %dma_wait3A_54 = arith.constant 0 : i32
      %dma_wait3A_55 = tpu.memref_slice %arg3[%arg0, %arg1, %dma_wait3A_53, %dma_wait3A_54] : memref<2x16x80x128xi32, #tpu.memory_space<hbm>> -> memref<1x1x40x128xi32, #tpu.memory_space<hbm>>
      %dma_wait3A_56 = tpu.memref_squeeze %dma_wait3A_55 : memref<1x1x40x128xi32, #tpu.memory_space<hbm>> -> memref<40x128xi32, #tpu.memory_space<hbm>>
      tpu.wait_dma2 semaphore(%run_scoped3A : memref<!tpu.dma_semaphore, #tpu.memory_space<semaphore_mem>>) src(%dma_wait3A_56 : memref<40x128xi32, #tpu.memory_space<hbm>>) dst(%arg6 : memref<40x128xi32, #tpu.memory_space<vmem>>)
      tpu.yield
    }) : () -> ()
    "tpu.region"() ({
      %run_scoped3A = tpu.sem_alloc : memref<!tpu.dma_semaphore, #tpu.memory_space<semaphore_mem>>
      %dma_start3A_42 = arith.constant 40 : i32
      %dma_start3A_43 = arith.constant 0 : i32
      %dma_start3A_44 = tpu.memref_slice %arg4[%arg0, %arg1, %dma_start3A_42, %dma_start3A_43] : memref<2x16x80x128xi32, #tpu.memory_space<hbm>> -> memref<1x1x40x128xi32, #tpu.memory_space<hbm>>
      %dma_start3A_45 = tpu.memref_squeeze %dma_start3A_44 : memref<1x1x40x128xi32, #tpu.memory_space<hbm>> -> memref<40x128xi32, #tpu.memory_space<hbm>>
      %dma_start3A_46 = arith.constant 40 : i32
      %dma_start3A_47 = arith.constant 0 : i32
      %dma_start3A_48 = tpu.memref_slice %arg4[%arg0, %arg1, %dma_start3A_46, %dma_start3A_47] : memref<2x16x80x128xi32, #tpu.memory_space<hbm>> -> memref<1x1x40x128xi32, #tpu.memory_space<hbm>>
      %dma_start3A_49 = tpu.memref_squeeze %dma_start3A_48 : memref<1x1x40x128xi32, #tpu.memory_space<hbm>> -> memref<40x128xi32, #tpu.memory_space<hbm>>
      tpu.enqueue_dma source(%dma_start3A_49 : memref<40x128xi32, #tpu.memory_space<hbm>>) target(%arg7 : memref<40x128xi32, #tpu.memory_space<vmem>>) target_semaphore(%run_scoped3A : memref<!tpu.dma_semaphore, #tpu.memory_space<semaphore_mem>>)
      %dma_wait3A = arith.constant 40 : i32
      %dma_wait3A_50 = arith.constant 0 : i32
      %dma_wait3A_51 = tpu.memref_slice %arg4[%arg0, %arg1, %dma_wait3A, %dma_wait3A_50] : memref<2x16x80x128xi32, #tpu.memory_space<hbm>> -> memref<1x1x40x128xi32, #tpu.memory_space<hbm>>
      %dma_wait3A_52 = tpu.memref_squeeze %dma_wait3A_51 : memref<1x1x40x128xi32, #tpu.memory_space<hbm>> -> memref<40x128xi32, #tpu.memory_space<hbm>>
      %dma_wait3A_53 = arith.constant 40 : i32
      %dma_wait3A_54 = arith.constant 0 : i32
      %dma_wait3A_55 = tpu.memref_slice %arg4[%arg0, %arg1, %dma_wait3A_53, %dma_wait3A_54] : memref<2x16x80x128xi32, #tpu.memory_space<hbm>> -> memref<1x1x40x128xi32, #tpu.memory_space<hbm>>
      %dma_wait3A_56 = tpu.memref_squeeze %dma_wait3A_55 : memref<1x1x40x128xi32, #tpu.memory_space<hbm>> -> memref<40x128xi32, #tpu.memory_space<hbm>>
      tpu.wait_dma2 semaphore(%run_scoped3A : memref<!tpu.dma_semaphore, #tpu.memory_space<semaphore_mem>>) src(%dma_wait3A_56 : memref<40x128xi32, #tpu.memory_space<hbm>>) dst(%arg7 : memref<40x128xi32, #tpu.memory_space<vmem>>)
      tpu.yield
    }) : () -> ()
    %dma_start3A_24 = arith.constant 0 : i32
    %dma_start3A_25 = arith.constant 0 : i32
    %dma_start3A_26 = tpu.memref_slice %arg6[%dma_start3A_24, %dma_start3A_25] : memref<40x128xi32, #tpu.memory_space<vmem>> -> memref<1x128xi32, #tpu.memory_space<vmem>>
    %dma_start3A_27 = tpu.memref_squeeze %dma_start3A_26 : memref<1x128xi32, #tpu.memory_space<vmem>> -> memref<128xi32, #tpu.memory_space<vmem>>
    %dma_start3A_28 = arith.constant 0 : i32
    %dma_start3A_29 = arith.constant 0 : i32
    %dma_start3A_30 = tpu.memref_slice %arg2[%arg0, %dma_start3A_28, %dma_start3A_29] : memref<2x10240x128xf32, #tpu.memory_space<hbm>> -> memref<1x10240x128xf32, #tpu.memory_space<hbm>>
    %dma_start3A_31 = tpu.memref_squeeze %dma_start3A_30 : memref<1x10240x128xf32, #tpu.memory_space<hbm>> -> memref<10240x128xf32, #tpu.memory_space<hbm>>
    %dma_start3A_32 = arith.constant 0 : i32
    %dma_start3A_33 = arith.constant 0 : i32
    %dma_start3A_34 = tpu.memref_slice %dma_start3A_31[%dma_start3A_32, %dma_start3A_33] : memref<10240x128xf32, #tpu.memory_space<hbm>> -> memref<10240x128xf32, #tpu.memory_space<hbm>>
    tpu.enqueue_indirect_dma source(%dma_start3A_34 : memref<10240x128xf32, #tpu.memory_space<hbm>>) target(%arg8 : memref<128x128xf32, #tpu.memory_space<vmem>>) offsets(%dma_start3A_27 : memref<128xi32, #tpu.memory_space<vmem>>) semaphore(%arg11 : memref<!tpu.dma_semaphore, #tpu.memory_space<semaphore_mem>>)
    %scan3A_35 = arith.constant 0 : i32
    %scan3A_36 = arith.constant 20 : i32
    %scan3A_37 = arith.addi %scan3A_35, %scan3A_36 : i32
    %scan3A_38 = arith.constant 1 : i32
    scf.for %scan3A_42 = %scan3A_35 to %scan3A_37 step %scan3A_38  : i32 {
      %mul3A_43 = arith.constant 1 : i32
      %mul3A_44 = arith.muli %scan3A_42, %mul3A_43 : i32
      %add3A = arith.constant 0 : i32
      %add3A_45 = arith.addi %add3A, %mul3A_44 : i32
      %mul3A_46 = arith.constant 2 : i32
      %mul3A_47 = arith.muli %add3A_45, %mul3A_46 : i32
      %add3A_48 = arith.constant 1 : i32
      %add3A_49 = arith.addi %mul3A_47, %add3A_48 : i32
      %dma_start3A_50 = arith.constant 0 : i32
      %dma_start3A_51 = tpu.memref_slice %arg6[%add3A_49, %dma_start3A_50] : memref<40x128xi32, #tpu.memory_space<vmem>> -> memref<1x128xi32, #tpu.memory_space<vmem>>
      %dma_start3A_52 = tpu.memref_squeeze %dma_start3A_51 : memref<1x128xi32, #tpu.memory_space<vmem>> -> memref<128xi32, #tpu.memory_space<vmem>>
      %dma_start3A_53 = arith.constant 0 : i32
      %dma_start3A_54 = arith.constant 0 : i32
      %dma_start3A_55 = tpu.memref_slice %arg2[%arg0, %dma_start3A_53, %dma_start3A_54] : memref<2x10240x128xf32, #tpu.memory_space<hbm>> -> memref<1x10240x128xf32, #tpu.memory_space<hbm>>
      %dma_start3A_56 = tpu.memref_squeeze %dma_start3A_55 : memref<1x10240x128xf32, #tpu.memory_space<hbm>> -> memref<10240x128xf32, #tpu.memory_space<hbm>>
      %dma_start3A_57 = arith.constant 0 : i32
      %dma_start3A_58 = arith.constant 0 : i32
      %dma_start3A_59 = tpu.memref_slice %dma_start3A_56[%dma_start3A_57, %dma_start3A_58] : memref<10240x128xf32, #tpu.memory_space<hbm>> -> memref<10240x128xf32, #tpu.memory_space<hbm>>
      tpu.enqueue_indirect_dma source(%dma_start3A_59 : memref<10240x128xf32, #tpu.memory_space<hbm>>) target(%arg9 : memref<128x128xf32, #tpu.memory_space<vmem>>) offsets(%dma_start3A_52 : memref<128xi32, #tpu.memory_space<vmem>>) semaphore(%arg12 : memref<!tpu.dma_semaphore, #tpu.memory_space<semaphore_mem>>)
      %dma_wait3A = arith.constant 0 : i32
      %dma_wait3A_60 = tpu.memref_slice %arg6[%mul3A_47, %dma_wait3A] : memref<40x128xi32, #tpu.memory_space<vmem>> -> memref<1x128xi32, #tpu.memory_space<vmem>>
      %dma_wait3A_61 = tpu.memref_squeeze %dma_wait3A_60 : memref<1x128xi32, #tpu.memory_space<vmem>> -> memref<128xi32, #tpu.memory_space<vmem>>
      %dma_wait3A_62 = arith.constant 0 : i32
      %dma_wait3A_63 = arith.constant 0 : i32
      %dma_wait3A_64 = tpu.memref_slice %arg2[%arg0, %dma_wait3A_62, %dma_wait3A_63] : memref<2x10240x128xf32, #tpu.memory_space<hbm>> -> memref<1x10240x128xf32, #tpu.memory_space<hbm>>
      %dma_wait3A_65 = tpu.memref_squeeze %dma_wait3A_64 : memref<1x10240x128xf32, #tpu.memory_space<hbm>> -> memref<10240x128xf32, #tpu.memory_space<hbm>>
      %dma_wait3A_66 = arith.constant 0 : i32
      %dma_wait3A_67 = arith.constant 0 : i32
      %dma_wait3A_68 = tpu.memref_slice %dma_wait3A_65[%dma_wait3A_66, %dma_wait3A_67] : memref<10240x128xf32, #tpu.memory_space<hbm>> -> memref<10240x128xf32, #tpu.memory_space<hbm>>
      tpu.wait_indirect_dma semaphore(%arg11 : memref<!tpu.dma_semaphore, #tpu.memory_space<semaphore_mem>>) src(%dma_wait3A_68 : memref<10240x128xf32, #tpu.memory_space<hbm>>) dst(%arg8 : memref<128x128xf32, #tpu.memory_space<vmem>>)
      "tpu.region"() ({
        %run_scoped3A = tpu.sem_alloc : memref<!tpu.dma_semaphore, #tpu.memory_space<semaphore_mem>>
        %dma_start3A_87 = arith.constant 0 : i32
        %dma_start3A_88 = tpu.memref_slice %arg7[%mul3A_47, %dma_start3A_87] : memref<40x128xi32, #tpu.memory_space<vmem>> -> memref<1x128xi32, #tpu.memory_space<vmem>>
        %dma_start3A_89 = tpu.memref_squeeze %dma_start3A_88 : memref<1x128xi32, #tpu.memory_space<vmem>> -> memref<128xi32, #tpu.memory_space<vmem>>
        %dma_start3A_90 = arith.constant 0 : i32
        %dma_start3A_91 = arith.constant 0 : i32
        %dma_start3A_92 = tpu.memref_slice %arg10[%dma_start3A_90, %dma_start3A_91] : memref<10240x128xf32, #tpu.memory_space<vmem_shared>> -> memref<10240x128xf32, #tpu.memory_space<vmem_shared>>
        tpu.enqueue_indirect_dma source(%arg8 : memref<128x128xf32, #tpu.memory_space<vmem>>) target(%dma_start3A_92 : memref<10240x128xf32, #tpu.memory_space<vmem_shared>>) offsets(%dma_start3A_89 : memref<128xi32, #tpu.memory_space<vmem>>) semaphore(%run_scoped3A : memref<!tpu.dma_semaphore, #tpu.memory_space<semaphore_mem>>) {add = true}
        %dma_wait3A_93 = arith.constant 0 : i32
        %dma_wait3A_94 = tpu.memref_slice %arg7[%mul3A_47, %dma_wait3A_93] : memref<40x128xi32, #tpu.memory_space<vmem>> -> memref<1x128xi32, #tpu.memory_space<vmem>>
        %dma_wait3A_95 = tpu.memref_squeeze %dma_wait3A_94 : memref<1x128xi32, #tpu.memory_space<vmem>> -> memref<128xi32, #tpu.memory_space<vmem>>
        %dma_wait3A_96 = arith.constant 0 : i32
        %dma_wait3A_97 = arith.constant 0 : i32
        %dma_wait3A_98 = tpu.memref_slice %arg10[%dma_wait3A_96, %dma_wait3A_97] : memref<10240x128xf32, #tpu.memory_space<vmem_shared>> -> memref<10240x128xf32, #tpu.memory_space<vmem_shared>>
        tpu.wait_indirect_dma semaphore(%run_scoped3A : memref<!tpu.dma_semaphore, #tpu.memory_space<semaphore_mem>>) src(%arg8 : memref<128x128xf32, #tpu.memory_space<vmem>>) dst(%dma_wait3A_98 : memref<10240x128xf32, #tpu.memory_space<vmem_shared>>)
        tpu.yield
      }) : () -> ()
      %add3A_69 = arith.constant 2 : i32
      %add3A_70 = arith.addi %mul3A_47, %add3A_69 : i32
      %lt3A = arith.constant 40 : i32
      %lt3A_71 = arith.cmpi slt, %add3A_70, %lt3A : i32
      %convert_element_type3A = arith.extui %lt3A_71 : i1 to i32
      %cond3A = arith.constant 0 : i32
      %cond3A_72 = arith.cmpi ne, %convert_element_type3A, %cond3A : i32
      scf.if %cond3A_72 {
        %add3A_87 = arith.constant 2 : i32
        %add3A_88 = arith.addi %mul3A_47, %add3A_87 : i32
        %dma_start3A_89 = arith.constant 0 : i32
        %dma_start3A_90 = tpu.memref_slice %arg6[%add3A_88, %dma_start3A_89] : memref<40x128xi32, #tpu.memory_space<vmem>> -> memref<1x128xi32, #tpu.memory_space<vmem>>
        %dma_start3A_91 = tpu.memref_squeeze %dma_start3A_90 : memref<1x128xi32, #tpu.memory_space<vmem>> -> memref<128xi32, #tpu.memory_space<vmem>>
        %dma_start3A_92 = arith.constant 0 : i32
        %dma_start3A_93 = arith.constant 0 : i32
        %dma_start3A_94 = tpu.memref_slice %arg2[%arg0, %dma_start3A_92, %dma_start3A_93] : memref<2x10240x128xf32, #tpu.memory_space<hbm>> -> memref<1x10240x128xf32, #tpu.memory_space<hbm>>
        %dma_start3A_95 = tpu.memref_squeeze %dma_start3A_94 : memref<1x10240x128xf32, #tpu.memory_space<hbm>> -> memref<10240x128xf32, #tpu.memory_space<hbm>>
        %dma_start3A_96 = arith.constant 0 : i32
        %dma_start3A_97 = arith.constant 0 : i32
        %dma_start3A_98 = tpu.memref_slice %dma_start3A_95[%dma_start3A_96, %dma_start3A_97] : memref<10240x128xf32, #tpu.memory_space<hbm>> -> memref<10240x128xf32, #tpu.memory_space<hbm>>
        tpu.enqueue_indirect_dma source(%dma_start3A_98 : memref<10240x128xf32, #tpu.memory_space<hbm>>) target(%arg8 : memref<128x128xf32, #tpu.memory_space<vmem>>) offsets(%dma_start3A_91 : memref<128xi32, #tpu.memory_space<vmem>>) semaphore(%arg11 : memref<!tpu.dma_semaphore, #tpu.memory_space<semaphore_mem>>)
      } else {
      }
      %add3A_73 = arith.constant 1 : i32
      %add3A_74 = arith.addi %mul3A_47, %add3A_73 : i32
      %dma_wait3A_75 = arith.constant 0 : i32
      %dma_wait3A_76 = tpu.memref_slice %arg6[%add3A_74, %dma_wait3A_75] : memref<40x128xi32, #tpu.memory_space<vmem>> -> memref<1x128xi32, #tpu.memory_space<vmem>>
      %dma_wait3A_77 = tpu.memref_squeeze %dma_wait3A_76 : memref<1x128xi32, #tpu.memory_space<vmem>> -> memref<128xi32, #tpu.memory_space<vmem>>
      %dma_wait3A_78 = arith.constant 0 : i32
      %dma_wait3A_79 = arith.constant 0 : i32
      %dma_wait3A_80 = tpu.memref_slice %arg2[%arg0, %dma_wait3A_78, %dma_wait3A_79] : memref<2x10240x128xf32, #tpu.memory_space<hbm>> -> memref<1x10240x128xf32, #tpu.memory_space<hbm>>
      %dma_wait3A_81 = tpu.memref_squeeze %dma_wait3A_80 : memref<1x10240x128xf32, #tpu.memory_space<hbm>> -> memref<10240x128xf32, #tpu.memory_space<hbm>>
      %dma_wait3A_82 = arith.constant 0 : i32
      %dma_wait3A_83 = arith.constant 0 : i32
      %dma_wait3A_84 = tpu.memref_slice %dma_wait3A_81[%dma_wait3A_82, %dma_wait3A_83] : memref<10240x128xf32, #tpu.memory_space<hbm>> -> memref<10240x128xf32, #tpu.memory_space<hbm>>
      tpu.wait_indirect_dma semaphore(%arg12 : memref<!tpu.dma_semaphore, #tpu.memory_space<semaphore_mem>>) src(%dma_wait3A_84 : memref<10240x128xf32, #tpu.memory_space<hbm>>) dst(%arg9 : memref<128x128xf32, #tpu.memory_space<vmem>>)
      %add3A_85 = arith.constant 1 : i32
      %add3A_86 = arith.addi %mul3A_47, %add3A_85 : i32
      "tpu.region"() ({
        %run_scoped3A = tpu.sem_alloc : memref<!tpu.dma_semaphore, #tpu.memory_space<semaphore_mem>>
        %dma_start3A_87 = arith.constant 0 : i32
        %dma_start3A_88 = tpu.memref_slice %arg7[%add3A_86, %dma_start3A_87] : memref<40x128xi32, #tpu.memory_space<vmem>> -> memref<1x128xi32, #tpu.memory_space<vmem>>
        %dma_start3A_89 = tpu.memref_squeeze %dma_start3A_88 : memref<1x128xi32, #tpu.memory_space<vmem>> -> memref<128xi32, #tpu.memory_space<vmem>>
        %dma_start3A_90 = arith.constant 0 : i32
        %dma_start3A_91 = arith.constant 0 : i32
        %dma_start3A_92 = tpu.memref_slice %arg10[%dma_start3A_90, %dma_start3A_91] : memref<10240x128xf32, #tpu.memory_space<vmem_shared>> -> memref<10240x128xf32, #tpu.memory_space<vmem_shared>>
        tpu.enqueue_indirect_dma source(%arg9 : memref<128x128xf32, #tpu.memory_space<vmem>>) target(%dma_start3A_92 : memref<10240x128xf32, #tpu.memory_space<vmem_shared>>) offsets(%dma_start3A_89 : memref<128xi32, #tpu.memory_space<vmem>>) semaphore(%run_scoped3A : memref<!tpu.dma_semaphore, #tpu.memory_space<semaphore_mem>>) {add = true}
        %dma_wait3A_93 = arith.constant 0 : i32
        %dma_wait3A_94 = tpu.memref_slice %arg7[%add3A_86, %dma_wait3A_93] : memref<40x128xi32, #tpu.memory_space<vmem>> -> memref<1x128xi32, #tpu.memory_space<vmem>>
        %dma_wait3A_95 = tpu.memref_squeeze %dma_wait3A_94 : memref<1x128xi32, #tpu.memory_space<vmem>> -> memref<128xi32, #tpu.memory_space<vmem>>
        %dma_wait3A_96 = arith.constant 0 : i32
        %dma_wait3A_97 = arith.constant 0 : i32
        %dma_wait3A_98 = tpu.memref_slice %arg10[%dma_wait3A_96, %dma_wait3A_97] : memref<10240x128xf32, #tpu.memory_space<vmem_shared>> -> memref<10240x128xf32, #tpu.memory_space<vmem_shared>>
        tpu.wait_indirect_dma semaphore(%run_scoped3A : memref<!tpu.dma_semaphore, #tpu.memory_space<semaphore_mem>>) src(%arg9 : memref<128x128xf32, #tpu.memory_space<vmem>>) dst(%dma_wait3A_98 : memref<10240x128xf32, #tpu.memory_space<vmem_shared>>)
        tpu.yield
      }) : () -> ()
    }
    %scan3A_39 = arith.constant 20 : i32
    %barrier3A_40 = arith.constant 0 : index
    tpu.barrier barrier_id(%barrier3A_40)
    %mul3A = arith.constant 640 : i32
    %mul3A_41 = arith.muli %arg1, %mul3A : i32
    %multiple_of3A = tpu.assume_multiple %mul3A_41, 640 : i32
    "tpu.region"() ({
      %run_scoped3A = tpu.sem_alloc : memref<!tpu.dma_semaphore, #tpu.memory_space<semaphore_mem>>
      %dma_start3A_42 = arith.constant 0 : i32
      %dma_start3A_43 = tpu.memref_slice %arg5[%arg0, %multiple_of3A, %dma_start3A_42] : memref<2x10240x128xf32, #tpu.memory_space<hbm>> -> memref<1x640x128xf32, #tpu.memory_space<hbm>>
      %dma_start3A_44 = tpu.memref_squeeze %dma_start3A_43 : memref<1x640x128xf32, #tpu.memory_space<hbm>> -> memref<640x128xf32, #tpu.memory_space<hbm>>
      %dma_start3A_45 = arith.constant 0 : i32
      %dma_start3A_46 = tpu.memref_slice %arg10[%multiple_of3A, %dma_start3A_45] : memref<10240x128xf32, #tpu.memory_space<vmem_shared>> -> memref<640x128xf32, #tpu.memory_space<vmem_shared>>
      tpu.enqueue_dma source(%dma_start3A_46 : memref<640x128xf32, #tpu.memory_space<vmem_shared>>) target(%dma_start3A_44 : memref<640x128xf32, #tpu.memory_space<hbm>>) target_semaphore(%run_scoped3A : memref<!tpu.dma_semaphore, #tpu.memory_space<semaphore_mem>>)
      %dma_wait3A = arith.constant 0 : i32
      %dma_wait3A_47 = tpu.memref_slice %arg5[%arg0, %multiple_of3A, %dma_wait3A] : memref<2x10240x128xf32, #tpu.memory_space<hbm>> -> memref<1x640x128xf32, #tpu.memory_space<hbm>>
      %dma_wait3A_48 = tpu.memref_squeeze %dma_wait3A_47 : memref<1x640x128xf32, #tpu.memory_space<hbm>> -> memref<640x128xf32, #tpu.memory_space<hbm>>
      %dma_wait3A_49 = arith.constant 0 : i32
      %dma_wait3A_50 = tpu.memref_slice %arg10[%multiple_of3A, %dma_wait3A_49] : memref<10240x128xf32, #tpu.memory_space<vmem_shared>> -> memref<640x128xf32, #tpu.memory_space<vmem_shared>>
      tpu.wait_dma2 semaphore(%run_scoped3A : memref<!tpu.dma_semaphore, #tpu.memory_space<semaphore_mem>>) src(%dma_wait3A_50 : memref<640x128xf32, #tpu.memory_space<vmem_shared>>) dst(%dma_wait3A_48 : memref<640x128xf32, #tpu.memory_space<hbm>>)
      tpu.yield
    }) : () -> ()
    return
  }
}

#map = affine_map<(d0, d1) -> (0, 0, 0)>
#map1 = affine_map<(d0, d1) -> (0, 0, 0, 0)>
module attributes {stable_mosaic.version = 14 : i64} {
  func.func @sc_spmm(%arg0: i32, %arg1: i32, %arg2: memref<2x10240x128xf32, #tpu.memory_space<hbm>>, %arg3: memref<2x16x80x128xi32, #tpu.memory_space<hbm>>, %arg4: memref<2x16x80x128xi32, #tpu.memory_space<hbm>>, %arg5: memref<2x10240x128xf32, #tpu.memory_space<hbm>>, %arg6: memref<40x128xi32, #tpu.memory_space<vmem>>, %arg7: memref<40x128xi32, #tpu.memory_space<vmem>>, %arg8: memref<128x128xf32, #tpu.memory_space<vmem>>, %arg9: memref<128x128xf32, #tpu.memory_space<vmem>>, %arg10: memref<10240x128xf32, #tpu.memory_space<vmem_shared>>, %arg11: memref<!tpu.dma_semaphore, #tpu.memory_space<semaphore_mem>>, %arg12: memref<!tpu.dma_semaphore, #tpu.memory_space<semaphore_mem>>) attributes {dimension_semantics = [#tpu.dimension_semantics<core_parallel>, #tpu.dimension_semantics<subcore_parallel>], iteration_bounds = array<i64: 2, 16>, scalar_prefetch = 0 : i64, scratch_operands = 7 : i64, tpu.core_type = #tpu.core_type<sc_vector_subcore>, window_params = [{transform_indices = #map}, {transform_indices = #map1}, {transform_indices = #map1}, {transform_indices = #map}]} {
    %scan3A = arith.constant 0 : i32
    %scan3A_0 = arith.constant 128 : i32
    %scan3A_1 = arith.addi %scan3A, %scan3A_0 : i32
    %scan3A_2 = arith.constant 1 : i32
    scf.for %scan3A_42 = %scan3A to %scan3A_1 step %scan3A_2  : i32 {
      %mul3A_43 = arith.constant 1 : i32
      %mul3A_44 = arith.muli %scan3A_42, %mul3A_43 : i32
      %add3A = arith.constant 0 : i32
      %add3A_45 = arith.addi %add3A, %mul3A_44 : i32
      %broadcast_in_dim3A = arith.constant 0.000000e+00 : f32
      %broadcast_in_dim3A_46 = vector.broadcast %broadcast_in_dim3A : f32 to vector<16xf32>
      %swap3A = arith.index_cast %add3A_45 : i32 to index
      %swap3A_47 = arith.constant 0 : index
      %swap3A_48 = tpu.vector_load %arg8[%swap3A, %swap3A_47] {strides = array<i32>} : memref<128x128xf32, #tpu.memory_space<vmem>>, vector<1x16xf32>,
      %swap3A_49 = vector.shape_cast %swap3A_48 : vector<1x16xf32> to vector<16xf32>
      %swap3A_50 = vector.shape_cast %broadcast_in_dim3A_46 : vector<16xf32> to vector<1x16xf32>
      tpu.vector_store %arg8[%swap3A, %swap3A_47], %swap3A_50 {strides = array<i32>} : memref<128x128xf32, #tpu.memory_space<vmem>>, vector<1x16xf32>,
      %broadcast_in_dim3A_51 = arith.constant 0.000000e+00 : f32
      %broadcast_in_dim3A_52 = vector.broadcast %broadcast_in_dim3A_51 : f32 to vector<16xf32>
      %swap3A_53 = arith.index_cast %add3A_45 : i32 to index
      %swap3A_54 = arith.constant 16 : index
      %swap3A_55 = tpu.vector_load %arg8[%swap3A_53, %swap3A_54] {strides = array<i32>} : memref<128x128xf32, #tpu.memory_space<vmem>>, vector<1x16xf32>,
      %swap3A_56 = vector.shape_cast %swap3A_55 : vector<1x16xf32> to vector<16xf32>
      %swap3A_57 = vector.shape_cast %broadcast_in_dim3A_52 : vector<16xf32> to vector<1x16xf32>
      tpu.vector_store %arg8[%swap3A_53, %swap3A_54], %swap3A_57 {strides = array<i32>} : memref<128x128xf32, #tpu.memory_space<vmem>>, vector<1x16xf32>,
      %broadcast_in_dim3A_58 = arith.constant 0.000000e+00 : f32
      %broadcast_in_dim3A_59 = vector.broadcast %broadcast_in_dim3A_58 : f32 to vector<16xf32>
      %swap3A_60 = arith.index_cast %add3A_45 : i32 to index
      %swap3A_61 = arith.constant 32 : index
      %swap3A_62 = tpu.vector_load %arg8[%swap3A_60, %swap3A_61] {strides = array<i32>} : memref<128x128xf32, #tpu.memory_space<vmem>>, vector<1x16xf32>,
      %swap3A_63 = vector.shape_cast %swap3A_62 : vector<1x16xf32> to vector<16xf32>
      %swap3A_64 = vector.shape_cast %broadcast_in_dim3A_59 : vector<16xf32> to vector<1x16xf32>
      tpu.vector_store %arg8[%swap3A_60, %swap3A_61], %swap3A_64 {strides = array<i32>} : memref<128x128xf32, #tpu.memory_space<vmem>>, vector<1x16xf32>,
      %broadcast_in_dim3A_65 = arith.constant 0.000000e+00 : f32
      %broadcast_in_dim3A_66 = vector.broadcast %broadcast_in_dim3A_65 : f32 to vector<16xf32>
      %swap3A_67 = arith.index_cast %add3A_45 : i32 to index
      %swap3A_68 = arith.constant 48 : index
      %swap3A_69 = tpu.vector_load %arg8[%swap3A_67, %swap3A_68] {strides = array<i32>} : memref<128x128xf32, #tpu.memory_space<vmem>>, vector<1x16xf32>,
      %swap3A_70 = vector.shape_cast %swap3A_69 : vector<1x16xf32> to vector<16xf32>
      %swap3A_71 = vector.shape_cast %broadcast_in_dim3A_66 : vector<16xf32> to vector<1x16xf32>
      tpu.vector_store %arg8[%swap3A_67, %swap3A_68], %swap3A_71 {strides = array<i32>} : memref<128x128xf32, #tpu.memory_space<vmem>>, vector<1x16xf32>,
      %broadcast_in_dim3A_72 = arith.constant 0.000000e+00 : f32
      %broadcast_in_dim3A_73 = vector.broadcast %broadcast_in_dim3A_72 : f32 to vector<16xf32>
      %swap3A_74 = arith.index_cast %add3A_45 : i32 to index
      %swap3A_75 = arith.constant 64 : index
      %swap3A_76 = tpu.vector_load %arg8[%swap3A_74, %swap3A_75] {strides = array<i32>} : memref<128x128xf32, #tpu.memory_space<vmem>>, vector<1x16xf32>,
      %swap3A_77 = vector.shape_cast %swap3A_76 : vector<1x16xf32> to vector<16xf32>
      %swap3A_78 = vector.shape_cast %broadcast_in_dim3A_73 : vector<16xf32> to vector<1x16xf32>
      tpu.vector_store %arg8[%swap3A_74, %swap3A_75], %swap3A_78 {strides = array<i32>} : memref<128x128xf32, #tpu.memory_space<vmem>>, vector<1x16xf32>,
      %broadcast_in_dim3A_79 = arith.constant 0.000000e+00 : f32
      %broadcast_in_dim3A_80 = vector.broadcast %broadcast_in_dim3A_79 : f32 to vector<16xf32>
      %swap3A_81 = arith.index_cast %add3A_45 : i32 to index
      %swap3A_82 = arith.constant 80 : index
      %swap3A_83 = tpu.vector_load %arg8[%swap3A_81, %swap3A_82] {strides = array<i32>} : memref<128x128xf32, #tpu.memory_space<vmem>>, vector<1x16xf32>,
      %swap3A_84 = vector.shape_cast %swap3A_83 : vector<1x16xf32> to vector<16xf32>
      %swap3A_85 = vector.shape_cast %broadcast_in_dim3A_80 : vector<16xf32> to vector<1x16xf32>
      tpu.vector_store %arg8[%swap3A_81, %swap3A_82], %swap3A_85 {strides = array<i32>} : memref<128x128xf32, #tpu.memory_space<vmem>>, vector<1x16xf32>,
      %broadcast_in_dim3A_86 = arith.constant 0.000000e+00 : f32
      %broadcast_in_dim3A_87 = vector.broadcast %broadcast_in_dim3A_86 : f32 to vector<16xf32>
      %swap3A_88 = arith.index_cast %add3A_45 : i32 to index
      %swap3A_89 = arith.constant 96 : index
      %swap3A_90 = tpu.vector_load %arg8[%swap3A_88, %swap3A_89] {strides = array<i32>} : memref<128x128xf32, #tpu.memory_space<vmem>>, vector<1x16xf32>,
      %swap3A_91 = vector.shape_cast %swap3A_90 : vector<1x16xf32> to vector<16xf32>
      %swap3A_92 = vector.shape_cast %broadcast_in_dim3A_87 : vector<16xf32> to vector<1x16xf32>
      tpu.vector_store %arg8[%swap3A_88, %swap3A_89], %swap3A_92 {strides = array<i32>} : memref<128x128xf32, #tpu.memory_space<vmem>>, vector<1x16xf32>,
      %broadcast_in_dim3A_93 = arith.constant 0.000000e+00 : f32
      %broadcast_in_dim3A_94 = vector.broadcast %broadcast_in_dim3A_93 : f32 to vector<16xf32>
      %swap3A_95 = arith.index_cast %add3A_45 : i32 to index
      %swap3A_96 = arith.constant 112 : index
      %swap3A_97 = tpu.vector_load %arg8[%swap3A_95, %swap3A_96] {strides = array<i32>} : memref<128x128xf32, #tpu.memory_space<vmem>>, vector<1x16xf32>,
      %swap3A_98 = vector.shape_cast %swap3A_97 : vector<1x16xf32> to vector<16xf32>
      %swap3A_99 = vector.shape_cast %broadcast_in_dim3A_94 : vector<16xf32> to vector<1x16xf32>
      tpu.vector_store %arg8[%swap3A_95, %swap3A_96], %swap3A_99 {strides = array<i32>} : memref<128x128xf32, #tpu.memory_space<vmem>>, vector<1x16xf32>,
    }
    %scan3A_3 = arith.constant 128 : i32
    %scan3A_4 = arith.constant 0 : i32
    %scan3A_5 = arith.constant 5 : i32
    %scan3A_6 = arith.addi %scan3A_4, %scan3A_5 : i32
    %scan3A_7 = arith.constant 1 : i32
    scf.for %scan3A_42 = %scan3A_4 to %scan3A_6 step %scan3A_7  : i32 {
      %mul3A_43 = arith.constant 1 : i32
      %mul3A_44 = arith.muli %scan3A_42, %mul3A_43 : i32
      %add3A = arith.constant 0 : i32
      %add3A_45 = arith.addi %add3A, %mul3A_44 : i32
      %mul3A_46 = arith.constant 5 : i32
      %mul3A_47 = arith.muli %arg1, %mul3A_46 : i32
      %add3A_48 = arith.addi %mul3A_47, %add3A_45 : i32
      %mul3A_49 = arith.constant 128 : i32
      %mul3A_50 = arith.muli %add3A_48, %mul3A_49 : i32
      %multiple_of3A_51 = tpu.assume_multiple %mul3A_50, 128 : i32
      "tpu.region"() ({
        %run_scoped3A = tpu.sem_alloc : memref<!tpu.dma_semaphore, #tpu.memory_space<semaphore_mem>>
        %dma_start3A_52 = arith.constant 0 : i32
        %dma_start3A_53 = tpu.memref_slice %arg10[%multiple_of3A_51, %dma_start3A_52] : memref<10240x128xf32, #tpu.memory_space<vmem_shared>> -> memref<128x128xf32, #tpu.memory_space<vmem_shared>>
        %dma_start3A_54 = arith.constant 0 : i32
        %dma_start3A_55 = tpu.memref_slice %arg10[%multiple_of3A_51, %dma_start3A_54] : memref<10240x128xf32, #tpu.memory_space<vmem_shared>> -> memref<128x128xf32, #tpu.memory_space<vmem_shared>>
        tpu.enqueue_dma source(%arg8 : memref<128x128xf32, #tpu.memory_space<vmem>>) target(%dma_start3A_55 : memref<128x128xf32, #tpu.memory_space<vmem_shared>>) target_semaphore(%run_scoped3A : memref<!tpu.dma_semaphore, #tpu.memory_space<semaphore_mem>>)
        %dma_wait3A = arith.constant 0 : i32
        %dma_wait3A_56 = tpu.memref_slice %arg10[%multiple_of3A_51, %dma_wait3A] : memref<10240x128xf32, #tpu.memory_space<vmem_shared>> -> memref<128x128xf32, #tpu.memory_space<vmem_shared>>
        %dma_wait3A_57 = arith.constant 0 : i32
        %dma_wait3A_58 = tpu.memref_slice %arg10[%multiple_of3A_51, %dma_wait3A_57] : memref<10240x128xf32, #tpu.memory_space<vmem_shared>> -> memref<128x128xf32, #tpu.memory_space<vmem_shared>>
        tpu.wait_dma2 semaphore(%run_scoped3A : memref<!tpu.dma_semaphore, #tpu.memory_space<semaphore_mem>>) src(%arg8 : memref<128x128xf32, #tpu.memory_space<vmem>>) dst(%dma_wait3A_58 : memref<128x128xf32, #tpu.memory_space<vmem_shared>>)
        tpu.yield
      }) : () -> ()
    }
    %scan3A_8 = arith.constant 5 : i32
    %barrier3A = arith.constant 0 : index
    tpu.barrier barrier_id(%barrier3A)
    "tpu.region"() ({
      %run_scoped3A = tpu.sem_alloc : memref<!tpu.dma_semaphore, #tpu.memory_space<semaphore_mem>>
      %dma_start3A_42 = arith.constant 0 : i32
      %dma_start3A_43 = arith.constant 0 : i32
      %dma_start3A_44 = tpu.memref_slice %arg3[%arg0, %arg1, %dma_start3A_42, %dma_start3A_43] : memref<2x16x80x128xi32, #tpu.memory_space<hbm>> -> memref<1x1x40x128xi32, #tpu.memory_space<hbm>>
      %dma_start3A_45 = tpu.memref_squeeze %dma_start3A_44 : memref<1x1x40x128xi32, #tpu.memory_space<hbm>> -> memref<40x128xi32, #tpu.memory_space<hbm>>
      %dma_start3A_46 = arith.constant 0 : i32
      %dma_start3A_47 = arith.constant 0 : i32
      %dma_start3A_48 = tpu.memref_slice %arg3[%arg0, %arg1, %dma_start3A_46, %dma_start3A_47] : memref<2x16x80x128xi32, #tpu.memory_space<hbm>> -> memref<1x1x40x128xi32, #tpu.memory_space<hbm>>
      %dma_start3A_49 = tpu.memref_squeeze %dma_start3A_48 : memref<1x1x40x128xi32, #tpu.memory_space<hbm>> -> memref<40x128xi32, #tpu.memory_space<hbm>>
      tpu.enqueue_dma source(%dma_start3A_49 : memref<40x128xi32, #tpu.memory_space<hbm>>) target(%arg6 : memref<40x128xi32, #tpu.memory_space<vmem>>) target_semaphore(%run_scoped3A : memref<!tpu.dma_semaphore, #tpu.memory_space<semaphore_mem>>)
      %dma_wait3A = arith.constant 0 : i32
      %dma_wait3A_50 = arith.constant 0 : i32
      %dma_wait3A_51 = tpu.memref_slice %arg3[%arg0, %arg1, %dma_wait3A, %dma_wait3A_50] : memref<2x16x80x128xi32, #tpu.memory_space<hbm>> -> memref<1x1x40x128xi32, #tpu.memory_space<hbm>>
      %dma_wait3A_52 = tpu.memref_squeeze %dma_wait3A_51 : memref<1x1x40x128xi32, #tpu.memory_space<hbm>> -> memref<40x128xi32, #tpu.memory_space<hbm>>
      %dma_wait3A_53 = arith.constant 0 : i32
      %dma_wait3A_54 = arith.constant 0 : i32
      %dma_wait3A_55 = tpu.memref_slice %arg3[%arg0, %arg1, %dma_wait3A_53, %dma_wait3A_54] : memref<2x16x80x128xi32, #tpu.memory_space<hbm>> -> memref<1x1x40x128xi32, #tpu.memory_space<hbm>>
      %dma_wait3A_56 = tpu.memref_squeeze %dma_wait3A_55 : memref<1x1x40x128xi32, #tpu.memory_space<hbm>> -> memref<40x128xi32, #tpu.memory_space<hbm>>
      tpu.wait_dma2 semaphore(%run_scoped3A : memref<!tpu.dma_semaphore, #tpu.memory_space<semaphore_mem>>) src(%dma_wait3A_56 : memref<40x128xi32, #tpu.memory_space<hbm>>) dst(%arg6 : memref<40x128xi32, #tpu.memory_space<vmem>>)
      tpu.yield
    }) : () -> ()
    "tpu.region"() ({
      %run_scoped3A = tpu.sem_alloc : memref<!tpu.dma_semaphore, #tpu.memory_space<semaphore_mem>>
      %dma_start3A_42 = arith.constant 0 : i32
      %dma_start3A_43 = arith.constant 0 : i32
      %dma_start3A_44 = tpu.memref_slice %arg4[%arg0, %arg1, %dma_start3A_42, %dma_start3A_43] : memref<2x16x80x128xi32, #tpu.memory_space<hbm>> -> memref<1x1x40x128xi32, #tpu.memory_space<hbm>>
      %dma_start3A_45 = tpu.memref_squeeze %dma_start3A_44 : memref<1x1x40x128xi32, #tpu.memory_space<hbm>> -> memref<40x128xi32, #tpu.memory_space<hbm>>
      %dma_start3A_46 = arith.constant 0 : i32
      %dma_start3A_47 = arith.constant 0 : i32
      %dma_start3A_48 = tpu.memref_slice %arg4[%arg0, %arg1, %dma_start3A_46, %dma_start3A_47] : memref<2x16x80x128xi32, #tpu.memory_space<hbm>> -> memref<1x1x40x128xi32, #tpu.memory_space<hbm>>
      %dma_start3A_49 = tpu.memref_squeeze %dma_start3A_48 : memref<1x1x40x128xi32, #tpu.memory_space<hbm>> -> memref<40x128xi32, #tpu.memory_space<hbm>>
      tpu.enqueue_dma source(%dma_start3A_49 : memref<40x128xi32, #tpu.memory_space<hbm>>) target(%arg7 : memref<40x128xi32, #tpu.memory_space<vmem>>) target_semaphore(%run_scoped3A : memref<!tpu.dma_semaphore, #tpu.memory_space<semaphore_mem>>)
      %dma_wait3A = arith.constant 0 : i32
      %dma_wait3A_50 = arith.constant 0 : i32
      %dma_wait3A_51 = tpu.memref_slice %arg4[%arg0, %arg1, %dma_wait3A, %dma_wait3A_50] : memref<2x16x80x128xi32, #tpu.memory_space<hbm>> -> memref<1x1x40x128xi32, #tpu.memory_space<hbm>>
      %dma_wait3A_52 = tpu.memref_squeeze %dma_wait3A_51 : memref<1x1x40x128xi32, #tpu.memory_space<hbm>> -> memref<40x128xi32, #tpu.memory_space<hbm>>
      %dma_wait3A_53 = arith.constant 0 : i32
      %dma_wait3A_54 = arith.constant 0 : i32
      %dma_wait3A_55 = tpu.memref_slice %arg4[%arg0, %arg1, %dma_wait3A_53, %dma_wait3A_54] : memref<2x16x80x128xi32, #tpu.memory_space<hbm>> -> memref<1x1x40x128xi32, #tpu.memory_space<hbm>>
      %dma_wait3A_56 = tpu.memref_squeeze %dma_wait3A_55 : memref<1x1x40x128xi32, #tpu.memory_space<hbm>> -> memref<40x128xi32, #tpu.memory_space<hbm>>
      tpu.wait_dma2 semaphore(%run_scoped3A : memref<!tpu.dma_semaphore, #tpu.memory_space<semaphore_mem>>) src(%dma_wait3A_56 : memref<40x128xi32, #tpu.memory_space<hbm>>) dst(%arg7 : memref<40x128xi32, #tpu.memory_space<vmem>>)
      tpu.yield
    }) : () -> ()
    %dma_start3A = arith.constant 0 : i32
    %dma_start3A_9 = arith.constant 0 : i32
    %dma_start3A_10 = tpu.memref_slice %arg6[%dma_start3A, %dma_start3A_9] : memref<40x128xi32, #tpu.memory_space<vmem>> -> memref<1x128xi32, #tpu.memory_space<vmem>>
    %dma_start3A_11 = tpu.memref_squeeze %dma_start3A_10 : memref<1x128xi32, #tpu.memory_space<vmem>> -> memref<128xi32, #tpu.memory_space<vmem>>
    %dma_start3A_12 = arith.constant 0 : i32
    %dma_start3A_13 = arith.constant 0 : i32
    %dma_start3A_14 = tpu.memref_slice %arg2[%arg0, %dma_start3A_12, %dma_start3A_13] : memref<2x10240x128xf32, #tpu.memory_space<hbm>> -> memref<1x10240x128xf32, #tpu.memory_space<hbm>>
    %dma_start3A_15 = tpu.memref_squeeze %dma_start3A_14 : memref<1x10240x128xf32, #tpu.memory_space<hbm>> -> memref<10240x128xf32, #tpu.memory_space<hbm>>
    %dma_start3A_16 = arith.constant 0 : i32
    %dma_start3A_17 = arith.constant 0 : i32
    %dma_start3A_18 = tpu.memref_slice %dma_start3A_15[%dma_start3A_16, %dma_start3A_17] : memref<10240x128xf32, #tpu.memory_space<hbm>> -> memref<10240x128xf32, #tpu.memory_space<hbm>>
    tpu.enqueue_indirect_dma source(%dma_start3A_18 : memref<10240x128xf32, #tpu.memory_space<hbm>>) target(%arg8 : memref<128x128xf32, #tpu.memory_space<vmem>>) offsets(%dma_start3A_11 : memref<128xi32, #tpu.memory_space<vmem>>) semaphore(%arg11 : memref<!tpu.dma_semaphore, #tpu.memory_space<semaphore_mem>>)
    %scan3A_19 = arith.constant 0 : i32
    %scan3A_20 = arith.constant 20 : i32
    %scan3A_21 = arith.addi %scan3A_19, %scan3A_20 : i32
    %scan3A_22 = arith.constant 1 : i32
    scf.for %scan3A_42 = %scan3A_19 to %scan3A_21 step %scan3A_22  : i32 {
      %mul3A_43 = arith.constant 1 : i32
      %mul3A_44 = arith.muli %scan3A_42, %mul3A_43 : i32
      %add3A = arith.constant 0 : i32
      %add3A_45 = arith.addi %add3A, %mul3A_44 : i32
      %mul3A_46 = arith.constant 2 : i32
      %mul3A_47 = arith.muli %add3A_45, %mul3A_46 : i32
      %add3A_48 = arith.constant 1 : i32
      %add3A_49 = arith.addi %mul3A_47, %add3A_48 : i32
      %dma_start3A_50 = arith.constant 0 : i32
      %dma_start3A_51 = tpu.memref_slice %arg6[%add3A_49, %dma_start3A_50] : memref<40x128xi32, #tpu.memory_space<vmem>> -> memref<1x128xi32, #tpu.memory_space<vmem>>
      %dma_start3A_52 = tpu.memref_squeeze %dma_start3A_51 : memref<1x128xi32, #tpu.memory_space<vmem>> -> memref<128xi32, #tpu.memory_space<vmem>>
      %dma_start3A_53 = arith.constant 0 : i32
      %dma_start3A_54 = arith.constant 0 : i32
      %dma_start3A_55 = tpu.memref_slice %arg2[%arg0, %dma_start3A_53, %dma_start3A_54] : memref<2x10240x128xf32, #tpu.memory_space<hbm>> -> memref<1x10240x128xf32, #tpu.memory_space<hbm>>
      %dma_start3A_56 = tpu.memref_squeeze %dma_start3A_55 : memref<1x10240x128xf32, #tpu.memory_space<hbm>> -> memref<10240x128xf32, #tpu.memory_space<hbm>>
      %dma_start3A_57 = arith.constant 0 : i32
      %dma_start3A_58 = arith.constant 0 : i32
      %dma_start3A_59 = tpu.memref_slice %dma_start3A_56[%dma_start3A_57, %dma_start3A_58] : memref<10240x128xf32, #tpu.memory_space<hbm>> -> memref<10240x128xf32, #tpu.memory_space<hbm>>
      tpu.enqueue_indirect_dma source(%dma_start3A_59 : memref<10240x128xf32, #tpu.memory_space<hbm>>) target(%arg9 : memref<128x128xf32, #tpu.memory_space<vmem>>) offsets(%dma_start3A_52 : memref<128xi32, #tpu.memory_space<vmem>>) semaphore(%arg12 : memref<!tpu.dma_semaphore, #tpu.memory_space<semaphore_mem>>)
      %dma_wait3A = arith.constant 0 : i32
      %dma_wait3A_60 = tpu.memref_slice %arg6[%mul3A_47, %dma_wait3A] : memref<40x128xi32, #tpu.memory_space<vmem>> -> memref<1x128xi32, #tpu.memory_space<vmem>>
      %dma_wait3A_61 = tpu.memref_squeeze %dma_wait3A_60 : memref<1x128xi32, #tpu.memory_space<vmem>> -> memref<128xi32, #tpu.memory_space<vmem>>
      %dma_wait3A_62 = arith.constant 0 : i32
      %dma_wait3A_63 = arith.constant 0 : i32
      %dma_wait3A_64 = tpu.memref_slice %arg2[%arg0, %dma_wait3A_62, %dma_wait3A_63] : memref<2x10240x128xf32, #tpu.memory_space<hbm>> -> memref<1x10240x128xf32, #tpu.memory_space<hbm>>
      %dma_wait3A_65 = tpu.memref_squeeze %dma_wait3A_64 : memref<1x10240x128xf32, #tpu.memory_space<hbm>> -> memref<10240x128xf32, #tpu.memory_space<hbm>>
      %dma_wait3A_66 = arith.constant 0 : i32
      %dma_wait3A_67 = arith.constant 0 : i32
      %dma_wait3A_68 = tpu.memref_slice %dma_wait3A_65[%dma_wait3A_66, %dma_wait3A_67] : memref<10240x128xf32, #tpu.memory_space<hbm>> -> memref<10240x128xf32, #tpu.memory_space<hbm>>
      tpu.wait_indirect_dma semaphore(%arg11 : memref<!tpu.dma_semaphore, #tpu.memory_space<semaphore_mem>>) src(%dma_wait3A_68 : memref<10240x128xf32, #tpu.memory_space<hbm>>) dst(%arg8 : memref<128x128xf32, #tpu.memory_space<vmem>>)
      "tpu.region"() ({
        %run_scoped3A = tpu.sem_alloc : memref<!tpu.dma_semaphore, #tpu.memory_space<semaphore_mem>>
        %dma_start3A_87 = arith.constant 0 : i32
        %dma_start3A_88 = tpu.memref_slice %arg7[%mul3A_47, %dma_start3A_87] : memref<40x128xi32, #tpu.memory_space<vmem>> -> memref<1x128xi32, #tpu.memory_space<vmem>>
        %dma_start3A_89 = tpu.memref_squeeze %dma_start3A_88 : memref<1x128xi32, #tpu.memory_space<vmem>> -> memref<128xi32, #tpu.memory_space<vmem>>
        %dma_start3A_90 = arith.constant 0 : i32
        %dma_start3A_91 = arith.constant 0 : i32
        %dma_start3A_92 = tpu.memref_slice %arg10[%dma_start3A_90, %dma_start3A_91] : memref<10240x128xf32, #tpu.memory_space<vmem_shared>> -> memref<10240x128xf32, #tpu.memory_space<vmem_shared>>
        tpu.enqueue_indirect_dma source(%arg8 : memref<128x128xf32, #tpu.memory_space<vmem>>) target(%dma_start3A_92 : memref<10240x128xf32, #tpu.memory_space<vmem_shared>>) offsets(%dma_start3A_89 : memref<128xi32, #tpu.memory_space<vmem>>) semaphore(%run_scoped3A : memref<!tpu.dma_semaphore, #tpu.memory_space<semaphore_mem>>) {add = true}
        %dma_wait3A_93 = arith.constant 0 : i32
        %dma_wait3A_94 = tpu.memref_slice %arg7[%mul3A_47, %dma_wait3A_93] : memref<40x128xi32, #tpu.memory_space<vmem>> -> memref<1x128xi32, #tpu.memory_space<vmem>>
        %dma_wait3A_95 = tpu.memref_squeeze %dma_wait3A_94 : memref<1x128xi32, #tpu.memory_space<vmem>> -> memref<128xi32, #tpu.memory_space<vmem>>
        %dma_wait3A_96 = arith.constant 0 : i32
        %dma_wait3A_97 = arith.constant 0 : i32
        %dma_wait3A_98 = tpu.memref_slice %arg10[%dma_wait3A_96, %dma_wait3A_97] : memref<10240x128xf32, #tpu.memory_space<vmem_shared>> -> memref<10240x128xf32, #tpu.memory_space<vmem_shared>>
        tpu.wait_indirect_dma semaphore(%run_scoped3A : memref<!tpu.dma_semaphore, #tpu.memory_space<semaphore_mem>>) src(%arg8 : memref<128x128xf32, #tpu.memory_space<vmem>>) dst(%dma_wait3A_98 : memref<10240x128xf32, #tpu.memory_space<vmem_shared>>)
        tpu.yield
      }) : () -> ()
      %add3A_69 = arith.constant 2 : i32
      %add3A_70 = arith.addi %mul3A_47, %add3A_69 : i32
      %lt3A = arith.constant 40 : i32
      %lt3A_71 = arith.cmpi slt, %add3A_70, %lt3A : i32
      %convert_element_type3A = arith.extui %lt3A_71 : i1 to i32
      %cond3A = arith.constant 0 : i32
      %cond3A_72 = arith.cmpi ne, %convert_element_type3A, %cond3A : i32
      scf.if %cond3A_72 {
        %add3A_87 = arith.constant 2 : i32
        %add3A_88 = arith.addi %mul3A_47, %add3A_87 : i32
        %dma_start3A_89 = arith.constant 0 : i32
        %dma_start3A_90 = tpu.memref_slice %arg6[%add3A_88, %dma_start3A_89] : memref<40x128xi32, #tpu.memory_space<vmem>> -> memref<1x128xi32, #tpu.memory_space<vmem>>
        %dma_start3A_91 = tpu.memref_squeeze %dma_start3A_90 : memref<1x128xi32, #tpu.memory_space<vmem>> -> memref<128xi32, #tpu.memory_space<vmem>>
        %dma_start3A_92 = arith.constant 0 : i32
        %dma_start3A_93 = arith.constant 0 : i32
        %dma_start3A_94 = tpu.memref_slice %arg2[%arg0, %dma_start3A_92, %dma_start3A_93] : memref<2x10240x128xf32, #tpu.memory_space<hbm>> -> memref<1x10240x128xf32, #tpu.memory_space<hbm>>
        %dma_start3A_95 = tpu.memref_squeeze %dma_start3A_94 : memref<1x10240x128xf32, #tpu.memory_space<hbm>> -> memref<10240x128xf32, #tpu.memory_space<hbm>>
        %dma_start3A_96 = arith.constant 0 : i32
        %dma_start3A_97 = arith.constant 0 : i32
        %dma_start3A_98 = tpu.memref_slice %dma_start3A_95[%dma_start3A_96, %dma_start3A_97] : memref<10240x128xf32, #tpu.memory_space<hbm>> -> memref<10240x128xf32, #tpu.memory_space<hbm>>
        tpu.enqueue_indirect_dma source(%dma_start3A_98 : memref<10240x128xf32, #tpu.memory_space<hbm>>) target(%arg8 : memref<128x128xf32, #tpu.memory_space<vmem>>) offsets(%dma_start3A_91 : memref<128xi32, #tpu.memory_space<vmem>>) semaphore(%arg11 : memref<!tpu.dma_semaphore, #tpu.memory_space<semaphore_mem>>)
      } else {
      }
      %add3A_73 = arith.constant 1 : i32
      %add3A_74 = arith.addi %mul3A_47, %add3A_73 : i32
      %dma_wait3A_75 = arith.constant 0 : i32
      %dma_wait3A_76 = tpu.memref_slice %arg6[%add3A_74, %dma_wait3A_75] : memref<40x128xi32, #tpu.memory_space<vmem>> -> memref<1x128xi32, #tpu.memory_space<vmem>>
      %dma_wait3A_77 = tpu.memref_squeeze %dma_wait3A_76 : memref<1x128xi32, #tpu.memory_space<vmem>> -> memref<128xi32, #tpu.memory_space<vmem>>
      %dma_wait3A_78 = arith.constant 0 : i32
      %dma_wait3A_79 = arith.constant 0 : i32
      %dma_wait3A_80 = tpu.memref_slice %arg2[%arg0, %dma_wait3A_78, %dma_wait3A_79] : memref<2x10240x128xf32, #tpu.memory_space<hbm>> -> memref<1x10240x128xf32, #tpu.memory_space<hbm>>
      %dma_wait3A_81 = tpu.memref_squeeze %dma_wait3A_80 : memref<1x10240x128xf32, #tpu.memory_space<hbm>> -> memref<10240x128xf32, #tpu.memory_space<hbm>>
      %dma_wait3A_82 = arith.constant 0 : i32
      %dma_wait3A_83 = arith.constant 0 : i32
      %dma_wait3A_84 = tpu.memref_slice %dma_wait3A_81[%dma_wait3A_82, %dma_wait3A_83] : memref<10240x128xf32, #tpu.memory_space<hbm>> -> memref<10240x128xf32, #tpu.memory_space<hbm>>
      tpu.wait_indirect_dma semaphore(%arg12 : memref<!tpu.dma_semaphore, #tpu.memory_space<semaphore_mem>>) src(%dma_wait3A_84 : memref<10240x128xf32, #tpu.memory_space<hbm>>) dst(%arg9 : memref<128x128xf32, #tpu.memory_space<vmem>>)
      %add3A_85 = arith.constant 1 : i32
      %add3A_86 = arith.addi %mul3A_47, %add3A_85 : i32
      "tpu.region"() ({
        %run_scoped3A = tpu.sem_alloc : memref<!tpu.dma_semaphore, #tpu.memory_space<semaphore_mem>>
        %dma_start3A_87 = arith.constant 0 : i32
        %dma_start3A_88 = tpu.memref_slice %arg7[%add3A_86, %dma_start3A_87] : memref<40x128xi32, #tpu.memory_space<vmem>> -> memref<1x128xi32, #tpu.memory_space<vmem>>
        %dma_start3A_89 = tpu.memref_squeeze %dma_start3A_88 : memref<1x128xi32, #tpu.memory_space<vmem>> -> memref<128xi32, #tpu.memory_space<vmem>>
        %dma_start3A_90 = arith.constant 0 : i32
        %dma_start3A_91 = arith.constant 0 : i32
        %dma_start3A_92 = tpu.memref_slice %arg10[%dma_start3A_90, %dma_start3A_91] : memref<10240x128xf32, #tpu.memory_space<vmem_shared>> -> memref<10240x128xf32, #tpu.memory_space<vmem_shared>>
        tpu.enqueue_indirect_dma source(%arg9 : memref<128x128xf32, #tpu.memory_space<vmem>>) target(%dma_start3A_92 : memref<10240x128xf32, #tpu.memory_space<vmem_shared>>) offsets(%dma_start3A_89 : memref<128xi32, #tpu.memory_space<vmem>>) semaphore(%run_scoped3A : memref<!tpu.dma_semaphore, #tpu.memory_space<semaphore_mem>>) {add = true}
        %dma_wait3A_93 = arith.constant 0 : i32
        %dma_wait3A_94 = tpu.memref_slice %arg7[%add3A_86, %dma_wait3A_93] : memref<40x128xi32, #tpu.memory_space<vmem>> -> memref<1x128xi32, #tpu.memory_space<vmem>>
        %dma_wait3A_95 = tpu.memref_squeeze %dma_wait3A_94 : memref<1x128xi32, #tpu.memory_space<vmem>> -> memref<128xi32, #tpu.memory_space<vmem>>
        %dma_wait3A_96 = arith.constant 0 : i32
        %dma_wait3A_97 = arith.constant 0 : i32
        %dma_wait3A_98 = tpu.memref_slice %arg10[%dma_wait3A_96, %dma_wait3A_97] : memref<10240x128xf32, #tpu.memory_space<vmem_shared>> -> memref<10240x128xf32, #tpu.memory_space<vmem_shared>>
        tpu.wait_indirect_dma semaphore(%run_scoped3A : memref<!tpu.dma_semaphore, #tpu.memory_space<semaphore_mem>>) src(%arg9 : memref<128x128xf32, #tpu.memory_space<vmem>>) dst(%dma_wait3A_98 : memref<10240x128xf32, #tpu.memory_space<vmem_shared>>)
        tpu.yield
      }) : () -> ()
    }
    %scan3A_23 = arith.constant 20 : i32
    "tpu.region"() ({
      %run_scoped3A = tpu.sem_alloc : memref<!tpu.dma_semaphore, #tpu.memory_space<semaphore_mem>>
      %dma_start3A_42 = arith.constant 40 : i32
      %dma_start3A_43 = arith.constant 0 : i32
      %dma_start3A_44 = tpu.memref_slice %arg3[%arg0, %arg1, %dma_start3A_42, %dma_start3A_43] : memref<2x16x80x128xi32, #tpu.memory_space<hbm>> -> memref<1x1x40x128xi32, #tpu.memory_space<hbm>>
      %dma_start3A_45 = tpu.memref_squeeze %dma_start3A_44 : memref<1x1x40x128xi32, #tpu.memory_space<hbm>> -> memref<40x128xi32, #tpu.memory_space<hbm>>
      %dma_start3A_46 = arith.constant 40 : i32
      %dma_start3A_47 = arith.constant 0 : i32
      %dma_start3A_48 = tpu.memref_slice %arg3[%arg0, %arg1, %dma_start3A_46, %dma_start3A_47] : memref<2x16x80x128xi32, #tpu.memory_space<hbm>> -> memref<1x1x40x128xi32, #tpu.memory_space<hbm>>
      %dma_start3A_49 = tpu.memref_squeeze %dma_start3A_48 : memref<1x1x40x128xi32, #tpu.memory_space<hbm>> -> memref<40x128xi32, #tpu.memory_space<hbm>>
      tpu.enqueue_dma source(%dma_start3A_49 : memref<40x128xi32, #tpu.memory_space<hbm>>) target(%arg6 : memref<40x128xi32, #tpu.memory_space<vmem>>) target_semaphore(%run_scoped3A : memref<!tpu.dma_semaphore, #tpu.memory_space<semaphore_mem>>)
      %dma_wait3A = arith.constant 40 : i32
      %dma_wait3A_50 = arith.constant 0 : i32
      %dma_wait3A_51 = tpu.memref_slice %arg3[%arg0, %arg1, %dma_wait3A, %dma_wait3A_50] : memref<2x16x80x128xi32, #tpu.memory_space<hbm>> -> memref<1x1x40x128xi32, #tpu.memory_space<hbm>>
      %dma_wait3A_52 = tpu.memref_squeeze %dma_wait3A_51 : memref<1x1x40x128xi32, #tpu.memory_space<hbm>> -> memref<40x128xi32, #tpu.memory_space<hbm>>
      %dma_wait3A_53 = arith.constant 40 : i32
      %dma_wait3A_54 = arith.constant 0 : i32
      %dma_wait3A_55 = tpu.memref_slice %arg3[%arg0, %arg1, %dma_wait3A_53, %dma_wait3A_54] : memref<2x16x80x128xi32, #tpu.memory_space<hbm>> -> memref<1x1x40x128xi32, #tpu.memory_space<hbm>>
      %dma_wait3A_56 = tpu.memref_squeeze %dma_wait3A_55 : memref<1x1x40x128xi32, #tpu.memory_space<hbm>> -> memref<40x128xi32, #tpu.memory_space<hbm>>
      tpu.wait_dma2 semaphore(%run_scoped3A : memref<!tpu.dma_semaphore, #tpu.memory_space<semaphore_mem>>) src(%dma_wait3A_56 : memref<40x128xi32, #tpu.memory_space<hbm>>) dst(%arg6 : memref<40x128xi32, #tpu.memory_space<vmem>>)
      tpu.yield
    }) : () -> ()
    "tpu.region"() ({
      %run_scoped3A = tpu.sem_alloc : memref<!tpu.dma_semaphore, #tpu.memory_space<semaphore_mem>>
      %dma_start3A_42 = arith.constant 40 : i32
      %dma_start3A_43 = arith.constant 0 : i32
      %dma_start3A_44 = tpu.memref_slice %arg4[%arg0, %arg1, %dma_start3A_42, %dma_start3A_43] : memref<2x16x80x128xi32, #tpu.memory_space<hbm>> -> memref<1x1x40x128xi32, #tpu.memory_space<hbm>>
      %dma_start3A_45 = tpu.memref_squeeze %dma_start3A_44 : memref<1x1x40x128xi32, #tpu.memory_space<hbm>> -> memref<40x128xi32, #tpu.memory_space<hbm>>
      %dma_start3A_46 = arith.constant 40 : i32
      %dma_start3A_47 = arith.constant 0 : i32
      %dma_start3A_48 = tpu.memref_slice %arg4[%arg0, %arg1, %dma_start3A_46, %dma_start3A_47] : memref<2x16x80x128xi32, #tpu.memory_space<hbm>> -> memref<1x1x40x128xi32, #tpu.memory_space<hbm>>
      %dma_start3A_49 = tpu.memref_squeeze %dma_start3A_48 : memref<1x1x40x128xi32, #tpu.memory_space<hbm>> -> memref<40x128xi32, #tpu.memory_space<hbm>>
      tpu.enqueue_dma source(%dma_start3A_49 : memref<40x128xi32, #tpu.memory_space<hbm>>) target(%arg7 : memref<40x128xi32, #tpu.memory_space<vmem>>) target_semaphore(%run_scoped3A : memref<!tpu.dma_semaphore, #tpu.memory_space<semaphore_mem>>)
      %dma_wait3A = arith.constant 40 : i32
      %dma_wait3A_50 = arith.constant 0 : i32
      %dma_wait3A_51 = tpu.memref_slice %arg4[%arg0, %arg1, %dma_wait3A, %dma_wait3A_50] : memref<2x16x80x128xi32, #tpu.memory_space<hbm>> -> memref<1x1x40x128xi32, #tpu.memory_space<hbm>>
      %dma_wait3A_52 = tpu.memref_squeeze %dma_wait3A_51 : memref<1x1x40x128xi32, #tpu.memory_space<hbm>> -> memref<40x128xi32, #tpu.memory_space<hbm>>
      %dma_wait3A_53 = arith.constant 40 : i32
      %dma_wait3A_54 = arith.constant 0 : i32
      %dma_wait3A_55 = tpu.memref_slice %arg4[%arg0, %arg1, %dma_wait3A_53, %dma_wait3A_54] : memref<2x16x80x128xi32, #tpu.memory_space<hbm>> -> memref<1x1x40x128xi32, #tpu.memory_space<hbm>>
      %dma_wait3A_56 = tpu.memref_squeeze %dma_wait3A_55 : memref<1x1x40x128xi32, #tpu.memory_space<hbm>> -> memref<40x128xi32, #tpu.memory_space<hbm>>
      tpu.wait_dma2 semaphore(%run_scoped3A : memref<!tpu.dma_semaphore, #tpu.memory_space<semaphore_mem>>) src(%dma_wait3A_56 : memref<40x128xi32, #tpu.memory_space<hbm>>) dst(%arg7 : memref<40x128xi32, #tpu.memory_space<vmem>>)
      tpu.yield
    }) : () -> ()
    %dma_start3A_24 = arith.constant 0 : i32
    %dma_start3A_25 = arith.constant 0 : i32
    %dma_start3A_26 = tpu.memref_slice %arg6[%dma_start3A_24, %dma_start3A_25] : memref<40x128xi32, #tpu.memory_space<vmem>> -> memref<1x128xi32, #tpu.memory_space<vmem>>
    %dma_start3A_27 = tpu.memref_squeeze %dma_start3A_26 : memref<1x128xi32, #tpu.memory_space<vmem>> -> memref<128xi32, #tpu.memory_space<vmem>>
    %dma_start3A_28 = arith.constant 0 : i32
    %dma_start3A_29 = arith.constant 0 : i32
    %dma_start3A_30 = tpu.memref_slice %arg2[%arg0, %dma_start3A_28, %dma_start3A_29] : memref<2x10240x128xf32, #tpu.memory_space<hbm>> -> memref<1x10240x128xf32, #tpu.memory_space<hbm>>
    %dma_start3A_31 = tpu.memref_squeeze %dma_start3A_30 : memref<1x10240x128xf32, #tpu.memory_space<hbm>> -> memref<10240x128xf32, #tpu.memory_space<hbm>>
    %dma_start3A_32 = arith.constant 0 : i32
    %dma_start3A_33 = arith.constant 0 : i32
    %dma_start3A_34 = tpu.memref_slice %dma_start3A_31[%dma_start3A_32, %dma_start3A_33] : memref<10240x128xf32, #tpu.memory_space<hbm>> -> memref<10240x128xf32, #tpu.memory_space<hbm>>
    tpu.enqueue_indirect_dma source(%dma_start3A_34 : memref<10240x128xf32, #tpu.memory_space<hbm>>) target(%arg8 : memref<128x128xf32, #tpu.memory_space<vmem>>) offsets(%dma_start3A_27 : memref<128xi32, #tpu.memory_space<vmem>>) semaphore(%arg11 : memref<!tpu.dma_semaphore, #tpu.memory_space<semaphore_mem>>)
    %scan3A_35 = arith.constant 0 : i32
    %scan3A_36 = arith.constant 20 : i32
    %scan3A_37 = arith.addi %scan3A_35, %scan3A_36 : i32
    %scan3A_38 = arith.constant 1 : i32
    scf.for %scan3A_42 = %scan3A_35 to %scan3A_37 step %scan3A_38  : i32 {
      %mul3A_43 = arith.constant 1 : i32
      %mul3A_44 = arith.muli %scan3A_42, %mul3A_43 : i32
      %add3A = arith.constant 0 : i32
      %add3A_45 = arith.addi %add3A, %mul3A_44 : i32
      %mul3A_46 = arith.constant 2 : i32
      %mul3A_47 = arith.muli %add3A_45, %mul3A_46 : i32
      %add3A_48 = arith.constant 1 : i32
      %add3A_49 = arith.addi %mul3A_47, %add3A_48 : i32
      %dma_start3A_50 = arith.constant 0 : i32
      %dma_start3A_51 = tpu.memref_slice %arg6[%add3A_49, %dma_start3A_50] : memref<40x128xi32, #tpu.memory_space<vmem>> -> memref<1x128xi32, #tpu.memory_space<vmem>>
      %dma_start3A_52 = tpu.memref_squeeze %dma_start3A_51 : memref<1x128xi32, #tpu.memory_space<vmem>> -> memref<128xi32, #tpu.memory_space<vmem>>
      %dma_start3A_53 = arith.constant 0 : i32
      %dma_start3A_54 = arith.constant 0 : i32
      %dma_start3A_55 = tpu.memref_slice %arg2[%arg0, %dma_start3A_53, %dma_start3A_54] : memref<2x10240x128xf32, #tpu.memory_space<hbm>> -> memref<1x10240x128xf32, #tpu.memory_space<hbm>>
      %dma_start3A_56 = tpu.memref_squeeze %dma_start3A_55 : memref<1x10240x128xf32, #tpu.memory_space<hbm>> -> memref<10240x128xf32, #tpu.memory_space<hbm>>
      %dma_start3A_57 = arith.constant 0 : i32
      %dma_start3A_58 = arith.constant 0 : i32
      %dma_start3A_59 = tpu.memref_slice %dma_start3A_56[%dma_start3A_57, %dma_start3A_58] : memref<10240x128xf32, #tpu.memory_space<hbm>> -> memref<10240x128xf32, #tpu.memory_space<hbm>>
      tpu.enqueue_indirect_dma source(%dma_start3A_59 : memref<10240x128xf32, #tpu.memory_space<hbm>>) target(%arg9 : memref<128x128xf32, #tpu.memory_space<vmem>>) offsets(%dma_start3A_52 : memref<128xi32, #tpu.memory_space<vmem>>) semaphore(%arg12 : memref<!tpu.dma_semaphore, #tpu.memory_space<semaphore_mem>>)
      %dma_wait3A = arith.constant 0 : i32
      %dma_wait3A_60 = tpu.memref_slice %arg6[%mul3A_47, %dma_wait3A] : memref<40x128xi32, #tpu.memory_space<vmem>> -> memref<1x128xi32, #tpu.memory_space<vmem>>
      %dma_wait3A_61 = tpu.memref_squeeze %dma_wait3A_60 : memref<1x128xi32, #tpu.memory_space<vmem>> -> memref<128xi32, #tpu.memory_space<vmem>>
      %dma_wait3A_62 = arith.constant 0 : i32
      %dma_wait3A_63 = arith.constant 0 : i32
      %dma_wait3A_64 = tpu.memref_slice %arg2[%arg0, %dma_wait3A_62, %dma_wait3A_63] : memref<2x10240x128xf32, #tpu.memory_space<hbm>> -> memref<1x10240x128xf32, #tpu.memory_space<hbm>>
      %dma_wait3A_65 = tpu.memref_squeeze %dma_wait3A_64 : memref<1x10240x128xf32, #tpu.memory_space<hbm>> -> memref<10240x128xf32, #tpu.memory_space<hbm>>
      %dma_wait3A_66 = arith.constant 0 : i32
      %dma_wait3A_67 = arith.constant 0 : i32
      %dma_wait3A_68 = tpu.memref_slice %dma_wait3A_65[%dma_wait3A_66, %dma_wait3A_67] : memref<10240x128xf32, #tpu.memory_space<hbm>> -> memref<10240x128xf32, #tpu.memory_space<hbm>>
      tpu.wait_indirect_dma semaphore(%arg11 : memref<!tpu.dma_semaphore, #tpu.memory_space<semaphore_mem>>) src(%dma_wait3A_68 : memref<10240x128xf32, #tpu.memory_space<hbm>>) dst(%arg8 : memref<128x128xf32, #tpu.memory_space<vmem>>)
      "tpu.region"() ({
        %run_scoped3A = tpu.sem_alloc : memref<!tpu.dma_semaphore, #tpu.memory_space<semaphore_mem>>
        %dma_start3A_87 = arith.constant 0 : i32
        %dma_start3A_88 = tpu.memref_slice %arg7[%mul3A_47, %dma_start3A_87] : memref<40x128xi32, #tpu.memory_space<vmem>> -> memref<1x128xi32, #tpu.memory_space<vmem>>
        %dma_start3A_89 = tpu.memref_squeeze %dma_start3A_88 : memref<1x128xi32, #tpu.memory_space<vmem>> -> memref<128xi32, #tpu.memory_space<vmem>>
        %dma_start3A_90 = arith.constant 0 : i32
        %dma_start3A_91 = arith.constant 0 : i32
        %dma_start3A_92 = tpu.memref_slice %arg10[%dma_start3A_90, %dma_start3A_91] : memref<10240x128xf32, #tpu.memory_space<vmem_shared>> -> memref<10240x128xf32, #tpu.memory_space<vmem_shared>>
        tpu.enqueue_indirect_dma source(%arg8 : memref<128x128xf32, #tpu.memory_space<vmem>>) target(%dma_start3A_92 : memref<10240x128xf32, #tpu.memory_space<vmem_shared>>) offsets(%dma_start3A_89 : memref<128xi32, #tpu.memory_space<vmem>>) semaphore(%run_scoped3A : memref<!tpu.dma_semaphore, #tpu.memory_space<semaphore_mem>>) {add = true}
        %dma_wait3A_93 = arith.constant 0 : i32
        %dma_wait3A_94 = tpu.memref_slice %arg7[%mul3A_47, %dma_wait3A_93] : memref<40x128xi32, #tpu.memory_space<vmem>> -> memref<1x128xi32, #tpu.memory_space<vmem>>
        %dma_wait3A_95 = tpu.memref_squeeze %dma_wait3A_94 : memref<1x128xi32, #tpu.memory_space<vmem>> -> memref<128xi32, #tpu.memory_space<vmem>>
        %dma_wait3A_96 = arith.constant 0 : i32
        %dma_wait3A_97 = arith.constant 0 : i32
        %dma_wait3A_98 = tpu.memref_slice %arg10[%dma_wait3A_96, %dma_wait3A_97] : memref<10240x128xf32, #tpu.memory_space<vmem_shared>> -> memref<10240x128xf32, #tpu.memory_space<vmem_shared>>
        tpu.wait_indirect_dma semaphore(%run_scoped3A : memref<!tpu.dma_semaphore, #tpu.memory_space<semaphore_mem>>) src(%arg8 : memref<128x128xf32, #tpu.memory_space<vmem>>) dst(%dma_wait3A_98 : memref<10240x128xf32, #tpu.memory_space<vmem_shared>>)
        tpu.yield
      }) : () -> ()
      %add3A_69 = arith.constant 2 : i32
      %add3A_70 = arith.addi %mul3A_47, %add3A_69 : i32
      %lt3A = arith.constant 40 : i32
      %lt3A_71 = arith.cmpi slt, %add3A_70, %lt3A : i32
      %convert_element_type3A = arith.extui %lt3A_71 : i1 to i32
      %cond3A = arith.constant 0 : i32
      %cond3A_72 = arith.cmpi ne, %convert_element_type3A, %cond3A : i32
      scf.if %cond3A_72 {
        %add3A_87 = arith.constant 2 : i32
        %add3A_88 = arith.addi %mul3A_47, %add3A_87 : i32
        %dma_start3A_89 = arith.constant 0 : i32
        %dma_start3A_90 = tpu.memref_slice %arg6[%add3A_88, %dma_start3A_89] : memref<40x128xi32, #tpu.memory_space<vmem>> -> memref<1x128xi32, #tpu.memory_space<vmem>>
        %dma_start3A_91 = tpu.memref_squeeze %dma_start3A_90 : memref<1x128xi32, #tpu.memory_space<vmem>> -> memref<128xi32, #tpu.memory_space<vmem>>
        %dma_start3A_92 = arith.constant 0 : i32
        %dma_start3A_93 = arith.constant 0 : i32
        %dma_start3A_94 = tpu.memref_slice %arg2[%arg0, %dma_start3A_92, %dma_start3A_93] : memref<2x10240x128xf32, #tpu.memory_space<hbm>> -> memref<1x10240x128xf32, #tpu.memory_space<hbm>>
        %dma_start3A_95 = tpu.memref_squeeze %dma_start3A_94 : memref<1x10240x128xf32, #tpu.memory_space<hbm>> -> memref<10240x128xf32, #tpu.memory_space<hbm>>
        %dma_start3A_96 = arith.constant 0 : i32
        %dma_start3A_97 = arith.constant 0 : i32
        %dma_start3A_98 = tpu.memref_slice %dma_start3A_95[%dma_start3A_96, %dma_start3A_97] : memref<10240x128xf32, #tpu.memory_space<hbm>> -> memref<10240x128xf32, #tpu.memory_space<hbm>>
        tpu.enqueue_indirect_dma source(%dma_start3A_98 : memref<10240x128xf32, #tpu.memory_space<hbm>>) target(%arg8 : memref<128x128xf32, #tpu.memory_space<vmem>>) offsets(%dma_start3A_91 : memref<128xi32, #tpu.memory_space<vmem>>) semaphore(%arg11 : memref<!tpu.dma_semaphore, #tpu.memory_space<semaphore_mem>>)
      } else {
      }
      %add3A_73 = arith.constant 1 : i32
      %add3A_74 = arith.addi %mul3A_47, %add3A_73 : i32
      %dma_wait3A_75 = arith.constant 0 : i32
      %dma_wait3A_76 = tpu.memref_slice %arg6[%add3A_74, %dma_wait3A_75] : memref<40x128xi32, #tpu.memory_space<vmem>> -> memref<1x128xi32, #tpu.memory_space<vmem>>
      %dma_wait3A_77 = tpu.memref_squeeze %dma_wait3A_76 : memref<1x128xi32, #tpu.memory_space<vmem>> -> memref<128xi32, #tpu.memory_space<vmem>>
      %dma_wait3A_78 = arith.constant 0 : i32
      %dma_wait3A_79 = arith.constant 0 : i32
      %dma_wait3A_80 = tpu.memref_slice %arg2[%arg0, %dma_wait3A_78, %dma_wait3A_79] : memref<2x10240x128xf32, #tpu.memory_space<hbm>> -> memref<1x10240x128xf32, #tpu.memory_space<hbm>>
      %dma_wait3A_81 = tpu.memref_squeeze %dma_wait3A_80 : memref<1x10240x128xf32, #tpu.memory_space<hbm>> -> memref<10240x128xf32, #tpu.memory_space<hbm>>
      %dma_wait3A_82 = arith.constant 0 : i32
      %dma_wait3A_83 = arith.constant 0 : i32
      %dma_wait3A_84 = tpu.memref_slice %dma_wait3A_81[%dma_wait3A_82, %dma_wait3A_83] : memref<10240x128xf32, #tpu.memory_space<hbm>> -> memref<10240x128xf32, #tpu.memory_space<hbm>>
      tpu.wait_indirect_dma semaphore(%arg12 : memref<!tpu.dma_semaphore, #tpu.memory_space<semaphore_mem>>) src(%dma_wait3A_84 : memref<10240x128xf32, #tpu.memory_space<hbm>>) dst(%arg9 : memref<128x128xf32, #tpu.memory_space<vmem>>)
      %add3A_85 = arith.constant 1 : i32
      %add3A_86 = arith.addi %mul3A_47, %add3A_85 : i32
      "tpu.region"() ({
        %run_scoped3A = tpu.sem_alloc : memref<!tpu.dma_semaphore, #tpu.memory_space<semaphore_mem>>
        %dma_start3A_87 = arith.constant 0 : i32
        %dma_start3A_88 = tpu.memref_slice %arg7[%add3A_86, %dma_start3A_87] : memref<40x128xi32, #tpu.memory_space<vmem>> -> memref<1x128xi32, #tpu.memory_space<vmem>>
        %dma_start3A_89 = tpu.memref_squeeze %dma_start3A_88 : memref<1x128xi32, #tpu.memory_space<vmem>> -> memref<128xi32, #tpu.memory_space<vmem>>
        %dma_start3A_90 = arith.constant 0 : i32
        %dma_start3A_91 = arith.constant 0 : i32
        %dma_start3A_92 = tpu.memref_slice %arg10[%dma_start3A_90, %dma_start3A_91] : memref<10240x128xf32, #tpu.memory_space<vmem_shared>> -> memref<10240x128xf32, #tpu.memory_space<vmem_shared>>
        tpu.enqueue_indirect_dma source(%arg9 : memref<128x128xf32, #tpu.memory_space<vmem>>) target(%dma_start3A_92 : memref<10240x128xf32, #tpu.memory_space<vmem_shared>>) offsets(%dma_start3A_89 : memref<128xi32, #tpu.memory_space<vmem>>) semaphore(%run_scoped3A : memref<!tpu.dma_semaphore, #tpu.memory_space<semaphore_mem>>) {add = true}
        %dma_wait3A_93 = arith.constant 0 : i32
        %dma_wait3A_94 = tpu.memref_slice %arg7[%add3A_86, %dma_wait3A_93] : memref<40x128xi32, #tpu.memory_space<vmem>> -> memref<1x128xi32, #tpu.memory_space<vmem>>
        %dma_wait3A_95 = tpu.memref_squeeze %dma_wait3A_94 : memref<1x128xi32, #tpu.memory_space<vmem>> -> memref<128xi32, #tpu.memory_space<vmem>>
        %dma_wait3A_96 = arith.constant 0 : i32
        %dma_wait3A_97 = arith.constant 0 : i32
        %dma_wait3A_98 = tpu.memref_slice %arg10[%dma_wait3A_96, %dma_wait3A_97] : memref<10240x128xf32, #tpu.memory_space<vmem_shared>> -> memref<10240x128xf32, #tpu.memory_space<vmem_shared>>
        tpu.wait_indirect_dma semaphore(%run_scoped3A : memref<!tpu.dma_semaphore, #tpu.memory_space<semaphore_mem>>) src(%arg9 : memref<128x128xf32, #tpu.memory_space<vmem>>) dst(%dma_wait3A_98 : memref<10240x128xf32, #tpu.memory_space<vmem_shared>>)
        tpu.yield
      }) : () -> ()
    }
    %scan3A_39 = arith.constant 20 : i32
    %barrier3A_40 = arith.constant 0 : index
    tpu.barrier barrier_id(%barrier3A_40)
    %mul3A = arith.constant 640 : i32
    %mul3A_41 = arith.muli %arg1, %mul3A : i32
    %multiple_of3A = tpu.assume_multiple %mul3A_41, 640 : i32
    "tpu.region"() ({
      %run_scoped3A = tpu.sem_alloc : memref<!tpu.dma_semaphore, #tpu.memory_space<semaphore_mem>>
      %dma_start3A_42 = arith.constant 0 : i32
      %dma_start3A_43 = tpu.memref_slice %arg5[%arg0, %multiple_of3A, %dma_start3A_42] : memref<2x10240x128xf32, #tpu.memory_space<hbm>> -> memref<1x640x128xf32, #tpu.memory_space<hbm>>
      %dma_start3A_44 = tpu.memref_squeeze %dma_start3A_43 : memref<1x640x128xf32, #tpu.memory_space<hbm>> -> memref<640x128xf32, #tpu.memory_space<hbm>>
      %dma_start3A_45 = arith.constant 0 : i32
      %dma_start3A_46 = tpu.memref_slice %arg10[%multiple_of3A, %dma_start3A_45] : memref<10240x128xf32, #tpu.memory_space<vmem_shared>> -> memref<640x128xf32, #tpu.memory_space<vmem_shared>>
      tpu.enqueue_dma source(%dma_start3A_46 : memref<640x128xf32, #tpu.memory_space<vmem_shared>>) target(%dma_start3A_44 : memref<640x128xf32, #tpu.memory_space<hbm>>) target_semaphore(%run_scoped3A : memref<!tpu.dma_semaphore, #tpu.memory_space<semaphore_mem>>)
      %dma_wait3A = arith.constant 0 : i32
      %dma_wait3A_47 = tpu.memref_slice %arg5[%arg0, %multiple_of3A, %dma_wait3A] : memref<2x10240x128xf32, #tpu.memory_space<hbm>> -> memref<1x640x128xf32, #tpu.memory_space<hbm>>
      %dma_wait3A_48 = tpu.memref_squeeze %dma_wait3A_47 : memref<1x640x128xf32, #tpu.memory_space<hbm>> -> memref<640x128xf32, #tpu.memory_space<hbm>>
      %dma_wait3A_49 = arith.constant 0 : i32
      %dma_wait3A_50 = tpu.memref_slice %arg10[%multiple_of3A, %dma_wait3A_49] : memref<10240x128xf32, #tpu.memory_space<vmem_shared>> -> memref<640x128xf32, #tpu.memory_space<vmem_shared>>
      tpu.wait_dma2 semaphore(%run_scoped3A : memref<!tpu.dma_semaphore, #tpu.memory_space<semaphore_mem>>) src(%dma_wait3A_50 : memref<640x128xf32, #tpu.memory_space<vmem_shared>>) dst(%dma_wait3A_48 : memref<640x128xf32, #tpu.memory_space<hbm>>)
      tpu.yield
    }) : () -> ()
    return
  }
}

module attributes {stable_mosaic.version = 14 : i64} {
  func.func @_lin0_body(%arg0: i32, %arg1: memref<256x128xf32, #tpu.memory_space<vmem>>, %arg2: memref<128x64xf32, #tpu.memory_space<vmem>>, %arg3: memref<1x64xf32, #tpu.memory_space<vmem>>, %arg4: memref<256x64xf32, #tpu.memory_space<vmem>>) attributes {dimension_semantics = [#tpu.dimension_semantics<arbitrary>], iteration_bounds = array<i64: 40>, scalar_prefetch = 0 : i64, scratch_operands = 0 : i64, tpu.core_type = #tpu.core_type<tc>, window_params = [{transform_indices = @transform_0, window_bounds = array<i64: 256, 128>}, {pipeline_mode = #tpu.pipeline_mode<synchronous>, transform_indices = @transform_1, window_bounds = array<i64: 128, 64>}, {pipeline_mode = #tpu.pipeline_mode<synchronous>, transform_indices = @transform_2, window_bounds = array<i64: 1, 64>}, {transform_indices = @transform_3, window_bounds = array<i64: 256, 64>}]} {
    %get3A = arith.constant 0 : index
    %get3A_0 = arith.constant 0 : index
    %get3A_1 = vector.load %arg1[%get3A, %get3A_0] : memref<256x128xf32, #tpu.memory_space<vmem>>, vector<256x128xf32>
    %get3A_2 = arith.constant 0 : index
    %get3A_3 = arith.constant 0 : index
    %get3A_4 = vector.load %arg2[%get3A_2, %get3A_3] : memref<128x64xf32, #tpu.memory_space<vmem>>, vector<128x64xf32>
    %dot_general3A = arith.constant dense<0.000000e+00> : vector<256x64xf32>
    %dot_general3A_5 = tpu.matmul %get3A_1, %get3A_4, %dot_general3A {dimension_numbers = #tpu.dot_dimension_numbers<[1], [0], [0], [1], [0, 0, 1, 1], [], []>, transpose_lhs_hint = false} : vector<256x128xf32>, vector<128x64xf32>, vector<256x64xf32> -> vector<256x64xf32>
    %get3A_6 = arith.constant 0 : index
    %get3A_7 = arith.constant 0 : index
    %get3A_8 = vector.load %arg3[%get3A_6, %get3A_7] : memref<1x64xf32, #tpu.memory_space<vmem>>, vector<1x64xf32>
    %add3A = vector.broadcast %get3A_8 : vector<1x64xf32> to vector<256x64xf32>
    %add3A_9 = arith.addf %dot_general3A_5, %add3A : vector<256x64xf32>
    %max3A = arith.constant 0.000000e+00 : f32
    %max3A_10 = vector.broadcast %max3A : f32 to vector<256x64xf32>
    %max3A_11 = arith.maximumf %add3A_9, %max3A_10 : vector<256x64xf32>
    %swap3A = arith.constant 0 : index
    %swap3A_12 = arith.constant 0 : index
    %swap3A_13 = vector.load %arg4[%swap3A, %swap3A_12] : memref<256x64xf32, #tpu.memory_space<vmem>>, vector<256x64xf32>
    tpu.vector_store %arg4[%swap3A, %swap3A_12], %max3A_11 {strides = array<i32>} : memref<256x64xf32, #tpu.memory_space<vmem>>, vector<256x64xf32>,
    return
  }
  func.func @transform_0(%arg0: i32) -> (i32, i32) {
    %c0_i32 = arith.constant 0 : i32
    %c0_i32_0 = arith.constant 0 : i32
    return %arg0, %c0_i32 : i32, i32
  }
  func.func @transform_1(%arg0: i32) -> (i32, i32) {
    %c0_i32 = arith.constant 0 : i32
    %c0_i32_0 = arith.constant 0 : i32
    %c0_i32_1 = arith.constant 0 : i32
    return %c0_i32, %c0_i32_0 : i32, i32
  }
  func.func @transform_2(%arg0: i32) -> (i32, i32) {
    %c0_i32 = arith.constant 0 : i32
    %c0_i32_0 = arith.constant 0 : i32
    %c0_i32_1 = arith.constant 0 : i32
    return %c0_i32, %c0_i32_0 : i32, i32
  }
  func.func @transform_3(%arg0: i32) -> (i32, i32) {
    %c0_i32 = arith.constant 0 : i32
    %c0_i32_0 = arith.constant 0 : i32
    return %arg0, %c0_i32 : i32, i32
  }
}

module attributes {stable_mosaic.version = 14 : i64} {
  func.func @_scale_body(%arg0: i32, %arg1: memref<2x256x16xf32, #tpu.memory_space<vmem>>, %arg2: memref<256x64xf32, #tpu.memory_space<vmem>>, %arg3: memref<256x64xf32, #tpu.memory_space<vmem>>, %arg4: memref<2x256x128xf32, #tpu.memory_space<vmem>>) attributes {dimension_semantics = [#tpu.dimension_semantics<arbitrary>], iteration_bounds = array<i64: 40>, scalar_prefetch = 0 : i64, scratch_operands = 0 : i64, tpu.core_type = #tpu.core_type<tc>, window_params = [{transform_indices = @transform_0, window_bounds = array<i64: 2, 256, 16>}, {transform_indices = @transform_1, window_bounds = array<i64: 256, 64>}, {transform_indices = @transform_2, window_bounds = array<i64: 256, 64>}, {transform_indices = @transform_3, window_bounds = array<i64: 2, 256, 128>}]} {
    %get3A = arith.constant 0 : index
    %get3A_0 = arith.constant 0 : index
    %get3A_1 = arith.constant 0 : index
    %get3A_2 = vector.load %arg1[%get3A, %get3A_0, %get3A_1] : memref<2x256x16xf32, #tpu.memory_space<vmem>>, vector<1x256x1xf32>
    %get3A_3 = vector.shape_cast %get3A_2 : vector<1x256x1xf32> to vector<256x1xf32>
    %get3A_4 = arith.constant 1 : index
    %get3A_5 = arith.constant 0 : index
    %get3A_6 = arith.constant 0 : index
    %get3A_7 = vector.load %arg1[%get3A_4, %get3A_5, %get3A_6] : memref<2x256x16xf32, #tpu.memory_space<vmem>>, vector<1x256x1xf32>
    %get3A_8 = vector.shape_cast %get3A_7 : vector<1x256x1xf32> to vector<256x1xf32>
    %add3A = arith.addf %get3A_3, %get3A_8 : vector<256x1xf32>
    %add3A_9 = arith.constant 1.000000e+00 : f32
    %add3A_10 = vector.broadcast %add3A_9 : f32 to vector<256x1xf32>
    %add3A_11 = arith.addf %add3A, %add3A_10 : vector<256x1xf32>
    %mul3A = arith.constant 256 : i32
    %mul3A_12 = arith.muli %arg0, %mul3A : i32
    %iota3A = tpu.iota {dimensions = array<i32: 0>} : vector<256x1xi32>
    %add3A_13 = vector.broadcast %mul3A_12 : i32 to vector<256x1xi32>
    %add3A_14 = arith.addi %add3A_13, %iota3A : vector<256x1xi32>
    %lt3A = arith.constant 10000 : i32
    %lt3A_15 = vector.broadcast %lt3A : i32 to vector<256x1xi32>
    %lt3A_16 = arith.cmpi slt, %add3A_14, %lt3A_15 : vector<256x1xi32>
    %rsqrt3A = math.rsqrt %add3A_11 : vector<256x1xf32>
    %jit3A = arith.constant 0.000000e+00 : f32
    %broadcast_in_dim3A = vector.broadcast %jit3A : f32 to vector<256x1xf32>
    %select_n3A = arith.select %lt3A_16, %rsqrt3A, %broadcast_in_dim3A : vector<256x1xi1>, vector<256x1xf32>
    %broadcast_in_dim3A_17 = vector.shape_cast %select_n3A : vector<256x1xf32> to vector<256x1xf32>
    %broadcast_in_dim3A_18 = vector.broadcast %broadcast_in_dim3A_17 : vector<256x1xf32> to vector<256x64xf32>
    %swap3A = arith.constant 0 : index
    %swap3A_19 = arith.constant 0 : index
    %swap3A_20 = vector.load %arg3[%swap3A, %swap3A_19] : memref<256x64xf32, #tpu.memory_space<vmem>>, vector<256x64xf32>
    tpu.vector_store %arg3[%swap3A, %swap3A_19], %broadcast_in_dim3A_18 {strides = array<i32>} : memref<256x64xf32, #tpu.memory_space<vmem>>, vector<256x64xf32>,
    %get3A_21 = arith.constant 0 : index
    %get3A_22 = arith.constant 0 : index
    %get3A_23 = vector.load %arg2[%get3A_21, %get3A_22] : memref<256x64xf32, #tpu.memory_space<vmem>>, vector<256x64xf32>
    %mul3A_24 = arith.mulf %broadcast_in_dim3A_18, %get3A_23 : vector<256x64xf32>
    %broadcast_in_dim3A_25 = arith.constant 0.000000e+00 : f32
    %broadcast_in_dim3A_26 = vector.broadcast %broadcast_in_dim3A_25 : f32 to vector<256x64xf32>
    %concatenate3A = tpu.concatenate %mul3A_24, %broadcast_in_dim3A_26 in 1 : vector<256x64xf32>, vector<256x64xf32> -> vector<256x128xf32>
    %broadcast_in_dim3A_27 = vector.shape_cast %concatenate3A : vector<256x128xf32> to vector<1x256x128xf32>
    %broadcast_in_dim3A_28 = vector.broadcast %broadcast_in_dim3A_27 : vector<1x256x128xf32> to vector<2x256x128xf32>
    %swap3A_29 = arith.constant 0 : index
    %swap3A_30 = arith.constant 0 : index
    %swap3A_31 = arith.constant 0 : index
    %swap3A_32 = vector.load %arg4[%swap3A_29, %swap3A_30, %swap3A_31] : memref<2x256x128xf32, #tpu.memory_space<vmem>>, vector<2x256x128xf32>
    tpu.vector_store %arg4[%swap3A_29, %swap3A_30, %swap3A_31], %broadcast_in_dim3A_28 {strides = array<i32>} : memref<2x256x128xf32, #tpu.memory_space<vmem>>, vector<2x256x128xf32>,
    return
  }
  func.func @transform_0(%arg0: i32) -> (i32, i32, i32) {
    %c0_i32 = arith.constant 0 : i32
    %c0_i32_0 = arith.constant 0 : i32
    %c0_i32_1 = arith.constant 0 : i32
    return %c0_i32, %arg0, %c0_i32_0 : i32, i32, i32
  }
  func.func @transform_1(%arg0: i32) -> (i32, i32) {
    %c0_i32 = arith.constant 0 : i32
    %c0_i32_0 = arith.constant 0 : i32
    return %arg0, %c0_i32 : i32, i32
  }
  func.func @transform_2(%arg0: i32) -> (i32, i32) {
    %c0_i32 = arith.constant 0 : i32
    %c0_i32_0 = arith.constant 0 : i32
    return %arg0, %c0_i32 : i32, i32
  }
  func.func @transform_3(%arg0: i32) -> (i32, i32, i32) {
    %c0_i32 = arith.constant 0 : i32
    %c0_i32_0 = arith.constant 0 : i32
    %c0_i32_1 = arith.constant 0 : i32
    return %c0_i32, %arg0, %c0_i32_0 : i32, i32, i32
  }
}

module attributes {stable_mosaic.version = 14 : i64} {
  func.func @_layer_body(%arg0: i32, %arg1: memref<2x256x128xf32, #tpu.memory_space<vmem>>, %arg2: memref<2x256x128xf32, #tpu.memory_space<vmem>>, %arg3: memref<256x64xf32, #tpu.memory_space<vmem>>, %arg4: memref<256x64xf32, #tpu.memory_space<vmem>>, %arg5: memref<64x64xf32, #tpu.memory_space<vmem>>, %arg6: memref<2x256x128xf32, #tpu.memory_space<vmem>>) attributes {dimension_semantics = [#tpu.dimension_semantics<arbitrary>], iteration_bounds = array<i64: 40>, scalar_prefetch = 0 : i64, scratch_operands = 0 : i64, tpu.core_type = #tpu.core_type<tc>, window_params = [{transform_indices = @transform_0, window_bounds = array<i64: 2, 256, 128>}, {transform_indices = @transform_1, window_bounds = array<i64: 2, 256, 128>}, {transform_indices = @transform_2, window_bounds = array<i64: 256, 64>}, {transform_indices = @transform_3, window_bounds = array<i64: 256, 64>}, {pipeline_mode = #tpu.pipeline_mode<synchronous>, transform_indices = @transform_4, window_bounds = array<i64: 64, 64>}, {transform_indices = @transform_5, window_bounds = array<i64: 2, 256, 128>}]} {
    %get3A = arith.constant 0 : index
    %get3A_0 = arith.constant 0 : index
    %get3A_1 = vector.load %arg4[%get3A, %get3A_0] : memref<256x64xf32, #tpu.memory_space<vmem>>, vector<256x64xf32>
    %get3A_2 = arith.constant 0 : index
    %get3A_3 = arith.constant 0 : index
    %get3A_4 = arith.constant 0 : index
    %get3A_5 = vector.load %arg1[%get3A_2, %get3A_3, %get3A_4] : memref<2x256x128xf32, #tpu.memory_space<vmem>>, vector<1x256x64xf32>
    %get3A_6 = vector.shape_cast %get3A_5 : vector<1x256x64xf32> to vector<256x64xf32>
    %get3A_7 = arith.constant 1 : index
    %get3A_8 = arith.constant 0 : index
    %get3A_9 = arith.constant 0 : index
    %get3A_10 = vector.load %arg1[%get3A_7, %get3A_8, %get3A_9] : memref<2x256x128xf32, #tpu.memory_space<vmem>>, vector<1x256x64xf32>
    %get3A_11 = vector.shape_cast %get3A_10 : vector<1x256x64xf32> to vector<256x64xf32>
    %add3A = arith.addf %get3A_6, %get3A_11 : vector<256x64xf32>
    %get3A_12 = arith.constant 0 : index
    %get3A_13 = arith.constant 0 : index
    %get3A_14 = arith.constant 0 : index
    %get3A_15 = vector.load %arg2[%get3A_12, %get3A_13, %get3A_14] : memref<2x256x128xf32, #tpu.memory_space<vmem>>, vector<1x256x64xf32>
    %get3A_16 = vector.shape_cast %get3A_15 : vector<1x256x64xf32> to vector<256x64xf32>
    %add3A_17 = arith.addf %add3A, %get3A_16 : vector<256x64xf32>
    %mul3A = arith.mulf %get3A_1, %add3A_17 : vector<256x64xf32>
    %mul3A_18 = arith.constant 0.899999976 : f32
    %mul3A_19 = vector.broadcast %mul3A_18 : f32 to vector<256x64xf32>
    %mul3A_20 = arith.mulf %mul3A_19, %mul3A : vector<256x64xf32>
    %get3A_21 = arith.constant 0 : index
    %get3A_22 = arith.constant 0 : index
    %get3A_23 = vector.load %arg3[%get3A_21, %get3A_22] : memref<256x64xf32, #tpu.memory_space<vmem>>, vector<256x64xf32>
    %mul3A_24 = arith.constant 1.000000e-01 : f32
    %mul3A_25 = vector.broadcast %mul3A_24 : f32 to vector<256x64xf32>
    %mul3A_26 = arith.mulf %mul3A_25, %get3A_23 : vector<256x64xf32>
    %add3A_27 = arith.addf %mul3A_20, %mul3A_26 : vector<256x64xf32>
    %get3A_28 = arith.constant 0 : index
    %get3A_29 = arith.constant 0 : index
    %get3A_30 = vector.load %arg5[%get3A_28, %get3A_29] : memref<64x64xf32, #tpu.memory_space<vmem>>, vector<64x64xf32>
    %mul3A_31 = arith.constant 0.405465096 : f32
    %mul3A_32 = vector.broadcast %mul3A_31 : f32 to vector<64x64xf32>
    %mul3A_33 = arith.mulf %mul3A_32, %get3A_30 : vector<64x64xf32>
    %iota3A = tpu.iota {dimensions = array<i32: 0>} : vector<64x64xi32>
    %iota3A_34 = tpu.iota {dimensions = array<i32: 1>} : vector<64x64xi32>
    %eq3A = arith.cmpi eq, %iota3A, %iota3A_34 : vector<64x64xi32>
    %convert_element_type3A = arith.extui %eq3A : vector<64x64xi1> to vector<64x64xi32>
    %convert_element_type3A_35 = arith.sitofp %convert_element_type3A : vector<64x64xi32> to vector<64x64xf32>
    %mul3A_36 = arith.constant 0.594534874 : f32
    %mul3A_37 = vector.broadcast %mul3A_36 : f32 to vector<64x64xf32>
    %mul3A_38 = arith.mulf %mul3A_37, %convert_element_type3A_35 : vector<64x64xf32>
    %add3A_39 = arith.addf %mul3A_33, %mul3A_38 : vector<64x64xf32>
    %dot_general3A = arith.constant dense<0.000000e+00> : vector<256x64xf32>
    %dot_general3A_40 = tpu.matmul %add3A_27, %add3A_39, %dot_general3A {dimension_numbers = #tpu.dot_dimension_numbers<[1], [0], [0], [1], [0, 0, 1, 1], [], []>, transpose_lhs_hint = false} : vector<256x64xf32>, vector<64x64xf32>, vector<256x64xf32> -> vector<256x64xf32>
    %max3A = arith.constant 0.000000e+00 : f32
    %max3A_41 = vector.broadcast %max3A : f32 to vector<256x64xf32>
    %max3A_42 = arith.maximumf %dot_general3A_40, %max3A_41 : vector<256x64xf32>
    %get3A_43 = arith.constant 0 : index
    %get3A_44 = arith.constant 0 : index
    %get3A_45 = vector.load %arg4[%get3A_43, %get3A_44] : memref<256x64xf32, #tpu.memory_space<vmem>>, vector<256x64xf32>
    %mul3A_46 = arith.mulf %get3A_45, %max3A_42 : vector<256x64xf32>
    %broadcast_in_dim3A = arith.constant 0.000000e+00 : f32
    %broadcast_in_dim3A_47 = vector.broadcast %broadcast_in_dim3A : f32 to vector<256x64xf32>
    %concatenate3A = tpu.concatenate %mul3A_46, %broadcast_in_dim3A_47 in 1 : vector<256x64xf32>, vector<256x64xf32> -> vector<256x128xf32>
    %broadcast_in_dim3A_48 = vector.shape_cast %concatenate3A : vector<256x128xf32> to vector<1x256x128xf32>
    %broadcast_in_dim3A_49 = vector.broadcast %broadcast_in_dim3A_48 : vector<1x256x128xf32> to vector<2x256x128xf32>
    %swap3A = arith.constant 0 : index
    %swap3A_50 = arith.constant 0 : index
    %swap3A_51 = arith.constant 0 : index
    %swap3A_52 = vector.load %arg6[%swap3A, %swap3A_50, %swap3A_51] : memref<2x256x128xf32, #tpu.memory_space<vmem>>, vector<2x256x128xf32>
    tpu.vector_store %arg6[%swap3A, %swap3A_50, %swap3A_51], %broadcast_in_dim3A_49 {strides = array<i32>} : memref<2x256x128xf32, #tpu.memory_space<vmem>>, vector<2x256x128xf32>,
    return
  }
  func.func @transform_0(%arg0: i32) -> (i32, i32, i32) {
    %c0_i32 = arith.constant 0 : i32
    %c0_i32_0 = arith.constant 0 : i32
    %c0_i32_1 = arith.constant 0 : i32
    return %c0_i32, %arg0, %c0_i32_0 : i32, i32, i32
  }
  func.func @transform_1(%arg0: i32) -> (i32, i32, i32) {
    %c0_i32 = arith.constant 0 : i32
    %c0_i32_0 = arith.constant 0 : i32
    %c0_i32_1 = arith.constant 0 : i32
    return %c0_i32, %arg0, %c0_i32_0 : i32, i32, i32
  }
  func.func @transform_2(%arg0: i32) -> (i32, i32) {
    %c0_i32 = arith.constant 0 : i32
    %c0_i32_0 = arith.constant 0 : i32
    return %arg0, %c0_i32 : i32, i32
  }
  func.func @transform_3(%arg0: i32) -> (i32, i32) {
    %c0_i32 = arith.constant 0 : i32
    %c0_i32_0 = arith.constant 0 : i32
    return %arg0, %c0_i32 : i32, i32
  }
  func.func @transform_4(%arg0: i32) -> (i32, i32) {
    %c0_i32 = arith.constant 0 : i32
    %c0_i32_0 = arith.constant 0 : i32
    %c0_i32_1 = arith.constant 0 : i32
    return %c0_i32, %c0_i32_0 : i32, i32
  }
  func.func @transform_5(%arg0: i32) -> (i32, i32, i32) {
    %c0_i32 = arith.constant 0 : i32
    %c0_i32_0 = arith.constant 0 : i32
    %c0_i32_1 = arith.constant 0 : i32
    return %c0_i32, %arg0, %c0_i32_0 : i32, i32, i32
  }
}

module attributes {stable_mosaic.version = 14 : i64} {
  func.func @_layer_body(%arg0: i32, %arg1: memref<2x256x128xf32, #tpu.memory_space<vmem>>, %arg2: memref<2x256x128xf32, #tpu.memory_space<vmem>>, %arg3: memref<256x64xf32, #tpu.memory_space<vmem>>, %arg4: memref<256x64xf32, #tpu.memory_space<vmem>>, %arg5: memref<64x64xf32, #tpu.memory_space<vmem>>, %arg6: memref<2x256x128xf32, #tpu.memory_space<vmem>>) attributes {dimension_semantics = [#tpu.dimension_semantics<arbitrary>], iteration_bounds = array<i64: 40>, scalar_prefetch = 0 : i64, scratch_operands = 0 : i64, tpu.core_type = #tpu.core_type<tc>, window_params = [{transform_indices = @transform_0, window_bounds = array<i64: 2, 256, 128>}, {transform_indices = @transform_1, window_bounds = array<i64: 2, 256, 128>}, {transform_indices = @transform_2, window_bounds = array<i64: 256, 64>}, {transform_indices = @transform_3, window_bounds = array<i64: 256, 64>}, {pipeline_mode = #tpu.pipeline_mode<synchronous>, transform_indices = @transform_4, window_bounds = array<i64: 64, 64>}, {transform_indices = @transform_5, window_bounds = array<i64: 2, 256, 128>}]} {
    %get3A = arith.constant 0 : index
    %get3A_0 = arith.constant 0 : index
    %get3A_1 = vector.load %arg4[%get3A, %get3A_0] : memref<256x64xf32, #tpu.memory_space<vmem>>, vector<256x64xf32>
    %get3A_2 = arith.constant 0 : index
    %get3A_3 = arith.constant 0 : index
    %get3A_4 = arith.constant 0 : index
    %get3A_5 = vector.load %arg1[%get3A_2, %get3A_3, %get3A_4] : memref<2x256x128xf32, #tpu.memory_space<vmem>>, vector<1x256x64xf32>
    %get3A_6 = vector.shape_cast %get3A_5 : vector<1x256x64xf32> to vector<256x64xf32>
    %get3A_7 = arith.constant 1 : index
    %get3A_8 = arith.constant 0 : index
    %get3A_9 = arith.constant 0 : index
    %get3A_10 = vector.load %arg1[%get3A_7, %get3A_8, %get3A_9] : memref<2x256x128xf32, #tpu.memory_space<vmem>>, vector<1x256x64xf32>
    %get3A_11 = vector.shape_cast %get3A_10 : vector<1x256x64xf32> to vector<256x64xf32>
    %add3A = arith.addf %get3A_6, %get3A_11 : vector<256x64xf32>
    %get3A_12 = arith.constant 0 : index
    %get3A_13 = arith.constant 0 : index
    %get3A_14 = arith.constant 0 : index
    %get3A_15 = vector.load %arg2[%get3A_12, %get3A_13, %get3A_14] : memref<2x256x128xf32, #tpu.memory_space<vmem>>, vector<1x256x64xf32>
    %get3A_16 = vector.shape_cast %get3A_15 : vector<1x256x64xf32> to vector<256x64xf32>
    %add3A_17 = arith.addf %add3A, %get3A_16 : vector<256x64xf32>
    %mul3A = arith.mulf %get3A_1, %add3A_17 : vector<256x64xf32>
    %mul3A_18 = arith.constant 0.899999976 : f32
    %mul3A_19 = vector.broadcast %mul3A_18 : f32 to vector<256x64xf32>
    %mul3A_20 = arith.mulf %mul3A_19, %mul3A : vector<256x64xf32>
    %get3A_21 = arith.constant 0 : index
    %get3A_22 = arith.constant 0 : index
    %get3A_23 = vector.load %arg3[%get3A_21, %get3A_22] : memref<256x64xf32, #tpu.memory_space<vmem>>, vector<256x64xf32>
    %mul3A_24 = arith.constant 1.000000e-01 : f32
    %mul3A_25 = vector.broadcast %mul3A_24 : f32 to vector<256x64xf32>
    %mul3A_26 = arith.mulf %mul3A_25, %get3A_23 : vector<256x64xf32>
    %add3A_27 = arith.addf %mul3A_20, %mul3A_26 : vector<256x64xf32>
    %get3A_28 = arith.constant 0 : index
    %get3A_29 = arith.constant 0 : index
    %get3A_30 = vector.load %arg5[%get3A_28, %get3A_29] : memref<64x64xf32, #tpu.memory_space<vmem>>, vector<64x64xf32>
    %mul3A_31 = arith.constant 0.223143548 : f32
    %mul3A_32 = vector.broadcast %mul3A_31 : f32 to vector<64x64xf32>
    %mul3A_33 = arith.mulf %mul3A_32, %get3A_30 : vector<64x64xf32>
    %iota3A = tpu.iota {dimensions = array<i32: 0>} : vector<64x64xi32>
    %iota3A_34 = tpu.iota {dimensions = array<i32: 1>} : vector<64x64xi32>
    %eq3A = arith.cmpi eq, %iota3A, %iota3A_34 : vector<64x64xi32>
    %convert_element_type3A = arith.extui %eq3A : vector<64x64xi1> to vector<64x64xi32>
    %convert_element_type3A_35 = arith.sitofp %convert_element_type3A : vector<64x64xi32> to vector<64x64xf32>
    %mul3A_36 = arith.constant 0.776856422 : f32
    %mul3A_37 = vector.broadcast %mul3A_36 : f32 to vector<64x64xf32>
    %mul3A_38 = arith.mulf %mul3A_37, %convert_element_type3A_35 : vector<64x64xf32>
    %add3A_39 = arith.addf %mul3A_33, %mul3A_38 : vector<64x64xf32>
    %dot_general3A = arith.constant dense<0.000000e+00> : vector<256x64xf32>
    %dot_general3A_40 = tpu.matmul %add3A_27, %add3A_39, %dot_general3A {dimension_numbers = #tpu.dot_dimension_numbers<[1], [0], [0], [1], [0, 0, 1, 1], [], []>, transpose_lhs_hint = false} : vector<256x64xf32>, vector<64x64xf32>, vector<256x64xf32> -> vector<256x64xf32>
    %max3A = arith.constant 0.000000e+00 : f32
    %max3A_41 = vector.broadcast %max3A : f32 to vector<256x64xf32>
    %max3A_42 = arith.maximumf %dot_general3A_40, %max3A_41 : vector<256x64xf32>
    %get3A_43 = arith.constant 0 : index
    %get3A_44 = arith.constant 0 : index
    %get3A_45 = vector.load %arg4[%get3A_43, %get3A_44] : memref<256x64xf32, #tpu.memory_space<vmem>>, vector<256x64xf32>
    %mul3A_46 = arith.mulf %get3A_45, %max3A_42 : vector<256x64xf32>
    %broadcast_in_dim3A = arith.constant 0.000000e+00 : f32
    %broadcast_in_dim3A_47 = vector.broadcast %broadcast_in_dim3A : f32 to vector<256x64xf32>
    %concatenate3A = tpu.concatenate %mul3A_46, %broadcast_in_dim3A_47 in 1 : vector<256x64xf32>, vector<256x64xf32> -> vector<256x128xf32>
    %broadcast_in_dim3A_48 = vector.shape_cast %concatenate3A : vector<256x128xf32> to vector<1x256x128xf32>
    %broadcast_in_dim3A_49 = vector.broadcast %broadcast_in_dim3A_48 : vector<1x256x128xf32> to vector<2x256x128xf32>
    %swap3A = arith.constant 0 : index
    %swap3A_50 = arith.constant 0 : index
    %swap3A_51 = arith.constant 0 : index
    %swap3A_52 = vector.load %arg6[%swap3A, %swap3A_50, %swap3A_51] : memref<2x256x128xf32, #tpu.memory_space<vmem>>, vector<2x256x128xf32>
    tpu.vector_store %arg6[%swap3A, %swap3A_50, %swap3A_51], %broadcast_in_dim3A_49 {strides = array<i32>} : memref<2x256x128xf32, #tpu.memory_space<vmem>>, vector<2x256x128xf32>,
    return
  }
  func.func @transform_0(%arg0: i32) -> (i32, i32, i32) {
    %c0_i32 = arith.constant 0 : i32
    %c0_i32_0 = arith.constant 0 : i32
    %c0_i32_1 = arith.constant 0 : i32
    return %c0_i32, %arg0, %c0_i32_0 : i32, i32, i32
  }
  func.func @transform_1(%arg0: i32) -> (i32, i32, i32) {
    %c0_i32 = arith.constant 0 : i32
    %c0_i32_0 = arith.constant 0 : i32
    %c0_i32_1 = arith.constant 0 : i32
    return %c0_i32, %arg0, %c0_i32_0 : i32, i32, i32
  }
  func.func @transform_2(%arg0: i32) -> (i32, i32) {
    %c0_i32 = arith.constant 0 : i32
    %c0_i32_0 = arith.constant 0 : i32
    return %arg0, %c0_i32 : i32, i32
  }
  func.func @transform_3(%arg0: i32) -> (i32, i32) {
    %c0_i32 = arith.constant 0 : i32
    %c0_i32_0 = arith.constant 0 : i32
    return %arg0, %c0_i32 : i32, i32
  }
  func.func @transform_4(%arg0: i32) -> (i32, i32) {
    %c0_i32 = arith.constant 0 : i32
    %c0_i32_0 = arith.constant 0 : i32
    %c0_i32_1 = arith.constant 0 : i32
    return %c0_i32, %c0_i32_0 : i32, i32
  }
  func.func @transform_5(%arg0: i32) -> (i32, i32, i32) {
    %c0_i32 = arith.constant 0 : i32
    %c0_i32_0 = arith.constant 0 : i32
    %c0_i32_1 = arith.constant 0 : i32
    return %c0_i32, %arg0, %c0_i32_0 : i32, i32, i32
  }
}

module attributes {stable_mosaic.version = 14 : i64} {
  func.func @_layer_body(%arg0: i32, %arg1: memref<2x256x128xf32, #tpu.memory_space<vmem>>, %arg2: memref<2x256x128xf32, #tpu.memory_space<vmem>>, %arg3: memref<256x64xf32, #tpu.memory_space<vmem>>, %arg4: memref<256x64xf32, #tpu.memory_space<vmem>>, %arg5: memref<64x64xf32, #tpu.memory_space<vmem>>, %arg6: memref<2x256x128xf32, #tpu.memory_space<vmem>>) attributes {dimension_semantics = [#tpu.dimension_semantics<arbitrary>], iteration_bounds = array<i64: 40>, scalar_prefetch = 0 : i64, scratch_operands = 0 : i64, tpu.core_type = #tpu.core_type<tc>, window_params = [{transform_indices = @transform_0, window_bounds = array<i64: 2, 256, 128>}, {transform_indices = @transform_1, window_bounds = array<i64: 2, 256, 128>}, {transform_indices = @transform_2, window_bounds = array<i64: 256, 64>}, {transform_indices = @transform_3, window_bounds = array<i64: 256, 64>}, {pipeline_mode = #tpu.pipeline_mode<synchronous>, transform_indices = @transform_4, window_bounds = array<i64: 64, 64>}, {transform_indices = @transform_5, window_bounds = array<i64: 2, 256, 128>}]} {
    %get3A = arith.constant 0 : index
    %get3A_0 = arith.constant 0 : index
    %get3A_1 = vector.load %arg4[%get3A, %get3A_0] : memref<256x64xf32, #tpu.memory_space<vmem>>, vector<256x64xf32>
    %get3A_2 = arith.constant 0 : index
    %get3A_3 = arith.constant 0 : index
    %get3A_4 = arith.constant 0 : index
    %get3A_5 = vector.load %arg1[%get3A_2, %get3A_3, %get3A_4] : memref<2x256x128xf32, #tpu.memory_space<vmem>>, vector<1x256x64xf32>
    %get3A_6 = vector.shape_cast %get3A_5 : vector<1x256x64xf32> to vector<256x64xf32>
    %get3A_7 = arith.constant 1 : index
    %get3A_8 = arith.constant 0 : index
    %get3A_9 = arith.constant 0 : index
    %get3A_10 = vector.load %arg1[%get3A_7, %get3A_8, %get3A_9] : memref<2x256x128xf32, #tpu.memory_space<vmem>>, vector<1x256x64xf32>
    %get3A_11 = vector.shape_cast %get3A_10 : vector<1x256x64xf32> to vector<256x64xf32>
    %add3A = arith.addf %get3A_6, %get3A_11 : vector<256x64xf32>
    %get3A_12 = arith.constant 0 : index
    %get3A_13 = arith.constant 0 : index
    %get3A_14 = arith.constant 0 : index
    %get3A_15 = vector.load %arg2[%get3A_12, %get3A_13, %get3A_14] : memref<2x256x128xf32, #tpu.memory_space<vmem>>, vector<1x256x64xf32>
    %get3A_16 = vector.shape_cast %get3A_15 : vector<1x256x64xf32> to vector<256x64xf32>
    %add3A_17 = arith.addf %add3A, %get3A_16 : vector<256x64xf32>
    %mul3A = arith.mulf %get3A_1, %add3A_17 : vector<256x64xf32>
    %mul3A_18 = arith.constant 0.899999976 : f32
    %mul3A_19 = vector.broadcast %mul3A_18 : f32 to vector<256x64xf32>
    %mul3A_20 = arith.mulf %mul3A_19, %mul3A : vector<256x64xf32>
    %get3A_21 = arith.constant 0 : index
    %get3A_22 = arith.constant 0 : index
    %get3A_23 = vector.load %arg3[%get3A_21, %get3A_22] : memref<256x64xf32, #tpu.memory_space<vmem>>, vector<256x64xf32>
    %mul3A_24 = arith.constant 1.000000e-01 : f32
    %mul3A_25 = vector.broadcast %mul3A_24 : f32 to vector<256x64xf32>
    %mul3A_26 = arith.mulf %mul3A_25, %get3A_23 : vector<256x64xf32>
    %add3A_27 = arith.addf %mul3A_20, %mul3A_26 : vector<256x64xf32>
    %get3A_28 = arith.constant 0 : index
    %get3A_29 = arith.constant 0 : index
    %get3A_30 = vector.load %arg5[%get3A_28, %get3A_29] : memref<64x64xf32, #tpu.memory_space<vmem>>, vector<64x64xf32>
    %mul3A_31 = arith.constant 0.15415068 : f32
    %mul3A_32 = vector.broadcast %mul3A_31 : f32 to vector<64x64xf32>
    %mul3A_33 = arith.mulf %mul3A_32, %get3A_30 : vector<64x64xf32>
    %iota3A = tpu.iota {dimensions = array<i32: 0>} : vector<64x64xi32>
    %iota3A_34 = tpu.iota {dimensions = array<i32: 1>} : vector<64x64xi32>
    %eq3A = arith.cmpi eq, %iota3A, %iota3A_34 : vector<64x64xi32>
    %convert_element_type3A = arith.extui %eq3A : vector<64x64xi1> to vector<64x64xi32>
    %convert_element_type3A_35 = arith.sitofp %convert_element_type3A : vector<64x64xi32> to vector<64x64xf32>
    %mul3A_36 = arith.constant 0.845849335 : f32
    %mul3A_37 = vector.broadcast %mul3A_36 : f32 to vector<64x64xf32>
    %mul3A_38 = arith.mulf %mul3A_37, %convert_element_type3A_35 : vector<64x64xf32>
    %add3A_39 = arith.addf %mul3A_33, %mul3A_38 : vector<64x64xf32>
    %dot_general3A = arith.constant dense<0.000000e+00> : vector<256x64xf32>
    %dot_general3A_40 = tpu.matmul %add3A_27, %add3A_39, %dot_general3A {dimension_numbers = #tpu.dot_dimension_numbers<[1], [0], [0], [1], [0, 0, 1, 1], [], []>, transpose_lhs_hint = false} : vector<256x64xf32>, vector<64x64xf32>, vector<256x64xf32> -> vector<256x64xf32>
    %max3A = arith.constant 0.000000e+00 : f32
    %max3A_41 = vector.broadcast %max3A : f32 to vector<256x64xf32>
    %max3A_42 = arith.maximumf %dot_general3A_40, %max3A_41 : vector<256x64xf32>
    %get3A_43 = arith.constant 0 : index
    %get3A_44 = arith.constant 0 : index
    %get3A_45 = vector.load %arg4[%get3A_43, %get3A_44] : memref<256x64xf32, #tpu.memory_space<vmem>>, vector<256x64xf32>
    %mul3A_46 = arith.mulf %get3A_45, %max3A_42 : vector<256x64xf32>
    %broadcast_in_dim3A = arith.constant 0.000000e+00 : f32
    %broadcast_in_dim3A_47 = vector.broadcast %broadcast_in_dim3A : f32 to vector<256x64xf32>
    %concatenate3A = tpu.concatenate %mul3A_46, %broadcast_in_dim3A_47 in 1 : vector<256x64xf32>, vector<256x64xf32> -> vector<256x128xf32>
    %broadcast_in_dim3A_48 = vector.shape_cast %concatenate3A : vector<256x128xf32> to vector<1x256x128xf32>
    %broadcast_in_dim3A_49 = vector.broadcast %broadcast_in_dim3A_48 : vector<1x256x128xf32> to vector<2x256x128xf32>
    %swap3A = arith.constant 0 : index
    %swap3A_50 = arith.constant 0 : index
    %swap3A_51 = arith.constant 0 : index
    %swap3A_52 = vector.load %arg6[%swap3A, %swap3A_50, %swap3A_51] : memref<2x256x128xf32, #tpu.memory_space<vmem>>, vector<2x256x128xf32>
    tpu.vector_store %arg6[%swap3A, %swap3A_50, %swap3A_51], %broadcast_in_dim3A_49 {strides = array<i32>} : memref<2x256x128xf32, #tpu.memory_space<vmem>>, vector<2x256x128xf32>,
    return
  }
  func.func @transform_0(%arg0: i32) -> (i32, i32, i32) {
    %c0_i32 = arith.constant 0 : i32
    %c0_i32_0 = arith.constant 0 : i32
    %c0_i32_1 = arith.constant 0 : i32
    return %c0_i32, %arg0, %c0_i32_0 : i32, i32, i32
  }
  func.func @transform_1(%arg0: i32) -> (i32, i32, i32) {
    %c0_i32 = arith.constant 0 : i32
    %c0_i32_0 = arith.constant 0 : i32
    %c0_i32_1 = arith.constant 0 : i32
    return %c0_i32, %arg0, %c0_i32_0 : i32, i32, i32
  }
  func.func @transform_2(%arg0: i32) -> (i32, i32) {
    %c0_i32 = arith.constant 0 : i32
    %c0_i32_0 = arith.constant 0 : i32
    return %arg0, %c0_i32 : i32, i32
  }
  func.func @transform_3(%arg0: i32) -> (i32, i32) {
    %c0_i32 = arith.constant 0 : i32
    %c0_i32_0 = arith.constant 0 : i32
    return %arg0, %c0_i32 : i32, i32
  }
  func.func @transform_4(%arg0: i32) -> (i32, i32) {
    %c0_i32 = arith.constant 0 : i32
    %c0_i32_0 = arith.constant 0 : i32
    %c0_i32_1 = arith.constant 0 : i32
    return %c0_i32, %c0_i32_0 : i32, i32
  }
  func.func @transform_5(%arg0: i32) -> (i32, i32, i32) {
    %c0_i32 = arith.constant 0 : i32
    %c0_i32_0 = arith.constant 0 : i32
    %c0_i32_1 = arith.constant 0 : i32
    return %c0_i32, %arg0, %c0_i32_0 : i32, i32, i32
  }
}

module attributes {stable_mosaic.version = 14 : i64} {
  func.func @_last_body(%arg0: i32, %arg1: memref<2x256x128xf32, #tpu.memory_space<vmem>>, %arg2: memref<2x256x128xf32, #tpu.memory_space<vmem>>, %arg3: memref<256x64xf32, #tpu.memory_space<vmem>>, %arg4: memref<256x64xf32, #tpu.memory_space<vmem>>, %arg5: memref<64x64xf32, #tpu.memory_space<vmem>>, %arg6: memref<64x64xf32, #tpu.memory_space<vmem>>, %arg7: memref<1x64xf32, #tpu.memory_space<vmem>>, %arg8: memref<256x64xf32, #tpu.memory_space<vmem>>) attributes {dimension_semantics = [#tpu.dimension_semantics<arbitrary>], iteration_bounds = array<i64: 40>, scalar_prefetch = 0 : i64, scratch_operands = 0 : i64, tpu.core_type = #tpu.core_type<tc>, window_params = [{transform_indices = @transform_0, window_bounds = array<i64: 2, 256, 128>}, {transform_indices = @transform_1, window_bounds = array<i64: 2, 256, 128>}, {transform_indices = @transform_2, window_bounds = array<i64: 256, 64>}, {transform_indices = @transform_3, window_bounds = array<i64: 256, 64>}, {pipeline_mode = #tpu.pipeline_mode<synchronous>, transform_indices = @transform_4, window_bounds = array<i64: 64, 64>}, {pipeline_mode = #tpu.pipeline_mode<synchronous>, transform_indices = @transform_5, window_bounds = array<i64: 64, 64>}, {pipeline_mode = #tpu.pipeline_mode<synchronous>, transform_indices = @transform_6, window_bounds = array<i64: 1, 64>}, {transform_indices = @transform_7, window_bounds = array<i64: 256, 64>}]} {
    %get3A = arith.constant 0 : index
    %get3A_0 = arith.constant 0 : index
    %get3A_1 = vector.load %arg4[%get3A, %get3A_0] : memref<256x64xf32, #tpu.memory_space<vmem>>, vector<256x64xf32>
    %get3A_2 = arith.constant 0 : index
    %get3A_3 = arith.constant 0 : index
    %get3A_4 = arith.constant 0 : index
    %get3A_5 = vector.load %arg1[%get3A_2, %get3A_3, %get3A_4] : memref<2x256x128xf32, #tpu.memory_space<vmem>>, vector<1x256x64xf32>
    %get3A_6 = vector.shape_cast %get3A_5 : vector<1x256x64xf32> to vector<256x64xf32>
    %get3A_7 = arith.constant 1 : index
    %get3A_8 = arith.constant 0 : index
    %get3A_9 = arith.constant 0 : index
    %get3A_10 = vector.load %arg1[%get3A_7, %get3A_8, %get3A_9] : memref<2x256x128xf32, #tpu.memory_space<vmem>>, vector<1x256x64xf32>
    %get3A_11 = vector.shape_cast %get3A_10 : vector<1x256x64xf32> to vector<256x64xf32>
    %add3A = arith.addf %get3A_6, %get3A_11 : vector<256x64xf32>
    %get3A_12 = arith.constant 0 : index
    %get3A_13 = arith.constant 0 : index
    %get3A_14 = arith.constant 0 : index
    %get3A_15 = vector.load %arg2[%get3A_12, %get3A_13, %get3A_14] : memref<2x256x128xf32, #tpu.memory_space<vmem>>, vector<1x256x64xf32>
    %get3A_16 = vector.shape_cast %get3A_15 : vector<1x256x64xf32> to vector<256x64xf32>
    %add3A_17 = arith.addf %add3A, %get3A_16 : vector<256x64xf32>
    %mul3A = arith.mulf %get3A_1, %add3A_17 : vector<256x64xf32>
    %mul3A_18 = arith.constant 0.899999976 : f32
    %mul3A_19 = vector.broadcast %mul3A_18 : f32 to vector<256x64xf32>
    %mul3A_20 = arith.mulf %mul3A_19, %mul3A : vector<256x64xf32>
    %get3A_21 = arith.constant 0 : index
    %get3A_22 = arith.constant 0 : index
    %get3A_23 = vector.load %arg3[%get3A_21, %get3A_22] : memref<256x64xf32, #tpu.memory_space<vmem>>, vector<256x64xf32>
    %mul3A_24 = arith.constant 1.000000e-01 : f32
    %mul3A_25 = vector.broadcast %mul3A_24 : f32 to vector<256x64xf32>
    %mul3A_26 = arith.mulf %mul3A_25, %get3A_23 : vector<256x64xf32>
    %add3A_27 = arith.addf %mul3A_20, %mul3A_26 : vector<256x64xf32>
    %get3A_28 = arith.constant 0 : index
    %get3A_29 = arith.constant 0 : index
    %get3A_30 = vector.load %arg5[%get3A_28, %get3A_29] : memref<64x64xf32, #tpu.memory_space<vmem>>, vector<64x64xf32>
    %mul3A_31 = arith.constant 0.117783032 : f32
    %mul3A_32 = vector.broadcast %mul3A_31 : f32 to vector<64x64xf32>
    %mul3A_33 = arith.mulf %mul3A_32, %get3A_30 : vector<64x64xf32>
    %iota3A = tpu.iota {dimensions = array<i32: 0>} : vector<64x64xi32>
    %iota3A_34 = tpu.iota {dimensions = array<i32: 1>} : vector<64x64xi32>
    %eq3A = arith.cmpi eq, %iota3A, %iota3A_34 : vector<64x64xi32>
    %convert_element_type3A = arith.extui %eq3A : vector<64x64xi1> to vector<64x64xi32>
    %convert_element_type3A_35 = arith.sitofp %convert_element_type3A : vector<64x64xi32> to vector<64x64xf32>
    %mul3A_36 = arith.constant 0.882216989 : f32
    %mul3A_37 = vector.broadcast %mul3A_36 : f32 to vector<64x64xf32>
    %mul3A_38 = arith.mulf %mul3A_37, %convert_element_type3A_35 : vector<64x64xf32>
    %add3A_39 = arith.addf %mul3A_33, %mul3A_38 : vector<64x64xf32>
    %dot_general3A = arith.constant dense<0.000000e+00> : vector<256x64xf32>
    %dot_general3A_40 = tpu.matmul %add3A_27, %add3A_39, %dot_general3A {dimension_numbers = #tpu.dot_dimension_numbers<[1], [0], [0], [1], [0, 0, 1, 1], [], []>, transpose_lhs_hint = false} : vector<256x64xf32>, vector<64x64xf32>, vector<256x64xf32> -> vector<256x64xf32>
    %max3A = arith.constant 0.000000e+00 : f32
    %max3A_41 = vector.broadcast %max3A : f32 to vector<256x64xf32>
    %max3A_42 = arith.maximumf %dot_general3A_40, %max3A_41 : vector<256x64xf32>
    %get3A_43 = arith.constant 0 : index
    %get3A_44 = arith.constant 0 : index
    %get3A_45 = vector.load %arg6[%get3A_43, %get3A_44] : memref<64x64xf32, #tpu.memory_space<vmem>>, vector<64x64xf32>
    %dot_general3A_46 = arith.constant dense<0.000000e+00> : vector<256x64xf32>
    %dot_general3A_47 = tpu.matmul %max3A_42, %get3A_45, %dot_general3A_46 {dimension_numbers = #tpu.dot_dimension_numbers<[1], [0], [0], [1], [0, 0, 1, 1], [], []>, transpose_lhs_hint = false} : vector<256x64xf32>, vector<64x64xf32>, vector<256x64xf32> -> vector<256x64xf32>
    %get3A_48 = arith.constant 0 : index
    %get3A_49 = arith.constant 0 : index
    %get3A_50 = vector.load %arg7[%get3A_48, %get3A_49] : memref<1x64xf32, #tpu.memory_space<vmem>>, vector<1x64xf32>
    %add3A_51 = vector.broadcast %get3A_50 : vector<1x64xf32> to vector<256x64xf32>
    %add3A_52 = arith.addf %dot_general3A_47, %add3A_51 : vector<256x64xf32>
    %reduce_max3A = arith.constant dense<0xFF800000> : vector<256xf32>
    %reduce_max3A_53 = vector.multi_reduction <maximumf>, %add3A_52, %reduce_max3A [1] : vector<256x64xf32> to vector<256xf32>
    %broadcast_in_dim3A = vector.shape_cast %reduce_max3A_53 : vector<256xf32> to vector<256x1xf32>
    %sub3A = vector.broadcast %broadcast_in_dim3A : vector<256x1xf32> to vector<256x64xf32>
    %sub3A_54 = arith.subf %add3A_52, %sub3A : vector<256x64xf32>
    %exp3A = math.exp %sub3A_54 : vector<256x64xf32>
    %reduce_sum3A = arith.constant dense<0.000000e+00> : vector<256xf32>
    %reduce_sum3A_55 = vector.multi_reduction <add>, %exp3A, %reduce_sum3A [1] : vector<256x64xf32> to vector<256xf32>
    %broadcast_in_dim3A_56 = vector.shape_cast %reduce_sum3A_55 : vector<256xf32> to vector<256x1xf32>
    %log3A = math.log %broadcast_in_dim3A_56 : vector<256x1xf32>
    %sub3A_57 = vector.broadcast %log3A : vector<256x1xf32> to vector<256x64xf32>
    %sub3A_58 = arith.subf %sub3A_54, %sub3A_57 : vector<256x64xf32>
    %swap3A = arith.constant 0 : index
    %swap3A_59 = arith.constant 0 : index
    %swap3A_60 = vector.load %arg8[%swap3A, %swap3A_59] : memref<256x64xf32, #tpu.memory_space<vmem>>, vector<256x64xf32>
    tpu.vector_store %arg8[%swap3A, %swap3A_59], %sub3A_58 {strides = array<i32>} : memref<256x64xf32, #tpu.memory_space<vmem>>, vector<256x64xf32>,
    return
  }
  func.func @transform_0(%arg0: i32) -> (i32, i32, i32) {
    %c0_i32 = arith.constant 0 : i32
    %c0_i32_0 = arith.constant 0 : i32
    %c0_i32_1 = arith.constant 0 : i32
    return %c0_i32, %arg0, %c0_i32_0 : i32, i32, i32
  }
  func.func @transform_1(%arg0: i32) -> (i32, i32, i32) {
    %c0_i32 = arith.constant 0 : i32
    %c0_i32_0 = arith.constant 0 : i32
    %c0_i32_1 = arith.constant 0 : i32
    return %c0_i32, %arg0, %c0_i32_0 : i32, i32, i32
  }
  func.func @transform_2(%arg0: i32) -> (i32, i32) {
    %c0_i32 = arith.constant 0 : i32
    %c0_i32_0 = arith.constant 0 : i32
    return %arg0, %c0_i32 : i32, i32
  }
  func.func @transform_3(%arg0: i32) -> (i32, i32) {
    %c0_i32 = arith.constant 0 : i32
    %c0_i32_0 = arith.constant 0 : i32
    return %arg0, %c0_i32 : i32, i32
  }
  func.func @transform_4(%arg0: i32) -> (i32, i32) {
    %c0_i32 = arith.constant 0 : i32
    %c0_i32_0 = arith.constant 0 : i32
    %c0_i32_1 = arith.constant 0 : i32
    return %c0_i32, %c0_i32_0 : i32, i32
  }
  func.func @transform_5(%arg0: i32) -> (i32, i32) {
    %c0_i32 = arith.constant 0 : i32
    %c0_i32_0 = arith.constant 0 : i32
    %c0_i32_1 = arith.constant 0 : i32
    return %c0_i32, %c0_i32_0 : i32, i32
  }
  func.func @transform_6(%arg0: i32) -> (i32, i32) {
    %c0_i32 = arith.constant 0 : i32
    %c0_i32_0 = arith.constant 0 : i32
    %c0_i32_1 = arith.constant 0 : i32
    return %c0_i32, %c0_i32_0 : i32, i32
  }
  func.func @transform_7(%arg0: i32) -> (i32, i32) {
    %c0_i32 = arith.constant 0 : i32
    %c0_i32_0 = arith.constant 0 : i32
    return %arg0, %c0_i32 : i32, i32
  }
}

</mosaic_0001>

<sc_bundles>
// kernel: _forward.13.cloned.1.call-start
scs
__scs_entry_jumppad:
0x0: {  	(pc) =	sbr.rel $0x88, $3  }
0x1: {  	(tag) =	ssettag $0x0;
	lr =	simm.s32 $0x1  }
0x2: {  	[smem:$0x3F9A] =	sst lr;
	_ =	strace $0xD0000000  }
0x3: {  	_ = 	snop  }
0x4: {  	_ = 	snop  }
0x5: {  	_ = 	snop  }
0x6: {  	_ = 	snop  }
0x7: {  	_ = 	snop  }
__scs_overlays_trampoline_lowered:
0x8: {  	[smem:$0x3FA9] =	sst s0  }
0x9: {  	[smem:$0x3FAA] =	sst s1  }
0xa: {  	[smem:$0x3FAB] =	sst s2  }
0xb: {  	[smem:$0x3FAC] =	sst s3  }
0xc: {  	[smem:$0x3FAD] =	sst s4  }
0xd: {  	[smem:$0x3FAE] =	sst s5  }
0xe: {  	[smem:$0x3FAF] =	sst s6  }
0xf: {  	[smem:$0x3FB0] =	sst s7  }
0x10: {  	[smem:$0x3FB1] =	sst s8  }
0x11: {  	[smem:$0x3FB2] =	sst s9;
	s0 =	simm.s32 @!p0 $0x0  }
0x12: {  	s1 =	sld [smem:$0x3F98];
	s0 =	simm.s32 @p0 $0x1  }
0x13: {  	[smem:$0x3FB3] =	sst s0;
	s0 =	simm.s32 @!p1 $0x0  }
0x14: {  	s2 =	sld [smem:$0x3F97];
	s0 =	simm.s32 @p1 $0x1  }
0x15: {  	[smem:$0x3FB4] =	sst s0;
	s0 =	simm.s32 @!p2 $0x0  }
0x16: {  	s3 =	sld [smem:$0x3FDB];
	s0 =	simm.s32 @p2 $0x1  }
0x17: {  	s4 =	simm.s32 $0x1BF5;
	[smem:$0x3FB6] =	sst s0  }
0x18: {  	s0 =	sld [smem:$0x3F99];
	_ =	swait.ge [sflag:s4], $0x0  }
0x19: {  	s7 =	sld [smem:$0x3F9A]  }
0x1a: {  	s8 =	sadd.s32 $0xFFFFE003, lr  }
0x1b: {  	s9 =	sadd.s32 $0xFFFFFEF7, lr;
	s5 =	simm.s32 $0xFFFFFFFF;
	p2 =	slt.u32 s8, $0xFFFFF086  }
0x1c: {  	p1 =	slt.u32 s9, $0xF7A;
	s5 =	simm.s32 @!p2 $0x0  }
0x1d: {  	s5 =	simm.s32 @p1 $0x1;
	p0 =	seq.s32 s7, s2  }
0x1e: {  	s7 =	smul.u32 @!p0 $0xF7A, s2;
	p2 =	seq.s32 @!p0 s5, $0x0  }
0x1f: {  	s9 =	smul.u32 $0xF7A, s1;
	s8 =	simm.s32 @!p0 $0x1BF5;
	p2 =	por !p2, p0  }
0x20: {  	[sflag:s8] =	ssyncset.s32 @!p0 $0xFFFFF086;
	s6 =	sadd.s32 @!p0 s3, s7;
	s7 =	simm.s32 @!p0 $0x108  }
0x21: {  	s3 =	sadd.s32 s3, s9;
	s6 =	sadd.s32 @!p0 $0x88, s6;
	s7 =	simm.s32 @p2 $0x1082  }
0x22: {  	[simem:s7], [sflag:s8] =	dma.local @!p0 [hbm:s6], $0xF7A  }
0x23: {  	s9 =	sor.u32 $0xD0000000, s2;
	s6 =	simm.s32 $0x108;
	_ =	swait.ge @!p0 [sflag:s8], $0x0  }
0x24: {  	s3 =	sadd.s32 $0x88, s3;
	s6 =	simm.s32 @!p1 $0x1082;
	[sflag:s4] =	ssyncset.s32 $0xFFFFF086  }
0x25: {  	[simem:s6], [sflag:s4] =	dma.local [hbm:s3], $0xF7A  }
0x26: {  	[smem:$0x3F9A] =	sst s1;
	(tag) =	ssettag s2;
	_ =	strace s9  }
0x27: {  	s1 =	sld [smem:$0x3FAA]  }
0x28: {  	s2 =	sld [smem:$0x3FAB]  }
0x29: {  	s4 =	sld [smem:$0x3FAD]  }
0x2a: {  	p0 =	seq.s32 s5, $0x0;
	s5 =	sld [smem:$0x3FAE]  }
0x2b: {  	s6 =	sld [smem:$0x3FAF]  }
0x2c: {  	s7 =	sld [smem:$0x3FB0]  }
0x2d: {  	s3 =	simm.s32 $0x108;
	s8 =	sld [smem:$0x3FB1]  }
0x2e: {  	s3 =	simm.s32 @!p0 $0x1082;
	s9 =	sld [smem:$0x3FB2]  }
0x2f: {  	lr =	sadd.s32 s0, s3;
	s0 =	sld [smem:$0x3FA9]  }
0x30: {  	s3 =	sld [smem:$0x3FAC]  }
0x31: {  	[smem:$0x3FB5] =	sst s10  }
0x32: {  	s10 =	sld [smem:$0x3FB3];
	_ =	sdelay $0x3  }
0x33: {  	p0 =	seq.s32 s10, $0x1;
	s10 =	sld [smem:$0x3FB5];
	_ =	sdelay $0x3  }
0x34: {  	[smem:$0x3FB5] =	sst s10  }
0x35: {  	s10 =	sld [smem:$0x3FB4];
	_ =	sdelay $0x3  }
0x36: {  	p1 =	seq.s32 s10, $0x1;
	s10 =	sld [smem:$0x3FB5];
	_ =	sdelay $0x3  }
0x37: {  	[smem:$0x3FB5] =	sst s10  }
0x38: {  	s10 =	sld [smem:$0x3FB6]  }
0x39: {  	_ = 	snop;
	(pc) =	sbr.ind lr, $3  }
0x3a: {  	_ = 	snop  }
0x3b: {  	_ = 	snop  }
0x3c: {  	p2 =	seq.s32 s10, $0x1;
	s10 =	sld [smem:$0x3FB5]  }
0x3d: {  	_ =	shalt  }
0x3e: {  	_ =	shalt  }
0x3f: {  	_ =	shalt  }
0x40: {  	_ =	shalt  }
0x41: {  	_ =	shalt  }
0x42: {  	_ =	shalt  }
0x43: {  	_ =	shalt  }
0x44: {  	_ =	shalt  }
0x45: {  	_ =	shalt  }
0x46: {  	_ =	shalt  }
0x47: {  	_ =	shalt  }
0x48: {  	_ =	shalt  }
0x49: {  	_ =	shalt  }
0x4a: {  	_ =	shalt  }
0x4b: {  	_ =	shalt  }
0x4c: {  	_ =	shalt  }
0x4d: {  	_ =	shalt  }
0x4e: {  	_ =	shalt  }
0x4f: {  	_ =	shalt  }
0x50: {  	_ =	shalt  }
0x51: {  	_ =	shalt  }
0x52: {  	_ =	shalt  }
0x53: {  	_ =	shalt  }
0x54: {  	_ =	shalt  }
0x55: {  	_ =	shalt  }
0x56: {  	_ =	shalt  }
0x57: {  	_ =	shalt  }
0x58: {  	_ =	shalt  }
0x59: {  	_ =	shalt  }
0x5a: {  	_ =	shalt  }
0x5b: {  	_ =	shalt  }
0x5c: {  	_ =	shalt  }
0x5d: {  	_ =	shalt  }
0x5e: {  	_ =	shalt  }
0x5f: {  	_ =	shalt  }
0x60: {  	_ =	shalt  }
0x61: {  	_ =	shalt  }
0x62: {  	_ =	shalt  }
0x63: {  	_ =	shalt  }
0x64: {  	_ =	shalt  }
0x65: {  	_ =	shalt  }
0x66: {  	_ =	shalt  }
0x67: {  	_ =	shalt  }
0x68: {  	_ =	shalt  }
0x69: {  	_ =	shalt  }
0x6a: {  	_ =	shalt  }
0x6b: {  	_ =	shalt  }
0x6c: {  	_ =	shalt  }
0x6d: {  	_ =	shalt  }
0x6e: {  	_ =	shalt  }
0x6f: {  	_ =	shalt  }
0x70: {  	_ =	shalt  }
0x71: {  	_ =	shalt  }
0x72: {  	_ =	shalt  }
0x73: {  	_ =	shalt  }
0x74: {  	_ =	shalt  }
0x75: {  	_ =	shalt  }
0x76: {  	_ =	shalt  }
0x77: {  	_ =	shalt  }
0x78: {  	_ =	shalt  }
0x79: {  	_ =	shalt  }
0x7a: {  	_ =	shalt  }
0x7b: {  	_ =	shalt  }
0x7c: {  	_ =	shalt  }
0x7d: {  	_ =	shalt  }
0x7e: {  	_ =	shalt  }
0x7f: {  	_ =	shalt  }
0x80: {  	_ =	shalt  }
0x81: {  	_ =	shalt  }
0x82: {  	_ =	shalt  }
0x83: {  	_ =	shalt  }
0x84: {  	_ =	shalt  }
0x85: {  	_ =	shalt  }
0x86: {  	_ =	shalt  }
0x87: {  	_ =	shalt  }
.Lfunc_end0:
.L_simem_size_0:
called_computation_lowered:
.L_overlay_start_0:
0x88: {  	s2 =	sld [smem:$0x3FD9]  }
0x89: {  	s3 =	sld [smem:$0x3FFE];
	_ =	sdelay $0x1  }
0x8a: {  	s1 =	srdreg.scid  }
0x8b: {  	s0 =	sand.u32 $0x1, s1  }
0x8c: {  	s17 =	sshll.u32 s0, $0xA;
	s2 =	sadd.s32 s3, s2  }
0x8d: {  	s2 =	sadd.s32 s2, s17  }
0x8e: {  	[smem:$0x3FC1] =	sst s2  }
0x8f: {  	_ = 	snop  }
0x90: {  	s2 =	sld [smem:$0x3FD0];
	(tm) =	ssettm $0x1  }
0x91: {  	s18 =	sld [smem:$0x3FFB];
	_ =	sdelay $0x3  }
0x92: {  	_ =	strace s18  }
0x93: {  	s3 =	sld [smem:$0x3FFC];
	_ =	sdelay $0x3  }
0x94: {  	_ =	strace s3  }
0x95: {  	s3 =	sld [smem:$0x3FFD];
	_ =	sdelay $0x3  }
0x96: {  	_ =	strace s3  }
0x97: {  	_ =	strace $0x8FFFFFFF  }
0x98: {  	s19 =	sld [smem:$0x3FDB];
	_ =	sdelay $0x1  }
0x99: {  	s4 =	simm.s32 $_scs_section_size  }
0x9a: {  	s5 =	simm.s32 $_size__tile_overlayer_lowered;
	s6 =	simm.s32 $_tile_overlayer_lowered  }
0x9b: {  	s22 =	simm.s32 $0x1BFF;
	s21 =	sshll.u32 s6, $0x1;
	s3 =	sadd.s32 s4, s19  }
0x9c: {  	s7 =	simm.s32 $0x0;
	s20 =	sshll.u32 s5, $0x1;
	s5 =	sadd.s32 s21, s3  }
0x9d: {  	[timem:s7], [sflag:s22] =	dma.local [hbm:s5], s20  }
0x9e: {  	_ =	swait.ge [sflag:s22], s20  }
0x9f: {  	s4 =	ssub.s32 $0x0, s20;
	[sflag:s22] =	ssyncset.done $0x0  }
0xa0: {  	[sflag:s22] =	ssyncadd.s32 s4;
	_ =	sdelay $0x1  }
0xa1: {  	s23 =	simm.s32 $0x1B8B  }
0xa2: {  	_ =	swait.ge [sflag:s23], $0x1  }
0xa3: {  	[sflag:s23] =	ssyncset.done $0x0  }
0xa4: {  	s25 =	simm.s32 $0x1B8E;
	s24 =	sld [smem:$0x3FFE];
	[sflag:s23] =	ssyncadd.s32 $0xFFFFFFFF  }
0xa5: {  	s26 =	simm.s32 $execute0_lowered;
	[smem:$0x3FD2] =	sst s25  }
0xa6: {  	s5 =	sshll.u32 s26, $0x1;
	_ =	strace $0x80000046;
	[dreg:$0x1] =	wrdreg $0xFFFFFFFF  }
0xa7: {  	s28 =	simm.s32 $_size_execute0_lowered;
	s3 =	sadd.s32 s3, s5;
	[dreg:$0x0] =	wrdreg $0x0  }
0xa8: {  	s5 =	sshll.u32 s28, $0x1;
	[dreg:$0x2] =	wrdreg s3  }
0xa9: {  	[dreg:$0x3] =	wrdreg s5  }
0xaa: {  	[dreg:$0x4] =	wrdreg $0xC0  }
0xab: {  	_ =	task [dreg:s7], $0x5FFFF  }
0xac: {  	[dreg:$0x1] =	wrdreg $0xFFFFFFFF  }
0xad: {  	[dreg:$0x0] =	wrdreg $0x60  }
0xae: {  	[dreg:$0x2] =	wrdreg s2  }
0xaf: {  	[dreg:$0x3] =	wrdreg s24  }
0xb0: {  	[dreg:$0x4] =	wrdreg $0xA8000  }
0xb1: {  	[dreg:$0x5] =	wrdreg $0x9  }
0xb2: {  	_ =	task.clear_ibuf [dreg:s7], $0x6FFFF;
	_ =	strace $0x90000046  }
0xb3: {  	s29 =	simm.s32 $0x9;
	_ =	strace $0x80000048  }
0xb4: {  	_ =	swait.ge [sflag:s29], $0x1  }
0xb5: {  	[sflag:s29] =	ssyncadd.s32 $0xFFFFFFFF  }
0xb6: {  	_ =	strace $0x90000048  }
0xb7: {  	_ =	sfence  }
0xb8: {  	s30 =	sld [smem:$0x0];
	_ =	sdelay $0x2  }
0xb9: {  	s31 =	sshll.u32 s1, $0xD;
	s1 =	sshrl.u32 s1, $0x2  }
0xba: {  	s3 =	sand.u32 $0x4000, s31;
	s1 =	sadd.s32 s1, s30  }
0xbb: {  	s0 =	sor.u32 s3, s0;
	s1 =	sshll.u32 s1, $0x11  }
0xbc: {  	s0 =	sor.u32 s1, s0  }
0xbd: {  	s0 =	sadd.s32 $0x8F2B, s0  }
0xbe: {  	[sflag:s0] =	ssyncadd.remote.s32 $0x1  }
0xbf: {  	_ =	sfence.sel $0xFFFF  }
0xc0: {  	[dreg:$0x0] =	wrdreg $0xFFFFFFFF;
	(pc) =	sbr.abs _section_cstart, $3  }
0xc1: {  	[dreg:$0x1] =	wrdreg $0xFFFFFFFF  }
0xc2: {  	_ =	task.clear_ibuf [dreg:s7], $0x2FFFF;
	_ =	strace $0x9FFFFFFF  }
0xc3: {  	(tm) =	ssettm $0x7FFFFFFF  }
tec
execute0_lowered:
.L_overlay_start_1:
0x0: {  	(tag) =	ssettag $0x1  }
0x1: {  	s4 =	rddreg [dreg:$0x0]  }
0x2: {  	s5 =	rddreg [dreg:$0x1];
	s0 =	srdreg.scid  }
0x3: {  	s2 =	rddreg [dreg:$0x2];
	s1 =	stileid.u32;
	s3 =	simm.s32 $0x0  }
0x4: {  	s12 =	simm.s32 $0x1;
	s13 =	simm.s32 $0x6800;
	s8 =	smul.u32 $0x14000, s1  }
0x5: {  	s14 =	simm.s32 $0x80;
	s15 =	simm.s32 $0x2800;
	s28 =	smul.u32 $0x2800, s1  }
0x6: {  	s6 =	sand.u32 $0x1, s0;
	s0 =	rddreg [dreg:$0x3];
	s10 =	smul.u32 $0x50000, s1  }
0x7: {  	[smem:$0x7FF] =	sst s3;
	s16 =	sshll.u32 s1, $0x6;
	s7 =	smul.u32 $0x140000, s6  }
0x8: {  	s9 =	smul.u32 $0x28000, s6;
	_ =	strace $0x80000047;
	s6 =	ssub.s32 $0x2, s6  }
0x9: {  	s16 =	sor.u32 $0x1C01, s16;
	s29 =	sshrl.u32 s6, $0x1;
	s7 =	sadd.s32 s8, s7  }
0xa: {  	s31 =	sshrl.u32 s10, $0x2;
	s8 =	sadd.s32 s28, s9;
	s7 =	sshrl.u32 s7, $0x3  }
0xb: {  	s30 =	sshrl.u32 s8, $0x3;
	s5 =	sadd.s32 s7, s5;
	s7 =	ssub.s32 s6, s29  }
0xc: {  	s4 =	sadd.s32 s4, s30;
	s6 =	sadd.s32 s31, s2;
	s5 =	sadd.s32 $0x2A00, s5  }
0xd: {  	s7 =	smax.u32 s7, $0x1;
	s8 =	sadd.s32 $0x4000, s6;
	s9 =	sadd.s32 $0x8000, s6  }
0xe: {  	v0 =	vimm.f32 $1.000000000e+00;
	v1 =	vimm.f32 $0.0e+00;
	s10 =	sadd.s32 $0xC000, s6;
	s11 =	sadd.s32 $0x10000, s6;
	s17 =	sshrl.u32 s6, $0x3  }
.LBB2_1:
0xf: {  	s18 =	simm.s32 $0x0  }
.LBB2_2:
0x10: {  	p0 =	sne.s32 s18, $0xFE00  }
.Ltmp0:
0x11: {  	_ = 	snop;
	(pc) =	sbr.rel @p0 .LBB2_2-.Ltmp0, $3  }
0x12: {  	_ =	sdelay $0x1  }
0x13: {  	s19 =	sshra.s32 s18, $0x2  }
0x14: {  	s18 =	sadd.s32 $0x200, s18;
	[tilespmem:s19+$0x2800] =	vst v0  }
0x15: {  	s18 =	simm.s32 $0x200;
	s19 =	simm.s32 $0x0  }
.LBB2_4:
0x16: {  	p0 =	sne.s32 s18, $0xFE00;
	[tilespmem:s19+$0x6800] =	vst v1;
	s19 =	smov.u32 s18;
	s18 =	sadd.s32 $0x200, s18  }
.Ltmp1:
0x17: {  	(pc) =	sbr.rel @p0 .LBB2_4-.Ltmp1, $2  }
0x18: {  	_ =	sdelay $0x2  }
0x19: {  	s19 =	sshra.s32 s19, $0x2  }
0x1a: {  	[tilespmem:s19+$0x6800] =	vst v1;
	s18 =	simm.s32 $0x0  }
0x1b: {  	[tilespmem:s18], [sflag:$0x1] =	stream.linear.gather [hbm4b:s4+s18], $0x2800, $0x38;
	[tilespmem:$0xD000] =	vst v63  }
0x1c: {  	_ =	swait.ge [sflag:s12], $0x2800  }
0x1d: {  	[sflag:s12] =	ssyncset.done $0x0  }
0x1e: {  	[sflag:s12] =	ssyncadd.s32 $0xFFFFD800  }
0x1f: {  	[spmem:s6] =	stream.linear.scatter [tilespmem:s13], [sflag:$0x1], $0x4000, $0x38;
	[tilespmem:$0xD000] =	vst v63  }
0x20: {  	_ =	swait.ge [sflag:s12], $0x4000  }
0x21: {  	[sflag:s12] =	ssyncset.done $0x0  }
0x22: {  	[sflag:s12] =	ssyncadd.s32 $0xFFFFC000  }
0x23: {  	[spmem:s8] =	stream.linear.scatter [tilespmem:s13], [sflag:$0x1], $0x4000, $0x38;
	[tilespmem:$0xD000] =	vst v63  }
0x24: {  	_ =	swait.ge [sflag:s12], $0x4000  }
0x25: {  	[sflag:s12] =	ssyncset.done $0x0  }
0x26: {  	[sflag:s12] =	ssyncadd.s32 $0xFFFFC000  }
0x27: {  	[spmem:s9] =	stream.linear.scatter [tilespmem:s13], [sflag:$0x1], $0x4000, $0x38;
	[tilespmem:$0xD000] =	vst v63  }
0x28: {  	_ =	swait.ge [sflag:s12], $0x4000  }
0x29: {  	[sflag:s12] =	ssyncset.done $0x0  }
0x2a: {  	[sflag:s12] =	ssyncadd.s32 $0xFFFFC000  }
0x2b: {  	[spmem:s10] =	stream.linear.scatter [tilespmem:s13], [sflag:$0x1], $0x4000, $0x38;
	[tilespmem:$0xD000] =	vst v63  }
0x2c: {  	_ =	swait.ge [sflag:s12], $0x4000  }
0x2d: {  	[sflag:s12] =	ssyncset.done $0x0  }
0x2e: {  	[sflag:s12] =	ssyncadd.s32 $0xFFFFC000  }
0x2f: {  	[spmem:s11] =	stream.linear.scatter [tilespmem:s13], [sflag:$0x1], $0x4000, $0x38;
	[tilespmem:$0xD000] =	vst v63  }
0x30: {  	_ =	swait.ge [sflag:s12], $0x4000  }
0x31: {  	[sflag:s12] =	ssyncset.done $0x0  }
0x32: {  	[sflag:s12] =	ssyncadd.s32 $0xFFFFC000  }
0x33: {  	s31 =	simm.s32 $0x0;
	[bflag:$0x0] =	sbarrier.arrive $0xFFFF  }
0x34: {  	[spmem:s2] =	stream.indirect.scatter.add.f32 [tilespmem:s15], [sflag:$0x1], $0x10, s31, s14, $0xb8;
	[tilespmem:$0xD000] =	vst v63  }
0x35: {  	_ =	swait.ge [sflag:s12], $0x800  }
0x36: {  	s18 =	simm.s32 $0x200;
	[sflag:s12] =	ssyncset.done $0x0  }
.LBB2_6:
0x37: {  	s19 =	sshra.s32 s18, $0x2;
	[sflag:s12] =	ssyncadd.s32 $0xFFFFF800;
	p0 =	sne.s32 s18, $0x9E00  }
0x38: {  	[spmem:s2] =	stream.indirect.scatter.add.f32 [tilespmem:s15], [sflag:$0x1], $0x10, s19, s14, $0xb8;
	[tilespmem:$0xD000] =	vst v63  }
.Ltmp2:
0x39: {  	_ = 	snop;
	(pc) =	sbr.rel @p0 .LBB2_6-.Ltmp2, $4  }
0x3a: {  	_ = 	snop  }
0x3b: {  	s18 =	sadd.s32 $0x200, s18  }
0x3c: {  	_ =	swait.ge [sflag:s12], $0x800  }
0x3d: {  	[sflag:s12] =	ssyncset.done $0x0  }
0x3e: {  	s3 =	sadd.s32 $0x1, s3  }
0x3f: {  	[sflag:s12] =	ssyncadd.s32 $0xFFFFF800;
	p0 =	sne.s32 s3, s7  }
.Ltmp3:
0x40: {  	[bflag:$0x0] =	sbarrier.arrive $0xFFFF;
	(pc) =	sbr.rel @p0 .LBB2_1-.Ltmp3, $4  }
0x41: {  	[hbm:s5], [sflag:s16] =	dma.local [spmem:s17], $0x2800  }
0x42: {  	_ =	swait.ge [sflag:s12], $0x2800  }
0x43: {  	[sflag:s12] =	ssyncset.done $0x0  }
0x44: {  	[sflag:s12] =	ssyncadd.s32 $0xFFFFD800  }
0x45: {  	_ =	sfence.sel $0x180000  }
0x46: {  	[bflag:$0x0] =	sbarrier.arrive $0xFFFF  }
0x47: {  	p0 =	sne.s32 s1, $0x0;
	_ =	strace $0x90000047  }
0x48: {  	s0 =	sadd.s32 @!p0 $0x100000, s0;
	[bflag:$0x2] =	sbarrier.arrive $0xFFFF  }
0x49: {  	[sflag:s0] =	ssyncadd.tile.s32 @!p0 $0x1;
	_ =	shalt  }
.Lfunc_end2:
_tile_overlayer_lowered:
.L_overlay_start_2:
0x4a: {  	(tag) =	ssettag $0x2  }
0x4b: {  	s0 =	rddreg [dreg:$0x0];
	s2 =	stileid.u32  }
0x4c: {  	s1 =	rddreg [dreg:$0x1];
	p0 =	sne.s32 s2, $0x0  }
0x4d: {  	s3 =	rddreg [dreg:$0x2];
	[bflag:$0x3] =	sbarrier.arrive $0xFFFF;
	s2 =	simm.s32 @!p0 $0x1C01  }
0x4e: {  	[timem:s3], [sflag:s2] =	dma.local @!p0 [hbm:s0], s1  }
0x4f: {  	s0 =	simm.s32 @!p0 $0x1  }
0x50: {  	_ =	swait.ge @!p0 [sflag:s0], s1  }
0x51: {  	s1 =	ssub.s32 @!p0 $0x0, s1;
	[sflag:s0] =	ssyncset.done @!p0 $0x0  }
0x52: {  	[sflag:s0] =	ssyncadd.s32 @!p0 s1  }
0x53: {  	[bflag:$0x3] =	sbarrier.arrive $0xFFFF  }
0x54: {  	_ =	shalt  }

// kernel: _forward.16.cloned.1.call-start
scs
__scs_entry_jumppad:
0x0: {  	(pc) =	sbr.rel $0x88, $3  }
0x1: {  	(tag) =	ssettag $0x0;
	lr =	simm.s32 $0x1  }
0x2: {  	[smem:$0x3F9A] =	sst lr;
	_ =	strace $0xD0000000  }
0x3: {  	_ = 	snop  }
0x4: {  	_ = 	snop  }
0x5: {  	_ = 	snop  }
0x6: {  	_ = 	snop  }
0x7: {  	_ = 	snop  }
__scs_overlays_trampoline_lowered:
0x8: {  	[smem:$0x3FA9] =	sst s0  }
0x9: {  	[smem:$0x3FAA] =	sst s1  }
0xa: {  	[smem:$0x3FAB] =	sst s2  }
0xb: {  	[smem:$0x3FAC] =	sst s3  }
0xc: {  	[smem:$0x3FAD] =	sst s4  }
0xd: {  	[smem:$0x3FAE] =	sst s5  }
0xe: {  	[smem:$0x3FAF] =	sst s6  }
0xf: {  	[smem:$0x3FB0] =	sst s7  }
0x10: {  	[smem:$0x3FB1] =	sst s8  }
0x11: {  	[smem:$0x3FB2] =	sst s9;
	s0 =	simm.s32 @!p0 $0x0  }
0x12: {  	s1 =	sld [smem:$0x3F98];
	s0 =	simm.s32 @p0 $0x1  }
0x13: {  	[smem:$0x3FB3] =	sst s0;
	s0 =	simm.s32 @!p1 $0x0  }
0x14: {  	s2 =	sld [smem:$0x3F97];
	s0 =	simm.s32 @p1 $0x1  }
0x15: {  	[smem:$0x3FB4] =	sst s0;
	s0 =	simm.s32 @!p2 $0x0  }
0x16: {  	s3 =	sld [smem:$0x3FDB];
	s0 =	simm.s32 @p2 $0x1  }
0x17: {  	s4 =	simm.s32 $0x1BF5;
	[smem:$0x3FB6] =	sst s0  }
0x18: {  	s0 =	sld [smem:$0x3F99];
	_ =	swait.ge [sflag:s4], $0x0  }
0x19: {  	s7 =	sld [smem:$0x3F9A]  }
0x1a: {  	s8 =	sadd.s32 $0xFFFFE003, lr  }
0x1b: {  	s9 =	sadd.s32 $0xFFFFFEF7, lr;
	s5 =	simm.s32 $0xFFFFFFFF;
	p2 =	slt.u32 s8, $0xFFFFF086  }
0x1c: {  	p1 =	slt.u32 s9, $0xF7A;
	s5 =	simm.s32 @!p2 $0x0  }
0x1d: {  	s5 =	simm.s32 @p1 $0x1;
	p0 =	seq.s32 s7, s2  }
0x1e: {  	s7 =	smul.u32 @!p0 $0xF7A, s2;
	p2 =	seq.s32 @!p0 s5, $0x0  }
0x1f: {  	s9 =	smul.u32 $0xF7A, s1;
	s8 =	simm.s32 @!p0 $0x1BF5;
	p2 =	por !p2, p0  }
0x20: {  	[sflag:s8] =	ssyncset.s32 @!p0 $0xFFFFF086;
	s6 =	sadd.s32 @!p0 s3, s7;
	s7 =	simm.s32 @!p0 $0x108  }
0x21: {  	s3 =	sadd.s32 s3, s9;
	s6 =	sadd.s32 @!p0 $0x88, s6;
	s7 =	simm.s32 @p2 $0x1082  }
0x22: {  	[simem:s7], [sflag:s8] =	dma.local @!p0 [hbm:s6], $0xF7A  }
0x23: {  	s9 =	sor.u32 $0xD0000000, s2;
	s6 =	simm.s32 $0x108;
	_ =	swait.ge @!p0 [sflag:s8], $0x0  }
0x24: {  	s3 =	sadd.s32 $0x88, s3;
	s6 =	simm.s32 @!p1 $0x1082;
	[sflag:s4] =	ssyncset.s32 $0xFFFFF086  }
0x25: {  	[simem:s6], [sflag:s4] =	dma.local [hbm:s3], $0xF7A  }
0x26: {  	[smem:$0x3F9A] =	sst s1;
	(tag) =	ssettag s2;
	_ =	strace s9  }
0x27: {  	s1 =	sld [smem:$0x3FAA]  }
0x28: {  	s2 =	sld [smem:$0x3FAB]  }
0x29: {  	s4 =	sld [smem:$0x3FAD]  }
0x2a: {  	p0 =	seq.s32 s5, $0x0;
	s5 =	sld [smem:$0x3FAE]  }
0x2b: {  	s6 =	sld [smem:$0x3FAF]  }
0x2c: {  	s7 =	sld [smem:$0x3FB0]  }
0x2d: {  	s3 =	simm.s32 $0x108;
	s8 =	sld [smem:$0x3FB1]  }
0x2e: {  	s3 =	simm.s32 @!p0 $0x1082;
	s9 =	sld [smem:$0x3FB2]  }
0x2f: {  	lr =	sadd.s32 s0, s3;
	s0 =	sld [smem:$0x3FA9]  }
0x30: {  	s3 =	sld [smem:$0x3FAC]  }
0x31: {  	[smem:$0x3FB5] =	sst s10  }
0x32: {  	s10 =	sld [smem:$0x3FB3];
	_ =	sdelay $0x3  }
0x33: {  	p0 =	seq.s32 s10, $0x1;
	s10 =	sld [smem:$0x3FB5];
	_ =	sdelay $0x3  }
0x34: {  	[smem:$0x3FB5] =	sst s10  }
0x35: {  	s10 =	sld [smem:$0x3FB4];
	_ =	sdelay $0x3  }
0x36: {  	p1 =	seq.s32 s10, $0x1;
	s10 =	sld [smem:$0x3FB5];
	_ =	sdelay $0x3  }
0x37: {  	[smem:$0x3FB5] =	sst s10  }
0x38: {  	s10 =	sld [smem:$0x3FB6]  }
0x39: {  	_ = 	snop;
	(pc) =	sbr.ind lr, $3  }
0x3a: {  	_ = 	snop  }
0x3b: {  	_ = 	snop  }
0x3c: {  	p2 =	seq.s32 s10, $0x1;
	s10 =	sld [smem:$0x3FB5]  }
0x3d: {  	_ =	shalt  }
0x3e: {  	_ =	shalt  }
0x3f: {  	_ =	shalt  }
0x40: {  	_ =	shalt  }
0x41: {  	_ =	shalt  }
0x42: {  	_ =	shalt  }
0x43: {  	_ =	shalt  }
0x44: {  	_ =	shalt  }
0x45: {  	_ =	shalt  }
0x46: {  	_ =	shalt  }
0x47: {  	_ =	shalt  }
0x48: {  	_ =	shalt  }
0x49: {  	_ =	shalt  }
0x4a: {  	_ =	shalt  }
0x4b: {  	_ =	shalt  }
0x4c: {  	_ =	shalt  }
0x4d: {  	_ =	shalt  }
0x4e: {  	_ =	shalt  }
0x4f: {  	_ =	shalt  }
0x50: {  	_ =	shalt  }
0x51: {  	_ =	shalt  }
0x52: {  	_ =	shalt  }
0x53: {  	_ =	shalt  }
0x54: {  	_ =	shalt  }
0x55: {  	_ =	shalt  }
0x56: {  	_ =	shalt  }
0x57: {  	_ =	shalt  }
0x58: {  	_ =	shalt  }
0x59: {  	_ =	shalt  }
0x5a: {  	_ =	shalt  }
0x5b: {  	_ =	shalt  }
0x5c: {  	_ =	shalt  }
0x5d: {  	_ =	shalt  }
0x5e: {  	_ =	shalt  }
0x5f: {  	_ =	shalt  }
0x60: {  	_ =	shalt  }
0x61: {  	_ =	shalt  }
0x62: {  	_ =	shalt  }
0x63: {  	_ =	shalt  }
0x64: {  	_ =	shalt  }
0x65: {  	_ =	shalt  }
0x66: {  	_ =	shalt  }
0x67: {  	_ =	shalt  }
0x68: {  	_ =	shalt  }
0x69: {  	_ =	shalt  }
0x6a: {  	_ =	shalt  }
0x6b: {  	_ =	shalt  }
0x6c: {  	_ =	shalt  }
0x6d: {  	_ =	shalt  }
0x6e: {  	_ =	shalt  }
0x6f: {  	_ =	shalt  }
0x70: {  	_ =	shalt  }
0x71: {  	_ =	shalt  }
0x72: {  	_ =	shalt  }
0x73: {  	_ =	shalt  }
0x74: {  	_ =	shalt  }
0x75: {  	_ =	shalt  }
0x76: {  	_ =	shalt  }
0x77: {  	_ =	shalt  }
0x78: {  	_ =	shalt  }
0x79: {  	_ =	shalt  }
0x7a: {  	_ =	shalt  }
0x7b: {  	_ =	shalt  }
0x7c: {  	_ =	shalt  }
0x7d: {  	_ =	shalt  }
0x7e: {  	_ =	shalt  }
0x7f: {  	_ =	shalt  }
0x80: {  	_ =	shalt  }
0x81: {  	_ =	shalt  }
0x82: {  	_ =	shalt  }
0x83: {  	_ =	shalt  }
0x84: {  	_ =	shalt  }
0x85: {  	_ =	shalt  }
0x86: {  	_ =	shalt  }
0x87: {  	_ =	shalt  }
.Lfunc_end0:
.L_simem_size_0:
called_computation.1_lowered:
.L_overlay_start_0:
0x88: {  	s2 =	sld [smem:$0x3FD9]  }
0x89: {  	s3 =	sld [smem:$0x3FFE];
	_ =	sdelay $0x1  }
0x8a: {  	s1 =	srdreg.scid  }
0x8b: {  	s0 =	sand.u32 $0x1, s1  }
0x8c: {  	s17 =	sshll.u32 s0, $0xA;
	s2 =	sadd.s32 s3, s2  }
0x8d: {  	s2 =	sadd.s32 s2, s17  }
0x8e: {  	[smem:$0x3FC1] =	sst s2  }
0x8f: {  	_ = 	snop  }
0x90: {  	s2 =	sld [smem:$0x3FD0];
	(tm) =	ssettm $0x1  }
0x91: {  	s18 =	sld [smem:$0x3FFB];
	_ =	sdelay $0x3  }
0x92: {  	_ =	strace s18  }
0x93: {  	s3 =	sld [smem:$0x3FFC];
	_ =	sdelay $0x3  }
0x94: {  	_ =	strace s3  }
0x95: {  	s3 =	sld [smem:$0x3FFD];
	_ =	sdelay $0x3  }
0x96: {  	_ =	strace s3  }
0x97: {  	_ =	strace $0x8FFFFFFF  }
0x98: {  	s19 =	sld [smem:$0x3FDB];
	_ =	sdelay $0x1  }
0x99: {  	s4 =	simm.s32 $_scs_section_size  }
0x9a: {  	s5 =	simm.s32 $_size__tile_overlayer_lowered;
	s6 =	simm.s32 $_tile_overlayer_lowered  }
0x9b: {  	s22 =	simm.s32 $0x1BFF;
	s21 =	sshll.u32 s6, $0x1;
	s3 =	sadd.s32 s4, s19  }
0x9c: {  	s7 =	simm.s32 $0x0;
	s20 =	sshll.u32 s5, $0x1;
	s5 =	sadd.s32 s21, s3  }
0x9d: {  	[timem:s7], [sflag:s22] =	dma.local [hbm:s5], s20  }
0x9e: {  	_ =	swait.ge [sflag:s22], s20  }
0x9f: {  	s4 =	ssub.s32 $0x0, s20;
	[sflag:s22] =	ssyncset.done $0x0  }
0xa0: {  	[sflag:s22] =	ssyncadd.s32 s4;
	_ =	sdelay $0x1  }
0xa1: {  	s23 =	simm.s32 $0x1B8B  }
0xa2: {  	_ =	swait.ge [sflag:s23], $0x1  }
0xa3: {  	[sflag:s23] =	ssyncset.done $0x0  }
0xa4: {  	s25 =	simm.s32 $0x1B8E;
	s24 =	sld [smem:$0x3FFE];
	[sflag:s23] =	ssyncadd.s32 $0xFFFFFFFF  }
0xa5: {  	s26 =	simm.s32 $execute0_lowered;
	[smem:$0x3FD2] =	sst s25  }
0xa6: {  	s5 =	sshll.u32 s26, $0x1;
	_ =	strace $0x80000049;
	[dreg:$0x1] =	wrdreg $0xFFFFFFFF  }
0xa7: {  	s28 =	simm.s32 $_size_execute0_lowered;
	s3 =	sadd.s32 s3, s5;
	[dreg:$0x0] =	wrdreg $0x0  }
0xa8: {  	s5 =	sshll.u32 s28, $0x1;
	[dreg:$0x2] =	wrdreg s3  }
0xa9: {  	[dreg:$0x3] =	wrdreg s5  }
0xaa: {  	[dreg:$0x4] =	wrdreg $0xC0  }
0xab: {  	_ =	task [dreg:s7], $0x5FFFF  }
0xac: {  	[dreg:$0x1] =	wrdreg $0xFFFFFFFF  }
0xad: {  	[dreg:$0x0] =	wrdreg $0x60  }
0xae: {  	[dreg:$0x2] =	wrdreg s24  }
0xaf: {  	[dreg:$0x3] =	wrdreg s2  }
0xb0: {  	[dreg:$0x4] =	wrdreg $0xA8000  }
0xb1: {  	[dreg:$0x5] =	wrdreg $0x9  }
0xb2: {  	_ =	task.clear_ibuf [dreg:s7], $0x6FFFF;
	_ =	strace $0x90000049  }
0xb3: {  	s29 =	simm.s32 $0x9;
	_ =	strace $0x8000004B  }
0xb4: {  	_ =	swait.ge [sflag:s29], $0x1  }
0xb5: {  	[sflag:s29] =	ssyncadd.s32 $0xFFFFFFFF  }
0xb6: {  	_ =	strace $0x9000004B  }
0xb7: {  	_ =	sfence  }
0xb8: {  	s30 =	sld [smem:$0x0];
	_ =	sdelay $0x2  }
0xb9: {  	s31 =	sshll.u32 s1, $0xD;
	s1 =	sshrl.u32 s1, $0x2  }
0xba: {  	s3 =	sand.u32 $0x4000, s31;
	s1 =	sadd.s32 s1, s30  }
0xbb: {  	s0 =	sor.u32 s3, s0;
	s1 =	sshll.u32 s1, $0x11  }
0xbc: {  	s0 =	sor.u32 s1, s0  }
0xbd: {  	s0 =	sadd.s32 $0x8F2B, s0  }
0xbe: {  	[sflag:s0] =	ssyncadd.remote.s32 $0x1  }
0xbf: {  	_ =	sfence.sel $0xFFFF  }
0xc0: {  	[dreg:$0x0] =	wrdreg $0xFFFFFFFF;
	(pc) =	sbr.abs _section_cstart, $3  }
0xc1: {  	[dreg:$0x1] =	wrdreg $0xFFFFFFFF  }
0xc2: {  	_ =	task.clear_ibuf [dreg:s7], $0x2FFFF;
	_ =	strace $0x9FFFFFFF  }
0xc3: {  	(tm) =	ssettm $0x7FFFFFFF  }
tec
execute0_lowered:
.L_overlay_start_1:
0x0: {  	(tag) =	ssettag $0x1  }
0x1: {  	s4 =	rddreg [dreg:$0x0]  }
0x2: {  	s8 =	rddreg [dreg:$0x1]  }
0x3: {  	s1 =	rddreg [dreg:$0x2]  }
0x4: {  	s2 =	srdreg.scid;
	s0 =	rddreg [dreg:$0x3]  }
0x5: {  	s3 =	simm.s32 $0x0;
	s16 =	simm.s32 $0x2800;
	s17 =	simm.s32 $0x3  }
0x6: {  	s18 =	simm.s32 $0x1400;
	s19 =	simm.s32 $0x80;
	s20 =	simm.s32 $0x6800  }
0x7: {  	s21 =	simm.s32 $0x1;
	s22 =	simm.s32 $0x2;
	s5 =	sand.u32 $0x1, s2  }
0x8: {  	s23 =	simm.s32 $0x1380;
	s2 =	stileid.u32;
	s6 =	smul.u32 $0x140000, s5  }
0x9: {  	s24 =	simm.s32 $0x2700;
	s25 =	simm.s32 $0x2780;
	s7 =	smul.u32 $0x14000, s2  }
0xa: {  	[smem:$0x7FF] =	sst s3;
	s11 =	sadd.s32 $0x52A00, s4;
	s10 =	smul.u32 $0x28000, s5  }
0xb: {  	_ =	strace $0x8000004A;
	s28 =	smul.u32 $0x2800, s2;
	s5 =	ssub.s32 $0x2, s5  }
0xc: {  	s31 =	smul.u32 $0x50000, s2;
	s29 =	sshrl.u32 s5, $0x1;
	s9 =	sshrl.u32 s6, $0x3  }
0xd: {  	s6 =	sadd.s32 s7, s6;
	s30 =	sadd.s32 s28, s10;
	s13 =	ssub.s32 s5, s29  }
0xe: {  	s10 =	sshrl.u32 s31, $0x2;
	s9 =	sadd.s32 s9, s4;
	s6 =	sshrl.u32 s6, $0x3  }
0xf: {  	s10 =	sadd.s32 s10, s1;
	s12 =	sadd.s32 s6, s4;
	s6 =	sshrl.u32 s30, $0x3  }
0x10: {  	s15 =	sadd.s32 $0x10000, s10;
	s4 =	sadd.s32 s11, s6;
	s5 =	sadd.s32 s8, s6  }
0x11: {  	s14 =	sadd.s32 $0x280, s6;
	s6 =	sadd.s32 $0x2A00, s9;
	s9 =	sadd.s32 $0x5CA00, s12  }
0x12: {  	s12 =	sadd.s32 $0x4000, s10;
	s7 =	sadd.s32 s11, s14;
	s8 =	sadd.s32 s8, s14  }
0x13: {  	v0 =	vimm.f32 $0.0e+00;
	s11 =	smax.u32 s13, $0x1;
	s13 =	sadd.s32 $0x8000, s10;
	s14 =	sadd.s32 $0xC000, s10  }
.LBB2_1:
0x14: {  	s26 =	simm.s32 $0x0;
	s28 =	simm.s32 $0x200  }
.LBB2_2:
0x15: {  	p0 =	sne.s32 s28, $0xFE00;
	[tilespmem:s26+$0x2870] =	vst v0  }
0x16: {  	[tilespmem:s26+$0x2800] =	vst v0  }
0x17: {  	[tilespmem:s26+$0x2810] =	vst v0  }
.Ltmp0:
0x18: {  	[tilespmem:s26+$0x2820] =	vst v0;
	(pc) =	sbr.rel @p0 .LBB2_2-.Ltmp0, $4  }
0x19: {  	[tilespmem:s26+$0x2830] =	vst v0  }
0x1a: {  	[tilespmem:s26+$0x2840] =	vst v0  }
0x1b: {  	[tilespmem:s26+$0x2850] =	vst v0  }
0x1c: {  	[tilespmem:s26+$0x2860] =	vst v0;
	s26 =	sshra.s32 s28, $0x2;
	s28 =	sadd.s32 $0x200, s28  }
0x1d: {  	[tilespmem:s26+$0x2870] =	vst v0  }
0x1e: {  	[tilespmem:s26+$0x2800] =	vst v0  }
0x1f: {  	[tilespmem:s26+$0x2810] =	vst v0  }
0x20: {  	[tilespmem:s26+$0x2820] =	vst v0  }
0x21: {  	[tilespmem:s26+$0x2830] =	vst v0  }
0x22: {  	[tilespmem:s26+$0x2840] =	vst v0  }
0x23: {  	[tilespmem:s26+$0x2850] =	vst v0  }
0x24: {  	[tilespmem:s26+$0x2860] =	vst v0  }
0x25: {  	[spmem:s10] =	stream.linear.scatter [tilespmem:s16], [sflag:$0x3], $0x4000, $0x38;
	[tilespmem:$0x1E800] =	vst v63  }
0x26: {  	_ =	swait.ge [sflag:s17], $0x4000  }
0x27: {  	[sflag:s17] =	ssyncset.done $0x0  }
0x28: {  	[sflag:s17] =	ssyncadd.s32 $0xFFFFC000  }
0x29: {  	[spmem:s12] =	stream.linear.scatter [tilespmem:s16], [sflag:$0x3], $0x4000, $0x38;
	[tilespmem:$0x1E800] =	vst v63  }
0x2a: {  	_ =	swait.ge [sflag:s17], $0x4000  }
0x2b: {  	[sflag:s17] =	ssyncset.done $0x0  }
0x2c: {  	[sflag:s17] =	ssyncadd.s32 $0xFFFFC000  }
0x2d: {  	[spmem:s13] =	stream.linear.scatter [tilespmem:s16], [sflag:$0x3], $0x4000, $0x38;
	[tilespmem:$0x1E800] =	vst v63  }
0x2e: {  	_ =	swait.ge [sflag:s17], $0x4000  }
0x2f: {  	[sflag:s17] =	ssyncset.done $0x0  }
0x30: {  	[sflag:s17] =	ssyncadd.s32 $0xFFFFC000  }
0x31: {  	[spmem:s14] =	stream.linear.scatter [tilespmem:s16], [sflag:$0x3], $0x4000, $0x38;
	[tilespmem:$0x1E800] =	vst v63  }
0x32: {  	_ =	swait.ge [sflag:s17], $0x4000  }
0x33: {  	[sflag:s17] =	ssyncset.done $0x0  }
0x34: {  	[sflag:s17] =	ssyncadd.s32 $0xFFFFC000  }
0x35: {  	[spmem:s15] =	stream.linear.scatter [tilespmem:s16], [sflag:$0x3], $0x4000, $0x38;
	[tilespmem:$0x1E800] =	vst v63  }
0x36: {  	_ =	swait.ge [sflag:s17], $0x4000  }
0x37: {  	[sflag:s17] =	ssyncset.done $0x0  }
0x38: {  	[sflag:s17] =	ssyncadd.s32 $0xFFFFC000  }
0x39: {  	s30 =	simm.s32 $0x0;
	[bflag:$0x0] =	sbarrier.arrive $0xFFFF  }
0x3a: {  	[tilespmem:s30], [sflag:$0x3] =	stream.linear.gather [hbm4b:s4+s30], $0x1400, $0x38;
	[tilespmem:$0x1E800] =	vst v63  }
0x3b: {  	_ =	swait.ge [sflag:s17], $0x1400  }
0x3c: {  	[sflag:s17] =	ssyncset.done $0x0  }
0x3d: {  	[sflag:s17] =	ssyncadd.s32 $0xFFFFEC00  }
0x3e: {  	[tilespmem:s18], [sflag:$0x3] =	stream.linear.gather [hbm4b:s5+s30], $0x1400, $0x38;
	[tilespmem:$0x1E800] =	vst v63  }
0x3f: {  	_ =	swait.ge [sflag:s17], $0x1400  }
0x40: {  	[sflag:s17] =	ssyncset.done $0x0  }
0x41: {  	[sflag:s17] =	ssyncadd.s32 $0xFFFFEC00  }
0x42: {  	[tilespmem:s16], [sflag:$0x1] =	stream.indirect.gather [hbm4b:s6+s19], $0x80, s30, s19, $0xb8;
	[tilespmem:$0x1E800] =	vst v63  }
0x43: {  	s31 =	simm.s32 $0x80  }
0x44: {  	[tilespmem:s20], [sflag:$0x2] =	stream.indirect.gather [hbm4b:s6+s19], $0x80, s31, s19, $0xb8;
	[tilespmem:$0x1E800] =	vst v63  }
0x45: {  	_ =	swait.ge [sflag:s21], $0x4000  }
0x46: {  	[sflag:s21] =	ssyncset.done $0x0  }
0x47: {  	s29 =	simm.s32 $0x1400;
	[sflag:s21] =	ssyncadd.s32 $0xFFFFC000  }
0x48: {  	[spmem:s1] =	stream.indirect.scatter.add.f32 [tilespmem:s16], [sflag:$0x3], $0x80, s29, s19, $0xb8;
	[tilespmem:$0x1E800] =	vst v63  }
0x49: {  	_ =	swait.ge [sflag:s17], $0x4000  }
0x4a: {  	[sflag:s17] =	ssyncset.done $0x0  }
0x4b: {  	s30 =	simm.s32 $0x100;
	[sflag:s17] =	ssyncadd.s32 $0xFFFFC000  }
0x4c: {  	[tilespmem:s16], [sflag:$0x1] =	stream.indirect.gather [hbm4b:s6+s19], $0x80, s30, s19, $0xb8;
	[tilespmem:$0x1E800] =	vst v63  }
0x4d: {  	_ =	swait.ge [sflag:s22], $0x4000  }
0x4e: {  	[sflag:s22] =	ssyncset.done $0x0  }
0x4f: {  	s31 =	simm.s32 $0x1480;
	[sflag:s22] =	ssyncadd.s32 $0xFFFFC000  }
0x50: {  	[spmem:s1] =	stream.indirect.scatter.add.f32 [tilespmem:s20], [sflag:$0x3], $0x80, s31, s19, $0xb8;
	[tilespmem:$0x1E800] =	vst v63  }
0x51: {  	_ =	swait.ge [sflag:s17], $0x4000  }
0x52: {  	s28 =	simm.s32 $0x800;
	s26 =	simm.s32 $0x100;
	[sflag:s17] =	ssyncset.done $0x0  }
.LBB2_4:
0x53: {  	s29 =	sadd.s32 $0x80, s26  }
0x54: {  	[sflag:s17] =	ssyncadd.s32 $0xFFFFC000;
	s30 =	smov.u32 s28;
	s31 =	sadd.s32 $0x400, s28  }
0x55: {  	[tilespmem:s20], [sflag:$0x2] =	stream.indirect.gather [hbm4b:s6+s19], $0x80, s29, s19, $0xb8;
	[tilespmem:$0x1E800] =	vst v63  }
0x56: {  	p0 =	sne.s32 s28, $0x4800;
	_ =	swait.ge [sflag:s21], $0x4000  }
0x57: {  	[sflag:s21] =	ssyncset.done $0x0  }
0x58: {  	s28 =	sadd.s32 $0x1400, s26;
	[sflag:s21] =	ssyncadd.s32 $0xFFFFC000  }
0x59: {  	[spmem:s1] =	stream.indirect.scatter.add.f32 [tilespmem:s16], [sflag:$0x3], $0x80, s28, s19, $0xb8;
	[tilespmem:$0x1E800] =	vst v63  }
0x5a: {  	_ =	swait.ge [sflag:s17], $0x4000  }
0x5b: {  	[sflag:s17] =	ssyncset.done $0x0  }
0x5c: {  	s28 =	sadd.s32 $0x100, s26;
	[sflag:s17] =	ssyncadd.s32 $0xFFFFC000  }
0x5d: {  	[tilespmem:s16], [sflag:$0x1] =	stream.indirect.gather [hbm4b:s6+s19], $0x80, s28, s19, $0xb8;
	[tilespmem:$0x1E800] =	vst v63  }
0x5e: {  	_ =	swait.ge [sflag:s22], $0x4000  }
.Ltmp1:
0x5f: {  	[sflag:s22] =	ssyncset.done $0x0;
	(pc) =	sbr.rel @p0 .LBB2_4-.Ltmp1, $4  }
0x60: {  	s26 =	sadd.s32 $0x1480, s26;
	[sflag:s22] =	ssyncadd.s32 $0xFFFFC000  }
0x61: {  	[spmem:s1] =	stream.indirect.scatter.add.f32 [tilespmem:s20], [sflag:$0x3], $0x80, s26, s19, $0xb8;
	[tilespmem:$0x1E800] =	vst v63  }
0x62: {  	_ =	swait.ge [sflag:s17], $0x4000  }
0x63: {  	s28 =	smov.u32 s31;
	s26 =	sshra.s32 s30, $0x2;
	[sflag:s17] =	ssyncset.done $0x0  }
0x64: {  	s28 =	sadd.s32 $0x80, s26;
	[sflag:s17] =	ssyncadd.s32 $0xFFFFC000  }
0x65: {  	[tilespmem:s20], [sflag:$0x2] =	stream.indirect.gather [hbm4b:s6+s19], $0x80, s28, s19, $0xb8;
	[tilespmem:$0x1E800] =	vst v63  }
0x66: {  	_ =	swait.ge [sflag:s21], $0x4000  }
0x67: {  	[sflag:s21] =	ssyncset.done $0x0  }
0x68: {  	s28 =	sadd.s32 $0x1400, s26;
	[sflag:s21] =	ssyncadd.s32 $0xFFFFC000  }
0x69: {  	[spmem:s1] =	stream.indirect.scatter.add.f32 [tilespmem:s16], [sflag:$0x3], $0x80, s28, s19, $0xb8;
	[tilespmem:$0x1E800] =	vst v63  }
0x6a: {  	_ =	swait.ge [sflag:s17], $0x4000  }
0x6b: {  	[sflag:s17] =	ssyncset.done $0x0  }
0x6c: {  	s28 =	sadd.s32 $0x100, s26;
	[sflag:s17] =	ssyncadd.s32 $0xFFFFC000  }
0x6d: {  	[tilespmem:s16], [sflag:$0x1] =	stream.indirect.gather [hbm4b:s6+s19], $0x80, s28, s19, $0xb8;
	[tilespmem:$0x1E800] =	vst v63  }
0x6e: {  	_ =	swait.ge [sflag:s22], $0x4000  }
0x6f: {  	[sflag:s22] =	ssyncset.done $0x0  }
0x70: {  	s29 =	sadd.s32 $0x1480, s26;
	[sflag:s22] =	ssyncadd.s32 $0xFFFFC000  }
0x71: {  	[spmem:s1] =	stream.indirect.scatter.add.f32 [tilespmem:s20], [sflag:$0x3], $0x80, s29, s19, $0xb8;
	[tilespmem:$0x1E800] =	vst v63  }
0x72: {  	_ =	swait.ge [sflag:s17], $0x4000  }
0x73: {  	[sflag:s17] =	ssyncset.done $0x0  }
0x74: {  	[sflag:s17] =	ssyncadd.s32 $0xFFFFC000  }
0x75: {  	[tilespmem:s20], [sflag:$0x2] =	stream.indirect.gather [hbm4b:s6+s19], $0x80, s23, s19, $0xb8;
	[tilespmem:$0x1E800] =	vst v63  }
0x76: {  	_ =	swait.ge [sflag:s21], $0x4000  }
0x77: {  	[sflag:s21] =	ssyncset.done $0x0  }
0x78: {  	[sflag:s21] =	ssyncadd.s32 $0xFFFFC000  }
0x79: {  	[spmem:s1] =	stream.indirect.scatter.add.f32 [tilespmem:s16], [sflag:$0x3], $0x80, s24, s19, $0xb8;
	[tilespmem:$0x1E800] =	vst v63  }
0x7a: {  	_ =	swait.ge [sflag:s17], $0x4000  }
0x7b: {  	[sflag:s17] =	ssyncset.done $0x0  }
0x7c: {  	[sflag:s17] =	ssyncadd.s32 $0xFFFFC000  }
0x7d: {  	_ =	swait.ge [sflag:s22], $0x4000  }
0x7e: {  	[sflag:s22] =	ssyncset.done $0x0  }
0x7f: {  	[sflag:s22] =	ssyncadd.s32 $0xFFFFC000  }
0x80: {  	[spmem:s1] =	stream.indirect.scatter.add.f32 [tilespmem:s20], [sflag:$0x3], $0x80, s25, s19, $0xb8;
	[tilespmem:$0x1E800] =	vst v63  }
0x81: {  	_ =	swait.ge [sflag:s17], $0x4000  }
0x82: {  	[sflag:s17] =	ssyncset.done $0x0  }
0x83: {  	s30 =	simm.s32 $0x0;
	[sflag:s17] =	ssyncadd.s32 $0xFFFFC000  }
0x84: {  	[tilespmem:s30], [sflag:$0x3] =	stream.linear.gather [hbm4b:s7+s30], $0x1400, $0x38;
	[tilespmem:$0x1E800] =	vst v63  }
0x85: {  	_ =	swait.ge [sflag:s17], $0x1400  }
0x86: {  	[sflag:s17] =	ssyncset.done $0x0  }
0x87: {  	[sflag:s17] =	ssyncadd.s32 $0xFFFFEC00  }
0x88: {  	[tilespmem:s18], [sflag:$0x3] =	stream.linear.gather [hbm4b:s8+s30], $0x1400, $0x38;
	[tilespmem:$0x1E800] =	vst v63  }
0x89: {  	_ =	swait.ge [sflag:s17], $0x1400  }
0x8a: {  	[sflag:s17] =	ssyncset.done $0x0  }
0x8b: {  	[sflag:s17] =	ssyncadd.s32 $0xFFFFEC00  }
0x8c: {  	[tilespmem:s16], [sflag:$0x1] =	stream.indirect.gather [hbm4b:s6+s19], $0x80, s30, s19, $0xb8;
	[tilespmem:$0x1E800] =	vst v63  }
0x8d: {  	s31 =	simm.s32 $0x80  }
0x8e: {  	[tilespmem:s20], [sflag:$0x2] =	stream.indirect.gather [hbm4b:s6+s19], $0x80, s31, s19, $0xb8;
	[tilespmem:$0x1E800] =	vst v63  }
0x8f: {  	_ =	swait.ge [sflag:s21], $0x4000  }
0x90: {  	[sflag:s21] =	ssyncset.done $0x0  }
0x91: {  	s29 =	simm.s32 $0x1400;
	[sflag:s21] =	ssyncadd.s32 $0xFFFFC000  }
0x92: {  	[spmem:s1] =	stream.indirect.scatter.add.f32 [tilespmem:s16], [sflag:$0x3], $0x80, s29, s19, $0xb8;
	[tilespmem:$0x1E800] =	vst v63  }
0x93: {  	_ =	swait.ge [sflag:s17], $0x4000  }
0x94: {  	[sflag:s17] =	ssyncset.done $0x0  }
0x95: {  	s30 =	simm.s32 $0x100;
	[sflag:s17] =	ssyncadd.s32 $0xFFFFC000  }
0x96: {  	[tilespmem:s16], [sflag:$0x1] =	stream.indirect.gather [hbm4b:s6+s19], $0x80, s30, s19, $0xb8;
	[tilespmem:$0x1E800] =	vst v63  }
0x97: {  	_ =	swait.ge [sflag:s22], $0x4000  }
0x98: {  	[sflag:s22] =	ssyncset.done $0x0  }
0x99: {  	s31 =	simm.s32 $0x1480;
	[sflag:s22] =	ssyncadd.s32 $0xFFFFC000  }
0x9a: {  	[spmem:s1] =	stream.indirect.scatter.add.f32 [tilespmem:s20], [sflag:$0x3], $0x80, s31, s19, $0xb8;
	[tilespmem:$0x1E800] =	vst v63  }
0x9b: {  	_ =	swait.ge [sflag:s17], $0x4000  }
0x9c: {  	s26 =	simm.s32 $0x100;
	s28 =	simm.s32 $0x800;
	[sflag:s17] =	ssyncset.done $0x0  }
.LBB2_6:
0x9d: {  	s29 =	sadd.s32 $0x80, s26  }
0x9e: {  	[sflag:s17] =	ssyncadd.s32 $0xFFFFC000;
	s30 =	smov.u32 s28;
	s31 =	sadd.s32 $0x400, s28  }
0x9f: {  	[tilespmem:s20], [sflag:$0x2] =	stream.indirect.gather [hbm4b:s6+s19], $0x80, s29, s19, $0xb8;
	[tilespmem:$0x1E800] =	vst v63  }
0xa0: {  	p0 =	sne.s32 s28, $0x4800;
	_ =	swait.ge [sflag:s21], $0x4000  }
0xa1: {  	[sflag:s21] =	ssyncset.done $0x0  }
0xa2: {  	s28 =	sadd.s32 $0x1400, s26;
	[sflag:s21] =	ssyncadd.s32 $0xFFFFC000  }
0xa3: {  	[spmem:s1] =	stream.indirect.scatter.add.f32 [tilespmem:s16], [sflag:$0x3], $0x80, s28, s19, $0xb8;
	[tilespmem:$0x1E800] =	vst v63  }
0xa4: {  	_ =	swait.ge [sflag:s17], $0x4000  }
0xa5: {  	[sflag:s17] =	ssyncset.done $0x0  }
0xa6: {  	s28 =	sadd.s32 $0x100, s26;
	[sflag:s17] =	ssyncadd.s32 $0xFFFFC000  }
0xa7: {  	[tilespmem:s16], [sflag:$0x1] =	stream.indirect.gather [hbm4b:s6+s19], $0x80, s28, s19, $0xb8;
	[tilespmem:$0x1E800] =	vst v63  }
0xa8: {  	_ =	swait.ge [sflag:s22], $0x4000  }
.Ltmp2:
0xa9: {  	[sflag:s22] =	ssyncset.done $0x0;
	(pc) =	sbr.rel @p0 .LBB2_6-.Ltmp2, $4  }
0xaa: {  	s26 =	sadd.s32 $0x1480, s26;
	[sflag:s22] =	ssyncadd.s32 $0xFFFFC000  }
0xab: {  	[spmem:s1] =	stream.indirect.scatter.add.f32 [tilespmem:s20], [sflag:$0x3], $0x80, s26, s19, $0xb8;
	[tilespmem:$0x1E800] =	vst v63  }
0xac: {  	_ =	swait.ge [sflag:s17], $0x4000  }
0xad: {  	s28 =	smov.u32 s31;
	s26 =	sshra.s32 s30, $0x2;
	[sflag:s17] =	ssyncset.done $0x0  }
0xae: {  	s28 =	sadd.s32 $0x80, s26;
	[sflag:s17] =	ssyncadd.s32 $0xFFFFC000  }
0xaf: {  	[tilespmem:s20], [sflag:$0x2] =	stream.indirect.gather [hbm4b:s6+s19], $0x80, s28, s19, $0xb8;
	[tilespmem:$0x1E800] =	vst v63  }
0xb0: {  	_ =	swait.ge [sflag:s21], $0x4000  }
0xb1: {  	[sflag:s21] =	ssyncset.done $0x0  }
0xb2: {  	s30 =	sadd.s32 $0x1400, s26;
	[sflag:s21] =	ssyncadd.s32 $0xFFFFC000  }
0xb3: {  	[spmem:s1] =	stream.indirect.scatter.add.f32 [tilespmem:s16], [sflag:$0x3], $0x80, s30, s19, $0xb8;
	[tilespmem:$0x1E800] =	vst v63  }
0xb4: {  	_ =	swait.ge [sflag:s17], $0x4000  }
0xb5: {  	[sflag:s17] =	ssyncset.done $0x0  }
0xb6: {  	s31 =	sadd.s32 $0x100, s26;
	[sflag:s17] =	ssyncadd.s32 $0xFFFFC000  }
0xb7: {  	[tilespmem:s16], [sflag:$0x1] =	stream.indirect.gather [hbm4b:s6+s19], $0x80, s31, s19, $0xb8;
	[tilespmem:$0x1E800] =	vst v63  }
0xb8: {  	_ =	swait.ge [sflag:s22], $0x4000  }
0xb9: {  	[sflag:s22] =	ssyncset.done $0x0  }
0xba: {  	s29 =	sadd.s32 $0x1480, s26;
	[sflag:s22] =	ssyncadd.s32 $0xFFFFC000  }
0xbb: {  	[spmem:s1] =	stream.indirect.scatter.add.f32 [tilespmem:s20], [sflag:$0x3], $0x80, s29, s19, $0xb8;
	[tilespmem:$0x1E800] =	vst v63  }
0xbc: {  	_ =	swait.ge [sflag:s17], $0x4000  }
0xbd: {  	[sflag:s17] =	ssyncset.done $0x0  }
0xbe: {  	[sflag:s17] =	ssyncadd.s32 $0xFFFFC000  }
0xbf: {  	[tilespmem:s20], [sflag:$0x2] =	stream.indirect.gather [hbm4b:s6+s19], $0x80, s23, s19, $0xb8;
	[tilespmem:$0x1E800] =	vst v63  }
0xc0: {  	_ =	swait.ge [sflag:s21], $0x4000  }
0xc1: {  	[sflag:s21] =	ssyncset.done $0x0  }
0xc2: {  	[sflag:s21] =	ssyncadd.s32 $0xFFFFC000  }
0xc3: {  	[spmem:s1] =	stream.indirect.scatter.add.f32 [tilespmem:s16], [sflag:$0x3], $0x80, s24, s19, $0xb8;
	[tilespmem:$0x1E800] =	vst v63  }
0xc4: {  	_ =	swait.ge [sflag:s17], $0x4000  }
0xc5: {  	[sflag:s17] =	ssyncset.done $0x0  }
0xc6: {  	[sflag:s17] =	ssyncadd.s32 $0xFFFFC000  }
0xc7: {  	_ =	swait.ge [sflag:s22], $0x4000  }
0xc8: {  	[sflag:s22] =	ssyncset.done $0x0  }
0xc9: {  	[sflag:s22] =	ssyncadd.s32 $0xFFFFC000  }
0xca: {  	[spmem:s1] =	stream.indirect.scatter.add.f32 [tilespmem:s20], [sflag:$0x3], $0x80, s25, s19, $0xb8;
	[tilespmem:$0x1E800] =	vst v63  }
0xcb: {  	_ =	swait.ge [sflag:s17], $0x4000  }
0xcc: {  	s3 =	sadd.s32 $0x1, s3;
	s30 =	sshll.u32 s2, $0x6;
	[sflag:s17] =	ssyncset.done $0x0  }
0xcd: {  	p0 =	sne.s32 s3, s11;
	s26 =	sor.u32 $0x1C03, s30;
	[sflag:s17] =	ssyncadd.s32 $0xFFFFC000  }
.Ltmp3:
0xce: {  	s31 =	sshrl.u32 s10, $0x3;
	[bflag:$0x0] =	sbarrier.arrive $0xFFFF;
	(pc) =	sbr.rel @p0 .LBB2_1-.Ltmp3, $4  }
0xcf: {  	[hbm:s9], [sflag:s26] =	dma.local [spmem:s31], $0x2800  }
0xd0: {  	_ =	swait.ge [sflag:s17], $0x2800  }
0xd1: {  	[sflag:s17] =	ssyncset.done $0x0  }
0xd2: {  	[sflag:s17] =	ssyncadd.s32 $0xFFFFD800  }
0xd3: {  	_ =	sfence.sel $0x180000  }
0xd4: {  	[bflag:$0x0] =	sbarrier.arrive $0xFFFF  }
0xd5: {  	p0 =	sne.s32 s2, $0x0;
	_ =	strace $0x9000004A  }
0xd6: {  	s0 =	sadd.s32 @!p0 $0x100000, s0;
	[bflag:$0x2] =	sbarrier.arrive $0xFFFF  }
0xd7: {  	[sflag:s0] =	ssyncadd.tile.s32 @!p0 $0x1;
	_ =	shalt  }
.Lfunc_end2:
_tile_overlayer_lowered:
.L_overlay_start_2:
0xd8: {  	(tag) =	ssettag $0x2  }
0xd9: {  	s0 =	rddreg [dreg:$0x0];
	s2 =	stileid.u32  }
0xda: {  	s1 =	rddreg [dreg:$0x1];
	p0 =	sne.s32 s2, $0x0  }
0xdb: {  	s3 =	rddreg [dreg:$0x2];
	[bflag:$0x3] =	sbarrier.arrive $0xFFFF;
	s2 =	simm.s32 @!p0 $0x1C03  }
0xdc: {  	[timem:s3], [sflag:s2] =	dma.local @!p0 [hbm:s0], s1  }
0xdd: {  	s0 =	simm.s32 @!p0 $0x3  }
0xde: {  	_ =	swait.ge @!p0 [sflag:s0], s1  }
0xdf: {  	s1 =	ssub.s32 @!p0 $0x0, s1;
	[sflag:s0] =	ssyncset.done @!p0 $0x0  }
0xe0: {  	[sflag:s0] =	ssyncadd.s32 @!p0 s1  }
0xe1: {  	[bflag:$0x3] =	sbarrier.arrive $0xFFFF  }
0xe2: {  	_ =	shalt  }

// kernel: _forward.19.cloned.1.call-start
scs
__scs_entry_jumppad:
0x0: {  	(pc) =	sbr.rel $0x88, $3  }
0x1: {  	(tag) =	ssettag $0x0;
	lr =	simm.s32 $0x1  }
0x2: {  	[smem:$0x3F9A] =	sst lr;
	_ =	strace $0xD0000000  }
0x3: {  	_ = 	snop  }
0x4: {  	_ = 	snop  }
0x5: {  	_ = 	snop  }
0x6: {  	_ = 	snop  }
0x7: {  	_ = 	snop  }
__scs_overlays_trampoline_lowered:
0x8: {  	[smem:$0x3FA9] =	sst s0  }
0x9: {  	[smem:$0x3FAA] =	sst s1  }
0xa: {  	[smem:$0x3FAB] =	sst s2  }
0xb: {  	[smem:$0x3FAC] =	sst s3  }
0xc: {  	[smem:$0x3FAD] =	sst s4  }
0xd: {  	[smem:$0x3FAE] =	sst s5  }
0xe: {  	[smem:$0x3FAF] =	sst s6  }
0xf: {  	[smem:$0x3FB0] =	sst s7  }
0x10: {  	[smem:$0x3FB1] =	sst s8  }
0x11: {  	[smem:$0x3FB2] =	sst s9;
	s0 =	simm.s32 @!p0 $0x0  }
0x12: {  	s1 =	sld [smem:$0x3F98];
	s0 =	simm.s32 @p0 $0x1  }
0x13: {  	[smem:$0x3FB3] =	sst s0;
	s0 =	simm.s32 @!p1 $0x0  }
0x14: {  	s2 =	sld [smem:$0x3F97];
	s0 =	simm.s32 @p1 $0x1  }
0x15: {  	[smem:$0x3FB4] =	sst s0;
	s0 =	simm.s32 @!p2 $0x0  }
0x16: {  	s3 =	sld [smem:$0x3FDB];
	s0 =	simm.s32 @p2 $0x1  }
0x17: {  	s4 =	simm.s32 $0x1BF5;
	[smem:$0x3FB6] =	sst s0  }
0x18: {  	s0 =	sld [smem:$0x3F99];
	_ =	swait.ge [sflag:s4], $0x0  }
0x19: {  	s7 =	sld [smem:$0x3F9A]  }
0x1a: {  	s8 =	sadd.s32 $0xFFFFE003, lr  }
0x1b: {  	s9 =	sadd.s32 $0xFFFFFEF7, lr;
	s5 =	simm.s32 $0xFFFFFFFF;
	p2 =	slt.u32 s8, $0xFFFFF086  }
0x1c: {  	p1 =	slt.u32 s9, $0xF7A;
	s5 =	simm.s32 @!p2 $0x0  }
0x1d: {  	s5 =	simm.s32 @p1 $0x1;
	p0 =	seq.s32 s7, s2  }
0x1e: {  	s7 =	smul.u32 @!p0 $0xF7A, s2;
	p2 =	seq.s32 @!p0 s5, $0x0  }
0x1f: {  	s9 =	smul.u32 $0xF7A, s1;
	s8 =	simm.s32 @!p0 $0x1BF5;
	p2 =	por !p2, p0  }
0x20: {  	[sflag:s8] =	ssyncset.s32 @!p0 $0xFFFFF086;
	s6 =	sadd.s32 @!p0 s3, s7;
	s7 =	simm.s32 @!p0 $0x108  }
0x21: {  	s3 =	sadd.s32 s3, s9;
	s6 =	sadd.s32 @!p0 $0x88, s6;
	s7 =	simm.s32 @p2 $0x1082  }
0x22: {  	[simem:s7], [sflag:s8] =	dma.local @!p0 [hbm:s6], $0xF7A  }
0x23: {  	s9 =	sor.u32 $0xD0000000, s2;
	s6 =	simm.s32 $0x108;
	_ =	swait.ge @!p0 [sflag:s8], $0x0  }
0x24: {  	s3 =	sadd.s32 $0x88, s3;
	s6 =	simm.s32 @!p1 $0x1082;
	[sflag:s4] =	ssyncset.s32 $0xFFFFF086  }
0x25: {  	[simem:s6], [sflag:s4] =	dma.local [hbm:s3], $0xF7A  }
0x26: {  	[smem:$0x3F9A] =	sst s1;
	(tag) =	ssettag s2;
	_ =	strace s9  }
0x27: {  	s1 =	sld [smem:$0x3FAA]  }
0x28: {  	s2 =	sld [smem:$0x3FAB]  }
0x29: {  	s4 =	sld [smem:$0x3FAD]  }
0x2a: {  	p0 =	seq.s32 s5, $0x0;
	s5 =	sld [smem:$0x3FAE]  }
0x2b: {  	s6 =	sld [smem:$0x3FAF]  }
0x2c: {  	s7 =	sld [smem:$0x3FB0]  }
0x2d: {  	s3 =	simm.s32 $0x108;
	s8 =	sld [smem:$0x3FB1]  }
0x2e: {  	s3 =	simm.s32 @!p0 $0x1082;
	s9 =	sld [smem:$0x3FB2]  }
0x2f: {  	lr =	sadd.s32 s0, s3;
	s0 =	sld [smem:$0x3FA9]  }
0x30: {  	s3 =	sld [smem:$0x3FAC]  }
0x31: {  	[smem:$0x3FB5] =	sst s10  }
0x32: {  	s10 =	sld [smem:$0x3FB3];
	_ =	sdelay $0x3  }
0x33: {  	p0 =	seq.s32 s10, $0x1;
	s10 =	sld [smem:$0x3FB5];
	_ =	sdelay $0x3  }
0x34: {  	[smem:$0x3FB5] =	sst s10  }
0x35: {  	s10 =	sld [smem:$0x3FB4];
	_ =	sdelay $0x3  }
0x36: {  	p1 =	seq.s32 s10, $0x1;
	s10 =	sld [smem:$0x3FB5];
	_ =	sdelay $0x3  }
0x37: {  	[smem:$0x3FB5] =	sst s10  }
0x38: {  	s10 =	sld [smem:$0x3FB6]  }
0x39: {  	_ = 	snop;
	(pc) =	sbr.ind lr, $3  }
0x3a: {  	_ = 	snop  }
0x3b: {  	_ = 	snop  }
0x3c: {  	p2 =	seq.s32 s10, $0x1;
	s10 =	sld [smem:$0x3FB5]  }
0x3d: {  	_ =	shalt  }
0x3e: {  	_ =	shalt  }
0x3f: {  	_ =	shalt  }
0x40: {  	_ =	shalt  }
0x41: {  	_ =	shalt  }
0x42: {  	_ =	shalt  }
0x43: {  	_ =	shalt  }
0x44: {  	_ =	shalt  }
0x45: {  	_ =	shalt  }
0x46: {  	_ =	shalt  }
0x47: {  	_ =	shalt  }
0x48: {  	_ =	shalt  }
0x49: {  	_ =	shalt  }
0x4a: {  	_ =	shalt  }
0x4b: {  	_ =	shalt  }
0x4c: {  	_ =	shalt  }
0x4d: {  	_ =	shalt  }
0x4e: {  	_ =	shalt  }
0x4f: {  	_ =	shalt  }
0x50: {  	_ =	shalt  }
0x51: {  	_ =	shalt  }
0x52: {  	_ =	shalt  }
0x53: {  	_ =	shalt  }
0x54: {  	_ =	shalt  }
0x55: {  	_ =	shalt  }
0x56: {  	_ =	shalt  }
0x57: {  	_ =	shalt  }
0x58: {  	_ =	shalt  }
0x59: {  	_ =	shalt  }
0x5a: {  	_ =	shalt  }
0x5b: {  	_ =	shalt  }
0x5c: {  	_ =	shalt  }
0x5d: {  	_ =	shalt  }
0x5e: {  	_ =	shalt  }
0x5f: {  	_ =	shalt  }
0x60: {  	_ =	shalt  }
0x61: {  	_ =	shalt  }
0x62: {  	_ =	shalt  }
0x63: {  	_ =	shalt  }
0x64: {  	_ =	shalt  }
0x65: {  	_ =	shalt  }
0x66: {  	_ =	shalt  }
0x67: {  	_ =	shalt  }
0x68: {  	_ =	shalt  }
0x69: {  	_ =	shalt  }
0x6a: {  	_ =	shalt  }
0x6b: {  	_ =	shalt  }
0x6c: {  	_ =	shalt  }
0x6d: {  	_ =	shalt  }
0x6e: {  	_ =	shalt  }
0x6f: {  	_ =	shalt  }
0x70: {  	_ =	shalt  }
0x71: {  	_ =	shalt  }
0x72: {  	_ =	shalt  }
0x73: {  	_ =	shalt  }
0x74: {  	_ =	shalt  }
0x75: {  	_ =	shalt  }
0x76: {  	_ =	shalt  }
0x77: {  	_ =	shalt  }
0x78: {  	_ =	shalt  }
0x79: {  	_ =	shalt  }
0x7a: {  	_ =	shalt  }
0x7b: {  	_ =	shalt  }
0x7c: {  	_ =	shalt  }
0x7d: {  	_ =	shalt  }
0x7e: {  	_ =	shalt  }
0x7f: {  	_ =	shalt  }
0x80: {  	_ =	shalt  }
0x81: {  	_ =	shalt  }
0x82: {  	_ =	shalt  }
0x83: {  	_ =	shalt  }
0x84: {  	_ =	shalt  }
0x85: {  	_ =	shalt  }
0x86: {  	_ =	shalt  }
0x87: {  	_ =	shalt  }
.Lfunc_end0:
.L_simem_size_0:
called_computation.2_lowered:
.L_overlay_start_0:
0x88: {  	s2 =	sld [smem:$0x3FD9]  }
0x89: {  	s3 =	sld [smem:$0x3FFE];
	_ =	sdelay $0x1  }
0x8a: {  	s1 =	srdreg.scid  }
0x8b: {  	s0 =	sand.u32 $0x1, s1  }
0x8c: {  	s17 =	sshll.u32 s0, $0xA;
	s2 =	sadd.s32 s3, s2  }
0x8d: {  	s2 =	sadd.s32 s2, s17  }
0x8e: {  	[smem:$0x3FC1] =	sst s2  }
0x8f: {  	_ = 	snop  }
0x90: {  	s2 =	sld [smem:$0x3FD0];
	(tm) =	ssettm $0x1  }
0x91: {  	s18 =	sld [smem:$0x3FFB];
	_ =	sdelay $0x3  }
0x92: {  	_ =	strace s18  }
0x93: {  	s3 =	sld [smem:$0x3FFC];
	_ =	sdelay $0x3  }
0x94: {  	_ =	strace s3  }
0x95: {  	s3 =	sld [smem:$0x3FFD];
	_ =	sdelay $0x3  }
0x96: {  	_ =	strace s3  }
0x97: {  	_ =	strace $0x8FFFFFFF  }
0x98: {  	s19 =	sld [smem:$0x3FDB];
	_ =	sdelay $0x1  }
0x99: {  	s4 =	simm.s32 $_scs_section_size  }
0x9a: {  	s5 =	simm.s32 $_size__tile_overlayer_lowered;
	s6 =	simm.s32 $_tile_overlayer_lowered  }
0x9b: {  	s22 =	simm.s32 $0x1BFF;
	s21 =	sshll.u32 s6, $0x1;
	s3 =	sadd.s32 s4, s19  }
0x9c: {  	s7 =	simm.s32 $0x0;
	s20 =	sshll.u32 s5, $0x1;
	s5 =	sadd.s32 s21, s3  }
0x9d: {  	[timem:s7], [sflag:s22] =	dma.local [hbm:s5], s20  }
0x9e: {  	_ =	swait.ge [sflag:s22], s20  }
0x9f: {  	s4 =	ssub.s32 $0x0, s20;
	[sflag:s22] =	ssyncset.done $0x0  }
0xa0: {  	[sflag:s22] =	ssyncadd.s32 s4;
	_ =	sdelay $0x1  }
0xa1: {  	s23 =	simm.s32 $0x1B8B  }
0xa2: {  	_ =	swait.ge [sflag:s23], $0x1  }
0xa3: {  	[sflag:s23] =	ssyncset.done $0x0  }
0xa4: {  	s25 =	simm.s32 $0x1B8E;
	s24 =	sld [smem:$0x3FFE];
	[sflag:s23] =	ssyncadd.s32 $0xFFFFFFFF  }
0xa5: {  	s26 =	simm.s32 $execute0_lowered;
	[smem:$0x3FD2] =	sst s25  }
0xa6: {  	s5 =	sshll.u32 s26, $0x1;
	_ =	strace $0x8000004C;
	[dreg:$0x1] =	wrdreg $0xFFFFFFFF  }
0xa7: {  	s28 =	simm.s32 $_size_execute0_lowered;
	s3 =	sadd.s32 s3, s5;
	[dreg:$0x0] =	wrdreg $0x0  }
0xa8: {  	s5 =	sshll.u32 s28, $0x1;
	[dreg:$0x2] =	wrdreg s3  }
0xa9: {  	[dreg:$0x3] =	wrdreg s5  }
0xaa: {  	[dreg:$0x4] =	wrdreg $0xC0  }
0xab: {  	_ =	task [dreg:s7], $0x5FFFF  }
0xac: {  	[dreg:$0x1] =	wrdreg $0xFFFFFFFF  }
0xad: {  	[dreg:$0x0] =	wrdreg $0x60  }
0xae: {  	[dreg:$0x2] =	wrdreg s24  }
0xaf: {  	[dreg:$0x3] =	wrdreg s2  }
0xb0: {  	[dreg:$0x4] =	wrdreg $0xA8000  }
0xb1: {  	[dreg:$0x5] =	wrdreg $0x9  }
0xb2: {  	_ =	task.clear_ibuf [dreg:s7], $0x6FFFF;
	_ =	strace $0x9000004C  }
0xb3: {  	s29 =	simm.s32 $0x9;
	_ =	strace $0x8000004E  }
0xb4: {  	_ =	swait.ge [sflag:s29], $0x1  }
0xb5: {  	[sflag:s29] =	ssyncadd.s32 $0xFFFFFFFF  }
0xb6: {  	_ =	strace $0x9000004E  }
0xb7: {  	_ =	sfence  }
0xb8: {  	s30 =	sld [smem:$0x0];
	_ =	sdelay $0x2  }
0xb9: {  	s31 =	sshll.u32 s1, $0xD;
	s1 =	sshrl.u32 s1, $0x2  }
0xba: {  	s3 =	sand.u32 $0x4000, s31;
	s1 =	sadd.s32 s1, s30  }
0xbb: {  	s0 =	sor.u32 s3, s0;
	s1 =	sshll.u32 s1, $0x11  }
0xbc: {  	s0 =	sor.u32 s1, s0  }
0xbd: {  	s0 =	sadd.s32 $0x8F2B, s0  }
0xbe: {  	[sflag:s0] =	ssyncadd.remote.s32 $0x1  }
0xbf: {  	_ =	sfence.sel $0xFFFF  }
0xc0: {  	[dreg:$0x0] =	wrdreg $0xFFFFFFFF;
	(pc) =	sbr.abs _section_cstart, $3  }
0xc1: {  	[dreg:$0x1] =	wrdreg $0xFFFFFFFF  }
0xc2: {  	_ =	task.clear_ibuf [dreg:s7], $0x2FFFF;
	_ =	strace $0x9FFFFFFF  }
0xc3: {  	(tm) =	ssettm $0x7FFFFFFF  }
tec
execute0_lowered:
.L_overlay_start_1:
0x0: {  	(tag) =	ssettag $0x1  }
0x1: {  	s4 =	rddreg [dreg:$0x0]  }
0x2: {  	s8 =	rddreg [dreg:$0x1]  }
0x3: {  	s1 =	rddreg [dreg:$0x2]  }
0x4: {  	s2 =	srdreg.scid;
	s0 =	rddreg [dreg:$0x3]  }
0x5: {  	s3 =	simm.s32 $0x0;
	s16 =	simm.s32 $0x2800;
	s17 =	simm.s32 $0x3  }
0x6: {  	s18 =	simm.s32 $0x1400;
	s19 =	simm.s32 $0x80;
	s20 =	simm.s32 $0x6800  }
0x7: {  	s21 =	simm.s32 $0x1;
	s22 =	simm.s32 $0x2;
	s5 =	sand.u32 $0x1, s2  }
0x8: {  	s23 =	simm.s32 $0x1380;
	s2 =	stileid.u32;
	s6 =	smul.u32 $0x140000, s5  }
0x9: {  	s24 =	simm.s32 $0x2700;
	s25 =	simm.s32 $0x2780;
	s7 =	smul.u32 $0x14000, s2  }
0xa: {  	[smem:$0x7FF] =	sst s3;
	s11 =	sadd.s32 $0x52A00, s4;
	s10 =	smul.u32 $0x28000, s5  }
0xb: {  	_ =	strace $0x8000004D;
	s28 =	smul.u32 $0x2800, s2;
	s5 =	ssub.s32 $0x2, s5  }
0xc: {  	s31 =	smul.u32 $0x50000, s2;
	s29 =	sshrl.u32 s5, $0x1;
	s9 =	sshrl.u32 s6, $0x3  }
0xd: {  	s6 =	sadd.s32 s7, s6;
	s30 =	sadd.s32 s28, s10;
	s13 =	ssub.s32 s5, s29  }
0xe: {  	s10 =	sshrl.u32 s31, $0x2;
	s9 =	sadd.s32 s9, s4;
	s6 =	sshrl.u32 s6, $0x3  }
0xf: {  	s10 =	sadd.s32 s10, s1;
	s12 =	sadd.s32 s6, s4;
	s6 =	sshrl.u32 s30, $0x3  }
0x10: {  	s15 =	sadd.s32 $0x10000, s10;
	s4 =	sadd.s32 s11, s6;
	s5 =	sadd.s32 s8, s6  }
0x11: {  	s14 =	sadd.s32 $0x280, s6;
	s6 =	sadd.s32 $0x2A00, s9;
	s9 =	sadd.s32 $0x5CA00, s12  }
0x12: {  	s12 =	sadd.s32 $0x4000, s10;
	s7 =	sadd.s32 s11, s14;
	s8 =	sadd.s32 s8, s14  }
0x13: {  	v0 =	vimm.f32 $0.0e+00;
	s11 =	smax.u32 s13, $0x1;
	s13 =	sadd.s32 $0x8000, s10;
	s14 =	sadd.s32 $0xC000, s10  }
.LBB2_1:
0x14: {  	s26 =	simm.s32 $0x0;
	s28 =	simm.s32 $0x200  }
.LBB2_2:
0x15: {  	p0 =	sne.s32 s28, $0xFE00;
	[tilespmem:s26+$0x2870] =	vst v0  }
0x16: {  	[tilespmem:s26+$0x2800] =	vst v0  }
0x17: {  	[tilespmem:s26+$0x2810] =	vst v0  }
.Ltmp0:
0x18: {  	[tilespmem:s26+$0x2820] =	vst v0;
	(pc) =	sbr.rel @p0 .LBB2_2-.Ltmp0, $4  }
0x19: {  	[tilespmem:s26+$0x2830] =	vst v0  }
0x1a: {  	[tilespmem:s26+$0x2840] =	vst v0  }
0x1b: {  	[tilespmem:s26+$0x2850] =	vst v0  }
0x1c: {  	[tilespmem:s26+$0x2860] =	vst v0;
	s26 =	sshra.s32 s28, $0x2;
	s28 =	sadd.s32 $0x200, s28  }
0x1d: {  	[tilespmem:s26+$0x2870] =	vst v0  }
0x1e: {  	[tilespmem:s26+$0x2800] =	vst v0  }
0x1f: {  	[tilespmem:s26+$0x2810] =	vst v0  }
0x20: {  	[tilespmem:s26+$0x2820] =	vst v0  }
0x21: {  	[tilespmem:s26+$0x2830] =	vst v0  }
0x22: {  	[tilespmem:s26+$0x2840] =	vst v0  }
0x23: {  	[tilespmem:s26+$0x2850] =	vst v0  }
0x24: {  	[tilespmem:s26+$0x2860] =	vst v0  }
0x25: {  	[spmem:s10] =	stream.linear.scatter [tilespmem:s16], [sflag:$0x3], $0x4000, $0x38;
	[tilespmem:$0x1E800] =	vst v63  }
0x26: {  	_ =	swait.ge [sflag:s17], $0x4000  }
0x27: {  	[sflag:s17] =	ssyncset.done $0x0  }
0x28: {  	[sflag:s17] =	ssyncadd.s32 $0xFFFFC000  }
0x29: {  	[spmem:s12] =	stream.linear.scatter [tilespmem:s16], [sflag:$0x3], $0x4000, $0x38;
	[tilespmem:$0x1E800] =	vst v63  }
0x2a: {  	_ =	swait.ge [sflag:s17], $0x4000  }
0x2b: {  	[sflag:s17] =	ssyncset.done $0x0  }
0x2c: {  	[sflag:s17] =	ssyncadd.s32 $0xFFFFC000  }
0x2d: {  	[spmem:s13] =	stream.linear.scatter [tilespmem:s16], [sflag:$0x3], $0x4000, $0x38;
	[tilespmem:$0x1E800] =	vst v63  }
0x2e: {  	_ =	swait.ge [sflag:s17], $0x4000  }
0x2f: {  	[sflag:s17] =	ssyncset.done $0x0  }
0x30: {  	[sflag:s17] =	ssyncadd.s32 $0xFFFFC000  }
0x31: {  	[spmem:s14] =	stream.linear.scatter [tilespmem:s16], [sflag:$0x3], $0x4000, $0x38;
	[tilespmem:$0x1E800] =	vst v63  }
0x32: {  	_ =	swait.ge [sflag:s17], $0x4000  }
0x33: {  	[sflag:s17] =	ssyncset.done $0x0  }
0x34: {  	[sflag:s17] =	ssyncadd.s32 $0xFFFFC000  }
0x35: {  	[spmem:s15] =	stream.linear.scatter [tilespmem:s16], [sflag:$0x3], $0x4000, $0x38;
	[tilespmem:$0x1E800] =	vst v63  }
0x36: {  	_ =	swait.ge [sflag:s17], $0x4000  }
0x37: {  	[sflag:s17] =	ssyncset.done $0x0  }
0x38: {  	[sflag:s17] =	ssyncadd.s32 $0xFFFFC000  }
0x39: {  	s30 =	simm.s32 $0x0;
	[bflag:$0x0] =	sbarrier.arrive $0xFFFF  }
0x3a: {  	[tilespmem:s30], [sflag:$0x3] =	stream.linear.gather [hbm4b:s4+s30], $0x1400, $0x38;
	[tilespmem:$0x1E800] =	vst v63  }
0x3b: {  	_ =	swait.ge [sflag:s17], $0x1400  }
0x3c: {  	[sflag:s17] =	ssyncset.done $0x0  }
0x3d: {  	[sflag:s17] =	ssyncadd.s32 $0xFFFFEC00  }
0x3e: {  	[tilespmem:s18], [sflag:$0x3] =	stream.linear.gather [hbm4b:s5+s30], $0x1400, $0x38;
	[tilespmem:$0x1E800] =	vst v63  }
0x3f: {  	_ =	swait.ge [sflag:s17], $0x1400  }
0x40: {  	[sflag:s17] =	ssyncset.done $0x0  }
0x41: {  	[sflag:s17] =	ssyncadd.s32 $0xFFFFEC00  }
0x42: {  	[tilespmem:s16], [sflag:$0x1] =	stream.indirect.gather [hbm4b:s6+s19], $0x80, s30, s19, $0xb8;
	[tilespmem:$0x1E800] =	vst v63  }
0x43: {  	s31 =	simm.s32 $0x80  }
0x44: {  	[tilespmem:s20], [sflag:$0x2] =	stream.indirect.gather [hbm4b:s6+s19], $0x80, s31, s19, $0xb8;
	[tilespmem:$0x1E800] =	vst v63  }
0x45: {  	_ =	swait.ge [sflag:s21], $0x4000  }
0x46: {  	[sflag:s21] =	ssyncset.done $0x0  }
0x47: {  	s29 =	simm.s32 $0x1400;
	[sflag:s21] =	ssyncadd.s32 $0xFFFFC000  }
0x48: {  	[spmem:s1] =	stream.indirect.scatter.add.f32 [tilespmem:s16], [sflag:$0x3], $0x80, s29, s19, $0xb8;
	[tilespmem:$0x1E800] =	vst v63  }
0x49: {  	_ =	swait.ge [sflag:s17], $0x4000  }
0x4a: {  	[sflag:s17] =	ssyncset.done $0x0  }
0x4b: {  	s30 =	simm.s32 $0x100;
	[sflag:s17] =	ssyncadd.s32 $0xFFFFC000  }
0x4c: {  	[tilespmem:s16], [sflag:$0x1] =	stream.indirect.gather [hbm4b:s6+s19], $0x80, s30, s19, $0xb8;
	[tilespmem:$0x1E800] =	vst v63  }
0x4d: {  	_ =	swait.ge [sflag:s22], $0x4000  }
0x4e: {  	[sflag:s22] =	ssyncset.done $0x0  }
0x4f: {  	s31 =	simm.s32 $0x1480;
	[sflag:s22] =	ssyncadd.s32 $0xFFFFC000  }
0x50: {  	[spmem:s1] =	stream.indirect.scatter.add.f32 [tilespmem:s20], [sflag:$0x3], $0x80, s31, s19, $0xb8;
	[tilespmem:$0x1E800] =	vst v63  }
0x51: {  	_ =	swait.ge [sflag:s17], $0x4000  }
0x52: {  	s28 =	simm.s32 $0x800;
	s26 =	simm.s32 $0x100;
	[sflag:s17] =	ssyncset.done $0x0  }
.LBB2_4:
0x53: {  	s29 =	sadd.s32 $0x80, s26  }
0x54: {  	[sflag:s17] =	ssyncadd.s32 $0xFFFFC000;
	s30 =	smov.u32 s28;
	s31 =	sadd.s32 $0x400, s28  }
0x55: {  	[tilespmem:s20], [sflag:$0x2] =	stream.indirect.gather [hbm4b:s6+s19], $0x80, s29, s19, $0xb8;
	[tilespmem:$0x1E800] =	vst v63  }
0x56: {  	p0 =	sne.s32 s28, $0x4800;
	_ =	swait.ge [sflag:s21], $0x4000  }
0x57: {  	[sflag:s21] =	ssyncset.done $0x0  }
0x58: {  	s28 =	sadd.s32 $0x1400, s26;
	[sflag:s21] =	ssyncadd.s32 $0xFFFFC000  }
0x59: {  	[spmem:s1] =	stream.indirect.scatter.add.f32 [tilespmem:s16], [sflag:$0x3], $0x80, s28, s19, $0xb8;
	[tilespmem:$0x1E800] =	vst v63  }
0x5a: {  	_ =	swait.ge [sflag:s17], $0x4000  }
0x5b: {  	[sflag:s17] =	ssyncset.done $0x0  }
0x5c: {  	s28 =	sadd.s32 $0x100, s26;
	[sflag:s17] =	ssyncadd.s32 $0xFFFFC000  }
0x5d: {  	[tilespmem:s16], [sflag:$0x1] =	stream.indirect.gather [hbm4b:s6+s19], $0x80, s28, s19, $0xb8;
	[tilespmem:$0x1E800] =	vst v63  }
0x5e: {  	_ =	swait.ge [sflag:s22], $0x4000  }
.Ltmp1:
0x5f: {  	[sflag:s22] =	ssyncset.done $0x0;
	(pc) =	sbr.rel @p0 .LBB2_4-.Ltmp1, $4  }
0x60: {  	s26 =	sadd.s32 $0x1480, s26;
	[sflag:s22] =	ssyncadd.s32 $0xFFFFC000  }
0x61: {  	[spmem:s1] =	stream.indirect.scatter.add.f32 [tilespmem:s20], [sflag:$0x3], $0x80, s26, s19, $0xb8;
	[tilespmem:$0x1E800] =	vst v63  }
0x62: {  	_ =	swait.ge [sflag:s17], $0x4000  }
0x63: {  	s28 =	smov.u32 s31;
	s26 =	sshra.s32 s30, $0x2;
	[sflag:s17] =	ssyncset.done $0x0  }
0x64: {  	s28 =	sadd.s32 $0x80, s26;
	[sflag:s17] =	ssyncadd.s32 $0xFFFFC000  }
0x65: {  	[tilespmem:s20], [sflag:$0x2] =	stream.indirect.gather [hbm4b:s6+s19], $0x80, s28, s19, $0xb8;
	[tilespmem:$0x1E800] =	vst v63  }
0x66: {  	_ =	swait.ge [sflag:s21], $0x4000  }
0x67: {  	[sflag:s21] =	ssyncset.done $0x0  }
0x68: {  	s28 =	sadd.s32 $0x1400, s26;
	[sflag:s21] =	ssyncadd.s32 $0xFFFFC000  }
0x69: {  	[spmem:s1] =	stream.indirect.scatter.add.f32 [tilespmem:s16], [sflag:$0x3], $0x80, s28, s19, $0xb8;
	[tilespmem:$0x1E800] =	vst v63  }
0x6a: {  	_ =	swait.ge [sflag:s17], $0x4000  }
0x6b: {  	[sflag:s17] =	ssyncset.done $0x0  }
0x6c: {  	s28 =	sadd.s32 $0x100, s26;
	[sflag:s17] =	ssyncadd.s32 $0xFFFFC000  }
0x6d: {  	[tilespmem:s16], [sflag:$0x1] =	stream.indirect.gather [hbm4b:s6+s19], $0x80, s28, s19, $0xb8;
	[tilespmem:$0x1E800] =	vst v63  }
0x6e: {  	_ =	swait.ge [sflag:s22], $0x4000  }
0x6f: {  	[sflag:s22] =	ssyncset.done $0x0  }
0x70: {  	s29 =	sadd.s32 $0x1480, s26;
	[sflag:s22] =	ssyncadd.s32 $0xFFFFC000  }
0x71: {  	[spmem:s1] =	stream.indirect.scatter.add.f32 [tilespmem:s20], [sflag:$0x3], $0x80, s29, s19, $0xb8;
	[tilespmem:$0x1E800] =	vst v63  }
0x72: {  	_ =	swait.ge [sflag:s17], $0x4000  }
0x73: {  	[sflag:s17] =	ssyncset.done $0x0  }
0x74: {  	[sflag:s17] =	ssyncadd.s32 $0xFFFFC000  }
0x75: {  	[tilespmem:s20], [sflag:$0x2] =	stream.indirect.gather [hbm4b:s6+s19], $0x80, s23, s19, $0xb8;
	[tilespmem:$0x1E800] =	vst v63  }
0x76: {  	_ =	swait.ge [sflag:s21], $0x4000  }
0x77: {  	[sflag:s21] =	ssyncset.done $0x0  }
0x78: {  	[sflag:s21] =	ssyncadd.s32 $0xFFFFC000  }
0x79: {  	[spmem:s1] =	stream.indirect.scatter.add.f32 [tilespmem:s16], [sflag:$0x3], $0x80, s24, s19, $0xb8;
	[tilespmem:$0x1E800] =	vst v63  }
0x7a: {  	_ =	swait.ge [sflag:s17], $0x4000  }
0x7b: {  	[sflag:s17] =	ssyncset.done $0x0  }
0x7c: {  	[sflag:s17] =	ssyncadd.s32 $0xFFFFC000  }
0x7d: {  	_ =	swait.ge [sflag:s22], $0x4000  }
0x7e: {  	[sflag:s22] =	ssyncset.done $0x0  }
0x7f: {  	[sflag:s22] =	ssyncadd.s32 $0xFFFFC000  }
0x80: {  	[spmem:s1] =	stream.indirect.scatter.add.f32 [tilespmem:s20], [sflag:$0x3], $0x80, s25, s19, $0xb8;
	[tilespmem:$0x1E800] =	vst v63  }
0x81: {  	_ =	swait.ge [sflag:s17], $0x4000  }
0x82: {  	[sflag:s17] =	ssyncset.done $0x0  }
0x83: {  	s30 =	simm.s32 $0x0;
	[sflag:s17] =	ssyncadd.s32 $0xFFFFC000  }
0x84: {  	[tilespmem:s30], [sflag:$0x3] =	stream.linear.gather [hbm4b:s7+s30], $0x1400, $0x38;
	[tilespmem:$0x1E800] =	vst v63  }
0x85: {  	_ =	swait.ge [sflag:s17], $0x1400  }
0x86: {  	[sflag:s17] =	ssyncset.done $0x0  }
0x87: {  	[sflag:s17] =	ssyncadd.s32 $0xFFFFEC00  }
0x88: {  	[tilespmem:s18], [sflag:$0x3] =	stream.linear.gather [hbm4b:s8+s30], $0x1400, $0x38;
	[tilespmem:$0x1E800] =	vst v63  }
0x89: {  	_ =	swait.ge [sflag:s17], $0x1400  }
0x8a: {  	[sflag:s17] =	ssyncset.done $0x0  }
0x8b: {  	[sflag:s17] =	ssyncadd.s32 $0xFFFFEC00  }
0x8c: {  	[tilespmem:s16], [sflag:$0x1] =	stream.indirect.gather [hbm4b:s6+s19], $0x80, s30, s19, $0xb8;
	[tilespmem:$0x1E800] =	vst v63  }
0x8d: {  	s31 =	simm.s32 $0x80  }
0x8e: {  	[tilespmem:s20], [sflag:$0x2] =	stream.indirect.gather [hbm4b:s6+s19], $0x80, s31, s19, $0xb8;
	[tilespmem:$0x1E800] =	vst v63  }
0x8f: {  	_ =	swait.ge [sflag:s21], $0x4000  }
0x90: {  	[sflag:s21] =	ssyncset.done $0x0  }
0x91: {  	s29 =	simm.s32 $0x1400;
	[sflag:s21] =	ssyncadd.s32 $0xFFFFC000  }
0x92: {  	[spmem:s1] =	stream.indirect.scatter.add.f32 [tilespmem:s16], [sflag:$0x3], $0x80, s29, s19, $0xb8;
	[tilespmem:$0x1E800] =	vst v63  }
0x93: {  	_ =	swait.ge [sflag:s17], $0x4000  }
0x94: {  	[sflag:s17] =	ssyncset.done $0x0  }
0x95: {  	s30 =	simm.s32 $0x100;
	[sflag:s17] =	ssyncadd.s32 $0xFFFFC000  }
0x96: {  	[tilespmem:s16], [sflag:$0x1] =	stream.indirect.gather [hbm4b:s6+s19], $0x80, s30, s19, $0xb8;
	[tilespmem:$0x1E800] =	vst v63  }
0x97: {  	_ =	swait.ge [sflag:s22], $0x4000  }
0x98: {  	[sflag:s22] =	ssyncset.done $0x0  }
0x99: {  	s31 =	simm.s32 $0x1480;
	[sflag:s22] =	ssyncadd.s32 $0xFFFFC000  }
0x9a: {  	[spmem:s1] =	stream.indirect.scatter.add.f32 [tilespmem:s20], [sflag:$0x3], $0x80, s31, s19, $0xb8;
	[tilespmem:$0x1E800] =	vst v63  }
0x9b: {  	_ =	swait.ge [sflag:s17], $0x4000  }
0x9c: {  	s26 =	simm.s32 $0x100;
	s28 =	simm.s32 $0x800;
	[sflag:s17] =	ssyncset.done $0x0  }
.LBB2_6:
0x9d: {  	s29 =	sadd.s32 $0x80, s26  }
0x9e: {  	[sflag:s17] =	ssyncadd.s32 $0xFFFFC000;
	s30 =	smov.u32 s28;
	s31 =	sadd.s32 $0x400, s28  }
0x9f: {  	[tilespmem:s20], [sflag:$0x2] =	stream.indirect.gather [hbm4b:s6+s19], $0x80, s29, s19, $0xb8;
	[tilespmem:$0x1E800] =	vst v63  }
0xa0: {  	p0 =	sne.s32 s28, $0x4800;
	_ =	swait.ge [sflag:s21], $0x4000  }
0xa1: {  	[sflag:s21] =	ssyncset.done $0x0  }
0xa2: {  	s28 =	sadd.s32 $0x1400, s26;
	[sflag:s21] =	ssyncadd.s32 $0xFFFFC000  }
0xa3: {  	[spmem:s1] =	stream.indirect.scatter.add.f32 [tilespmem:s16], [sflag:$0x3], $0x80, s28, s19, $0xb8;
	[tilespmem:$0x1E800] =	vst v63  }
0xa4: {  	_ =	swait.ge [sflag:s17], $0x4000  }
0xa5: {  	[sflag:s17] =	ssyncset.done $0x0  }
0xa6: {  	s28 =	sadd.s32 $0x100, s26;
	[sflag:s17] =	ssyncadd.s32 $0xFFFFC000  }
0xa7: {  	[tilespmem:s16], [sflag:$0x1] =	stream.indirect.gather [hbm4b:s6+s19], $0x80, s28, s19, $0xb8;
	[tilespmem:$0x1E800] =	vst v63  }
0xa8: {  	_ =	swait.ge [sflag:s22], $0x4000  }
.Ltmp2:
0xa9: {  	[sflag:s22] =	ssyncset.done $0x0;
	(pc) =	sbr.rel @p0 .LBB2_6-.Ltmp2, $4  }
0xaa: {  	s26 =	sadd.s32 $0x1480, s26;
	[sflag:s22] =	ssyncadd.s32 $0xFFFFC000  }
0xab: {  	[spmem:s1] =	stream.indirect.scatter.add.f32 [tilespmem:s20], [sflag:$0x3], $0x80, s26, s19, $0xb8;
	[tilespmem:$0x1E800] =	vst v63  }
0xac: {  	_ =	swait.ge [sflag:s17], $0x4000  }
0xad: {  	s28 =	smov.u32 s31;
	s26 =	sshra.s32 s30, $0x2;
	[sflag:s17] =	ssyncset.done $0x0  }
0xae: {  	s28 =	sadd.s32 $0x80, s26;
	[sflag:s17] =	ssyncadd.s32 $0xFFFFC000  }
0xaf: {  	[tilespmem:s20], [sflag:$0x2] =	stream.indirect.gather [hbm4b:s6+s19], $0x80, s28, s19, $0xb8;
	[tilespmem:$0x1E800] =	vst v63  }
0xb0: {  	_ =	swait.ge [sflag:s21], $0x4000  }
0xb1: {  	[sflag:s21] =	ssyncset.done $0x0  }
0xb2: {  	s30 =	sadd.s32 $0x1400, s26;
	[sflag:s21] =	ssyncadd.s32 $0xFFFFC000  }
0xb3: {  	[spmem:s1] =	stream.indirect.scatter.add.f32 [tilespmem:s16], [sflag:$0x3], $0x80, s30, s19, $0xb8;
	[tilespmem:$0x1E800] =	vst v63  }
0xb4: {  	_ =	swait.ge [sflag:s17], $0x4000  }
0xb5: {  	[sflag:s17] =	ssyncset.done $0x0  }
0xb6: {  	s31 =	sadd.s32 $0x100, s26;
	[sflag:s17] =	ssyncadd.s32 $0xFFFFC000  }
0xb7: {  	[tilespmem:s16], [sflag:$0x1] =	stream.indirect.gather [hbm4b:s6+s19], $0x80, s31, s19, $0xb8;
	[tilespmem:$0x1E800] =	vst v63  }
0xb8: {  	_ =	swait.ge [sflag:s22], $0x4000  }
0xb9: {  	[sflag:s22] =	ssyncset.done $0x0  }
0xba: {  	s29 =	sadd.s32 $0x1480, s26;
	[sflag:s22] =	ssyncadd.s32 $0xFFFFC000  }
0xbb: {  	[spmem:s1] =	stream.indirect.scatter.add.f32 [tilespmem:s20], [sflag:$0x3], $0x80, s29, s19, $0xb8;
	[tilespmem:$0x1E800] =	vst v63  }
0xbc: {  	_ =	swait.ge [sflag:s17], $0x4000  }
0xbd: {  	[sflag:s17] =	ssyncset.done $0x0  }
0xbe: {  	[sflag:s17] =	ssyncadd.s32 $0xFFFFC000  }
0xbf: {  	[tilespmem:s20], [sflag:$0x2] =	stream.indirect.gather [hbm4b:s6+s19], $0x80, s23, s19, $0xb8;
	[tilespmem:$0x1E800] =	vst v63  }
0xc0: {  	_ =	swait.ge [sflag:s21], $0x4000  }
0xc1: {  	[sflag:s21] =	ssyncset.done $0x0  }
0xc2: {  	[sflag:s21] =	ssyncadd.s32 $0xFFFFC000  }
0xc3: {  	[spmem:s1] =	stream.indirect.scatter.add.f32 [tilespmem:s16], [sflag:$0x3], $0x80, s24, s19, $0xb8;
	[tilespmem:$0x1E800] =	vst v63  }
0xc4: {  	_ =	swait.ge [sflag:s17], $0x4000  }
0xc5: {  	[sflag:s17] =	ssyncset.done $0x0  }
0xc6: {  	[sflag:s17] =	ssyncadd.s32 $0xFFFFC000  }
0xc7: {  	_ =	swait.ge [sflag:s22], $0x4000  }
0xc8: {  	[sflag:s22] =	ssyncset.done $0x0  }
0xc9: {  	[sflag:s22] =	ssyncadd.s32 $0xFFFFC000  }
0xca: {  	[spmem:s1] =	stream.indirect.scatter.add.f32 [tilespmem:s20], [sflag:$0x3], $0x80, s25, s19, $0xb8;
	[tilespmem:$0x1E800] =	vst v63  }
0xcb: {  	_ =	swait.ge [sflag:s17], $0x4000  }
0xcc: {  	s3 =	sadd.s32 $0x1, s3;
	s30 =	sshll.u32 s2, $0x6;
	[sflag:s17] =	ssyncset.done $0x0  }
0xcd: {  	p0 =	sne.s32 s3, s11;
	s26 =	sor.u32 $0x1C03, s30;
	[sflag:s17] =	ssyncadd.s32 $0xFFFFC000  }
.Ltmp3:
0xce: {  	s31 =	sshrl.u32 s10, $0x3;
	[bflag:$0x0] =	sbarrier.arrive $0xFFFF;
	(pc) =	sbr.rel @p0 .LBB2_1-.Ltmp3, $4  }
0xcf: {  	[hbm:s9], [sflag:s26] =	dma.local [spmem:s31], $0x2800  }
0xd0: {  	_ =	swait.ge [sflag:s17], $0x2800  }
0xd1: {  	[sflag:s17] =	ssyncset.done $0x0  }
0xd2: {  	[sflag:s17] =	ssyncadd.s32 $0xFFFFD800  }
0xd3: {  	_ =	sfence.sel $0x180000  }
0xd4: {  	[bflag:$0x0] =	sbarrier.arrive $0xFFFF  }
0xd5: {  	p0 =	sne.s32 s2, $0x0;
	_ =	strace $0x9000004D  }
0xd6: {  	s0 =	sadd.s32 @!p0 $0x100000, s0;
	[bflag:$0x2] =	sbarrier.arrive $0xFFFF  }
0xd7: {  	[sflag:s0] =	ssyncadd.tile.s32 @!p0 $0x1;
	_ =	shalt  }
.Lfunc_end2:
_tile_overlayer_lowered:
.L_overlay_start_2:
0xd8: {  	(tag) =	ssettag $0x2  }
0xd9: {  	s0 =	rddreg [dreg:$0x0];
	s2 =	stileid.u32  }
0xda: {  	s1 =	rddreg [dreg:$0x1];
	p0 =	sne.s32 s2, $0x0  }
0xdb: {  	s3 =	rddreg [dreg:$0x2];
	[bflag:$0x3] =	sbarrier.arrive $0xFFFF;
	s2 =	simm.s32 @!p0 $0x1C03  }
0xdc: {  	[timem:s3], [sflag:s2] =	dma.local @!p0 [hbm:s0], s1  }
0xdd: {  	s0 =	simm.s32 @!p0 $0x3  }
0xde: {  	_ =	swait.ge @!p0 [sflag:s0], s1  }
0xdf: {  	s1 =	ssub.s32 @!p0 $0x0, s1;
	[sflag:s0] =	ssyncset.done @!p0 $0x0  }
0xe0: {  	[sflag:s0] =	ssyncadd.s32 @!p0 s1  }
0xe1: {  	[bflag:$0x3] =	sbarrier.arrive $0xFFFF  }
0xe2: {  	_ =	shalt  }

// kernel: _forward.22.cloned.1.call-start
scs
__scs_entry_jumppad:
0x0: {  	(pc) =	sbr.rel $0x88, $3  }
0x1: {  	(tag) =	ssettag $0x0;
	lr =	simm.s32 $0x1  }
0x2: {  	[smem:$0x3F9A] =	sst lr;
	_ =	strace $0xD0000000  }
0x3: {  	_ = 	snop  }
0x4: {  	_ = 	snop  }
0x5: {  	_ = 	snop  }
0x6: {  	_ = 	snop  }
0x7: {  	_ = 	snop  }
__scs_overlays_trampoline_lowered:
0x8: {  	[smem:$0x3FA9] =	sst s0  }
0x9: {  	[smem:$0x3FAA] =	sst s1  }
0xa: {  	[smem:$0x3FAB] =	sst s2  }
0xb: {  	[smem:$0x3FAC] =	sst s3  }
0xc: {  	[smem:$0x3FAD] =	sst s4  }
0xd: {  	[smem:$0x3FAE] =	sst s5  }
0xe: {  	[smem:$0x3FAF] =	sst s6  }
0xf: {  	[smem:$0x3FB0] =	sst s7  }
0x10: {  	[smem:$0x3FB1] =	sst s8  }
0x11: {  	[smem:$0x3FB2] =	sst s9;
	s0 =	simm.s32 @!p0 $0x0  }
0x12: {  	s1 =	sld [smem:$0x3F98];
	s0 =	simm.s32 @p0 $0x1  }
0x13: {  	[smem:$0x3FB3] =	sst s0;
	s0 =	simm.s32 @!p1 $0x0  }
0x14: {  	s2 =	sld [smem:$0x3F97];
	s0 =	simm.s32 @p1 $0x1  }
0x15: {  	[smem:$0x3FB4] =	sst s0;
	s0 =	simm.s32 @!p2 $0x0  }
0x16: {  	s3 =	sld [smem:$0x3FDB];
	s0 =	simm.s32 @p2 $0x1  }
0x17: {  	s4 =	simm.s32 $0x1BF5;
	[smem:$0x3FB6] =	sst s0  }
0x18: {  	s0 =	sld [smem:$0x3F99];
	_ =	swait.ge [sflag:s4], $0x0  }
0x19: {  	s7 =	sld [smem:$0x3F9A]  }
0x1a: {  	s8 =	sadd.s32 $0xFFFFE003, lr  }
0x1b: {  	s9 =	sadd.s32 $0xFFFFFEF7, lr;
	s5 =	simm.s32 $0xFFFFFFFF;
	p2 =	slt.u32 s8, $0xFFFFF086  }
0x1c: {  	p1 =	slt.u32 s9, $0xF7A;
	s5 =	simm.s32 @!p2 $0x0  }
0x1d: {  	s5 =	simm.s32 @p1 $0x1;
	p0 =	seq.s32 s7, s2  }
0x1e: {  	s7 =	smul.u32 @!p0 $0xF7A, s2;
	p2 =	seq.s32 @!p0 s5, $0x0  }
0x1f: {  	s9 =	smul.u32 $0xF7A, s1;
	s8 =	simm.s32 @!p0 $0x1BF5;
	p2 =	por !p2, p0  }
0x20: {  	[sflag:s8] =	ssyncset.s32 @!p0 $0xFFFFF086;
	s6 =	sadd.s32 @!p0 s3, s7;
	s7 =	simm.s32 @!p0 $0x108  }
0x21: {  	s3 =	sadd.s32 s3, s9;
	s6 =	sadd.s32 @!p0 $0x88, s6;
	s7 =	simm.s32 @p2 $0x1082  }
0x22: {  	[simem:s7], [sflag:s8] =	dma.local @!p0 [hbm:s6], $0xF7A  }
0x23: {  	s9 =	sor.u32 $0xD0000000, s2;
	s6 =	simm.s32 $0x108;
	_ =	swait.ge @!p0 [sflag:s8], $0x0  }
0x24: {  	s3 =	sadd.s32 $0x88, s3;
	s6 =	simm.s32 @!p1 $0x1082;
	[sflag:s4] =	ssyncset.s32 $0xFFFFF086  }
0x25: {  	[simem:s6], [sflag:s4] =	dma.local [hbm:s3], $0xF7A  }
0x26: {  	[smem:$0x3F9A] =	sst s1;
	(tag) =	ssettag s2;
	_ =	strace s9  }
0x27: {  	s1 =	sld [smem:$0x3FAA]  }
0x28: {  	s2 =	sld [smem:$0x3FAB]  }
0x29: {  	s4 =	sld [smem:$0x3FAD]  }
0x2a: {  	p0 =	seq.s32 s5, $0x0;
	s5 =	sld [smem:$0x3FAE]  }
0x2b: {  	s6 =	sld [smem:$0x3FAF]  }
0x2c: {  	s7 =	sld [smem:$0x3FB0]  }
0x2d: {  	s3 =	simm.s32 $0x108;
	s8 =	sld [smem:$0x3FB1]  }
0x2e: {  	s3 =	simm.s32 @!p0 $0x1082;
	s9 =	sld [smem:$0x3FB2]  }
0x2f: {  	lr =	sadd.s32 s0, s3;
	s0 =	sld [smem:$0x3FA9]  }
0x30: {  	s3 =	sld [smem:$0x3FAC]  }
0x31: {  	[smem:$0x3FB5] =	sst s10  }
0x32: {  	s10 =	sld [smem:$0x3FB3];
	_ =	sdelay $0x3  }
0x33: {  	p0 =	seq.s32 s10, $0x1;
	s10 =	sld [smem:$0x3FB5];
	_ =	sdelay $0x3  }
0x34: {  	[smem:$0x3FB5] =	sst s10  }
0x35: {  	s10 =	sld [smem:$0x3FB4];
	_ =	sdelay $0x3  }
0x36: {  	p1 =	seq.s32 s10, $0x1;
	s10 =	sld [smem:$0x3FB5];
	_ =	sdelay $0x3  }
0x37: {  	[smem:$0x3FB5] =	sst s10  }
0x38: {  	s10 =	sld [smem:$0x3FB6]  }
0x39: {  	_ = 	snop;
	(pc) =	sbr.ind lr, $3  }
0x3a: {  	_ = 	snop  }
0x3b: {  	_ = 	snop  }
0x3c: {  	p2 =	seq.s32 s10, $0x1;
	s10 =	sld [smem:$0x3FB5]  }
0x3d: {  	_ =	shalt  }
0x3e: {  	_ =	shalt  }
0x3f: {  	_ =	shalt  }
0x40: {  	_ =	shalt  }
0x41: {  	_ =	shalt  }
0x42: {  	_ =	shalt  }
0x43: {  	_ =	shalt  }
0x44: {  	_ =	shalt  }
0x45: {  	_ =	shalt  }
0x46: {  	_ =	shalt  }
0x47: {  	_ =	shalt  }
0x48: {  	_ =	shalt  }
0x49: {  	_ =	shalt  }
0x4a: {  	_ =	shalt  }
0x4b: {  	_ =	shalt  }
0x4c: {  	_ =	shalt  }
0x4d: {  	_ =	shalt  }
0x4e: {  	_ =	shalt  }
0x4f: {  	_ =	shalt  }
0x50: {  	_ =	shalt  }
0x51: {  	_ =	shalt  }
0x52: {  	_ =	shalt  }
0x53: {  	_ =	shalt  }
0x54: {  	_ =	shalt  }
0x55: {  	_ =	shalt  }
0x56: {  	_ =	shalt  }
0x57: {  	_ =	shalt  }
0x58: {  	_ =	shalt  }
0x59: {  	_ =	shalt  }
0x5a: {  	_ =	shalt  }
0x5b: {  	_ =	shalt  }
0x5c: {  	_ =	shalt  }
0x5d: {  	_ =	shalt  }
0x5e: {  	_ =	shalt  }
0x5f: {  	_ =	shalt  }
0x60: {  	_ =	shalt  }
0x61: {  	_ =	shalt  }
0x62: {  	_ =	shalt  }
0x63: {  	_ =	shalt  }
0x64: {  	_ =	shalt  }
0x65: {  	_ =	shalt  }
0x66: {  	_ =	shalt  }
0x67: {  	_ =	shalt  }
0x68: {  	_ =	shalt  }
0x69: {  	_ =	shalt  }
0x6a: {  	_ =	shalt  }
0x6b: {  	_ =	shalt  }
0x6c: {  	_ =	shalt  }
0x6d: {  	_ =	shalt  }
0x6e: {  	_ =	shalt  }
0x6f: {  	_ =	shalt  }
0x70: {  	_ =	shalt  }
0x71: {  	_ =	shalt  }
0x72: {  	_ =	shalt  }
0x73: {  	_ =	shalt  }
0x74: {  	_ =	shalt  }
0x75: {  	_ =	shalt  }
0x76: {  	_ =	shalt  }
0x77: {  	_ =	shalt  }
0x78: {  	_ =	shalt  }
0x79: {  	_ =	shalt  }
0x7a: {  	_ =	shalt  }
0x7b: {  	_ =	shalt  }
0x7c: {  	_ =	shalt  }
0x7d: {  	_ =	shalt  }
0x7e: {  	_ =	shalt  }
0x7f: {  	_ =	shalt  }
0x80: {  	_ =	shalt  }
0x81: {  	_ =	shalt  }
0x82: {  	_ =	shalt  }
0x83: {  	_ =	shalt  }
0x84: {  	_ =	shalt  }
0x85: {  	_ =	shalt  }
0x86: {  	_ =	shalt  }
0x87: {  	_ =	shalt  }
.Lfunc_end0:
.L_simem_size_0:
called_computation.3_lowered:
.L_overlay_start_0:
0x88: {  	s2 =	sld [smem:$0x3FD9]  }
0x89: {  	s3 =	sld [smem:$0x3FFE];
	_ =	sdelay $0x1  }
0x8a: {  	s1 =	srdreg.scid  }
0x8b: {  	s0 =	sand.u32 $0x1, s1  }
0x8c: {  	s17 =	sshll.u32 s0, $0xA;
	s2 =	sadd.s32 s3, s2  }
0x8d: {  	s2 =	sadd.s32 s2, s17  }
0x8e: {  	[smem:$0x3FC1] =	sst s2  }
0x8f: {  	_ = 	snop  }
0x90: {  	s2 =	sld [smem:$0x3FD0];
	(tm) =	ssettm $0x1  }
0x91: {  	s18 =	sld [smem:$0x3FFB];
	_ =	sdelay $0x3  }
0x92: {  	_ =	strace s18  }
0x93: {  	s3 =	sld [smem:$0x3FFC];
	_ =	sdelay $0x3  }
0x94: {  	_ =	strace s3  }
0x95: {  	s3 =	sld [smem:$0x3FFD];
	_ =	sdelay $0x3  }
0x96: {  	_ =	strace s3  }
0x97: {  	_ =	strace $0x8FFFFFFF  }
0x98: {  	s19 =	sld [smem:$0x3FDB];
	_ =	sdelay $0x1  }
0x99: {  	s4 =	simm.s32 $_scs_section_size  }
0x9a: {  	s5 =	simm.s32 $_size__tile_overlayer_lowered;
	s6 =	simm.s32 $_tile_overlayer_lowered  }
0x9b: {  	s22 =	simm.s32 $0x1BFF;
	s21 =	sshll.u32 s6, $0x1;
	s3 =	sadd.s32 s4, s19  }
0x9c: {  	s7 =	simm.s32 $0x0;
	s20 =	sshll.u32 s5, $0x1;
	s5 =	sadd.s32 s21, s3  }
0x9d: {  	[timem:s7], [sflag:s22] =	dma.local [hbm:s5], s20  }
0x9e: {  	_ =	swait.ge [sflag:s22], s20  }
0x9f: {  	s4 =	ssub.s32 $0x0, s20;
	[sflag:s22] =	ssyncset.done $0x0  }
0xa0: {  	[sflag:s22] =	ssyncadd.s32 s4;
	_ =	sdelay $0x1  }
0xa1: {  	s23 =	simm.s32 $0x1B8B  }
0xa2: {  	_ =	swait.ge [sflag:s23], $0x1  }
0xa3: {  	[sflag:s23] =	ssyncset.done $0x0  }
0xa4: {  	s25 =	simm.s32 $0x1B8E;
	s24 =	sld [smem:$0x3FFE];
	[sflag:s23] =	ssyncadd.s32 $0xFFFFFFFF  }
0xa5: {  	s26 =	simm.s32 $execute0_lowered;
	[smem:$0x3FD2] =	sst s25  }
0xa6: {  	s5 =	sshll.u32 s26, $0x1;
	_ =	strace $0x8000004F;
	[dreg:$0x1] =	wrdreg $0xFFFFFFFF  }
0xa7: {  	s28 =	simm.s32 $_size_execute0_lowered;
	s3 =	sadd.s32 s3, s5;
	[dreg:$0x0] =	wrdreg $0x0  }
0xa8: {  	s5 =	sshll.u32 s28, $0x1;
	[dreg:$0x2] =	wrdreg s3  }
0xa9: {  	[dreg:$0x3] =	wrdreg s5  }
0xaa: {  	[dreg:$0x4] =	wrdreg $0xC0  }
0xab: {  	_ =	task [dreg:s7], $0x5FFFF  }
0xac: {  	[dreg:$0x1] =	wrdreg $0xFFFFFFFF  }
0xad: {  	[dreg:$0x0] =	wrdreg $0x60  }
0xae: {  	[dreg:$0x2] =	wrdreg s24  }
0xaf: {  	[dreg:$0x3] =	wrdreg s2  }
0xb0: {  	[dreg:$0x4] =	wrdreg $0xA8000  }
0xb1: {  	[dreg:$0x5] =	wrdreg $0x9  }
0xb2: {  	_ =	task.clear_ibuf [dreg:s7], $0x6FFFF;
	_ =	strace $0x9000004F  }
0xb3: {  	s29 =	simm.s32 $0x9;
	_ =	strace $0x80000051  }
0xb4: {  	_ =	swait.ge [sflag:s29], $0x1  }
0xb5: {  	[sflag:s29] =	ssyncadd.s32 $0xFFFFFFFF  }
0xb6: {  	_ =	strace $0x90000051  }
0xb7: {  	_ =	sfence  }
0xb8: {  	s30 =	sld [smem:$0x0];
	_ =	sdelay $0x2  }
0xb9: {  	s31 =	sshll.u32 s1, $0xD;
	s1 =	sshrl.u32 s1, $0x2  }
0xba: {  	s3 =	sand.u32 $0x4000, s31;
	s1 =	sadd.s32 s1, s30  }
0xbb: {  	s0 =	sor.u32 s3, s0;
	s1 =	sshll.u32 s1, $0x11  }
0xbc: {  	s0 =	sor.u32 s1, s0  }
0xbd: {  	s0 =	sadd.s32 $0x8F2B, s0  }
0xbe: {  	[sflag:s0] =	ssyncadd.remote.s32 $0x1  }
0xbf: {  	_ =	sfence.sel $0xFFFF  }
0xc0: {  	[dreg:$0x0] =	wrdreg $0xFFFFFFFF;
	(pc) =	sbr.abs _section_cstart, $3  }
0xc1: {  	[dreg:$0x1] =	wrdreg $0xFFFFFFFF  }
0xc2: {  	_ =	task.clear_ibuf [dreg:s7], $0x2FFFF;
	_ =	strace $0x9FFFFFFF  }
0xc3: {  	(tm) =	ssettm $0x7FFFFFFF  }
tec
execute0_lowered:
.L_overlay_start_1:
0x0: {  	(tag) =	ssettag $0x1  }
0x1: {  	s4 =	rddreg [dreg:$0x0]  }
0x2: {  	s8 =	rddreg [dreg:$0x1]  }
0x3: {  	s1 =	rddreg [dreg:$0x2]  }
0x4: {  	s2 =	srdreg.scid;
	s0 =	rddreg [dreg:$0x3]  }
0x5: {  	s3 =	simm.s32 $0x0;
	s16 =	simm.s32 $0x2800;
	s17 =	simm.s32 $0x3  }
0x6: {  	s18 =	simm.s32 $0x1400;
	s19 =	simm.s32 $0x80;
	s20 =	simm.s32 $0x6800  }
0x7: {  	s21 =	simm.s32 $0x1;
	s22 =	simm.s32 $0x2;
	s5 =	sand.u32 $0x1, s2  }
0x8: {  	s23 =	simm.s32 $0x1380;
	s2 =	stileid.u32;
	s6 =	smul.u32 $0x140000, s5  }
0x9: {  	s24 =	simm.s32 $0x2700;
	s25 =	simm.s32 $0x2780;
	s7 =	smul.u32 $0x14000, s2  }
0xa: {  	[smem:$0x7FF] =	sst s3;
	s11 =	sadd.s32 $0x52A00, s4;
	s10 =	smul.u32 $0x28000, s5  }
0xb: {  	_ =	strace $0x80000050;
	s28 =	smul.u32 $0x2800, s2;
	s5 =	ssub.s32 $0x2, s5  }
0xc: {  	s31 =	smul.u32 $0x50000, s2;
	s29 =	sshrl.u32 s5, $0x1;
	s9 =	sshrl.u32 s6, $0x3  }
0xd: {  	s6 =	sadd.s32 s7, s6;
	s30 =	sadd.s32 s28, s10;
	s13 =	ssub.s32 s5, s29  }
0xe: {  	s10 =	sshrl.u32 s31, $0x2;
	s9 =	sadd.s32 s9, s4;
	s6 =	sshrl.u32 s6, $0x3  }
0xf: {  	s10 =	sadd.s32 s10, s1;
	s12 =	sadd.s32 s6, s4;
	s6 =	sshrl.u32 s30, $0x3  }
0x10: {  	s15 =	sadd.s32 $0x10000, s10;
	s4 =	sadd.s32 s11, s6;
	s5 =	sadd.s32 s8, s6  }
0x11: {  	s14 =	sadd.s32 $0x280, s6;
	s6 =	sadd.s32 $0x2A00, s9;
	s9 =	sadd.s32 $0x5CA00, s12  }
0x12: {  	s12 =	sadd.s32 $0x4000, s10;
	s7 =	sadd.s32 s11, s14;
	s8 =	sadd.s32 s8, s14  }
0x13: {  	v0 =	vimm.f32 $0.0e+00;
	s11 =	smax.u32 s13, $0x1;
	s13 =	sadd.s32 $0x8000, s10;
	s14 =	sadd.s32 $0xC000, s10  }
.LBB2_1:
0x14: {  	s26 =	simm.s32 $0x0;
	s28 =	simm.s32 $0x200  }
.LBB2_2:
0x15: {  	p0 =	sne.s32 s28, $0xFE00;
	[tilespmem:s26+$0x2870] =	vst v0  }
0x16: {  	[tilespmem:s26+$0x2800] =	vst v0  }
0x17: {  	[tilespmem:s26+$0x2810] =	vst v0  }
.Ltmp0:
0x18: {  	[tilespmem:s26+$0x2820] =	vst v0;
	(pc) =	sbr.rel @p0 .LBB2_2-.Ltmp0, $4  }
0x19: {  	[tilespmem:s26+$0x2830] =	vst v0  }
0x1a: {  	[tilespmem:s26+$0x2840] =	vst v0  }
0x1b: {  	[tilespmem:s26+$0x2850] =	vst v0  }
0x1c: {  	[tilespmem:s26+$0x2860] =	vst v0;
	s26 =	sshra.s32 s28, $0x2;
	s28 =	sadd.s32 $0x200, s28  }
0x1d: {  	[tilespmem:s26+$0x2870] =	vst v0  }
0x1e: {  	[tilespmem:s26+$0x2800] =	vst v0  }
0x1f: {  	[tilespmem:s26+$0x2810] =	vst v0  }
0x20: {  	[tilespmem:s26+$0x2820] =	vst v0  }
0x21: {  	[tilespmem:s26+$0x2830] =	vst v0  }
0x22: {  	[tilespmem:s26+$0x2840] =	vst v0  }
0x23: {  	[tilespmem:s26+$0x2850] =	vst v0  }
0x24: {  	[tilespmem:s26+$0x2860] =	vst v0  }
0x25: {  	[spmem:s10] =	stream.linear.scatter [tilespmem:s16], [sflag:$0x3], $0x4000, $0x38;
	[tilespmem:$0x1E800] =	vst v63  }
0x26: {  	_ =	swait.ge [sflag:s17], $0x4000  }
0x27: {  	[sflag:s17] =	ssyncset.done $0x0  }
0x28: {  	[sflag:s17] =	ssyncadd.s32 $0xFFFFC000  }
0x29: {  	[spmem:s12] =	stream.linear.scatter [tilespmem:s16], [sflag:$0x3], $0x4000, $0x38;
	[tilespmem:$0x1E800] =	vst v63  }
0x2a: {  	_ =	swait.ge [sflag:s17], $0x4000  }
0x2b: {  	[sflag:s17] =	ssyncset.done $0x0  }
0x2c: {  	[sflag:s17] =	ssyncadd.s32 $0xFFFFC000  }
0x2d: {  	[spmem:s13] =	stream.linear.scatter [tilespmem:s16], [sflag:$0x3], $0x4000, $0x38;
	[tilespmem:$0x1E800] =	vst v63  }
0x2e: {  	_ =	swait.ge [sflag:s17], $0x4000  }
0x2f: {  	[sflag:s17] =	ssyncset.done $0x0  }
0x30: {  	[sflag:s17] =	ssyncadd.s32 $0xFFFFC000  }
0x31: {  	[spmem:s14] =	stream.linear.scatter [tilespmem:s16], [sflag:$0x3], $0x4000, $0x38;
	[tilespmem:$0x1E800] =	vst v63  }
0x32: {  	_ =	swait.ge [sflag:s17], $0x4000  }
0x33: {  	[sflag:s17] =	ssyncset.done $0x0  }
0x34: {  	[sflag:s17] =	ssyncadd.s32 $0xFFFFC000  }
0x35: {  	[spmem:s15] =	stream.linear.scatter [tilespmem:s16], [sflag:$0x3], $0x4000, $0x38;
	[tilespmem:$0x1E800] =	vst v63  }
0x36: {  	_ =	swait.ge [sflag:s17], $0x4000  }
0x37: {  	[sflag:s17] =	ssyncset.done $0x0  }
0x38: {  	[sflag:s17] =	ssyncadd.s32 $0xFFFFC000  }
0x39: {  	s30 =	simm.s32 $0x0;
	[bflag:$0x0] =	sbarrier.arrive $0xFFFF  }
0x3a: {  	[tilespmem:s30], [sflag:$0x3] =	stream.linear.gather [hbm4b:s4+s30], $0x1400, $0x38;
	[tilespmem:$0x1E800] =	vst v63  }
0x3b: {  	_ =	swait.ge [sflag:s17], $0x1400  }
0x3c: {  	[sflag:s17] =	ssyncset.done $0x0  }
0x3d: {  	[sflag:s17] =	ssyncadd.s32 $0xFFFFEC00  }
0x3e: {  	[tilespmem:s18], [sflag:$0x3] =	stream.linear.gather [hbm4b:s5+s30], $0x1400, $0x38;
	[tilespmem:$0x1E800] =	vst v63  }
0x3f: {  	_ =	swait.ge [sflag:s17], $0x1400  }
0x40: {  	[sflag:s17] =	ssyncset.done $0x0  }
0x41: {  	[sflag:s17] =	ssyncadd.s32 $0xFFFFEC00  }
0x42: {  	[tilespmem:s16], [sflag:$0x1] =	stream.indirect.gather [hbm4b:s6+s19], $0x80, s30, s19, $0xb8;
	[tilespmem:$0x1E800] =	vst v63  }
0x43: {  	s31 =	simm.s32 $0x80  }
0x44: {  	[tilespmem:s20], [sflag:$0x2] =	stream.indirect.gather [hbm4b:s6+s19], $0x80, s31, s19, $0xb8;
	[tilespmem:$0x1E800] =	vst v63  }
0x45: {  	_ =	swait.ge [sflag:s21], $0x4000  }
0x46: {  	[sflag:s21] =	ssyncset.done $0x0  }
0x47: {  	s29 =	simm.s32 $0x1400;
	[sflag:s21] =	ssyncadd.s32 $0xFFFFC000  }
0x48: {  	[spmem:s1] =	stream.indirect.scatter.add.f32 [tilespmem:s16], [sflag:$0x3], $0x80, s29, s19, $0xb8;
	[tilespmem:$0x1E800] =	vst v63  }
0x49: {  	_ =	swait.ge [sflag:s17], $0x4000  }
0x4a: {  	[sflag:s17] =	ssyncset.done $0x0  }
0x4b: {  	s30 =	simm.s32 $0x100;
	[sflag:s17] =	ssyncadd.s32 $0xFFFFC000  }
0x4c: {  	[tilespmem:s16], [sflag:$0x1] =	stream.indirect.gather [hbm4b:s6+s19], $0x80, s30, s19, $0xb8;
	[tilespmem:$0x1E800] =	vst v63  }
0x4d: {  	_ =	swait.ge [sflag:s22], $0x4000  }
0x4e: {  	[sflag:s22] =	ssyncset.done $0x0  }
0x4f: {  	s31 =	simm.s32 $0x1480;
	[sflag:s22] =	ssyncadd.s32 $0xFFFFC000  }
0x50: {  	[spmem:s1] =	stream.indirect.scatter.add.f32 [tilespmem:s20], [sflag:$0x3], $0x80, s31, s19, $0xb8;
	[tilespmem:$0x1E800] =	vst v63  }
0x51: {  	_ =	swait.ge [sflag:s17], $0x4000  }
0x52: {  	s28 =	simm.s32 $0x800;
	s26 =	simm.s32 $0x100;
	[sflag:s17] =	ssyncset.done $0x0  }
.LBB2_4:
0x53: {  	s29 =	sadd.s32 $0x80, s26  }
0x54: {  	[sflag:s17] =	ssyncadd.s32 $0xFFFFC000;
	s30 =	smov.u32 s28;
	s31 =	sadd.s32 $0x400, s28  }
0x55: {  	[tilespmem:s20], [sflag:$0x2] =	stream.indirect.gather [hbm4b:s6+s19], $0x80, s29, s19, $0xb8;
	[tilespmem:$0x1E800] =	vst v63  }
0x56: {  	p0 =	sne.s32 s28, $0x4800;
	_ =	swait.ge [sflag:s21], $0x4000  }
0x57: {  	[sflag:s21] =	ssyncset.done $0x0  }
0x58: {  	s28 =	sadd.s32 $0x1400, s26;
	[sflag:s21] =	ssyncadd.s32 $0xFFFFC000  }
0x59: {  	[spmem:s1] =	stream.indirect.scatter.add.f32 [tilespmem:s16], [sflag:$0x3], $0x80, s28, s19, $0xb8;
	[tilespmem:$0x1E800] =	vst v63  }
0x5a: {  	_ =	swait.ge [sflag:s17], $0x4000  }
0x5b: {  	[sflag:s17] =	ssyncset.done $0x0  }
0x5c: {  	s28 =	sadd.s32 $0x100, s26;
	[sflag:s17] =	ssyncadd.s32 $0xFFFFC000  }
0x5d: {  	[tilespmem:s16], [sflag:$0x1] =	stream.indirect.gather [hbm4b:s6+s19], $0x80, s28, s19, $0xb8;
	[tilespmem:$0x1E800] =	vst v63  }
0x5e: {  	_ =	swait.ge [sflag:s22], $0x4000  }
.Ltmp1:
0x5f: {  	[sflag:s22] =	ssyncset.done $0x0;
	(pc) =	sbr.rel @p0 .LBB2_4-.Ltmp1, $4  }
0x60: {  	s26 =	sadd.s32 $0x1480, s26;
	[sflag:s22] =	ssyncadd.s32 $0xFFFFC000  }
0x61: {  	[spmem:s1] =	stream.indirect.scatter.add.f32 [tilespmem:s20], [sflag:$0x3], $0x80, s26, s19, $0xb8;
	[tilespmem:$0x1E800] =	vst v63  }
0x62: {  	_ =	swait.ge [sflag:s17], $0x4000  }
0x63: {  	s28 =	smov.u32 s31;
	s26 =	sshra.s32 s30, $0x2;
	[sflag:s17] =	ssyncset.done $0x0  }
0x64: {  	s28 =	sadd.s32 $0x80, s26;
	[sflag:s17] =	ssyncadd.s32 $0xFFFFC000  }
0x65: {  	[tilespmem:s20], [sflag:$0x2] =	stream.indirect.gather [hbm4b:s6+s19], $0x80, s28, s19, $0xb8;
	[tilespmem:$0x1E800] =	vst v63  }
0x66: {  	_ =	swait.ge [sflag:s21], $0x4000  }
0x67: {  	[sflag:s21] =	ssyncset.done $0x0  }
0x68: {  	s28 =	sadd.s32 $0x1400, s26;
	[sflag:s21] =	ssyncadd.s32 $0xFFFFC000  }
0x69: {  	[spmem:s1] =	stream.indirect.scatter.add.f32 [tilespmem:s16], [sflag:$0x3], $0x80, s28, s19, $0xb8;
	[tilespmem:$0x1E800] =	vst v63  }
0x6a: {  	_ =	swait.ge [sflag:s17], $0x4000  }
0x6b: {  	[sflag:s17] =	ssyncset.done $0x0  }
0x6c: {  	s28 =	sadd.s32 $0x100, s26;
	[sflag:s17] =	ssyncadd.s32 $0xFFFFC000  }
0x6d: {  	[tilespmem:s16], [sflag:$0x1] =	stream.indirect.gather [hbm4b:s6+s19], $0x80, s28, s19, $0xb8;
	[tilespmem:$0x1E800] =	vst v63  }
0x6e: {  	_ =	swait.ge [sflag:s22], $0x4000  }
0x6f: {  	[sflag:s22] =	ssyncset.done $0x0  }
0x70: {  	s29 =	sadd.s32 $0x1480, s26;
	[sflag:s22] =	ssyncadd.s32 $0xFFFFC000  }
0x71: {  	[spmem:s1] =	stream.indirect.scatter.add.f32 [tilespmem:s20], [sflag:$0x3], $0x80, s29, s19, $0xb8;
	[tilespmem:$0x1E800] =	vst v63  }
0x72: {  	_ =	swait.ge [sflag:s17], $0x4000  }
0x73: {  	[sflag:s17] =	ssyncset.done $0x0  }
0x74: {  	[sflag:s17] =	ssyncadd.s32 $0xFFFFC000  }
0x75: {  	[tilespmem:s20], [sflag:$0x2] =	stream.indirect.gather [hbm4b:s6+s19], $0x80, s23, s19, $0xb8;
	[tilespmem:$0x1E800] =	vst v63  }
0x76: {  	_ =	swait.ge [sflag:s21], $0x4000  }
0x77: {  	[sflag:s21] =	ssyncset.done $0x0  }
0x78: {  	[sflag:s21] =	ssyncadd.s32 $0xFFFFC000  }
0x79: {  	[spmem:s1] =	stream.indirect.scatter.add.f32 [tilespmem:s16], [sflag:$0x3], $0x80, s24, s19, $0xb8;
	[tilespmem:$0x1E800] =	vst v63  }
0x7a: {  	_ =	swait.ge [sflag:s17], $0x4000  }
0x7b: {  	[sflag:s17] =	ssyncset.done $0x0  }
0x7c: {  	[sflag:s17] =	ssyncadd.s32 $0xFFFFC000  }
0x7d: {  	_ =	swait.ge [sflag:s22], $0x4000  }
0x7e: {  	[sflag:s22] =	ssyncset.done $0x0  }
0x7f: {  	[sflag:s22] =	ssyncadd.s32 $0xFFFFC000  }
0x80: {  	[spmem:s1] =	stream.indirect.scatter.add.f32 [tilespmem:s20], [sflag:$0x3], $0x80, s25, s19, $0xb8;
	[tilespmem:$0x1E800] =	vst v63  }
0x81: {  	_ =	swait.ge [sflag:s17], $0x4000  }
0x82: {  	[sflag:s17] =	ssyncset.done $0x0  }
0x83: {  	s30 =	simm.s32 $0x0;
	[sflag:s17] =	ssyncadd.s32 $0xFFFFC000  }
0x84: {  	[tilespmem:s30], [sflag:$0x3] =	stream.linear.gather [hbm4b:s7+s30], $0x1400, $0x38;
	[tilespmem:$0x1E800] =	vst v63  }
0x85: {  	_ =	swait.ge [sflag:s17], $0x1400  }
0x86: {  	[sflag:s17] =	ssyncset.done $0x0  }
0x87: {  	[sflag:s17] =	ssyncadd.s32 $0xFFFFEC00  }
0x88: {  	[tilespmem:s18], [sflag:$0x3] =	stream.linear.gather [hbm4b:s8+s30], $0x1400, $0x38;
	[tilespmem:$0x1E800] =	vst v63  }
0x89: {  	_ =	swait.ge [sflag:s17], $0x1400  }
0x8a: {  	[sflag:s17] =	ssyncset.done $0x0  }
0x8b: {  	[sflag:s17] =	ssyncadd.s32 $0xFFFFEC00  }
0x8c: {  	[tilespmem:s16], [sflag:$0x1] =	stream.indirect.gather [hbm4b:s6+s19], $0x80, s30, s19, $0xb8;
	[tilespmem:$0x1E800] =	vst v63  }
0x8d: {  	s31 =	simm.s32 $0x80  }
0x8e: {  	[tilespmem:s20], [sflag:$0x2] =	stream.indirect.gather [hbm4b:s6+s19], $0x80, s31, s19, $0xb8;
	[tilespmem:$0x1E800] =	vst v63  }
0x8f: {  	_ =	swait.ge [sflag:s21], $0x4000  }
0x90: {  	[sflag:s21] =	ssyncset.done $0x0  }
0x91: {  	s29 =	simm.s32 $0x1400;
	[sflag:s21] =	ssyncadd.s32 $0xFFFFC000  }
0x92: {  	[spmem:s1] =	stream.indirect.scatter.add.f32 [tilespmem:s16], [sflag:$0x3], $0x80, s29, s19, $0xb8;
	[tilespmem:$0x1E800] =	vst v63  }
0x93: {  	_ =	swait.ge [sflag:s17], $0x4000  }
0x94: {  	[sflag:s17] =	ssyncset.done $0x0  }
0x95: {  	s30 =	simm.s32 $0x100;
	[sflag:s17] =	ssyncadd.s32 $0xFFFFC000  }
0x96: {  	[tilespmem:s16], [sflag:$0x1] =	stream.indirect.gather [hbm4b:s6+s19], $0x80, s30, s19, $0xb8;
	[tilespmem:$0x1E800] =	vst v63  }
0x97: {  	_ =	swait.ge [sflag:s22], $0x4000  }
0x98: {  	[sflag:s22] =	ssyncset.done $0x0  }
0x99: {  	s31 =	simm.s32 $0x1480;
	[sflag:s22] =	ssyncadd.s32 $0xFFFFC000  }
0x9a: {  	[spmem:s1] =	stream.indirect.scatter.add.f32 [tilespmem:s20], [sflag:$0x3], $0x80, s31, s19, $0xb8;
	[tilespmem:$0x1E800] =	vst v63  }
0x9b: {  	_ =	swait.ge [sflag:s17], $0x4000  }
0x9c: {  	s26 =	simm.s32 $0x100;
	s28 =	simm.s32 $0x800;
	[sflag:s17] =	ssyncset.done $0x0  }
.LBB2_6:
0x9d: {  	s29 =	sadd.s32 $0x80, s26  }
0x9e: {  	[sflag:s17] =	ssyncadd.s32 $0xFFFFC000;
	s30 =	smov.u32 s28;
	s31 =	sadd.s32 $0x400, s28  }
0x9f: {  	[tilespmem:s20], [sflag:$0x2] =	stream.indirect.gather [hbm4b:s6+s19], $0x80, s29, s19, $0xb8;
	[tilespmem:$0x1E800] =	vst v63  }
0xa0: {  	p0 =	sne.s32 s28, $0x4800;
	_ =	swait.ge [sflag:s21], $0x4000  }
0xa1: {  	[sflag:s21] =	ssyncset.done $0x0  }
0xa2: {  	s28 =	sadd.s32 $0x1400, s26;
	[sflag:s21] =	ssyncadd.s32 $0xFFFFC000  }
0xa3: {  	[spmem:s1] =	stream.indirect.scatter.add.f32 [tilespmem:s16], [sflag:$0x3], $0x80, s28, s19, $0xb8;
	[tilespmem:$0x1E800] =	vst v63  }
0xa4: {  	_ =	swait.ge [sflag:s17], $0x4000  }
0xa5: {  	[sflag:s17] =	ssyncset.done $0x0  }
0xa6: {  	s28 =	sadd.s32 $0x100, s26;
	[sflag:s17] =	ssyncadd.s32 $0xFFFFC000  }
0xa7: {  	[tilespmem:s16], [sflag:$0x1] =	stream.indirect.gather [hbm4b:s6+s19], $0x80, s28, s19, $0xb8;
	[tilespmem:$0x1E800] =	vst v63  }
0xa8: {  	_ =	swait.ge [sflag:s22], $0x4000  }
.Ltmp2:
0xa9: {  	[sflag:s22] =	ssyncset.done $0x0;
	(pc) =	sbr.rel @p0 .LBB2_6-.Ltmp2, $4  }
0xaa: {  	s26 =	sadd.s32 $0x1480, s26;
	[sflag:s22] =	ssyncadd.s32 $0xFFFFC000  }
0xab: {  	[spmem:s1] =	stream.indirect.scatter.add.f32 [tilespmem:s20], [sflag:$0x3], $0x80, s26, s19, $0xb8;
	[tilespmem:$0x1E800] =	vst v63  }
0xac: {  	_ =	swait.ge [sflag:s17], $0x4000  }
0xad: {  	s28 =	smov.u32 s31;
	s26 =	sshra.s32 s30, $0x2;
	[sflag:s17] =	ssyncset.done $0x0  }
0xae: {  	s28 =	sadd.s32 $0x80, s26;
	[sflag:s17] =	ssyncadd.s32 $0xFFFFC000  }
0xaf: {  	[tilespmem:s20], [sflag:$0x2] =	stream.indirect.gather [hbm4b:s6+s19], $0x80, s28, s19, $0xb8;
	[tilespmem:$0x1E800] =	vst v63  }
0xb0: {  	_ =	swait.ge [sflag:s21], $0x4000  }
0xb1: {  	[sflag:s21] =	ssyncset.done $0x0  }
0xb2: {  	s30 =	sadd.s32 $0x1400, s26;
	[sflag:s21] =	ssyncadd.s32 $0xFFFFC000  }
0xb3: {  	[spmem:s1] =	stream.indirect.scatter.add.f32 [tilespmem:s16], [sflag:$0x3], $0x80, s30, s19, $0xb8;
	[tilespmem:$0x1E800] =	vst v63  }
0xb4: {  	_ =	swait.ge [sflag:s17], $0x4000  }
0xb5: {  	[sflag:s17] =	ssyncset.done $0x0  }
0xb6: {  	s31 =	sadd.s32 $0x100, s26;
	[sflag:s17] =	ssyncadd.s32 $0xFFFFC000  }
0xb7: {  	[tilespmem:s16], [sflag:$0x1] =	stream.indirect.gather [hbm4b:s6+s19], $0x80, s31, s19, $0xb8;
	[tilespmem:$0x1E800] =	vst v63  }
0xb8: {  	_ =	swait.ge [sflag:s22], $0x4000  }
0xb9: {  	[sflag:s22] =	ssyncset.done $0x0  }
0xba: {  	s29 =	sadd.s32 $0x1480, s26;
	[sflag:s22] =	ssyncadd.s32 $0xFFFFC000  }
0xbb: {  	[spmem:s1] =	stream.indirect.scatter.add.f32 [tilespmem:s20], [sflag:$0x3], $0x80, s29, s19, $0xb8;
	[tilespmem:$0x1E800] =	vst v63  }
0xbc: {  	_ =	swait.ge [sflag:s17], $0x4000  }
0xbd: {  	[sflag:s17] =	ssyncset.done $0x0  }
0xbe: {  	[sflag:s17] =	ssyncadd.s32 $0xFFFFC000  }
0xbf: {  	[tilespmem:s20], [sflag:$0x2] =	stream.indirect.gather [hbm4b:s6+s19], $0x80, s23, s19, $0xb8;
	[tilespmem:$0x1E800] =	vst v63  }
0xc0: {  	_ =	swait.ge [sflag:s21], $0x4000  }
0xc1: {  	[sflag:s21] =	ssyncset.done $0x0  }
0xc2: {  	[sflag:s21] =	ssyncadd.s32 $0xFFFFC000  }
0xc3: {  	[spmem:s1] =	stream.indirect.scatter.add.f32 [tilespmem:s16], [sflag:$0x3], $0x80, s24, s19, $0xb8;
	[tilespmem:$0x1E800] =	vst v63  }
0xc4: {  	_ =	swait.ge [sflag:s17], $0x4000  }
0xc5: {  	[sflag:s17] =	ssyncset.done $0x0  }
0xc6: {  	[sflag:s17] =	ssyncadd.s32 $0xFFFFC000  }
0xc7: {  	_ =	swait.ge [sflag:s22], $0x4000  }
0xc8: {  	[sflag:s22] =	ssyncset.done $0x0  }
0xc9: {  	[sflag:s22] =	ssyncadd.s32 $0xFFFFC000  }
0xca: {  	[spmem:s1] =	stream.indirect.scatter.add.f32 [tilespmem:s20], [sflag:$0x3], $0x80, s25, s19, $0xb8;
	[tilespmem:$0x1E800] =	vst v63  }
0xcb: {  	_ =	swait.ge [sflag:s17], $0x4000  }
0xcc: {  	s3 =	sadd.s32 $0x1, s3;
	s30 =	sshll.u32 s2, $0x6;
	[sflag:s17] =	ssyncset.done $0x0  }
0xcd: {  	p0 =	sne.s32 s3, s11;
	s26 =	sor.u32 $0x1C03, s30;
	[sflag:s17] =	ssyncadd.s32 $0xFFFFC000  }
.Ltmp3:
0xce: {  	s31 =	sshrl.u32 s10, $0x3;
	[bflag:$0x0] =	sbarrier.arrive $0xFFFF;
	(pc) =	sbr.rel @p0 .LBB2_1-.Ltmp3, $4  }
0xcf: {  	[hbm:s9], [sflag:s26] =	dma.local [spmem:s31], $0x2800  }
0xd0: {  	_ =	swait.ge [sflag:s17], $0x2800  }
0xd1: {  	[sflag:s17] =	ssyncset.done $0x0  }
0xd2: {  	[sflag:s17] =	ssyncadd.s32 $0xFFFFD800  }
0xd3: {  	_ =	sfence.sel $0x180000  }
0xd4: {  	[bflag:$0x0] =	sbarrier.arrive $0xFFFF  }
0xd5: {  	p0 =	sne.s32 s2, $0x0;
	_ =	strace $0x90000050  }
0xd6: {  	s0 =	sadd.s32 @!p0 $0x100000, s0;
	[bflag:$0x2] =	sbarrier.arrive $0xFFFF  }
0xd7: {  	[sflag:s0] =	ssyncadd.tile.s32 @!p0 $0x1;
	_ =	shalt  }
.Lfunc_end2:
_tile_overlayer_lowered:
.L_overlay_start_2:
0xd8: {  	(tag) =	ssettag $0x2  }
0xd9: {  	s0 =	rddreg [dreg:$0x0];
	s2 =	stileid.u32  }
0xda: {  	s1 =	rddreg [dreg:$0x1];
	p0 =	sne.s32 s2, $0x0  }
0xdb: {  	s3 =	rddreg [dreg:$0x2];
	[bflag:$0x3] =	sbarrier.arrive $0xFFFF;
	s2 =	simm.s32 @!p0 $0x1C03  }
0xdc: {  	[timem:s3], [sflag:s2] =	dma.local @!p0 [hbm:s0], s1  }
0xdd: {  	s0 =	simm.s32 @!p0 $0x3  }
0xde: {  	_ =	swait.ge @!p0 [sflag:s0], s1  }
0xdf: {  	s1 =	ssub.s32 @!p0 $0x0, s1;
	[sflag:s0] =	ssyncset.done @!p0 $0x0  }
0xe0: {  	[sflag:s0] =	ssyncadd.s32 @!p0 s1  }
0xe1: {  	[bflag:$0x3] =	sbarrier.arrive $0xFFFF  }
0xe2: {  	_ =	shalt  }

// kernel: _forward.25.cloned.1.call-start
scs
__scs_entry_jumppad:
0x0: {  	(pc) =	sbr.rel $0x88, $3  }
0x1: {  	(tag) =	ssettag $0x0;
	lr =	simm.s32 $0x1  }
0x2: {  	[smem:$0x3F9A] =	sst lr;
	_ =	strace $0xD0000000  }
0x3: {  	_ = 	snop  }
0x4: {  	_ = 	snop  }
0x5: {  	_ = 	snop  }
0x6: {  	_ = 	snop  }
0x7: {  	_ = 	snop  }
__scs_overlays_trampoline_lowered:
0x8: {  	[smem:$0x3FA9] =	sst s0  }
0x9: {  	[smem:$0x3FAA] =	sst s1  }
0xa: {  	[smem:$0x3FAB] =	sst s2  }
0xb: {  	[smem:$0x3FAC] =	sst s3  }
0xc: {  	[smem:$0x3FAD] =	sst s4  }
0xd: {  	[smem:$0x3FAE] =	sst s5  }
0xe: {  	[smem:$0x3FAF] =	sst s6  }
0xf: {  	[smem:$0x3FB0] =	sst s7  }
0x10: {  	[smem:$0x3FB1] =	sst s8  }
0x11: {  	[smem:$0x3FB2] =	sst s9;
	s0 =	simm.s32 @!p0 $0x0  }
0x12: {  	s1 =	sld [smem:$0x3F98];
	s0 =	simm.s32 @p0 $0x1  }
0x13: {  	[smem:$0x3FB3] =	sst s0;
	s0 =	simm.s32 @!p1 $0x0  }
0x14: {  	s2 =	sld [smem:$0x3F97];
	s0 =	simm.s32 @p1 $0x1  }
0x15: {  	[smem:$0x3FB4] =	sst s0;
	s0 =	simm.s32 @!p2 $0x0  }
0x16: {  	s3 =	sld [smem:$0x3FDB];
	s0 =	simm.s32 @p2 $0x1  }
0x17: {  	s4 =	simm.s32 $0x1BF5;
	[smem:$0x3FB6] =	sst s0  }
0x18: {  	s0 =	sld [smem:$0x3F99];
	_ =	swait.ge [sflag:s4], $0x0  }
0x19: {  	s7 =	sld [smem:$0x3F9A]  }
0x1a: {  	s8 =	sadd.s32 $0xFFFFE003, lr  }
0x1b: {  	s9 =	sadd.s32 $0xFFFFFEF7, lr;
	s5 =	simm.s32 $0xFFFFFFFF;
	p2 =	slt.u32 s8, $0xFFFFF086  }
0x1c: {  	p1 =	slt.u32 s9, $0xF7A;
	s5 =	simm.s32 @!p2 $0x0  }
0x1d: {  	s5 =	simm.s32 @p1 $0x1;
	p0 =	seq.s32 s7, s2  }
0x1e: {  	s7 =	smul.u32 @!p0 $0xF7A, s2;
	p2 =	seq.s32 @!p0 s5, $0x0  }
0x1f: {  	s9 =	smul.u32 $0xF7A, s1;
	s8 =	simm.s32 @!p0 $0x1BF5;
	p2 =	por !p2, p0  }
0x20: {  	[sflag:s8] =	ssyncset.s32 @!p0 $0xFFFFF086;
	s6 =	sadd.s32 @!p0 s3, s7;
	s7 =	simm.s32 @!p0 $0x108  }
0x21: {  	s3 =	sadd.s32 s3, s9;
	s6 =	sadd.s32 @!p0 $0x88, s6;
	s7 =	simm.s32 @p2 $0x1082  }
0x22: {  	[simem:s7], [sflag:s8] =	dma.local @!p0 [hbm:s6], $0xF7A  }
0x23: {  	s9 =	sor.u32 $0xD0000000, s2;
	s6 =	simm.s32 $0x108;
	_ =	swait.ge @!p0 [sflag:s8], $0x0  }
0x24: {  	s3 =	sadd.s32 $0x88, s3;
	s6 =	simm.s32 @!p1 $0x1082;
	[sflag:s4] =	ssyncset.s32 $0xFFFFF086  }
0x25: {  	[simem:s6], [sflag:s4] =	dma.local [hbm:s3], $0xF7A  }
0x26: {  	[smem:$0x3F9A] =	sst s1;
	(tag) =	ssettag s2;
	_ =	strace s9  }
0x27: {  	s1 =	sld [smem:$0x3FAA]  }
0x28: {  	s2 =	sld [smem:$0x3FAB]  }
0x29: {  	s4 =	sld [smem:$0x3FAD]  }
0x2a: {  	p0 =	seq.s32 s5, $0x0;
	s5 =	sld [smem:$0x3FAE]  }
0x2b: {  	s6 =	sld [smem:$0x3FAF]  }
0x2c: {  	s7 =	sld [smem:$0x3FB0]  }
0x2d: {  	s3 =	simm.s32 $0x108;
	s8 =	sld [smem:$0x3FB1]  }
0x2e: {  	s3 =	simm.s32 @!p0 $0x1082;
	s9 =	sld [smem:$0x3FB2]  }
0x2f: {  	lr =	sadd.s32 s0, s3;
	s0 =	sld [smem:$0x3FA9]  }
0x30: {  	s3 =	sld [smem:$0x3FAC]  }
0x31: {  	[smem:$0x3FB5] =	sst s10  }
0x32: {  	s10 =	sld [smem:$0x3FB3];
	_ =	sdelay $0x3  }
0x33: {  	p0 =	seq.s32 s10, $0x1;
	s10 =	sld [smem:$0x3FB5];
	_ =	sdelay $0x3  }
0x34: {  	[smem:$0x3FB5] =	sst s10  }
0x35: {  	s10 =	sld [smem:$0x3FB4];
	_ =	sdelay $0x3  }
0x36: {  	p1 =	seq.s32 s10, $0x1;
	s10 =	sld [smem:$0x3FB5];
	_ =	sdelay $0x3  }
0x37: {  	[smem:$0x3FB5] =	sst s10  }
0x38: {  	s10 =	sld [smem:$0x3FB6]  }
0x39: {  	_ = 	snop;
	(pc) =	sbr.ind lr, $3  }
0x3a: {  	_ = 	snop  }
0x3b: {  	_ = 	snop  }
0x3c: {  	p2 =	seq.s32 s10, $0x1;
	s10 =	sld [smem:$0x3FB5]  }
0x3d: {  	_ =	shalt  }
0x3e: {  	_ =	shalt  }
0x3f: {  	_ =	shalt  }
0x40: {  	_ =	shalt  }
0x41: {  	_ =	shalt  }
0x42: {  	_ =	shalt  }
0x43: {  	_ =	shalt  }
0x44: {  	_ =	shalt  }
0x45: {  	_ =	shalt  }
0x46: {  	_ =	shalt  }
0x47: {  	_ =	shalt  }
0x48: {  	_ =	shalt  }
0x49: {  	_ =	shalt  }
0x4a: {  	_ =	shalt  }
0x4b: {  	_ =	shalt  }
0x4c: {  	_ =	shalt  }
0x4d: {  	_ =	shalt  }
0x4e: {  	_ =	shalt  }
0x4f: {  	_ =	shalt  }
0x50: {  	_ =	shalt  }
0x51: {  	_ =	shalt  }
0x52: {  	_ =	shalt  }
0x53: {  	_ =	shalt  }
0x54: {  	_ =	shalt  }
0x55: {  	_ =	shalt  }
0x56: {  	_ =	shalt  }
0x57: {  	_ =	shalt  }
0x58: {  	_ =	shalt  }
0x59: {  	_ =	shalt  }
0x5a: {  	_ =	shalt  }
0x5b: {  	_ =	shalt  }
0x5c: {  	_ =	shalt  }
0x5d: {  	_ =	shalt  }
0x5e: {  	_ =	shalt  }
0x5f: {  	_ =	shalt  }
0x60: {  	_ =	shalt  }
0x61: {  	_ =	shalt  }
0x62: {  	_ =	shalt  }
0x63: {  	_ =	shalt  }
0x64: {  	_ =	shalt  }
0x65: {  	_ =	shalt  }
0x66: {  	_ =	shalt  }
0x67: {  	_ =	shalt  }
0x68: {  	_ =	shalt  }
0x69: {  	_ =	shalt  }
0x6a: {  	_ =	shalt  }
0x6b: {  	_ =	shalt  }
0x6c: {  	_ =	shalt  }
0x6d: {  	_ =	shalt  }
0x6e: {  	_ =	shalt  }
0x6f: {  	_ =	shalt  }
0x70: {  	_ =	shalt  }
0x71: {  	_ =	shalt  }
0x72: {  	_ =	shalt  }
0x73: {  	_ =	shalt  }
0x74: {  	_ =	shalt  }
0x75: {  	_ =	shalt  }
0x76: {  	_ =	shalt  }
0x77: {  	_ =	shalt  }
0x78: {  	_ =	shalt  }
0x79: {  	_ =	shalt  }
0x7a: {  	_ =	shalt  }
0x7b: {  	_ =	shalt  }
0x7c: {  	_ =	shalt  }
0x7d: {  	_ =	shalt  }
0x7e: {  	_ =	shalt  }
0x7f: {  	_ =	shalt  }
0x80: {  	_ =	shalt  }
0x81: {  	_ =	shalt  }
0x82: {  	_ =	shalt  }
0x83: {  	_ =	shalt  }
0x84: {  	_ =	shalt  }
0x85: {  	_ =	shalt  }
0x86: {  	_ =	shalt  }
0x87: {  	_ =	shalt  }
.Lfunc_end0:
.L_simem_size_0:
called_computation.4_lowered:
.L_overlay_start_0:
0x88: {  	s2 =	sld [smem:$0x3FD9]  }
0x89: {  	s3 =	sld [smem:$0x3FFE];
	_ =	sdelay $0x1  }
0x8a: {  	s1 =	srdreg.scid  }
0x8b: {  	s0 =	sand.u32 $0x1, s1  }
0x8c: {  	s17 =	sshll.u32 s0, $0xA;
	s2 =	sadd.s32 s3, s2  }
0x8d: {  	s2 =	sadd.s32 s2, s17  }
0x8e: {  	[smem:$0x3FC1] =	sst s2  }
0x8f: {  	_ = 	snop  }
0x90: {  	s2 =	sld [smem:$0x3FD0];
	(tm) =	ssettm $0x1  }
0x91: {  	s18 =	sld [smem:$0x3FFB];
	_ =	sdelay $0x3  }
0x92: {  	_ =	strace s18  }
0x93: {  	s3 =	sld [smem:$0x3FFC];
	_ =	sdelay $0x3  }
0x94: {  	_ =	strace s3  }
0x95: {  	s3 =	sld [smem:$0x3FFD];
	_ =	sdelay $0x3  }
0x96: {  	_ =	strace s3  }
0x97: {  	_ =	strace $0x8FFFFFFF  }
0x98: {  	s19 =	sld [smem:$0x3FDB];
	_ =	sdelay $0x1  }
0x99: {  	s4 =	simm.s32 $_scs_section_size  }
0x9a: {  	s5 =	simm.s32 $_size__tile_overlayer_lowered;
	s6 =	simm.s32 $_tile_overlayer_lowered  }
0x9b: {  	s22 =	simm.s32 $0x1BFF;
	s21 =	sshll.u32 s6, $0x1;
	s3 =	sadd.s32 s4, s19  }
0x9c: {  	s7 =	simm.s32 $0x0;
	s20 =	sshll.u32 s5, $0x1;
	s5 =	sadd.s32 s21, s3  }
0x9d: {  	[timem:s7], [sflag:s22] =	dma.local [hbm:s5], s20  }
0x9e: {  	_ =	swait.ge [sflag:s22], s20  }
0x9f: {  	s4 =	ssub.s32 $0x0, s20;
	[sflag:s22] =	ssyncset.done $0x0  }
0xa0: {  	[sflag:s22] =	ssyncadd.s32 s4;
	_ =	sdelay $0x1  }
0xa1: {  	s23 =	simm.s32 $0x1B8B  }
0xa2: {  	_ =	swait.ge [sflag:s23], $0x1  }
0xa3: {  	[sflag:s23] =	ssyncset.done $0x0  }
0xa4: {  	s25 =	simm.s32 $0x1B8E;
	s24 =	sld [smem:$0x3FFE];
	[sflag:s23] =	ssyncadd.s32 $0xFFFFFFFF  }
0xa5: {  	s26 =	simm.s32 $execute0_lowered;
	[smem:$0x3FD2] =	sst s25  }
0xa6: {  	s5 =	sshll.u32 s26, $0x1;
	_ =	strace $0x80000052;
	[dreg:$0x1] =	wrdreg $0xFFFFFFFF  }
0xa7: {  	s28 =	simm.s32 $_size_execute0_lowered;
	s3 =	sadd.s32 s3, s5;
	[dreg:$0x0] =	wrdreg $0x0  }
0xa8: {  	s5 =	sshll.u32 s28, $0x1;
	[dreg:$0x2] =	wrdreg s3  }
0xa9: {  	[dreg:$0x3] =	wrdreg s5  }
0xaa: {  	[dreg:$0x4] =	wrdreg $0xC0  }
0xab: {  	_ =	task [dreg:s7], $0x5FFFF  }
0xac: {  	[dreg:$0x1] =	wrdreg $0xFFFFFFFF  }
0xad: {  	[dreg:$0x0] =	wrdreg $0x60  }
0xae: {  	[dreg:$0x2] =	wrdreg s24  }
0xaf: {  	[dreg:$0x3] =	wrdreg s2  }
0xb0: {  	[dreg:$0x4] =	wrdreg $0xA8000  }
0xb1: {  	[dreg:$0x5] =	wrdreg $0x9  }
0xb2: {  	_ =	task.clear_ibuf [dreg:s7], $0x6FFFF;
	_ =	strace $0x90000052  }
0xb3: {  	s29 =	simm.s32 $0x9;
	_ =	strace $0x80000054  }
0xb4: {  	_ =	swait.ge [sflag:s29], $0x1  }
0xb5: {  	[sflag:s29] =	ssyncadd.s32 $0xFFFFFFFF  }
0xb6: {  	_ =	strace $0x90000054  }
0xb7: {  	_ =	sfence  }
0xb8: {  	s30 =	sld [smem:$0x0];
	_ =	sdelay $0x2  }
0xb9: {  	s31 =	sshll.u32 s1, $0xD;
	s1 =	sshrl.u32 s1, $0x2  }
0xba: {  	s3 =	sand.u32 $0x4000, s31;
	s1 =	sadd.s32 s1, s30  }
0xbb: {  	s0 =	sor.u32 s3, s0;
	s1 =	sshll.u32 s1, $0x11  }
0xbc: {  	s0 =	sor.u32 s1, s0  }
0xbd: {  	s0 =	sadd.s32 $0x8F2B, s0  }
0xbe: {  	[sflag:s0] =	ssyncadd.remote.s32 $0x1  }
0xbf: {  	_ =	sfence.sel $0xFFFF  }
0xc0: {  	[dreg:$0x0] =	wrdreg $0xFFFFFFFF;
	(pc) =	sbr.abs _section_cstart, $3  }
0xc1: {  	[dreg:$0x1] =	wrdreg $0xFFFFFFFF  }
0xc2: {  	_ =	task.clear_ibuf [dreg:s7], $0x2FFFF;
	_ =	strace $0x9FFFFFFF  }
0xc3: {  	(tm) =	ssettm $0x7FFFFFFF  }
tec
execute0_lowered:
.L_overlay_start_1:
0x0: {  	(tag) =	ssettag $0x1  }
0x1: {  	s4 =	rddreg [dreg:$0x0]  }
0x2: {  	s8 =	rddreg [dreg:$0x1]  }
0x3: {  	s1 =	rddreg [dreg:$0x2]  }
0x4: {  	s2 =	srdreg.scid;
	s0 =	rddreg [dreg:$0x3]  }
0x5: {  	s3 =	simm.s32 $0x0;
	s16 =	simm.s32 $0x2800;
	s17 =	simm.s32 $0x3  }
0x6: {  	s18 =	simm.s32 $0x1400;
	s19 =	simm.s32 $0x80;
	s20 =	simm.s32 $0x6800  }
0x7: {  	s21 =	simm.s32 $0x1;
	s22 =	simm.s32 $0x2;
	s5 =	sand.u32 $0x1, s2  }
0x8: {  	s23 =	simm.s32 $0x1380;
	s2 =	stileid.u32;
	s6 =	smul.u32 $0x140000, s5  }
0x9: {  	s24 =	simm.s32 $0x2700;
	s25 =	simm.s32 $0x2780;
	s7 =	smul.u32 $0x14000, s2  }
0xa: {  	[smem:$0x7FF] =	sst s3;
	s11 =	sadd.s32 $0x52A00, s4;
	s10 =	smul.u32 $0x28000, s5  }
0xb: {  	_ =	strace $0x80000053;
	s28 =	smul.u32 $0x2800, s2;
	s5 =	ssub.s32 $0x2, s5  }
0xc: {  	s31 =	smul.u32 $0x50000, s2;
	s29 =	sshrl.u32 s5, $0x1;
	s9 =	sshrl.u32 s6, $0x3  }
0xd: {  	s6 =	sadd.s32 s7, s6;
	s30 =	sadd.s32 s28, s10;
	s13 =	ssub.s32 s5, s29  }
0xe: {  	s10 =	sshrl.u32 s31, $0x2;
	s9 =	sadd.s32 s9, s4;
	s6 =	sshrl.u32 s6, $0x3  }
0xf: {  	s10 =	sadd.s32 s10, s1;
	s12 =	sadd.s32 s6, s4;
	s6 =	sshrl.u32 s30, $0x3  }
0x10: {  	s15 =	sadd.s32 $0x10000, s10;
	s4 =	sadd.s32 s11, s6;
	s5 =	sadd.s32 s8, s6  }
0x11: {  	s14 =	sadd.s32 $0x280, s6;
	s6 =	sadd.s32 $0x2A00, s9;
	s9 =	sadd.s32 $0x5CA00, s12  }
0x12: {  	s12 =	sadd.s32 $0x4000, s10;
	s7 =	sadd.s32 s11, s14;
	s8 =	sadd.s32 s8, s14  }
0x13: {  	v0 =	vimm.f32 $0.0e+00;
	s11 =	smax.u32 s13, $0x1;
	s13 =	sadd.s32 $0x8000, s10;
	s14 =	sadd.s32 $0xC000, s10  }
.LBB2_1:
0x14: {  	s26 =	simm.s32 $0x0;
	s28 =	simm.s32 $0x200  }
.LBB2_2:
0x15: {  	p0 =	sne.s32 s28, $0xFE00;
	[tilespmem:s26+$0x2870] =	vst v0  }
0x16: {  	[tilespmem:s26+$0x2800] =	vst v0  }
0x17: {  	[tilespmem:s26+$0x2810] =	vst v0  }
.Ltmp0:
0x18: {  	[tilespmem:s26+$0x2820] =	vst v0;
	(pc) =	sbr.rel @p0 .LBB2_2-.Ltmp0, $4  }
0x19: {  	[tilespmem:s26+$0x2830] =	vst v0  }
0x1a: {  	[tilespmem:s26+$0x2840] =	vst v0  }
0x1b: {  	[tilespmem:s26+$0x2850] =	vst v0  }
0x1c: {  	[tilespmem:s26+$0x2860] =	vst v0;
	s26 =	sshra.s32 s28, $0x2;
	s28 =	sadd.s32 $0x200, s28  }
0x1d: {  	[tilespmem:s26+$0x2870] =	vst v0  }
0x1e: {  	[tilespmem:s26+$0x2800] =	vst v0  }
0x1f: {  	[tilespmem:s26+$0x2810] =	vst v0  }
0x20: {  	[tilespmem:s26+$0x2820] =	vst v0  }
0x21: {  	[tilespmem:s26+$0x2830] =	vst v0  }
0x22: {  	[tilespmem:s26+$0x2840] =	vst v0  }
0x23: {  	[tilespmem:s26+$0x2850] =	vst v0  }
0x24: {  	[tilespmem:s26+$0x2860] =	vst v0  }
0x25: {  	[spmem:s10] =	stream.linear.scatter [tilespmem:s16], [sflag:$0x3], $0x4000, $0x38;
	[tilespmem:$0x1E800] =	vst v63  }
0x26: {  	_ =	swait.ge [sflag:s17], $0x4000  }
0x27: {  	[sflag:s17] =	ssyncset.done $0x0  }
0x28: {  	[sflag:s17] =	ssyncadd.s32 $0xFFFFC000  }
0x29: {  	[spmem:s12] =	stream.linear.scatter [tilespmem:s16], [sflag:$0x3], $0x4000, $0x38;
	[tilespmem:$0x1E800] =	vst v63  }
0x2a: {  	_ =	swait.ge [sflag:s17], $0x4000  }
0x2b: {  	[sflag:s17] =	ssyncset.done $0x0  }
0x2c: {  	[sflag:s17] =	ssyncadd.s32 $0xFFFFC000  }
0x2d: {  	[spmem:s13] =	stream.linear.scatter [tilespmem:s16], [sflag:$0x3], $0x4000, $0x38;
	[tilespmem:$0x1E800] =	vst v63  }
0x2e: {  	_ =	swait.ge [sflag:s17], $0x4000  }
0x2f: {  	[sflag:s17] =	ssyncset.done $0x0  }
0x30: {  	[sflag:s17] =	ssyncadd.s32 $0xFFFFC000  }
0x31: {  	[spmem:s14] =	stream.linear.scatter [tilespmem:s16], [sflag:$0x3], $0x4000, $0x38;
	[tilespmem:$0x1E800] =	vst v63  }
0x32: {  	_ =	swait.ge [sflag:s17], $0x4000  }
0x33: {  	[sflag:s17] =	ssyncset.done $0x0  }
0x34: {  	[sflag:s17] =	ssyncadd.s32 $0xFFFFC000  }
0x35: {  	[spmem:s15] =	stream.linear.scatter [tilespmem:s16], [sflag:$0x3], $0x4000, $0x38;
	[tilespmem:$0x1E800] =	vst v63  }
0x36: {  	_ =	swait.ge [sflag:s17], $0x4000  }
0x37: {  	[sflag:s17] =	ssyncset.done $0x0  }
0x38: {  	[sflag:s17] =	ssyncadd.s32 $0xFFFFC000  }
0x39: {  	s30 =	simm.s32 $0x0;
	[bflag:$0x0] =	sbarrier.arrive $0xFFFF  }
0x3a: {  	[tilespmem:s30], [sflag:$0x3] =	stream.linear.gather [hbm4b:s4+s30], $0x1400, $0x38;
	[tilespmem:$0x1E800] =	vst v63  }
0x3b: {  	_ =	swait.ge [sflag:s17], $0x1400  }
0x3c: {  	[sflag:s17] =	ssyncset.done $0x0  }
0x3d: {  	[sflag:s17] =	ssyncadd.s32 $0xFFFFEC00  }
0x3e: {  	[tilespmem:s18], [sflag:$0x3] =	stream.linear.gather [hbm4b:s5+s30], $0x1400, $0x38;
	[tilespmem:$0x1E800] =	vst v63  }
0x3f: {  	_ =	swait.ge [sflag:s17], $0x1400  }
0x40: {  	[sflag:s17] =	ssyncset.done $0x0  }
0x41: {  	[sflag:s17] =	ssyncadd.s32 $0xFFFFEC00  }
0x42: {  	[tilespmem:s16], [sflag:$0x1] =	stream.indirect.gather [hbm4b:s6+s19], $0x80, s30, s19, $0xb8;
	[tilespmem:$0x1E800] =	vst v63  }
0x43: {  	s31 =	simm.s32 $0x80  }
0x44: {  	[tilespmem:s20], [sflag:$0x2] =	stream.indirect.gather [hbm4b:s6+s19], $0x80, s31, s19, $0xb8;
	[tilespmem:$0x1E800] =	vst v63  }
0x45: {  	_ =	swait.ge [sflag:s21], $0x4000  }
0x46: {  	[sflag:s21] =	ssyncset.done $0x0  }
0x47: {  	s29 =	simm.s32 $0x1400;
	[sflag:s21] =	ssyncadd.s32 $0xFFFFC000  }
0x48: {  	[spmem:s1] =	stream.indirect.scatter.add.f32 [tilespmem:s16], [sflag:$0x3], $0x80, s29, s19, $0xb8;
	[tilespmem:$0x1E800] =	vst v63  }
0x49: {  	_ =	swait.ge [sflag:s17], $0x4000  }
0x4a: {  	[sflag:s17] =	ssyncset.done $0x0  }
0x4b: {  	s30 =	simm.s32 $0x100;
	[sflag:s17] =	ssyncadd.s32 $0xFFFFC000  }
0x4c: {  	[tilespmem:s16], [sflag:$0x1] =	stream.indirect.gather [hbm4b:s6+s19], $0x80, s30, s19, $0xb8;
	[tilespmem:$0x1E800] =	vst v63  }
0x4d: {  	_ =	swait.ge [sflag:s22], $0x4000  }
0x4e: {  	[sflag:s22] =	ssyncset.done $0x0  }
0x4f: {  	s31 =	simm.s32 $0x1480;
	[sflag:s22] =	ssyncadd.s32 $0xFFFFC000  }
0x50: {  	[spmem:s1] =	stream.indirect.scatter.add.f32 [tilespmem:s20], [sflag:$0x3], $0x80, s31, s19, $0xb8;
	[tilespmem:$0x1E800] =	vst v63  }
0x51: {  	_ =	swait.ge [sflag:s17], $0x4000  }
0x52: {  	s28 =	simm.s32 $0x800;
	s26 =	simm.s32 $0x100;
	[sflag:s17] =	ssyncset.done $0x0  }
.LBB2_4:
0x53: {  	s29 =	sadd.s32 $0x80, s26  }
0x54: {  	[sflag:s17] =	ssyncadd.s32 $0xFFFFC000;
	s30 =	smov.u32 s28;
	s31 =	sadd.s32 $0x400, s28  }
0x55: {  	[tilespmem:s20], [sflag:$0x2] =	stream.indirect.gather [hbm4b:s6+s19], $0x80, s29, s19, $0xb8;
	[tilespmem:$0x1E800] =	vst v63  }
0x56: {  	p0 =	sne.s32 s28, $0x4800;
	_ =	swait.ge [sflag:s21], $0x4000  }
0x57: {  	[sflag:s21] =	ssyncset.done $0x0  }
0x58: {  	s28 =	sadd.s32 $0x1400, s26;
	[sflag:s21] =	ssyncadd.s32 $0xFFFFC000  }
0x59: {  	[spmem:s1] =	stream.indirect.scatter.add.f32 [tilespmem:s16], [sflag:$0x3], $0x80, s28, s19, $0xb8;
	[tilespmem:$0x1E800] =	vst v63  }
0x5a: {  	_ =	swait.ge [sflag:s17], $0x4000  }
0x5b: {  	[sflag:s17] =	ssyncset.done $0x0  }
0x5c: {  	s28 =	sadd.s32 $0x100, s26;
	[sflag:s17] =	ssyncadd.s32 $0xFFFFC000  }
0x5d: {  	[tilespmem:s16], [sflag:$0x1] =	stream.indirect.gather [hbm4b:s6+s19], $0x80, s28, s19, $0xb8;
	[tilespmem:$0x1E800] =	vst v63  }
0x5e: {  	_ =	swait.ge [sflag:s22], $0x4000  }
.Ltmp1:
0x5f: {  	[sflag:s22] =	ssyncset.done $0x0;
	(pc) =	sbr.rel @p0 .LBB2_4-.Ltmp1, $4  }
0x60: {  	s26 =	sadd.s32 $0x1480, s26;
	[sflag:s22] =	ssyncadd.s32 $0xFFFFC000  }
0x61: {  	[spmem:s1] =	stream.indirect.scatter.add.f32 [tilespmem:s20], [sflag:$0x3], $0x80, s26, s19, $0xb8;
	[tilespmem:$0x1E800] =	vst v63  }
0x62: {  	_ =	swait.ge [sflag:s17], $0x4000  }
0x63: {  	s28 =	smov.u32 s31;
	s26 =	sshra.s32 s30, $0x2;
	[sflag:s17] =	ssyncset.done $0x0  }
0x64: {  	s28 =	sadd.s32 $0x80, s26;
	[sflag:s17] =	ssyncadd.s32 $0xFFFFC000  }
0x65: {  	[tilespmem:s20], [sflag:$0x2] =	stream.indirect.gather [hbm4b:s6+s19], $0x80, s28, s19, $0xb8;
	[tilespmem:$0x1E800] =	vst v63  }
0x66: {  	_ =	swait.ge [sflag:s21], $0x4000  }
0x67: {  	[sflag:s21] =	ssyncset.done $0x0  }
0x68: {  	s28 =	sadd.s32 $0x1400, s26;
	[sflag:s21] =	ssyncadd.s32 $0xFFFFC000  }
0x69: {  	[spmem:s1] =	stream.indirect.scatter.add.f32 [tilespmem:s16], [sflag:$0x3], $0x80, s28, s19, $0xb8;
	[tilespmem:$0x1E800] =	vst v63  }
0x6a: {  	_ =	swait.ge [sflag:s17], $0x4000  }
0x6b: {  	[sflag:s17] =	ssyncset.done $0x0  }
0x6c: {  	s28 =	sadd.s32 $0x100, s26;
	[sflag:s17] =	ssyncadd.s32 $0xFFFFC000  }
0x6d: {  	[tilespmem:s16], [sflag:$0x1] =	stream.indirect.gather [hbm4b:s6+s19], $0x80, s28, s19, $0xb8;
	[tilespmem:$0x1E800] =	vst v63  }
0x6e: {  	_ =	swait.ge [sflag:s22], $0x4000  }
0x6f: {  	[sflag:s22] =	ssyncset.done $0x0  }
0x70: {  	s29 =	sadd.s32 $0x1480, s26;
	[sflag:s22] =	ssyncadd.s32 $0xFFFFC000  }
0x71: {  	[spmem:s1] =	stream.indirect.scatter.add.f32 [tilespmem:s20], [sflag:$0x3], $0x80, s29, s19, $0xb8;
	[tilespmem:$0x1E800] =	vst v63  }
0x72: {  	_ =	swait.ge [sflag:s17], $0x4000  }
0x73: {  	[sflag:s17] =	ssyncset.done $0x0  }
0x74: {  	[sflag:s17] =	ssyncadd.s32 $0xFFFFC000  }
0x75: {  	[tilespmem:s20], [sflag:$0x2] =	stream.indirect.gather [hbm4b:s6+s19], $0x80, s23, s19, $0xb8;
	[tilespmem:$0x1E800] =	vst v63  }
0x76: {  	_ =	swait.ge [sflag:s21], $0x4000  }
0x77: {  	[sflag:s21] =	ssyncset.done $0x0  }
0x78: {  	[sflag:s21] =	ssyncadd.s32 $0xFFFFC000  }
0x79: {  	[spmem:s1] =	stream.indirect.scatter.add.f32 [tilespmem:s16], [sflag:$0x3], $0x80, s24, s19, $0xb8;
	[tilespmem:$0x1E800] =	vst v63  }
0x7a: {  	_ =	swait.ge [sflag:s17], $0x4000  }
0x7b: {  	[sflag:s17] =	ssyncset.done $0x0  }
0x7c: {  	[sflag:s17] =	ssyncadd.s32 $0xFFFFC000  }
0x7d: {  	_ =	swait.ge [sflag:s22], $0x4000  }
0x7e: {  	[sflag:s22] =	ssyncset.done $0x0  }
0x7f: {  	[sflag:s22] =	ssyncadd.s32 $0xFFFFC000  }
0x80: {  	[spmem:s1] =	stream.indirect.scatter.add.f32 [tilespmem:s20], [sflag:$0x3], $0x80, s25, s19, $0xb8;
	[tilespmem:$0x1E800] =	vst v63  }
0x81: {  	_ =	swait.ge [sflag:s17], $0x4000  }
0x82: {  	[sflag:s17] =	ssyncset.done $0x0  }
0x83: {  	s30 =	simm.s32 $0x0;
	[sflag:s17] =	ssyncadd.s32 $0xFFFFC000  }
0x84: {  	[tilespmem:s30], [sflag:$0x3] =	stream.linear.gather [hbm4b:s7+s30], $0x1400, $0x38;
	[tilespmem:$0x1E800] =	vst v63  }
0x85: {  	_ =	swait.ge [sflag:s17], $0x1400  }
0x86: {  	[sflag:s17] =	ssyncset.done $0x0  }
0x87: {  	[sflag:s17] =	ssyncadd.s32 $0xFFFFEC00  }
0x88: {  	[tilespmem:s18], [sflag:$0x3] =	stream.linear.gather [hbm4b:s8+s30], $0x1400, $0x38;
	[tilespmem:$0x1E800] =	vst v63  }
0x89: {  	_ =	swait.ge [sflag:s17], $0x1400  }
0x8a: {  	[sflag:s17] =	ssyncset.done $0x0  }
0x8b: {  	[sflag:s17] =	ssyncadd.s32 $0xFFFFEC00  }
0x8c: {  	[tilespmem:s16], [sflag:$0x1] =	stream.indirect.gather [hbm4b:s6+s19], $0x80, s30, s19, $0xb8;
	[tilespmem:$0x1E800] =	vst v63  }
0x8d: {  	s31 =	simm.s32 $0x80  }
0x8e: {  	[tilespmem:s20], [sflag:$0x2] =	stream.indirect.gather [hbm4b:s6+s19], $0x80, s31, s19, $0xb8;
	[tilespmem:$0x1E800] =	vst v63  }
0x8f: {  	_ =	swait.ge [sflag:s21], $0x4000  }
0x90: {  	[sflag:s21] =	ssyncset.done $0x0  }
0x91: {  	s29 =	simm.s32 $0x1400;
	[sflag:s21] =	ssyncadd.s32 $0xFFFFC000  }
0x92: {  	[spmem:s1] =	stream.indirect.scatter.add.f32 [tilespmem:s16], [sflag:$0x3], $0x80, s29, s19, $0xb8;
	[tilespmem:$0x1E800] =	vst v63  }
0x93: {  	_ =	swait.ge [sflag:s17], $0x4000  }
0x94: {  	[sflag:s17] =	ssyncset.done $0x0  }
0x95: {  	s30 =	simm.s32 $0x100;
	[sflag:s17] =	ssyncadd.s32 $0xFFFFC000  }
0x96: {  	[tilespmem:s16], [sflag:$0x1] =	stream.indirect.gather [hbm4b:s6+s19], $0x80, s30, s19, $0xb8;
	[tilespmem:$0x1E800] =	vst v63  }
0x97: {  	_ =	swait.ge [sflag:s22], $0x4000  }
0x98: {  	[sflag:s22] =	ssyncset.done $0x0  }
0x99: {  	s31 =	simm.s32 $0x1480;
	[sflag:s22] =	ssyncadd.s32 $0xFFFFC000  }
0x9a: {  	[spmem:s1] =	stream.indirect.scatter.add.f32 [tilespmem:s20], [sflag:$0x3], $0x80, s31, s19, $0xb8;
	[tilespmem:$0x1E800] =	vst v63  }
0x9b: {  	_ =	swait.ge [sflag:s17], $0x4000  }
0x9c: {  	s26 =	simm.s32 $0x100;
	s28 =	simm.s32 $0x800;
	[sflag:s17] =	ssyncset.done $0x0  }
.LBB2_6:
0x9d: {  	s29 =	sadd.s32 $0x80, s26  }
0x9e: {  	[sflag:s17] =	ssyncadd.s32 $0xFFFFC000;
	s30 =	smov.u32 s28;
	s31 =	sadd.s32 $0x400, s28  }
0x9f: {  	[tilespmem:s20], [sflag:$0x2] =	stream.indirect.gather [hbm4b:s6+s19], $0x80, s29, s19, $0xb8;
	[tilespmem:$0x1E800] =	vst v63  }
0xa0: {  	p0 =	sne.s32 s28, $0x4800;
	_ =	swait.ge [sflag:s21], $0x4000  }
0xa1: {  	[sflag:s21] =	ssyncset.done $0x0  }
0xa2: {  	s28 =	sadd.s32 $0x1400, s26;
	[sflag:s21] =	ssyncadd.s32 $0xFFFFC000  }
0xa3: {  	[spmem:s1] =	stream.indirect.scatter.add.f32 [tilespmem:s16], [sflag:$0x3], $0x80, s28, s19, $0xb8;
	[tilespmem:$0x1E800] =	vst v63  }
0xa4: {  	_ =	swait.ge [sflag:s17], $0x4000  }
0xa5: {  	[sflag:s17] =	ssyncset.done $0x0  }
0xa6: {  	s28 =	sadd.s32 $0x100, s26;
	[sflag:s17] =	ssyncadd.s32 $0xFFFFC000  }
0xa7: {  	[tilespmem:s16], [sflag:$0x1] =	stream.indirect.gather [hbm4b:s6+s19], $0x80, s28, s19, $0xb8;
	[tilespmem:$0x1E800] =	vst v63  }
0xa8: {  	_ =	swait.ge [sflag:s22], $0x4000  }
.Ltmp2:
0xa9: {  	[sflag:s22] =	ssyncset.done $0x0;
	(pc) =	sbr.rel @p0 .LBB2_6-.Ltmp2, $4  }
0xaa: {  	s26 =	sadd.s32 $0x1480, s26;
	[sflag:s22] =	ssyncadd.s32 $0xFFFFC000  }
0xab: {  	[spmem:s1] =	stream.indirect.scatter.add.f32 [tilespmem:s20], [sflag:$0x3], $0x80, s26, s19, $0xb8;
	[tilespmem:$0x1E800] =	vst v63  }
0xac: {  	_ =	swait.ge [sflag:s17], $0x4000  }
0xad: {  	s28 =	smov.u32 s31;
	s26 =	sshra.s32 s30, $0x2;
	[sflag:s17] =	ssyncset.done $0x0  }
0xae: {  	s28 =	sadd.s32 $0x80, s26;
	[sflag:s17] =	ssyncadd.s32 $0xFFFFC000  }
0xaf: {  	[tilespmem:s20], [sflag:$0x2] =	stream.indirect.gather [hbm4b:s6+s19], $0x80, s28, s19, $0xb8;
	[tilespmem:$0x1E800] =	vst v63  }
0xb0: {  	_ =	swait.ge [sflag:s21], $0x4000  }
0xb1: {  	[sflag:s21] =	ssyncset.done $0x0  }
0xb2: {  	s30 =	sadd.s32 $0x1400, s26;
	[sflag:s21] =	ssyncadd.s32 $0xFFFFC000  }
0xb3: {  	[spmem:s1] =	stream.indirect.scatter.add.f32 [tilespmem:s16], [sflag:$0x3], $0x80, s30, s19, $0xb8;
	[tilespmem:$0x1E800] =	vst v63  }
0xb4: {  	_ =	swait.ge [sflag:s17], $0x4000  }
0xb5: {  	[sflag:s17] =	ssyncset.done $0x0  }
0xb6: {  	s31 =	sadd.s32 $0x100, s26;
	[sflag:s17] =	ssyncadd.s32 $0xFFFFC000  }
0xb7: {  	[tilespmem:s16], [sflag:$0x1] =	stream.indirect.gather [hbm4b:s6+s19], $0x80, s31, s19, $0xb8;
	[tilespmem:$0x1E800] =	vst v63  }
0xb8: {  	_ =	swait.ge [sflag:s22], $0x4000  }
0xb9: {  	[sflag:s22] =	ssyncset.done $0x0  }
0xba: {  	s29 =	sadd.s32 $0x1480, s26;
	[sflag:s22] =	ssyncadd.s32 $0xFFFFC000  }
0xbb: {  	[spmem:s1] =	stream.indirect.scatter.add.f32 [tilespmem:s20], [sflag:$0x3], $0x80, s29, s19, $0xb8;
	[tilespmem:$0x1E800] =	vst v63  }
0xbc: {  	_ =	swait.ge [sflag:s17], $0x4000  }
0xbd: {  	[sflag:s17] =	ssyncset.done $0x0  }
0xbe: {  	[sflag:s17] =	ssyncadd.s32 $0xFFFFC000  }
0xbf: {  	[tilespmem:s20], [sflag:$0x2] =	stream.indirect.gather [hbm4b:s6+s19], $0x80, s23, s19, $0xb8;
	[tilespmem:$0x1E800] =	vst v63  }
0xc0: {  	_ =	swait.ge [sflag:s21], $0x4000  }
0xc1: {  	[sflag:s21] =	ssyncset.done $0x0  }
0xc2: {  	[sflag:s21] =	ssyncadd.s32 $0xFFFFC000  }
0xc3: {  	[spmem:s1] =	stream.indirect.scatter.add.f32 [tilespmem:s16], [sflag:$0x3], $0x80, s24, s19, $0xb8;
	[tilespmem:$0x1E800] =	vst v63  }
0xc4: {  	_ =	swait.ge [sflag:s17], $0x4000  }
0xc5: {  	[sflag:s17] =	ssyncset.done $0x0  }
0xc6: {  	[sflag:s17] =	ssyncadd.s32 $0xFFFFC000  }
0xc7: {  	_ =	swait.ge [sflag:s22], $0x4000  }
0xc8: {  	[sflag:s22] =	ssyncset.done $0x0  }
0xc9: {  	[sflag:s22] =	ssyncadd.s32 $0xFFFFC000  }
0xca: {  	[spmem:s1] =	stream.indirect.scatter.add.f32 [tilespmem:s20], [sflag:$0x3], $0x80, s25, s19, $0xb8;
	[tilespmem:$0x1E800] =	vst v63  }
0xcb: {  	_ =	swait.ge [sflag:s17], $0x4000  }
0xcc: {  	s3 =	sadd.s32 $0x1, s3;
	s30 =	sshll.u32 s2, $0x6;
	[sflag:s17] =	ssyncset.done $0x0  }
0xcd: {  	p0 =	sne.s32 s3, s11;
	s26 =	sor.u32 $0x1C03, s30;
	[sflag:s17] =	ssyncadd.s32 $0xFFFFC000  }
.Ltmp3:
0xce: {  	s31 =	sshrl.u32 s10, $0x3;
	[bflag:$0x0] =	sbarrier.arrive $0xFFFF;
	(pc) =	sbr.rel @p0 .LBB2_1-.Ltmp3, $4  }
0xcf: {  	[hbm:s9], [sflag:s26] =	dma.local [spmem:s31], $0x2800  }
0xd0: {  	_ =	swait.ge [sflag:s17], $0x2800  }
0xd1: {  	[sflag:s17] =	ssyncset.done $0x0  }
0xd2: {  	[sflag:s17] =	ssyncadd.s32 $0xFFFFD800  }
0xd3: {  	_ =	sfence.sel $0x180000  }
0xd4: {  	[bflag:$0x0] =	sbarrier.arrive $0xFFFF  }
0xd5: {  	p0 =	sne.s32 s2, $0x0;
	_ =	strace $0x90000053  }
0xd6: {  	s0 =	sadd.s32 @!p0 $0x100000, s0;
	[bflag:$0x2] =	sbarrier.arrive $0xFFFF  }
0xd7: {  	[sflag:s0] =	ssyncadd.tile.s32 @!p0 $0x1;
	_ =	shalt  }
.Lfunc_end2:
_tile_overlayer_lowered:
.L_overlay_start_2:
0xd8: {  	(tag) =	ssettag $0x2  }
0xd9: {  	s0 =	rddreg [dreg:$0x0];
	s2 =	stileid.u32  }
0xda: {  	s1 =	rddreg [dreg:$0x1];
	p0 =	sne.s32 s2, $0x0  }
0xdb: {  	s3 =	rddreg [dreg:$0x2];
	[bflag:$0x3] =	sbarrier.arrive $0xFFFF;
	s2 =	simm.s32 @!p0 $0x1C03  }
0xdc: {  	[timem:s3], [sflag:s2] =	dma.local @!p0 [hbm:s0], s1  }
0xdd: {  	s0 =	simm.s32 @!p0 $0x3  }
0xde: {  	_ =	swait.ge @!p0 [sflag:s0], s1  }
0xdf: {  	s1 =	ssub.s32 @!p0 $0x0, s1;
	[sflag:s0] =	ssyncset.done @!p0 $0x0  }
0xe0: {  	[sflag:s0] =	ssyncadd.s32 @!p0 s1  }
0xe1: {  	[bflag:$0x3] =	sbarrier.arrive $0xFFFF  }
0xe2: {  	_ =	shalt  }

</sc_bundles>
